<compile_context>
chip_gen: v7x
topology: tpu7x:2x2x1
jax: 0.10.2.dev20260603
libtpu: 0.0.44.dev20260713+nightly
codegen_flags: <defaults>
</compile_context>

<pallas_src>
import functools

import jax
import jax.numpy as jnp
from jax import lax
from jax.experimental import pallas as pl
from jax.experimental.pallas import tpu as pltpu
from jax.experimental.pallas import tpu_sc as plsc

N = 100000
E = 1600000
D = 16
NC = 2
NS = 16
NW = NC * NS
CHUNK = 128
NCHUNK = E // CHUNK

ROWS_PER_SUB = N // NS

CPW = NCHUNK // NW
XTRA = NCHUNK - CPW * NW
GK_AB = 13
NG_AB = CPW // GK_AB

CPS = NCHUNK // NS
XTRA_C = NCHUNK - CPS * NS
GK_C = 11
NG_C = CPS // GK_C

_MESH = plsc.VectorSubcoreMesh(core_axis_name="c", subcore_axis_name="s")
_SC_PARAMS = pltpu.CompilerParams(use_tc_tiling_on_sc=False)


def _zero_acc(acc, zeros_hbm, s):
    pltpu.sync_copy(zeros_hbm, acc.at[pl.ds(s * ROWS_PER_SUB, ROWS_PER_SUB)])


def _writeout(acc, out_hbm, c, s):
    pltpu.sync_copy(acc.at[pl.ds(s * ROWS_PER_SUB, ROWS_PER_SUB)],
                    out_hbm.at[c, s])


_OUT_T = jax.ShapeDtypeStruct((NC, NS, ROWS_PER_SUB, D), jnp.float32)


def _sc_deg(ei3, zeros_hbm, onehot_hbm):

    @functools.partial(
        pl.kernel,
        out_type=_OUT_T,
        mesh=_MESH,
        compiler_params=_SC_PARAMS,
        scratch_types=[
            pltpu.VMEM_SHARED((N, D), jnp.float32),
            pltpu.VMEM((CHUNK, D), jnp.float32),
            pltpu.VMEM((GK_AB, CHUNK), jnp.int32),
            pltpu.SemaphoreType.DMA,
            pltpu.SemaphoreType.DMA,
        ],
    )
    def k(ei_hbm, zeros_hbm_ref, onehot_hbm_ref, out_hbm,
          acc, ones_v, didx_v, semi, sems):
        c = lax.axis_index("c")
        s = lax.axis_index("s")
        wid = s * NC + c
        cb = wid * CPW
        pltpu.sync_copy(onehot_hbm_ref, ones_v)
        _zero_acc(acc, zeros_hbm_ref, s)
        plsc.subcore_barrier()

        @pl.loop(0, NG_AB)
        def _(g):
            bc = cb + g * GK_AB
            pltpu.async_copy(ei_hbm.at[1, pl.ds(bc, GK_AB)], didx_v,
                             semi).wait()
            descs = [pltpu.async_copy(ones_v, acc.at[didx_v.at[j]], sems,
                                      add=True) for j in range(GK_AB)]
            for d in descs:
                d.wait()

        @pl.when(wid < XTRA)
        def _():
            pltpu.async_copy(ei_hbm.at[1, pl.ds(NW * CPW + wid, 1)],
                             didx_v.at[pl.ds(0, 1)], semi).wait()
            pltpu.async_copy(ones_v, acc.at[didx_v.at[0]], sems,
                             add=True).wait()

        plsc.subcore_barrier()
        _writeout(acc, out_hbm, c, s)

    return k(ei3, zeros_hbm, onehot_hbm)


def _sc_agg_l1(x, ei3, zeros_hbm):

    @functools.partial(
        pl.kernel,
        out_type=_OUT_T,
        mesh=_MESH,
        compiler_params=_SC_PARAMS,
        scratch_types=[
            pltpu.VMEM_SHARED((N, D), jnp.float32),
            pltpu.VMEM((GK_AB, CHUNK, D), jnp.float32),
            pltpu.VMEM((GK_AB, CHUNK), jnp.int32),
            pltpu.VMEM((GK_AB, CHUNK), jnp.int32),
            pltpu.SemaphoreType.DMA,
            pltpu.SemaphoreType.DMA,
            pltpu.SemaphoreType.DMA,
        ],
    )
    def k(x_hbm, ei_hbm, zeros_hbm_ref, out_hbm,
          acc, rows_v, sidx_v, didx_v, semi, semg, sems):
        c = lax.axis_index("c")
        s = lax.axis_index("s")
        wid = s * NC + c
        cb = wid * CPW
        _zero_acc(acc, zeros_hbm_ref, s)
        plsc.subcore_barrier()

        @pl.loop(0, NG_AB)
        def _(g):
            bc = cb + g * GK_AB
            d1 = pltpu.async_copy(ei_hbm.at[0, pl.ds(bc, GK_AB)], sidx_v,
                                  semi)
            d2 = pltpu.async_copy(ei_hbm.at[1, pl.ds(bc, GK_AB)], didx_v,
                                  semi)
            d1.wait()
            gs = [pltpu.async_copy(x_hbm.at[sidx_v.at[j]], rows_v.at[j],
                                   semg) for j in range(GK_AB)]
            d2.wait()
            ss = []
            for j in range(GK_AB):
                gs[j].wait()
                ss.append(pltpu.async_copy(rows_v.at[j],
                                           acc.at[didx_v.at[j]], sems,
                                           add=True))
            for d in ss:
                d.wait()

        @pl.when(wid < XTRA)
        def _():
            bc = NW * CPW + wid
            d1 = pltpu.async_copy(ei_hbm.at[0, pl.ds(bc, 1)],
                                  sidx_v.at[pl.ds(0, 1)], semi)
            d2 = pltpu.async_copy(ei_hbm.at[1, pl.ds(bc, 1)],
                                  didx_v.at[pl.ds(0, 1)], semi)
            d1.wait()
            pltpu.async_copy(x_hbm.at[sidx_v.at[0]], rows_v.at[0],
                             semg).wait()
            d2.wait()
            pltpu.async_copy(rows_v.at[0], acc.at[didx_v.at[0]], sems,
                             add=True).wait()

        plsc.subcore_barrier()
        _writeout(acc, out_hbm, c, s)

    return k(x, ei3, zeros_hbm)


def _sc_agg_l2(hn, ei3, zeros_hbm):

    @functools.partial(
        pl.kernel,
        out_type=_OUT_T,
        mesh=_MESH,
        compiler_params=_SC_PARAMS,
        scratch_types=[
            pltpu.VMEM_SHARED((N, D), jnp.float32),
            pltpu.VMEM((GK_C, CHUNK, D), jnp.float32),
            pltpu.VMEM((GK_C, CHUNK), jnp.int32),
            pltpu.VMEM((GK_C, CHUNK), jnp.int32),
            pltpu.SemaphoreType.DMA,
            pltpu.SemaphoreType.DMA,
            pltpu.SemaphoreType.DMA,
        ],
    )
    def k(hn_hbm, ei_hbm, zeros_hbm_ref, out_hbm,
          acc, rows_v, sidx_v, didx_v, semi, semg, sems):
        c = lax.axis_index("c")
        s = lax.axis_index("s")
        cb = s * CPS
        _zero_acc(acc, zeros_hbm_ref, s)
        plsc.subcore_barrier()
        table = hn_hbm.at[c]

        @pl.loop(0, NG_C)
        def _(g):
            bc = cb + g * GK_C
            d1 = pltpu.async_copy(ei_hbm.at[0, pl.ds(bc, GK_C)], sidx_v,
                                  semi)
            d2 = pltpu.async_copy(ei_hbm.at[1, pl.ds(bc, GK_C)], didx_v,
                                  semi)
            d1.wait()
            gs = [pltpu.async_copy(table.at[sidx_v.at[j]], rows_v.at[j],
                                   semg) for j in range(GK_C)]
            d2.wait()
            ss = []
            for j in range(GK_C):
                gs[j].wait()
                ss.append(pltpu.async_copy(rows_v.at[j],
                                           acc.at[didx_v.at[j]], sems,
                                           add=True))
            for d in ss:
                d.wait()

        @pl.when(s < XTRA_C)
        def _():
            bc = NS * CPS + s
            d1 = pltpu.async_copy(ei_hbm.at[0, pl.ds(bc, 1)],
                                  sidx_v.at[pl.ds(0, 1)], semi)
            d2 = pltpu.async_copy(ei_hbm.at[1, pl.ds(bc, 1)],
                                  didx_v.at[pl.ds(0, 1)], semi)
            d1.wait()
            pltpu.async_copy(table.at[sidx_v.at[0]], rows_v.at[0],
                             semg).wait()
            d2.wait()
            pltpu.async_copy(rows_v.at[0], acc.at[didx_v.at[0]], sems,
                             add=True).wait()

        plsc.subcore_barrier()
        _writeout(acc, out_hbm, c, s)

    return k(hn, ei3, zeros_hbm)


RP = N * D // 128
RPAD = 12800
RB = 1600
NBP = RPAD // RB


def _tc1_body(x_ref, a_ref, d_ref, w1r_ref, w1n_ref, b1_ref, w2n0_ref,
              w2n1_ref, w2r_ref, hn_ref, hr_ref):
    deg = jnp.clip(d_ref[0] + d_ref[1], 1.0, None)
    mean1 = (a_ref[0] + a_ref[1]) / deg
    h = x_ref[...] @ w1r_ref[...] + mean1 @ w1n_ref[...] + b1_ref[...]
    h = jnp.maximum(h, 0.0)
    hn_ref[0] = h @ w2n0_ref[...]
    hn_ref[1] = h @ w2n1_ref[...]
    hr_ref[...] = h @ w2r_ref[...]


def _tc1(x_p, a_p, d_p, w1r_b, w1n_b, b1_t, w2n0_b, w2n1_b, w2r_b):
    full = lambda shape: pl.BlockSpec(shape, lambda i: tuple(0 for _ in shape))
    return pl.pallas_call(
        _tc1_body,
        grid=(NBP,),
        in_specs=[
            pl.BlockSpec((RB, 128), lambda i: (i, 0)),
            pl.BlockSpec((NC, RB, 128), lambda i: (0, i, 0)),
            pl.BlockSpec((NC, RB, 128), lambda i: (0, i, 0)),
            full((128, 512)),
            full((128, 512)),
            full((1, 512)),
            full((512, 128)),
            full((512, 128)),
            full((512, 256)),
        ],
        out_specs=[
            pl.BlockSpec((NC, RB, 128), lambda i: (0, i, 0)),
            pl.BlockSpec((RB, 256), lambda i: (i, 0)),
        ],
        out_shape=[
            jax.ShapeDtypeStruct((NC, RPAD, 128), jnp.float32),
            jax.ShapeDtypeStruct((RPAD, 256), jnp.float32),
        ],
    )(x_p, a_p, d_p, w1r_b, w1n_b, b1_t, w2n0_b, w2n1_b, w2r_b)


def _tc2_body(hr_ref, c_ref, d_ref, x_ref, s0_ref, s1_ref, b2_ref, wa_ref,
              ba_ref, ctxb_ref, alb_ref, fold_ref, wc1_ref, bc1_ref,
              wc2_ref, bc2_ref, o_ref, m_ref, se_ref, acc_ref):
    i = pl.program_id(0)

    @pl.when(i == 0)
    def _():
        m_ref[0, 0] = -1e30
        se_ref[0, 0] = 0.0
        acc_ref[...] = jnp.zeros_like(acc_ref)

    rdeg = 1.0 / jnp.clip(d_ref[0] + d_ref[1], 1.0, None)
    mean2 = (c_ref[0] * rdeg) @ s0_ref[...] + (c_ref[1] * rdeg) @ s1_ref[...]
    h2 = jnp.maximum(hr_ref[...] + mean2 + b2_ref[...], 0.0)
    t = jnp.tanh(h2 @ wa_ref[...] + ba_ref[...])
    s = t @ ctxb_ref[...] + x_ref[...] @ alb_ref[...]
    row = jax.lax.broadcasted_iota(jnp.int32, (RB, 256), 0) + i * RB
    s = jnp.where(row < RP, s, -1e30)

    m_old = m_ref[0, 0]
    m_new = jnp.maximum(m_old, jnp.max(s))
    scale = jnp.exp(m_old - m_new)
    w = jnp.exp(s - m_new)
    se_ref[0, 0] = se_ref[0, 0] * scale + jnp.sum(w) * (1.0 / 32.0)
    acc_ref[...] = acc_ref[...] * scale + (
        jnp.sum(h2 * w, axis=0, keepdims=True) @ fold_ref[...])
    m_ref[0, 0] = m_new

    @pl.when(i == NBP - 1)
    def _():
        pooled = acc_ref[...] / (N * se_ref[0, 0])
        z = jnp.maximum(pooled @ wc1_ref[...] + bc1_ref[...], 0.0)
        o_ref[...] = jax.nn.sigmoid(z @ wc2_ref[...] + bc2_ref[...])


def _tc2(hr_p, c_p, d_p, x_p, s0, s1, b2_t, wa_b, ba_t, ctx_b, al_b, fold,
         wc1_t, bc1_r, wc2_t, bc2_r):
    full = lambda shape: pl.BlockSpec(shape, lambda i: tuple(0 for _ in shape))
    return pl.pallas_call(
        _tc2_body,
        grid=(NBP,),
        in_specs=[
            pl.BlockSpec((RB, 256), lambda i: (i, 0)),
            pl.BlockSpec((NC, RB, 128), lambda i: (0, i, 0)),
            pl.BlockSpec((NC, RB, 128), lambda i: (0, i, 0)),
            pl.BlockSpec((RB, 128), lambda i: (i, 0)),
            full((128, 256)),
            full((128, 256)),
            full((1, 256)),
            full((256, 256)),
            full((1, 256)),
            full((256, 256)),
            full((128, 256)),
            full((256, 32)),
            full((32, 16)),
            full((1, 16)),
            full((16, 1)),
            full((1, 1)),
        ],
        out_specs=pl.BlockSpec((1, 1), lambda i: (0, 0)),
        out_shape=jax.ShapeDtypeStruct((1, 1), jnp.float32),
        scratch_shapes=[
            pltpu.SMEM((1, 1), jnp.float32),
            pltpu.SMEM((1, 1), jnp.float32),
            pltpu.VMEM((1, 32), jnp.float32),
        ],
    )(hr_p, c_p, d_p, x_p, s0, s1, b2_t, wa_b, ba_t, ctx_b, al_b, fold,
      wc1_t, bc1_r, wc2_t, bc2_r)


def _bd(m, k=8):
    return jax.scipy.linalg.block_diag(*([m] * k))


def kernel(x, edge_index, W1_root, W1_nbr, b1, W2_root, W2_nbr, b2,
           Wa, ba, ctx, Wc1, bc1, Wc2, bc2):
    zeros = jnp.zeros((ROWS_PER_SUB, D), jnp.float32)
    allones = jnp.ones((CHUNK, D), jnp.float32)
    ei3 = edge_index.reshape(2, NCHUNK, CHUNK)
    padr = ((0, RPAD - RP), (0, 0))

    deg = _sc_deg(ei3, zeros, allones)
    agg1 = _sc_agg_l1(x, ei3, zeros)
    x_p = jnp.pad(x.reshape(RP, 128), padr)
    d_p = jnp.pad(deg.reshape(NC, RP, 128), ((0, 0),) + padr)
    a_p = jnp.pad(agg1.reshape(NC, RP, 128), ((0, 0),) + padr)

    hn_p, hr_p = _tc1(
        x_p, a_p, d_p,
        _bd(W1_root.T), _bd(W1_nbr.T), jnp.tile(b1, 8).reshape(1, -1),
        _bd(W2_nbr.T[:, :D]), _bd(W2_nbr.T[:, D:]), _bd(W2_root.T))

    agg2 = _sc_agg_l2(hn_p.reshape(NC, RPAD * 8, D), ei3, zeros)
    c_p = jnp.pad(agg2.reshape(NC, RP, 128), ((0, 0),) + padr)

    eye16 = jnp.eye(D, dtype=jnp.float32)
    zz = jnp.zeros((D, D), jnp.float32)
    s0 = _bd(jnp.concatenate([eye16, zz], axis=1))
    s1 = _bd(jnp.concatenate([zz, eye16], axis=1))
    ctx_b = _bd(ctx.reshape(-1, 1) @ jnp.ones((1, 32), jnp.float32))
    al_b = _bd(jnp.zeros((D, 32), jnp.float32).at[D - 1, :].set(0.4))
    fold = jnp.tile(jnp.eye(32, dtype=jnp.float32), (8, 1))

    out = _tc2(hr_p, c_p, d_p, x_p, s0, s1,
               jnp.tile(b2, 8).reshape(1, -1), _bd(Wa.T),
               jnp.tile(ba, 8).reshape(1, -1), ctx_b, al_b, fold,
               Wc1.T, bc1.reshape(1, -1), Wc2.T, bc2.reshape(1, -1))
    return out

# --- scband reference (transcript-rebuilt; emitter-appended) ---
"""Pipeline reference for scband-ionmgnnmodel-41575283425427 (READ-ONLY COPY).

The authoritative reference and input builder live on the scoring server;
editing this copy changes nothing except your own understanding.
"""

import jax, jax.numpy as jnp
import numpy as np

N = 100000
E = 1600000
D_IN = 16
H1 = 64
H2 = 32


def setup_inputs(seed: int = 0) -> dict:
    key = jax.random.key(seed)
    ks = jax.random.split(key, 16)
    x = jax.random.normal(ks[0], (N, D_IN), dtype=jnp.float32)
    edge_index = jax.random.randint(ks[1], (2, E), 0, N, dtype=jnp.int32)
    def lin(k, out_d, in_d):
        return jax.random.normal(k, (out_d, in_d), dtype=jnp.float32) * (1.0 / np.sqrt(in_d))
    return {
        'x': x,
        'edge_index': edge_index,
        'W1_root': lin(ks[2], H1, D_IN),
        'W1_nbr': lin(ks[3], H1, D_IN),
        'b1': jnp.zeros((H1,), jnp.float32),
        'W2_root': lin(ks[4], H2, H1),
        'W2_nbr': lin(ks[5], H2, H1),
        'b2': jnp.zeros((H2,), jnp.float32),
        'Wa': lin(ks[6], 32, H2),
        'ba': jnp.zeros((32,), jnp.float32),
        'ctx': jax.random.normal(ks[7], (32,), dtype=jnp.float32),
        'Wc1': lin(ks[8], H2 // 2, H2),
        'bc1': jnp.zeros((H2 // 2,), jnp.float32),
        'Wc2': lin(ks[9], 1, H2 // 2),
        'bc2': jnp.zeros((1,), jnp.float32),
    }


def _sage_mean(x, src, dst, W_root, W_nbr, b):
    # GraphSAGE with mean aggregation: gather src features, segment-mean by dst
    msgs = x[src]
    agg = jax.ops.segment_sum(msgs, dst, num_segments=N)
    deg = jax.ops.segment_sum(jnp.ones((src.shape[0],), x.dtype), dst, num_segments=N)
    mean = agg / jnp.clip(deg, 1.0, None)[:, None]
    return x @ W_root.T + mean @ W_nbr.T + b


def reference(x, edge_index, W1_root, W1_nbr, b1, W2_root, W2_nbr, b2, Wa, ba, ctx, Wc1, bc1, Wc2, bc2):
    src = edge_index[0]
    dst = edge_index[1]
    ionm_alerts = x[:, -1]
    h = jax.nn.relu(_sage_mean(x, src, dst, W1_root, W1_nbr, b1))
    # dropout is identity in eval mode
    h = jax.nn.relu(_sage_mean(h, src, dst, W2_root, W2_nbr, b2))
    # attention mechanism with IONM alert boost
    attention_scores = jnp.tanh(h @ Wa.T + ba)
    attention_weights = attention_scores @ ctx
    attention_weights = attention_weights + ionm_alerts * 0.4
    attention_weights = jax.nn.softmax(attention_weights, axis=0)
    h = h * attention_weights[:, None]
    pooled = jnp.mean(h, axis=0, keepdims=True)
    z = jax.nn.relu(pooled @ Wc1.T + bc1)
    out = jax.nn.sigmoid(z @ Wc2.T + bc2)
    return out

if __name__ == "__main__":
    import jax
    _d = setup_inputs()
    print(jax.jit(kernel)(*tuple(_d.values())))

</pallas_src>

<mosaic_0001>
#map = affine_map<(d0, d1) -> (0, 0, 0)>
#map1 = affine_map<(d0, d1) -> (0, 0)>
#map2 = affine_map<(d0, d1) -> (0, 0, 0, 0)>
module attributes {stable_mosaic.version = 14 : i64} {
  func.func @k(%arg0: i32, %arg1: i32, %arg2: memref<2x102400x16xf32, #tpu.memory_space<hbm>>, %arg3: memref<2x12500x128xi32, #tpu.memory_space<hbm>>, %arg4: memref<6250x16xf32, #tpu.memory_space<hbm>>, %arg5: memref<2x16x6250x16xf32, #tpu.memory_space<hbm>>, %arg6: memref<100000x16xf32, #tpu.memory_space<vmem_shared>>, %arg7: memref<11x128x16xf32, #tpu.memory_space<vmem>>, %arg8: memref<11x128xi32, #tpu.memory_space<vmem>>, %arg9: memref<11x128xi32, #tpu.memory_space<vmem>>, %arg10: memref<!tpu.dma_semaphore, #tpu.memory_space<semaphore_mem>>, %arg11: memref<!tpu.dma_semaphore, #tpu.memory_space<semaphore_mem>>, %arg12: memref<!tpu.dma_semaphore, #tpu.memory_space<semaphore_mem>>) attributes {dimension_semantics = [#tpu.dimension_semantics<core_parallel>, #tpu.dimension_semantics<subcore_parallel>], iteration_bounds = array<i64: 2, 16>, scalar_prefetch = 0 : i64, scratch_operands = 7 : i64, tpu.core_type = #tpu.core_type<sc_vector_subcore>, window_params = [{transform_indices = #map}, {transform_indices = #map}, {transform_indices = #map1}, {transform_indices = #map2}]} {
    %mul3A = arith.constant 781 : i32
    %mul3A_0 = arith.muli %arg1, %mul3A : i32
    %mul3A_1 = arith.constant 6250 : i32
    %mul3A_2 = arith.muli %arg1, %mul3A_1 : i32
    "tpu.region"() ({
      %run_scoped3A = tpu.sem_alloc : memref<!tpu.dma_semaphore, #tpu.memory_space<semaphore_mem>>
      %dma_start3A = arith.constant 0 : i32
      %dma_start3A_12 = tpu.memref_slice %arg6[%mul3A_2, %dma_start3A] : memref<100000x16xf32, #tpu.memory_space<vmem_shared>> -> memref<6250x16xf32, #tpu.memory_space<vmem_shared>>
      tpu.enqueue_dma source(%arg4 : memref<6250x16xf32, #tpu.memory_space<hbm>>) target(%dma_start3A_12 : memref<6250x16xf32, #tpu.memory_space<vmem_shared>>) target_semaphore(%run_scoped3A : memref<!tpu.dma_semaphore, #tpu.memory_space<semaphore_mem>>)
      %dma_wait3A = arith.constant 0 : i32
      %dma_wait3A_13 = tpu.memref_slice %arg6[%mul3A_2, %dma_wait3A] : memref<100000x16xf32, #tpu.memory_space<vmem_shared>> -> memref<6250x16xf32, #tpu.memory_space<vmem_shared>>
      tpu.wait_dma2 semaphore(%run_scoped3A : memref<!tpu.dma_semaphore, #tpu.memory_space<semaphore_mem>>) src(%arg4 : memref<6250x16xf32, #tpu.memory_space<hbm>>) dst(%dma_wait3A_13 : memref<6250x16xf32, #tpu.memory_space<vmem_shared>>)
      tpu.yield
    }) : () -> ()
    %barrier3A = arith.constant 0 : index
    tpu.barrier barrier_id(%barrier3A)
    %scan3A = arith.constant 0 : i32
    %scan3A_3 = arith.constant 71 : i32
    %scan3A_4 = arith.addi %scan3A, %scan3A_3 : i32
    %scan3A_5 = arith.constant 1 : i32
    scf.for %scan3A_12 = %scan3A to %scan3A_4 step %scan3A_5  : i32 {
      %mul3A_13 = arith.constant 1 : i32
      %mul3A_14 = arith.muli %scan3A_12, %mul3A_13 : i32
      %add3A = arith.constant 0 : i32
      %add3A_15 = arith.addi %add3A, %mul3A_14 : i32
      %mul3A_16 = arith.constant 11 : i32
      %mul3A_17 = arith.muli %add3A_15, %mul3A_16 : i32
      %add3A_18 = arith.addi %mul3A_0, %mul3A_17 : i32
      %dma_start3A = arith.constant 0 : i32
      %dma_start3A_19 = arith.constant 0 : i32
      %dma_start3A_20 = tpu.memref_slice %arg3[%dma_start3A, %add3A_18, %dma_start3A_19] : memref<2x12500x128xi32, #tpu.memory_space<hbm>> -> memref<1x11x128xi32, #tpu.memory_space<hbm>>
      %dma_start3A_21 = tpu.memref_squeeze %dma_start3A_20 : memref<1x11x128xi32, #tpu.memory_space<hbm>> -> memref<11x128xi32, #tpu.memory_space<hbm>>
      %dma_start3A_22 = arith.constant 0 : i32
      %dma_start3A_23 = tpu.memref_slice %arg3[%dma_start3A, %add3A_18, %dma_start3A_22] : memref<2x12500x128xi32, #tpu.memory_space<hbm>> -> memref<1x11x128xi32, #tpu.memory_space<hbm>>
      %dma_start3A_24 = tpu.memref_squeeze %dma_start3A_23 : memref<1x11x128xi32, #tpu.memory_space<hbm>> -> memref<11x128xi32, #tpu.memory_space<hbm>>
      tpu.enqueue_dma source(%dma_start3A_24 : memref<11x128xi32, #tpu.memory_space<hbm>>) target(%arg8 : memref<11x128xi32, #tpu.memory_space<vmem>>) target_semaphore(%arg10 : memref<!tpu.dma_semaphore, #tpu.memory_space<semaphore_mem>>)
      %dma_start3A_25 = arith.constant 1 : i32
      %dma_start3A_26 = arith.constant 0 : i32
      %dma_start3A_27 = tpu.memref_slice %arg3[%dma_start3A_25, %add3A_18, %dma_start3A_26] : memref<2x12500x128xi32, #tpu.memory_space<hbm>> -> memref<1x11x128xi32, #tpu.memory_space<hbm>>
      %dma_start3A_28 = tpu.memref_squeeze %dma_start3A_27 : memref<1x11x128xi32, #tpu.memory_space<hbm>> -> memref<11x128xi32, #tpu.memory_space<hbm>>
      %dma_start3A_29 = arith.constant 0 : i32
      %dma_start3A_30 = tpu.memref_slice %arg3[%dma_start3A_25, %add3A_18, %dma_start3A_29] : memref<2x12500x128xi32, #tpu.memory_space<hbm>> -> memref<1x11x128xi32, #tpu.memory_space<hbm>>
      %dma_start3A_31 = tpu.memref_squeeze %dma_start3A_30 : memref<1x11x128xi32, #tpu.memory_space<hbm>> -> memref<11x128xi32, #tpu.memory_space<hbm>>
      tpu.enqueue_dma source(%dma_start3A_31 : memref<11x128xi32, #tpu.memory_space<hbm>>) target(%arg9 : memref<11x128xi32, #tpu.memory_space<vmem>>) target_semaphore(%arg10 : memref<!tpu.dma_semaphore, #tpu.memory_space<semaphore_mem>>)
      %dma_wait3A = arith.constant 0 : i32
      %dma_wait3A_32 = arith.constant 0 : i32
      %dma_wait3A_33 = tpu.memref_slice %arg3[%dma_wait3A, %add3A_18, %dma_wait3A_32] : memref<2x12500x128xi32, #tpu.memory_space<hbm>> -> memref<1x11x128xi32, #tpu.memory_space<hbm>>
      %dma_wait3A_34 = tpu.memref_squeeze %dma_wait3A_33 : memref<1x11x128xi32, #tpu.memory_space<hbm>> -> memref<11x128xi32, #tpu.memory_space<hbm>>
      %dma_wait3A_35 = arith.constant 0 : i32
      %dma_wait3A_36 = tpu.memref_slice %arg3[%dma_wait3A, %add3A_18, %dma_wait3A_35] : memref<2x12500x128xi32, #tpu.memory_space<hbm>> -> memref<1x11x128xi32, #tpu.memory_space<hbm>>
      %dma_wait3A_37 = tpu.memref_squeeze %dma_wait3A_36 : memref<1x11x128xi32, #tpu.memory_space<hbm>> -> memref<11x128xi32, #tpu.memory_space<hbm>>
      tpu.wait_dma2 semaphore(%arg10 : memref<!tpu.dma_semaphore, #tpu.memory_space<semaphore_mem>>) src(%dma_wait3A_37 : memref<11x128xi32, #tpu.memory_space<hbm>>) dst(%arg8 : memref<11x128xi32, #tpu.memory_space<vmem>>)
      %dma_start3A_38 = arith.constant 0 : i32
      %dma_start3A_39 = arith.constant 0 : i32
      %dma_start3A_40 = arith.constant 0 : i32
      %dma_start3A_41 = arith.constant 0 : i32
      %dma_start3A_42 = tpu.memref_slice %arg7[%dma_start3A_39, %dma_start3A_40, %dma_start3A_41] : memref<11x128x16xf32, #tpu.memory_space<vmem>> -> memref<1x128x16xf32, #tpu.memory_space<vmem>>
      %dma_start3A_43 = tpu.memref_squeeze %dma_start3A_42 : memref<1x128x16xf32, #tpu.memory_space<vmem>> -> memref<128x16xf32, #tpu.memory_space<vmem>>
      %dma_start3A_44 = arith.constant 0 : i32
      %dma_start3A_45 = tpu.memref_slice %arg8[%dma_start3A_38, %dma_start3A_44] : memref<11x128xi32, #tpu.memory_space<vmem>> -> memref<1x128xi32, #tpu.memory_space<vmem>>
      %dma_start3A_46 = tpu.memref_squeeze %dma_start3A_45 : memref<1x128xi32, #tpu.memory_space<vmem>> -> memref<128xi32, #tpu.memory_space<vmem>>
      %dma_start3A_47 = arith.constant 0 : i32
      %dma_start3A_48 = arith.constant 0 : i32
      %dma_start3A_49 = tpu.memref_slice %arg2[%arg0, %dma_start3A_47, %dma_start3A_48] : memref<2x102400x16xf32, #tpu.memory_space<hbm>> -> memref<1x102400x16xf32, #tpu.memory_space<hbm>>
      %dma_start3A_50 = tpu.memref_squeeze %dma_start3A_49 : memref<1x102400x16xf32, #tpu.memory_space<hbm>> -> memref<102400x16xf32, #tpu.memory_space<hbm>>
      %dma_start3A_51 = arith.constant 0 : i32
      %dma_start3A_52 = arith.constant 0 : i32
      %dma_start3A_53 = tpu.memref_slice %dma_start3A_50[%dma_start3A_51, %dma_start3A_52] : memref<102400x16xf32, #tpu.memory_space<hbm>> -> memref<102400x16xf32, #tpu.memory_space<hbm>>
      tpu.enqueue_indirect_dma source(%dma_start3A_53 : memref<102400x16xf32, #tpu.memory_space<hbm>>) target(%dma_start3A_43 : memref<128x16xf32, #tpu.memory_space<vmem>>) offsets(%dma_start3A_46 : memref<128xi32, #tpu.memory_space<vmem>>) semaphore(%arg11 : memref<!tpu.dma_semaphore, #tpu.memory_space<semaphore_mem>>)
      %dma_start3A_54 = arith.constant 1 : i32
      %dma_start3A_55 = arith.constant 1 : i32
      %dma_start3A_56 = arith.constant 0 : i32
      %dma_start3A_57 = arith.constant 0 : i32
      %dma_start3A_58 = tpu.memref_slice %arg7[%dma_start3A_55, %dma_start3A_56, %dma_start3A_57] : memref<11x128x16xf32, #tpu.memory_space<vmem>> -> memref<1x128x16xf32, #tpu.memory_space<vmem>>
      %dma_start3A_59 = tpu.memref_squeeze %dma_start3A_58 : memref<1x128x16xf32, #tpu.memory_space<vmem>> -> memref<128x16xf32, #tpu.memory_space<vmem>>
      %dma_start3A_60 = arith.constant 0 : i32
      %dma_start3A_61 = tpu.memref_slice %arg8[%dma_start3A_54, %dma_start3A_60] : memref<11x128xi32, #tpu.memory_space<vmem>> -> memref<1x128xi32, #tpu.memory_space<vmem>>
      %dma_start3A_62 = tpu.memref_squeeze %dma_start3A_61 : memref<1x128xi32, #tpu.memory_space<vmem>> -> memref<128xi32, #tpu.memory_space<vmem>>
      %dma_start3A_63 = arith.constant 0 : i32
      %dma_start3A_64 = arith.constant 0 : i32
      %dma_start3A_65 = tpu.memref_slice %arg2[%arg0, %dma_start3A_63, %dma_start3A_64] : memref<2x102400x16xf32, #tpu.memory_space<hbm>> -> memref<1x102400x16xf32, #tpu.memory_space<hbm>>
      %dma_start3A_66 = tpu.memref_squeeze %dma_start3A_65 : memref<1x102400x16xf32, #tpu.memory_space<hbm>> -> memref<102400x16xf32, #tpu.memory_space<hbm>>
      %dma_start3A_67 = arith.constant 0 : i32
      %dma_start3A_68 = arith.constant 0 : i32
      %dma_start3A_69 = tpu.memref_slice %dma_start3A_66[%dma_start3A_67, %dma_start3A_68] : memref<102400x16xf32, #tpu.memory_space<hbm>> -> memref<102400x16xf32, #tpu.memory_space<hbm>>
      tpu.enqueue_indirect_dma source(%dma_start3A_69 : memref<102400x16xf32, #tpu.memory_space<hbm>>) target(%dma_start3A_59 : memref<128x16xf32, #tpu.memory_space<vmem>>) offsets(%dma_start3A_62 : memref<128xi32, #tpu.memory_space<vmem>>) semaphore(%arg11 : memref<!tpu.dma_semaphore, #tpu.memory_space<semaphore_mem>>)
      %dma_start3A_70 = arith.constant 2 : i32
      %dma_start3A_71 = arith.constant 2 : i32
      %dma_start3A_72 = arith.constant 0 : i32
      %dma_start3A_73 = arith.constant 0 : i32
      %dma_start3A_74 = tpu.memref_slice %arg7[%dma_start3A_71, %dma_start3A_72, %dma_start3A_73] : memref<11x128x16xf32, #tpu.memory_space<vmem>> -> memref<1x128x16xf32, #tpu.memory_space<vmem>>
      %dma_start3A_75 = tpu.memref_squeeze %dma_start3A_74 : memref<1x128x16xf32, #tpu.memory_space<vmem>> -> memref<128x16xf32, #tpu.memory_space<vmem>>
      %dma_start3A_76 = arith.constant 0 : i32
      %dma_start3A_77 = tpu.memref_slice %arg8[%dma_start3A_70, %dma_start3A_76] : memref<11x128xi32, #tpu.memory_space<vmem>> -> memref<1x128xi32, #tpu.memory_space<vmem>>
      %dma_start3A_78 = tpu.memref_squeeze %dma_start3A_77 : memref<1x128xi32, #tpu.memory_space<vmem>> -> memref<128xi32, #tpu.memory_space<vmem>>
      %dma_start3A_79 = arith.constant 0 : i32
      %dma_start3A_80 = arith.constant 0 : i32
      %dma_start3A_81 = tpu.memref_slice %arg2[%arg0, %dma_start3A_79, %dma_start3A_80] : memref<2x102400x16xf32, #tpu.memory_space<hbm>> -> memref<1x102400x16xf32, #tpu.memory_space<hbm>>
      %dma_start3A_82 = tpu.memref_squeeze %dma_start3A_81 : memref<1x102400x16xf32, #tpu.memory_space<hbm>> -> memref<102400x16xf32, #tpu.memory_space<hbm>>
      %dma_start3A_83 = arith.constant 0 : i32
      %dma_start3A_84 = arith.constant 0 : i32
      %dma_start3A_85 = tpu.memref_slice %dma_start3A_82[%dma_start3A_83, %dma_start3A_84] : memref<102400x16xf32, #tpu.memory_space<hbm>> -> memref<102400x16xf32, #tpu.memory_space<hbm>>
      tpu.enqueue_indirect_dma source(%dma_start3A_85 : memref<102400x16xf32, #tpu.memory_space<hbm>>) target(%dma_start3A_75 : memref<128x16xf32, #tpu.memory_space<vmem>>) offsets(%dma_start3A_78 : memref<128xi32, #tpu.memory_space<vmem>>) semaphore(%arg11 : memref<!tpu.dma_semaphore, #tpu.memory_space<semaphore_mem>>)
      %dma_start3A_86 = arith.constant 3 : i32
      %dma_start3A_87 = arith.constant 3 : i32
      %dma_start3A_88 = arith.constant 0 : i32
      %dma_start3A_89 = arith.constant 0 : i32
      %dma_start3A_90 = tpu.memref_slice %arg7[%dma_start3A_87, %dma_start3A_88, %dma_start3A_89] : memref<11x128x16xf32, #tpu.memory_space<vmem>> -> memref<1x128x16xf32, #tpu.memory_space<vmem>>
      %dma_start3A_91 = tpu.memref_squeeze %dma_start3A_90 : memref<1x128x16xf32, #tpu.memory_space<vmem>> -> memref<128x16xf32, #tpu.memory_space<vmem>>
      %dma_start3A_92 = arith.constant 0 : i32
      %dma_start3A_93 = tpu.memref_slice %arg8[%dma_start3A_86, %dma_start3A_92] : memref<11x128xi32, #tpu.memory_space<vmem>> -> memref<1x128xi32, #tpu.memory_space<vmem>>
      %dma_start3A_94 = tpu.memref_squeeze %dma_start3A_93 : memref<1x128xi32, #tpu.memory_space<vmem>> -> memref<128xi32, #tpu.memory_space<vmem>>
      %dma_start3A_95 = arith.constant 0 : i32
      %dma_start3A_96 = arith.constant 0 : i32
      %dma_start3A_97 = tpu.memref_slice %arg2[%arg0, %dma_start3A_95, %dma_start3A_96] : memref<2x102400x16xf32, #tpu.memory_space<hbm>> -> memref<1x102400x16xf32, #tpu.memory_space<hbm>>
      %dma_start3A_98 = tpu.memref_squeeze %dma_start3A_97 : memref<1x102400x16xf32, #tpu.memory_space<hbm>> -> memref<102400x16xf32, #tpu.memory_space<hbm>>
      %dma_start3A_99 = arith.constant 0 : i32
      %dma_start3A_100 = arith.constant 0 : i32
      %dma_start3A_101 = tpu.memref_slice %dma_start3A_98[%dma_start3A_99, %dma_start3A_100] : memref<102400x16xf32, #tpu.memory_space<hbm>> -> memref<102400x16xf32, #tpu.memory_space<hbm>>
      tpu.enqueue_indirect_dma source(%dma_start3A_101 : memref<102400x16xf32, #tpu.memory_space<hbm>>) target(%dma_start3A_91 : memref<128x16xf32, #tpu.memory_space<vmem>>) offsets(%dma_start3A_94 : memref<128xi32, #tpu.memory_space<vmem>>) semaphore(%arg11 : memref<!tpu.dma_semaphore, #tpu.memory_space<semaphore_mem>>)
      %dma_start3A_102 = arith.constant 4 : i32
      %dma_start3A_103 = arith.constant 4 : i32
      %dma_start3A_104 = arith.constant 0 : i32
      %dma_start3A_105 = arith.constant 0 : i32
      %dma_start3A_106 = tpu.memref_slice %arg7[%dma_start3A_103, %dma_start3A_104, %dma_start3A_105] : memref<11x128x16xf32, #tpu.memory_space<vmem>> -> memref<1x128x16xf32, #tpu.memory_space<vmem>>
      %dma_start3A_107 = tpu.memref_squeeze %dma_start3A_106 : memref<1x128x16xf32, #tpu.memory_space<vmem>> -> memref<128x16xf32, #tpu.memory_space<vmem>>
      %dma_start3A_108 = arith.constant 0 : i32
      %dma_start3A_109 = tpu.memref_slice %arg8[%dma_start3A_102, %dma_start3A_108] : memref<11x128xi32, #tpu.memory_space<vmem>> -> memref<1x128xi32, #tpu.memory_space<vmem>>
      %dma_start3A_110 = tpu.memref_squeeze %dma_start3A_109 : memref<1x128xi32, #tpu.memory_space<vmem>> -> memref<128xi32, #tpu.memory_space<vmem>>
      %dma_start3A_111 = arith.constant 0 : i32
      %dma_start3A_112 = arith.constant 0 : i32
      %dma_start3A_113 = tpu.memref_slice %arg2[%arg0, %dma_start3A_111, %dma_start3A_112] : memref<2x102400x16xf32, #tpu.memory_space<hbm>> -> memref<1x102400x16xf32, #tpu.memory_space<hbm>>
      %dma_start3A_114 = tpu.memref_squeeze %dma_start3A_113 : memref<1x102400x16xf32, #tpu.memory_space<hbm>> -> memref<102400x16xf32, #tpu.memory_space<hbm>>
      %dma_start3A_115 = arith.constant 0 : i32
      %dma_start3A_116 = arith.constant 0 : i32
      %dma_start3A_117 = tpu.memref_slice %dma_start3A_114[%dma_start3A_115, %dma_start3A_116] : memref<102400x16xf32, #tpu.memory_space<hbm>> -> memref<102400x16xf32, #tpu.memory_space<hbm>>
      tpu.enqueue_indirect_dma source(%dma_start3A_117 : memref<102400x16xf32, #tpu.memory_space<hbm>>) target(%dma_start3A_107 : memref<128x16xf32, #tpu.memory_space<vmem>>) offsets(%dma_start3A_110 : memref<128xi32, #tpu.memory_space<vmem>>) semaphore(%arg11 : memref<!tpu.dma_semaphore, #tpu.memory_space<semaphore_mem>>)
      %dma_start3A_118 = arith.constant 5 : i32
      %dma_start3A_119 = arith.constant 5 : i32
      %dma_start3A_120 = arith.constant 0 : i32
      %dma_start3A_121 = arith.constant 0 : i32
      %dma_start3A_122 = tpu.memref_slice %arg7[%dma_start3A_119, %dma_start3A_120, %dma_start3A_121] : memref<11x128x16xf32, #tpu.memory_space<vmem>> -> memref<1x128x16xf32, #tpu.memory_space<vmem>>
      %dma_start3A_123 = tpu.memref_squeeze %dma_start3A_122 : memref<1x128x16xf32, #tpu.memory_space<vmem>> -> memref<128x16xf32, #tpu.memory_space<vmem>>
      %dma_start3A_124 = arith.constant 0 : i32
      %dma_start3A_125 = tpu.memref_slice %arg8[%dma_start3A_118, %dma_start3A_124] : memref<11x128xi32, #tpu.memory_space<vmem>> -> memref<1x128xi32, #tpu.memory_space<vmem>>
      %dma_start3A_126 = tpu.memref_squeeze %dma_start3A_125 : memref<1x128xi32, #tpu.memory_space<vmem>> -> memref<128xi32, #tpu.memory_space<vmem>>
      %dma_start3A_127 = arith.constant 0 : i32
      %dma_start3A_128 = arith.constant 0 : i32
      %dma_start3A_129 = tpu.memref_slice %arg2[%arg0, %dma_start3A_127, %dma_start3A_128] : memref<2x102400x16xf32, #tpu.memory_space<hbm>> -> memref<1x102400x16xf32, #tpu.memory_space<hbm>>
      %dma_start3A_130 = tpu.memref_squeeze %dma_start3A_129 : memref<1x102400x16xf32, #tpu.memory_space<hbm>> -> memref<102400x16xf32, #tpu.memory_space<hbm>>
      %dma_start3A_131 = arith.constant 0 : i32
      %dma_start3A_132 = arith.constant 0 : i32
      %dma_start3A_133 = tpu.memref_slice %dma_start3A_130[%dma_start3A_131, %dma_start3A_132] : memref<102400x16xf32, #tpu.memory_space<hbm>> -> memref<102400x16xf32, #tpu.memory_space<hbm>>
      tpu.enqueue_indirect_dma source(%dma_start3A_133 : memref<102400x16xf32, #tpu.memory_space<hbm>>) target(%dma_start3A_123 : memref<128x16xf32, #tpu.memory_space<vmem>>) offsets(%dma_start3A_126 : memref<128xi32, #tpu.memory_space<vmem>>) semaphore(%arg11 : memref<!tpu.dma_semaphore, #tpu.memory_space<semaphore_mem>>)
      %dma_start3A_134 = arith.constant 6 : i32
      %dma_start3A_135 = arith.constant 6 : i32
      %dma_start3A_136 = arith.constant 0 : i32
      %dma_start3A_137 = arith.constant 0 : i32
      %dma_start3A_138 = tpu.memref_slice %arg7[%dma_start3A_135, %dma_start3A_136, %dma_start3A_137] : memref<11x128x16xf32, #tpu.memory_space<vmem>> -> memref<1x128x16xf32, #tpu.memory_space<vmem>>
      %dma_start3A_139 = tpu.memref_squeeze %dma_start3A_138 : memref<1x128x16xf32, #tpu.memory_space<vmem>> -> memref<128x16xf32, #tpu.memory_space<vmem>>
      %dma_start3A_140 = arith.constant 0 : i32
      %dma_start3A_141 = tpu.memref_slice %arg8[%dma_start3A_134, %dma_start3A_140] : memref<11x128xi32, #tpu.memory_space<vmem>> -> memref<1x128xi32, #tpu.memory_space<vmem>>
      %dma_start3A_142 = tpu.memref_squeeze %dma_start3A_141 : memref<1x128xi32, #tpu.memory_space<vmem>> -> memref<128xi32, #tpu.memory_space<vmem>>
      %dma_start3A_143 = arith.constant 0 : i32
      %dma_start3A_144 = arith.constant 0 : i32
      %dma_start3A_145 = tpu.memref_slice %arg2[%arg0, %dma_start3A_143, %dma_start3A_144] : memref<2x102400x16xf32, #tpu.memory_space<hbm>> -> memref<1x102400x16xf32, #tpu.memory_space<hbm>>
      %dma_start3A_146 = tpu.memref_squeeze %dma_start3A_145 : memref<1x102400x16xf32, #tpu.memory_space<hbm>> -> memref<102400x16xf32, #tpu.memory_space<hbm>>
      %dma_start3A_147 = arith.constant 0 : i32
      %dma_start3A_148 = arith.constant 0 : i32
      %dma_start3A_149 = tpu.memref_slice %dma_start3A_146[%dma_start3A_147, %dma_start3A_148] : memref<102400x16xf32, #tpu.memory_space<hbm>> -> memref<102400x16xf32, #tpu.memory_space<hbm>>
      tpu.enqueue_indirect_dma source(%dma_start3A_149 : memref<102400x16xf32, #tpu.memory_space<hbm>>) target(%dma_start3A_139 : memref<128x16xf32, #tpu.memory_space<vmem>>) offsets(%dma_start3A_142 : memref<128xi32, #tpu.memory_space<vmem>>) semaphore(%arg11 : memref<!tpu.dma_semaphore, #tpu.memory_space<semaphore_mem>>)
      %dma_start3A_150 = arith.constant 7 : i32
      %dma_start3A_151 = arith.constant 7 : i32
      %dma_start3A_152 = arith.constant 0 : i32
      %dma_start3A_153 = arith.constant 0 : i32
      %dma_start3A_154 = tpu.memref_slice %arg7[%dma_start3A_151, %dma_start3A_152, %dma_start3A_153] : memref<11x128x16xf32, #tpu.memory_space<vmem>> -> memref<1x128x16xf32, #tpu.memory_space<vmem>>
      %dma_start3A_155 = tpu.memref_squeeze %dma_start3A_154 : memref<1x128x16xf32, #tpu.memory_space<vmem>> -> memref<128x16xf32, #tpu.memory_space<vmem>>
      %dma_start3A_156 = arith.constant 0 : i32
      %dma_start3A_157 = tpu.memref_slice %arg8[%dma_start3A_150, %dma_start3A_156] : memref<11x128xi32, #tpu.memory_space<vmem>> -> memref<1x128xi32, #tpu.memory_space<vmem>>
      %dma_start3A_158 = tpu.memref_squeeze %dma_start3A_157 : memref<1x128xi32, #tpu.memory_space<vmem>> -> memref<128xi32, #tpu.memory_space<vmem>>
      %dma_start3A_159 = arith.constant 0 : i32
      %dma_start3A_160 = arith.constant 0 : i32
      %dma_start3A_161 = tpu.memref_slice %arg2[%arg0, %dma_start3A_159, %dma_start3A_160] : memref<2x102400x16xf32, #tpu.memory_space<hbm>> -> memref<1x102400x16xf32, #tpu.memory_space<hbm>>
      %dma_start3A_162 = tpu.memref_squeeze %dma_start3A_161 : memref<1x102400x16xf32, #tpu.memory_space<hbm>> -> memref<102400x16xf32, #tpu.memory_space<hbm>>
      %dma_start3A_163 = arith.constant 0 : i32
      %dma_start3A_164 = arith.constant 0 : i32
      %dma_start3A_165 = tpu.memref_slice %dma_start3A_162[%dma_start3A_163, %dma_start3A_164] : memref<102400x16xf32, #tpu.memory_space<hbm>> -> memref<102400x16xf32, #tpu.memory_space<hbm>>
      tpu.enqueue_indirect_dma source(%dma_start3A_165 : memref<102400x16xf32, #tpu.memory_space<hbm>>) target(%dma_start3A_155 : memref<128x16xf32, #tpu.memory_space<vmem>>) offsets(%dma_start3A_158 : memref<128xi32, #tpu.memory_space<vmem>>) semaphore(%arg11 : memref<!tpu.dma_semaphore, #tpu.memory_space<semaphore_mem>>)
      %dma_start3A_166 = arith.constant 8 : i32
      %dma_start3A_167 = arith.constant 8 : i32
      %dma_start3A_168 = arith.constant 0 : i32
      %dma_start3A_169 = arith.constant 0 : i32
      %dma_start3A_170 = tpu.memref_slice %arg7[%dma_start3A_167, %dma_start3A_168, %dma_start3A_169] : memref<11x128x16xf32, #tpu.memory_space<vmem>> -> memref<1x128x16xf32, #tpu.memory_space<vmem>>
      %dma_start3A_171 = tpu.memref_squeeze %dma_start3A_170 : memref<1x128x16xf32, #tpu.memory_space<vmem>> -> memref<128x16xf32, #tpu.memory_space<vmem>>
      %dma_start3A_172 = arith.constant 0 : i32
      %dma_start3A_173 = tpu.memref_slice %arg8[%dma_start3A_166, %dma_start3A_172] : memref<11x128xi32, #tpu.memory_space<vmem>> -> memref<1x128xi32, #tpu.memory_space<vmem>>
      %dma_start3A_174 = tpu.memref_squeeze %dma_start3A_173 : memref<1x128xi32, #tpu.memory_space<vmem>> -> memref<128xi32, #tpu.memory_space<vmem>>
      %dma_start3A_175 = arith.constant 0 : i32
      %dma_start3A_176 = arith.constant 0 : i32
      %dma_start3A_177 = tpu.memref_slice %arg2[%arg0, %dma_start3A_175, %dma_start3A_176] : memref<2x102400x16xf32, #tpu.memory_space<hbm>> -> memref<1x102400x16xf32, #tpu.memory_space<hbm>>
      %dma_start3A_178 = tpu.memref_squeeze %dma_start3A_177 : memref<1x102400x16xf32, #tpu.memory_space<hbm>> -> memref<102400x16xf32, #tpu.memory_space<hbm>>
      %dma_start3A_179 = arith.constant 0 : i32
      %dma_start3A_180 = arith.constant 0 : i32
      %dma_start3A_181 = tpu.memref_slice %dma_start3A_178[%dma_start3A_179, %dma_start3A_180] : memref<102400x16xf32, #tpu.memory_space<hbm>> -> memref<102400x16xf32, #tpu.memory_space<hbm>>
      tpu.enqueue_indirect_dma source(%dma_start3A_181 : memref<102400x16xf32, #tpu.memory_space<hbm>>) target(%dma_start3A_171 : memref<128x16xf32, #tpu.memory_space<vmem>>) offsets(%dma_start3A_174 : memref<128xi32, #tpu.memory_space<vmem>>) semaphore(%arg11 : memref<!tpu.dma_semaphore, #tpu.memory_space<semaphore_mem>>)
      %dma_start3A_182 = arith.constant 9 : i32
      %dma_start3A_183 = arith.constant 9 : i32
      %dma_start3A_184 = arith.constant 0 : i32
      %dma_start3A_185 = arith.constant 0 : i32
      %dma_start3A_186 = tpu.memref_slice %arg7[%dma_start3A_183, %dma_start3A_184, %dma_start3A_185] : memref<11x128x16xf32, #tpu.memory_space<vmem>> -> memref<1x128x16xf32, #tpu.memory_space<vmem>>
      %dma_start3A_187 = tpu.memref_squeeze %dma_start3A_186 : memref<1x128x16xf32, #tpu.memory_space<vmem>> -> memref<128x16xf32, #tpu.memory_space<vmem>>
      %dma_start3A_188 = arith.constant 0 : i32
      %dma_start3A_189 = tpu.memref_slice %arg8[%dma_start3A_182, %dma_start3A_188] : memref<11x128xi32, #tpu.memory_space<vmem>> -> memref<1x128xi32, #tpu.memory_space<vmem>>
      %dma_start3A_190 = tpu.memref_squeeze %dma_start3A_189 : memref<1x128xi32, #tpu.memory_space<vmem>> -> memref<128xi32, #tpu.memory_space<vmem>>
      %dma_start3A_191 = arith.constant 0 : i32
      %dma_start3A_192 = arith.constant 0 : i32
      %dma_start3A_193 = tpu.memref_slice %arg2[%arg0, %dma_start3A_191, %dma_start3A_192] : memref<2x102400x16xf32, #tpu.memory_space<hbm>> -> memref<1x102400x16xf32, #tpu.memory_space<hbm>>
      %dma_start3A_194 = tpu.memref_squeeze %dma_start3A_193 : memref<1x102400x16xf32, #tpu.memory_space<hbm>> -> memref<102400x16xf32, #tpu.memory_space<hbm>>
      %dma_start3A_195 = arith.constant 0 : i32
      %dma_start3A_196 = arith.constant 0 : i32
      %dma_start3A_197 = tpu.memref_slice %dma_start3A_194[%dma_start3A_195, %dma_start3A_196] : memref<102400x16xf32, #tpu.memory_space<hbm>> -> memref<102400x16xf32, #tpu.memory_space<hbm>>
      tpu.enqueue_indirect_dma source(%dma_start3A_197 : memref<102400x16xf32, #tpu.memory_space<hbm>>) target(%dma_start3A_187 : memref<128x16xf32, #tpu.memory_space<vmem>>) offsets(%dma_start3A_190 : memref<128xi32, #tpu.memory_space<vmem>>) semaphore(%arg11 : memref<!tpu.dma_semaphore, #tpu.memory_space<semaphore_mem>>)
      %dma_start3A_198 = arith.constant 10 : i32
      %dma_start3A_199 = arith.constant 10 : i32
      %dma_start3A_200 = arith.constant 0 : i32
      %dma_start3A_201 = arith.constant 0 : i32
      %dma_start3A_202 = tpu.memref_slice %arg7[%dma_start3A_199, %dma_start3A_200, %dma_start3A_201] : memref<11x128x16xf32, #tpu.memory_space<vmem>> -> memref<1x128x16xf32, #tpu.memory_space<vmem>>
      %dma_start3A_203 = tpu.memref_squeeze %dma_start3A_202 : memref<1x128x16xf32, #tpu.memory_space<vmem>> -> memref<128x16xf32, #tpu.memory_space<vmem>>
      %dma_start3A_204 = arith.constant 0 : i32
      %dma_start3A_205 = tpu.memref_slice %arg8[%dma_start3A_198, %dma_start3A_204] : memref<11x128xi32, #tpu.memory_space<vmem>> -> memref<1x128xi32, #tpu.memory_space<vmem>>
      %dma_start3A_206 = tpu.memref_squeeze %dma_start3A_205 : memref<1x128xi32, #tpu.memory_space<vmem>> -> memref<128xi32, #tpu.memory_space<vmem>>
      %dma_start3A_207 = arith.constant 0 : i32
      %dma_start3A_208 = arith.constant 0 : i32
      %dma_start3A_209 = tpu.memref_slice %arg2[%arg0, %dma_start3A_207, %dma_start3A_208] : memref<2x102400x16xf32, #tpu.memory_space<hbm>> -> memref<1x102400x16xf32, #tpu.memory_space<hbm>>
      %dma_start3A_210 = tpu.memref_squeeze %dma_start3A_209 : memref<1x102400x16xf32, #tpu.memory_space<hbm>> -> memref<102400x16xf32, #tpu.memory_space<hbm>>
      %dma_start3A_211 = arith.constant 0 : i32
      %dma_start3A_212 = arith.constant 0 : i32
      %dma_start3A_213 = tpu.memref_slice %dma_start3A_210[%dma_start3A_211, %dma_start3A_212] : memref<102400x16xf32, #tpu.memory_space<hbm>> -> memref<102400x16xf32, #tpu.memory_space<hbm>>
      tpu.enqueue_indirect_dma source(%dma_start3A_213 : memref<102400x16xf32, #tpu.memory_space<hbm>>) target(%dma_start3A_203 : memref<128x16xf32, #tpu.memory_space<vmem>>) offsets(%dma_start3A_206 : memref<128xi32, #tpu.memory_space<vmem>>) semaphore(%arg11 : memref<!tpu.dma_semaphore, #tpu.memory_space<semaphore_mem>>)
      %dma_wait3A_214 = arith.constant 1 : i32
      %dma_wait3A_215 = arith.constant 0 : i32
      %dma_wait3A_216 = tpu.memref_slice %arg3[%dma_wait3A_214, %add3A_18, %dma_wait3A_215] : memref<2x12500x128xi32, #tpu.memory_space<hbm>> -> memref<1x11x128xi32, #tpu.memory_space<hbm>>
      %dma_wait3A_217 = tpu.memref_squeeze %dma_wait3A_216 : memref<1x11x128xi32, #tpu.memory_space<hbm>> -> memref<11x128xi32, #tpu.memory_space<hbm>>
      %dma_wait3A_218 = arith.constant 0 : i32
      %dma_wait3A_219 = tpu.memref_slice %arg3[%dma_wait3A_214, %add3A_18, %dma_wait3A_218] : memref<2x12500x128xi32, #tpu.memory_space<hbm>> -> memref<1x11x128xi32, #tpu.memory_space<hbm>>
      %dma_wait3A_220 = tpu.memref_squeeze %dma_wait3A_219 : memref<1x11x128xi32, #tpu.memory_space<hbm>> -> memref<11x128xi32, #tpu.memory_space<hbm>>
      tpu.wait_dma2 semaphore(%arg10 : memref<!tpu.dma_semaphore, #tpu.memory_space<semaphore_mem>>) src(%dma_wait3A_220 : memref<11x128xi32, #tpu.memory_space<hbm>>) dst(%arg9 : memref<11x128xi32, #tpu.memory_space<vmem>>)
      %dma_wait3A_221 = arith.constant 0 : i32
      %dma_wait3A_222 = arith.constant 0 : i32
      %dma_wait3A_223 = arith.constant 0 : i32
      %dma_wait3A_224 = arith.constant 0 : i32
      %dma_wait3A_225 = tpu.memref_slice %arg7[%dma_wait3A_222, %dma_wait3A_223, %dma_wait3A_224] : memref<11x128x16xf32, #tpu.memory_space<vmem>> -> memref<1x128x16xf32, #tpu.memory_space<vmem>>
      %dma_wait3A_226 = tpu.memref_squeeze %dma_wait3A_225 : memref<1x128x16xf32, #tpu.memory_space<vmem>> -> memref<128x16xf32, #tpu.memory_space<vmem>>
      %dma_wait3A_227 = arith.constant 0 : i32
      %dma_wait3A_228 = tpu.memref_slice %arg8[%dma_wait3A_221, %dma_wait3A_227] : memref<11x128xi32, #tpu.memory_space<vmem>> -> memref<1x128xi32, #tpu.memory_space<vmem>>
      %dma_wait3A_229 = tpu.memref_squeeze %dma_wait3A_228 : memref<1x128xi32, #tpu.memory_space<vmem>> -> memref<128xi32, #tpu.memory_space<vmem>>
      %dma_wait3A_230 = arith.constant 0 : i32
      %dma_wait3A_231 = arith.constant 0 : i32
      %dma_wait3A_232 = tpu.memref_slice %arg2[%arg0, %dma_wait3A_230, %dma_wait3A_231] : memref<2x102400x16xf32, #tpu.memory_space<hbm>> -> memref<1x102400x16xf32, #tpu.memory_space<hbm>>
      %dma_wait3A_233 = tpu.memref_squeeze %dma_wait3A_232 : memref<1x102400x16xf32, #tpu.memory_space<hbm>> -> memref<102400x16xf32, #tpu.memory_space<hbm>>
      %dma_wait3A_234 = arith.constant 0 : i32
      %dma_wait3A_235 = arith.constant 0 : i32
      %dma_wait3A_236 = tpu.memref_slice %dma_wait3A_233[%dma_wait3A_234, %dma_wait3A_235] : memref<102400x16xf32, #tpu.memory_space<hbm>> -> memref<102400x16xf32, #tpu.memory_space<hbm>>
      tpu.wait_indirect_dma semaphore(%arg11 : memref<!tpu.dma_semaphore, #tpu.memory_space<semaphore_mem>>) src(%dma_wait3A_236 : memref<102400x16xf32, #tpu.memory_space<hbm>>) dst(%dma_wait3A_226 : memref<128x16xf32, #tpu.memory_space<vmem>>)
      %dma_start3A_237 = arith.constant 0 : i32
      %dma_start3A_238 = arith.constant 0 : i32
      %dma_start3A_239 = arith.constant 0 : i32
      %dma_start3A_240 = arith.constant 0 : i32
      %dma_start3A_241 = tpu.memref_slice %arg7[%dma_start3A_237, %dma_start3A_239, %dma_start3A_240] : memref<11x128x16xf32, #tpu.memory_space<vmem>> -> memref<1x128x16xf32, #tpu.memory_space<vmem>>
      %dma_start3A_242 = tpu.memref_squeeze %dma_start3A_241 : memref<1x128x16xf32, #tpu.memory_space<vmem>> -> memref<128x16xf32, #tpu.memory_space<vmem>>
      %dma_start3A_243 = arith.constant 0 : i32
      %dma_start3A_244 = tpu.memref_slice %arg9[%dma_start3A_238, %dma_start3A_243] : memref<11x128xi32, #tpu.memory_space<vmem>> -> memref<1x128xi32, #tpu.memory_space<vmem>>
      %dma_start3A_245 = tpu.memref_squeeze %dma_start3A_244 : memref<1x128xi32, #tpu.memory_space<vmem>> -> memref<128xi32, #tpu.memory_space<vmem>>
      %dma_start3A_246 = arith.constant 0 : i32
      %dma_start3A_247 = arith.constant 0 : i32
      %dma_start3A_248 = tpu.memref_slice %arg6[%dma_start3A_246, %dma_start3A_247] : memref<100000x16xf32, #tpu.memory_space<vmem_shared>> -> memref<100000x16xf32, #tpu.memory_space<vmem_shared>>
      tpu.enqueue_indirect_dma source(%dma_start3A_242 : memref<128x16xf32, #tpu.memory_space<vmem>>) target(%dma_start3A_248 : memref<100000x16xf32, #tpu.memory_space<vmem_shared>>) offsets(%dma_start3A_245 : memref<128xi32, #tpu.memory_space<vmem>>) semaphore(%arg12 : memref<!tpu.dma_semaphore, #tpu.memory_space<semaphore_mem>>) {add = true}
      %dma_wait3A_249 = arith.constant 1 : i32
      %dma_wait3A_250 = arith.constant 1 : i32
      %dma_wait3A_251 = arith.constant 0 : i32
      %dma_wait3A_252 = arith.constant 0 : i32
      %dma_wait3A_253 = tpu.memref_slice %arg7[%dma_wait3A_250, %dma_wait3A_251, %dma_wait3A_252] : memref<11x128x16xf32, #tpu.memory_space<vmem>> -> memref<1x128x16xf32, #tpu.memory_space<vmem>>
      %dma_wait3A_254 = tpu.memref_squeeze %dma_wait3A_253 : memref<1x128x16xf32, #tpu.memory_space<vmem>> -> memref<128x16xf32, #tpu.memory_space<vmem>>
      %dma_wait3A_255 = arith.constant 0 : i32
      %dma_wait3A_256 = tpu.memref_slice %arg8[%dma_wait3A_249, %dma_wait3A_255] : memref<11x128xi32, #tpu.memory_space<vmem>> -> memref<1x128xi32, #tpu.memory_space<vmem>>
      %dma_wait3A_257 = tpu.memref_squeeze %dma_wait3A_256 : memref<1x128xi32, #tpu.memory_space<vmem>> -> memref<128xi32, #tpu.memory_space<vmem>>
      %dma_wait3A_258 = arith.constant 0 : i32
      %dma_wait3A_259 = arith.constant 0 : i32
      %dma_wait3A_260 = tpu.memref_slice %arg2[%arg0, %dma_wait3A_258, %dma_wait3A_259] : memref<2x102400x16xf32, #tpu.memory_space<hbm>> -> memref<1x102400x16xf32, #tpu.memory_space<hbm>>
      %dma_wait3A_261 = tpu.memref_squeeze %dma_wait3A_260 : memref<1x102400x16xf32, #tpu.memory_space<hbm>> -> memref<102400x16xf32, #tpu.memory_space<hbm>>
      %dma_wait3A_262 = arith.constant 0 : i32
      %dma_wait3A_263 = arith.constant 0 : i32
      %dma_wait3A_264 = tpu.memref_slice %dma_wait3A_261[%dma_wait3A_262, %dma_wait3A_263] : memref<102400x16xf32, #tpu.memory_space<hbm>> -> memref<102400x16xf32, #tpu.memory_space<hbm>>
      tpu.wait_indirect_dma semaphore(%arg11 : memref<!tpu.dma_semaphore, #tpu.memory_space<semaphore_mem>>) src(%dma_wait3A_264 : memref<102400x16xf32, #tpu.memory_space<hbm>>) dst(%dma_wait3A_254 : memref<128x16xf32, #tpu.memory_space<vmem>>)
      %dma_start3A_265 = arith.constant 1 : i32
      %dma_start3A_266 = arith.constant 1 : i32
      %dma_start3A_267 = arith.constant 0 : i32
      %dma_start3A_268 = arith.constant 0 : i32
      %dma_start3A_269 = tpu.memref_slice %arg7[%dma_start3A_265, %dma_start3A_267, %dma_start3A_268] : memref<11x128x16xf32, #tpu.memory_space<vmem>> -> memref<1x128x16xf32, #tpu.memory_space<vmem>>
      %dma_start3A_270 = tpu.memref_squeeze %dma_start3A_269 : memref<1x128x16xf32, #tpu.memory_space<vmem>> -> memref<128x16xf32, #tpu.memory_space<vmem>>
      %dma_start3A_271 = arith.constant 0 : i32
      %dma_start3A_272 = tpu.memref_slice %arg9[%dma_start3A_266, %dma_start3A_271] : memref<11x128xi32, #tpu.memory_space<vmem>> -> memref<1x128xi32, #tpu.memory_space<vmem>>
      %dma_start3A_273 = tpu.memref_squeeze %dma_start3A_272 : memref<1x128xi32, #tpu.memory_space<vmem>> -> memref<128xi32, #tpu.memory_space<vmem>>
      %dma_start3A_274 = arith.constant 0 : i32
      %dma_start3A_275 = arith.constant 0 : i32
      %dma_start3A_276 = tpu.memref_slice %arg6[%dma_start3A_274, %dma_start3A_275] : memref<100000x16xf32, #tpu.memory_space<vmem_shared>> -> memref<100000x16xf32, #tpu.memory_space<vmem_shared>>
      tpu.enqueue_indirect_dma source(%dma_start3A_270 : memref<128x16xf32, #tpu.memory_space<vmem>>) target(%dma_start3A_276 : memref<100000x16xf32, #tpu.memory_space<vmem_shared>>) offsets(%dma_start3A_273 : memref<128xi32, #tpu.memory_space<vmem>>) semaphore(%arg12 : memref<!tpu.dma_semaphore, #tpu.memory_space<semaphore_mem>>) {add = true}
      %dma_wait3A_277 = arith.constant 2 : i32
      %dma_wait3A_278 = arith.constant 2 : i32
      %dma_wait3A_279 = arith.constant 0 : i32
      %dma_wait3A_280 = arith.constant 0 : i32
      %dma_wait3A_281 = tpu.memref_slice %arg7[%dma_wait3A_278, %dma_wait3A_279, %dma_wait3A_280] : memref<11x128x16xf32, #tpu.memory_space<vmem>> -> memref<1x128x16xf32, #tpu.memory_space<vmem>>
      %dma_wait3A_282 = tpu.memref_squeeze %dma_wait3A_281 : memref<1x128x16xf32, #tpu.memory_space<vmem>> -> memref<128x16xf32, #tpu.memory_space<vmem>>
      %dma_wait3A_283 = arith.constant 0 : i32
      %dma_wait3A_284 = tpu.memref_slice %arg8[%dma_wait3A_277, %dma_wait3A_283] : memref<11x128xi32, #tpu.memory_space<vmem>> -> memref<1x128xi32, #tpu.memory_space<vmem>>
      %dma_wait3A_285 = tpu.memref_squeeze %dma_wait3A_284 : memref<1x128xi32, #tpu.memory_space<vmem>> -> memref<128xi32, #tpu.memory_space<vmem>>
      %dma_wait3A_286 = arith.constant 0 : i32
      %dma_wait3A_287 = arith.constant 0 : i32
      %dma_wait3A_288 = tpu.memref_slice %arg2[%arg0, %dma_wait3A_286, %dma_wait3A_287] : memref<2x102400x16xf32, #tpu.memory_space<hbm>> -> memref<1x102400x16xf32, #tpu.memory_space<hbm>>
      %dma_wait3A_289 = tpu.memref_squeeze %dma_wait3A_288 : memref<1x102400x16xf32, #tpu.memory_space<hbm>> -> memref<102400x16xf32, #tpu.memory_space<hbm>>
      %dma_wait3A_290 = arith.constant 0 : i32
      %dma_wait3A_291 = arith.constant 0 : i32
      %dma_wait3A_292 = tpu.memref_slice %dma_wait3A_289[%dma_wait3A_290, %dma_wait3A_291] : memref<102400x16xf32, #tpu.memory_space<hbm>> -> memref<102400x16xf32, #tpu.memory_space<hbm>>
      tpu.wait_indirect_dma semaphore(%arg11 : memref<!tpu.dma_semaphore, #tpu.memory_space<semaphore_mem>>) src(%dma_wait3A_292 : memref<102400x16xf32, #tpu.memory_space<hbm>>) dst(%dma_wait3A_282 : memref<128x16xf32, #tpu.memory_space<vmem>>)
      %dma_start3A_293 = arith.constant 2 : i32
      %dma_start3A_294 = arith.constant 2 : i32
      %dma_start3A_295 = arith.constant 0 : i32
      %dma_start3A_296 = arith.constant 0 : i32
      %dma_start3A_297 = tpu.memref_slice %arg7[%dma_start3A_293, %dma_start3A_295, %dma_start3A_296] : memref<11x128x16xf32, #tpu.memory_space<vmem>> -> memref<1x128x16xf32, #tpu.memory_space<vmem>>
      %dma_start3A_298 = tpu.memref_squeeze %dma_start3A_297 : memref<1x128x16xf32, #tpu.memory_space<vmem>> -> memref<128x16xf32, #tpu.memory_space<vmem>>
      %dma_start3A_299 = arith.constant 0 : i32
      %dma_start3A_300 = tpu.memref_slice %arg9[%dma_start3A_294, %dma_start3A_299] : memref<11x128xi32, #tpu.memory_space<vmem>> -> memref<1x128xi32, #tpu.memory_space<vmem>>
      %dma_start3A_301 = tpu.memref_squeeze %dma_start3A_300 : memref<1x128xi32, #tpu.memory_space<vmem>> -> memref<128xi32, #tpu.memory_space<vmem>>
      %dma_start3A_302 = arith.constant 0 : i32
      %dma_start3A_303 = arith.constant 0 : i32
      %dma_start3A_304 = tpu.memref_slice %arg6[%dma_start3A_302, %dma_start3A_303] : memref<100000x16xf32, #tpu.memory_space<vmem_shared>> -> memref<100000x16xf32, #tpu.memory_space<vmem_shared>>
      tpu.enqueue_indirect_dma source(%dma_start3A_298 : memref<128x16xf32, #tpu.memory_space<vmem>>) target(%dma_start3A_304 : memref<100000x16xf32, #tpu.memory_space<vmem_shared>>) offsets(%dma_start3A_301 : memref<128xi32, #tpu.memory_space<vmem>>) semaphore(%arg12 : memref<!tpu.dma_semaphore, #tpu.memory_space<semaphore_mem>>) {add = true}
      %dma_wait3A_305 = arith.constant 3 : i32
      %dma_wait3A_306 = arith.constant 3 : i32
      %dma_wait3A_307 = arith.constant 0 : i32
      %dma_wait3A_308 = arith.constant 0 : i32
      %dma_wait3A_309 = tpu.memref_slice %arg7[%dma_wait3A_306, %dma_wait3A_307, %dma_wait3A_308] : memref<11x128x16xf32, #tpu.memory_space<vmem>> -> memref<1x128x16xf32, #tpu.memory_space<vmem>>
      %dma_wait3A_310 = tpu.memref_squeeze %dma_wait3A_309 : memref<1x128x16xf32, #tpu.memory_space<vmem>> -> memref<128x16xf32, #tpu.memory_space<vmem>>
      %dma_wait3A_311 = arith.constant 0 : i32
      %dma_wait3A_312 = tpu.memref_slice %arg8[%dma_wait3A_305, %dma_wait3A_311] : memref<11x128xi32, #tpu.memory_space<vmem>> -> memref<1x128xi32, #tpu.memory_space<vmem>>
      %dma_wait3A_313 = tpu.memref_squeeze %dma_wait3A_312 : memref<1x128xi32, #tpu.memory_space<vmem>> -> memref<128xi32, #tpu.memory_space<vmem>>
      %dma_wait3A_314 = arith.constant 0 : i32
      %dma_wait3A_315 = arith.constant 0 : i32
      %dma_wait3A_316 = tpu.memref_slice %arg2[%arg0, %dma_wait3A_314, %dma_wait3A_315] : memref<2x102400x16xf32, #tpu.memory_space<hbm>> -> memref<1x102400x16xf32, #tpu.memory_space<hbm>>
      %dma_wait3A_317 = tpu.memref_squeeze %dma_wait3A_316 : memref<1x102400x16xf32, #tpu.memory_space<hbm>> -> memref<102400x16xf32, #tpu.memory_space<hbm>>
      %dma_wait3A_318 = arith.constant 0 : i32
      %dma_wait3A_319 = arith.constant 0 : i32
      %dma_wait3A_320 = tpu.memref_slice %dma_wait3A_317[%dma_wait3A_318, %dma_wait3A_319] : memref<102400x16xf32, #tpu.memory_space<hbm>> -> memref<102400x16xf32, #tpu.memory_space<hbm>>
      tpu.wait_indirect_dma semaphore(%arg11 : memref<!tpu.dma_semaphore, #tpu.memory_space<semaphore_mem>>) src(%dma_wait3A_320 : memref<102400x16xf32, #tpu.memory_space<hbm>>) dst(%dma_wait3A_310 : memref<128x16xf32, #tpu.memory_space<vmem>>)
      %dma_start3A_321 = arith.constant 3 : i32
      %dma_start3A_322 = arith.constant 3 : i32
      %dma_start3A_323 = arith.constant 0 : i32
      %dma_start3A_324 = arith.constant 0 : i32
      %dma_start3A_325 = tpu.memref_slice %arg7[%dma_start3A_321, %dma_start3A_323, %dma_start3A_324] : memref<11x128x16xf32, #tpu.memory_space<vmem>> -> memref<1x128x16xf32, #tpu.memory_space<vmem>>
      %dma_start3A_326 = tpu.memref_squeeze %dma_start3A_325 : memref<1x128x16xf32, #tpu.memory_space<vmem>> -> memref<128x16xf32, #tpu.memory_space<vmem>>
      %dma_start3A_327 = arith.constant 0 : i32
      %dma_start3A_328 = tpu.memref_slice %arg9[%dma_start3A_322, %dma_start3A_327] : memref<11x128xi32, #tpu.memory_space<vmem>> -> memref<1x128xi32, #tpu.memory_space<vmem>>
      %dma_start3A_329 = tpu.memref_squeeze %dma_start3A_328 : memref<1x128xi32, #tpu.memory_space<vmem>> -> memref<128xi32, #tpu.memory_space<vmem>>
      %dma_start3A_330 = arith.constant 0 : i32
      %dma_start3A_331 = arith.constant 0 : i32
      %dma_start3A_332 = tpu.memref_slice %arg6[%dma_start3A_330, %dma_start3A_331] : memref<100000x16xf32, #tpu.memory_space<vmem_shared>> -> memref<100000x16xf32, #tpu.memory_space<vmem_shared>>
      tpu.enqueue_indirect_dma source(%dma_start3A_326 : memref<128x16xf32, #tpu.memory_space<vmem>>) target(%dma_start3A_332 : memref<100000x16xf32, #tpu.memory_space<vmem_shared>>) offsets(%dma_start3A_329 : memref<128xi32, #tpu.memory_space<vmem>>) semaphore(%arg12 : memref<!tpu.dma_semaphore, #tpu.memory_space<semaphore_mem>>) {add = true}
      %dma_wait3A_333 = arith.constant 4 : i32
      %dma_wait3A_334 = arith.constant 4 : i32
      %dma_wait3A_335 = arith.constant 0 : i32
      %dma_wait3A_336 = arith.constant 0 : i32
      %dma_wait3A_337 = tpu.memref_slice %arg7[%dma_wait3A_334, %dma_wait3A_335, %dma_wait3A_336] : memref<11x128x16xf32, #tpu.memory_space<vmem>> -> memref<1x128x16xf32, #tpu.memory_space<vmem>>
      %dma_wait3A_338 = tpu.memref_squeeze %dma_wait3A_337 : memref<1x128x16xf32, #tpu.memory_space<vmem>> -> memref<128x16xf32, #tpu.memory_space<vmem>>
      %dma_wait3A_339 = arith.constant 0 : i32
      %dma_wait3A_340 = tpu.memref_slice %arg8[%dma_wait3A_333, %dma_wait3A_339] : memref<11x128xi32, #tpu.memory_space<vmem>> -> memref<1x128xi32, #tpu.memory_space<vmem>>
      %dma_wait3A_341 = tpu.memref_squeeze %dma_wait3A_340 : memref<1x128xi32, #tpu.memory_space<vmem>> -> memref<128xi32, #tpu.memory_space<vmem>>
      %dma_wait3A_342 = arith.constant 0 : i32
      %dma_wait3A_343 = arith.constant 0 : i32
      %dma_wait3A_344 = tpu.memref_slice %arg2[%arg0, %dma_wait3A_342, %dma_wait3A_343] : memref<2x102400x16xf32, #tpu.memory_space<hbm>> -> memref<1x102400x16xf32, #tpu.memory_space<hbm>>
      %dma_wait3A_345 = tpu.memref_squeeze %dma_wait3A_344 : memref<1x102400x16xf32, #tpu.memory_space<hbm>> -> memref<102400x16xf32, #tpu.memory_space<hbm>>
      %dma_wait3A_346 = arith.constant 0 : i32
      %dma_wait3A_347 = arith.constant 0 : i32
      %dma_wait3A_348 = tpu.memref_slice %dma_wait3A_345[%dma_wait3A_346, %dma_wait3A_347] : memref<102400x16xf32, #tpu.memory_space<hbm>> -> memref<102400x16xf32, #tpu.memory_space<hbm>>
      tpu.wait_indirect_dma semaphore(%arg11 : memref<!tpu.dma_semaphore, #tpu.memory_space<semaphore_mem>>) src(%dma_wait3A_348 : memref<102400x16xf32, #tpu.memory_space<hbm>>) dst(%dma_wait3A_338 : memref<128x16xf32, #tpu.memory_space<vmem>>)
      %dma_start3A_349 = arith.constant 4 : i32
      %dma_start3A_350 = arith.constant 4 : i32
      %dma_start3A_351 = arith.constant 0 : i32
      %dma_start3A_352 = arith.constant 0 : i32
      %dma_start3A_353 = tpu.memref_slice %arg7[%dma_start3A_349, %dma_start3A_351, %dma_start3A_352] : memref<11x128x16xf32, #tpu.memory_space<vmem>> -> memref<1x128x16xf32, #tpu.memory_space<vmem>>
      %dma_start3A_354 = tpu.memref_squeeze %dma_start3A_353 : memref<1x128x16xf32, #tpu.memory_space<vmem>> -> memref<128x16xf32, #tpu.memory_space<vmem>>
      %dma_start3A_355 = arith.constant 0 : i32
      %dma_start3A_356 = tpu.memref_slice %arg9[%dma_start3A_350, %dma_start3A_355] : memref<11x128xi32, #tpu.memory_space<vmem>> -> memref<1x128xi32, #tpu.memory_space<vmem>>
      %dma_start3A_357 = tpu.memref_squeeze %dma_start3A_356 : memref<1x128xi32, #tpu.memory_space<vmem>> -> memref<128xi32, #tpu.memory_space<vmem>>
      %dma_start3A_358 = arith.constant 0 : i32
      %dma_start3A_359 = arith.constant 0 : i32
      %dma_start3A_360 = tpu.memref_slice %arg6[%dma_start3A_358, %dma_start3A_359] : memref<100000x16xf32, #tpu.memory_space<vmem_shared>> -> memref<100000x16xf32, #tpu.memory_space<vmem_shared>>
      tpu.enqueue_indirect_dma source(%dma_start3A_354 : memref<128x16xf32, #tpu.memory_space<vmem>>) target(%dma_start3A_360 : memref<100000x16xf32, #tpu.memory_space<vmem_shared>>) offsets(%dma_start3A_357 : memref<128xi32, #tpu.memory_space<vmem>>) semaphore(%arg12 : memref<!tpu.dma_semaphore, #tpu.memory_space<semaphore_mem>>) {add = true}
      %dma_wait3A_361 = arith.constant 5 : i32
      %dma_wait3A_362 = arith.constant 5 : i32
      %dma_wait3A_363 = arith.constant 0 : i32
      %dma_wait3A_364 = arith.constant 0 : i32
      %dma_wait3A_365 = tpu.memref_slice %arg7[%dma_wait3A_362, %dma_wait3A_363, %dma_wait3A_364] : memref<11x128x16xf32, #tpu.memory_space<vmem>> -> memref<1x128x16xf32, #tpu.memory_space<vmem>>
      %dma_wait3A_366 = tpu.memref_squeeze %dma_wait3A_365 : memref<1x128x16xf32, #tpu.memory_space<vmem>> -> memref<128x16xf32, #tpu.memory_space<vmem>>
      %dma_wait3A_367 = arith.constant 0 : i32
      %dma_wait3A_368 = tpu.memref_slice %arg8[%dma_wait3A_361, %dma_wait3A_367] : memref<11x128xi32, #tpu.memory_space<vmem>> -> memref<1x128xi32, #tpu.memory_space<vmem>>
      %dma_wait3A_369 = tpu.memref_squeeze %dma_wait3A_368 : memref<1x128xi32, #tpu.memory_space<vmem>> -> memref<128xi32, #tpu.memory_space<vmem>>
      %dma_wait3A_370 = arith.constant 0 : i32
      %dma_wait3A_371 = arith.constant 0 : i32
      %dma_wait3A_372 = tpu.memref_slice %arg2[%arg0, %dma_wait3A_370, %dma_wait3A_371] : memref<2x102400x16xf32, #tpu.memory_space<hbm>> -> memref<1x102400x16xf32, #tpu.memory_space<hbm>>
      %dma_wait3A_373 = tpu.memref_squeeze %dma_wait3A_372 : memref<1x102400x16xf32, #tpu.memory_space<hbm>> -> memref<102400x16xf32, #tpu.memory_space<hbm>>
      %dma_wait3A_374 = arith.constant 0 : i32
      %dma_wait3A_375 = arith.constant 0 : i32
      %dma_wait3A_376 = tpu.memref_slice %dma_wait3A_373[%dma_wait3A_374, %dma_wait3A_375] : memref<102400x16xf32, #tpu.memory_space<hbm>> -> memref<102400x16xf32, #tpu.memory_space<hbm>>
      tpu.wait_indirect_dma semaphore(%arg11 : memref<!tpu.dma_semaphore, #tpu.memory_space<semaphore_mem>>) src(%dma_wait3A_376 : memref<102400x16xf32, #tpu.memory_space<hbm>>) dst(%dma_wait3A_366 : memref<128x16xf32, #tpu.memory_space<vmem>>)
      %dma_start3A_377 = arith.constant 5 : i32
      %dma_start3A_378 = arith.constant 5 : i32
      %dma_start3A_379 = arith.constant 0 : i32
      %dma_start3A_380 = arith.constant 0 : i32
      %dma_start3A_381 = tpu.memref_slice %arg7[%dma_start3A_377, %dma_start3A_379, %dma_start3A_380] : memref<11x128x16xf32, #tpu.memory_space<vmem>> -> memref<1x128x16xf32, #tpu.memory_space<vmem>>
      %dma_start3A_382 = tpu.memref_squeeze %dma_start3A_381 : memref<1x128x16xf32, #tpu.memory_space<vmem>> -> memref<128x16xf32, #tpu.memory_space<vmem>>
      %dma_start3A_383 = arith.constant 0 : i32
      %dma_start3A_384 = tpu.memref_slice %arg9[%dma_start3A_378, %dma_start3A_383] : memref<11x128xi32, #tpu.memory_space<vmem>> -> memref<1x128xi32, #tpu.memory_space<vmem>>
      %dma_start3A_385 = tpu.memref_squeeze %dma_start3A_384 : memref<1x128xi32, #tpu.memory_space<vmem>> -> memref<128xi32, #tpu.memory_space<vmem>>
      %dma_start3A_386 = arith.constant 0 : i32
      %dma_start3A_387 = arith.constant 0 : i32
      %dma_start3A_388 = tpu.memref_slice %arg6[%dma_start3A_386, %dma_start3A_387] : memref<100000x16xf32, #tpu.memory_space<vmem_shared>> -> memref<100000x16xf32, #tpu.memory_space<vmem_shared>>
      tpu.enqueue_indirect_dma source(%dma_start3A_382 : memref<128x16xf32, #tpu.memory_space<vmem>>) target(%dma_start3A_388 : memref<100000x16xf32, #tpu.memory_space<vmem_shared>>) offsets(%dma_start3A_385 : memref<128xi32, #tpu.memory_space<vmem>>) semaphore(%arg12 : memref<!tpu.dma_semaphore, #tpu.memory_space<semaphore_mem>>) {add = true}
      %dma_wait3A_389 = arith.constant 6 : i32
      %dma_wait3A_390 = arith.constant 6 : i32
      %dma_wait3A_391 = arith.constant 0 : i32
      %dma_wait3A_392 = arith.constant 0 : i32
      %dma_wait3A_393 = tpu.memref_slice %arg7[%dma_wait3A_390, %dma_wait3A_391, %dma_wait3A_392] : memref<11x128x16xf32, #tpu.memory_space<vmem>> -> memref<1x128x16xf32, #tpu.memory_space<vmem>>
      %dma_wait3A_394 = tpu.memref_squeeze %dma_wait3A_393 : memref<1x128x16xf32, #tpu.memory_space<vmem>> -> memref<128x16xf32, #tpu.memory_space<vmem>>
      %dma_wait3A_395 = arith.constant 0 : i32
      %dma_wait3A_396 = tpu.memref_slice %arg8[%dma_wait3A_389, %dma_wait3A_395] : memref<11x128xi32, #tpu.memory_space<vmem>> -> memref<1x128xi32, #tpu.memory_space<vmem>>
      %dma_wait3A_397 = tpu.memref_squeeze %dma_wait3A_396 : memref<1x128xi32, #tpu.memory_space<vmem>> -> memref<128xi32, #tpu.memory_space<vmem>>
      %dma_wait3A_398 = arith.constant 0 : i32
      %dma_wait3A_399 = arith.constant 0 : i32
      %dma_wait3A_400 = tpu.memref_slice %arg2[%arg0, %dma_wait3A_398, %dma_wait3A_399] : memref<2x102400x16xf32, #tpu.memory_space<hbm>> -> memref<1x102400x16xf32, #tpu.memory_space<hbm>>
      %dma_wait3A_401 = tpu.memref_squeeze %dma_wait3A_400 : memref<1x102400x16xf32, #tpu.memory_space<hbm>> -> memref<102400x16xf32, #tpu.memory_space<hbm>>
      %dma_wait3A_402 = arith.constant 0 : i32
      %dma_wait3A_403 = arith.constant 0 : i32
      %dma_wait3A_404 = tpu.memref_slice %dma_wait3A_401[%dma_wait3A_402, %dma_wait3A_403] : memref<102400x16xf32, #tpu.memory_space<hbm>> -> memref<102400x16xf32, #tpu.memory_space<hbm>>
      tpu.wait_indirect_dma semaphore(%arg11 : memref<!tpu.dma_semaphore, #tpu.memory_space<semaphore_mem>>) src(%dma_wait3A_404 : memref<102400x16xf32, #tpu.memory_space<hbm>>) dst(%dma_wait3A_394 : memref<128x16xf32, #tpu.memory_space<vmem>>)
      %dma_start3A_405 = arith.constant 6 : i32
      %dma_start3A_406 = arith.constant 6 : i32
      %dma_start3A_407 = arith.constant 0 : i32
      %dma_start3A_408 = arith.constant 0 : i32
      %dma_start3A_409 = tpu.memref_slice %arg7[%dma_start3A_405, %dma_start3A_407, %dma_start3A_408] : memref<11x128x16xf32, #tpu.memory_space<vmem>> -> memref<1x128x16xf32, #tpu.memory_space<vmem>>
      %dma_start3A_410 = tpu.memref_squeeze %dma_start3A_409 : memref<1x128x16xf32, #tpu.memory_space<vmem>> -> memref<128x16xf32, #tpu.memory_space<vmem>>
      %dma_start3A_411 = arith.constant 0 : i32
      %dma_start3A_412 = tpu.memref_slice %arg9[%dma_start3A_406, %dma_start3A_411] : memref<11x128xi32, #tpu.memory_space<vmem>> -> memref<1x128xi32, #tpu.memory_space<vmem>>
      %dma_start3A_413 = tpu.memref_squeeze %dma_start3A_412 : memref<1x128xi32, #tpu.memory_space<vmem>> -> memref<128xi32, #tpu.memory_space<vmem>>
      %dma_start3A_414 = arith.constant 0 : i32
      %dma_start3A_415 = arith.constant 0 : i32
      %dma_start3A_416 = tpu.memref_slice %arg6[%dma_start3A_414, %dma_start3A_415] : memref<100000x16xf32, #tpu.memory_space<vmem_shared>> -> memref<100000x16xf32, #tpu.memory_space<vmem_shared>>
      tpu.enqueue_indirect_dma source(%dma_start3A_410 : memref<128x16xf32, #tpu.memory_space<vmem>>) target(%dma_start3A_416 : memref<100000x16xf32, #tpu.memory_space<vmem_shared>>) offsets(%dma_start3A_413 : memref<128xi32, #tpu.memory_space<vmem>>) semaphore(%arg12 : memref<!tpu.dma_semaphore, #tpu.memory_space<semaphore_mem>>) {add = true}
      %dma_wait3A_417 = arith.constant 7 : i32
      %dma_wait3A_418 = arith.constant 7 : i32
      %dma_wait3A_419 = arith.constant 0 : i32
      %dma_wait3A_420 = arith.constant 0 : i32
      %dma_wait3A_421 = tpu.memref_slice %arg7[%dma_wait3A_418, %dma_wait3A_419, %dma_wait3A_420] : memref<11x128x16xf32, #tpu.memory_space<vmem>> -> memref<1x128x16xf32, #tpu.memory_space<vmem>>
      %dma_wait3A_422 = tpu.memref_squeeze %dma_wait3A_421 : memref<1x128x16xf32, #tpu.memory_space<vmem>> -> memref<128x16xf32, #tpu.memory_space<vmem>>
      %dma_wait3A_423 = arith.constant 0 : i32
      %dma_wait3A_424 = tpu.memref_slice %arg8[%dma_wait3A_417, %dma_wait3A_423] : memref<11x128xi32, #tpu.memory_space<vmem>> -> memref<1x128xi32, #tpu.memory_space<vmem>>
      %dma_wait3A_425 = tpu.memref_squeeze %dma_wait3A_424 : memref<1x128xi32, #tpu.memory_space<vmem>> -> memref<128xi32, #tpu.memory_space<vmem>>
      %dma_wait3A_426 = arith.constant 0 : i32
      %dma_wait3A_427 = arith.constant 0 : i32
      %dma_wait3A_428 = tpu.memref_slice %arg2[%arg0, %dma_wait3A_426, %dma_wait3A_427] : memref<2x102400x16xf32, #tpu.memory_space<hbm>> -> memref<1x102400x16xf32, #tpu.memory_space<hbm>>
      %dma_wait3A_429 = tpu.memref_squeeze %dma_wait3A_428 : memref<1x102400x16xf32, #tpu.memory_space<hbm>> -> memref<102400x16xf32, #tpu.memory_space<hbm>>
      %dma_wait3A_430 = arith.constant 0 : i32
      %dma_wait3A_431 = arith.constant 0 : i32
      %dma_wait3A_432 = tpu.memref_slice %dma_wait3A_429[%dma_wait3A_430, %dma_wait3A_431] : memref<102400x16xf32, #tpu.memory_space<hbm>> -> memref<102400x16xf32, #tpu.memory_space<hbm>>
      tpu.wait_indirect_dma semaphore(%arg11 : memref<!tpu.dma_semaphore, #tpu.memory_space<semaphore_mem>>) src(%dma_wait3A_432 : memref<102400x16xf32, #tpu.memory_space<hbm>>) dst(%dma_wait3A_422 : memref<128x16xf32, #tpu.memory_space<vmem>>)
      %dma_start3A_433 = arith.constant 7 : i32
      %dma_start3A_434 = arith.constant 7 : i32
      %dma_start3A_435 = arith.constant 0 : i32
      %dma_start3A_436 = arith.constant 0 : i32
      %dma_start3A_437 = tpu.memref_slice %arg7[%dma_start3A_433, %dma_start3A_435, %dma_start3A_436] : memref<11x128x16xf32, #tpu.memory_space<vmem>> -> memref<1x128x16xf32, #tpu.memory_space<vmem>>
      %dma_start3A_438 = tpu.memref_squeeze %dma_start3A_437 : memref<1x128x16xf32, #tpu.memory_space<vmem>> -> memref<128x16xf32, #tpu.memory_space<vmem>>
      %dma_start3A_439 = arith.constant 0 : i32
      %dma_start3A_440 = tpu.memref_slice %arg9[%dma_start3A_434, %dma_start3A_439] : memref<11x128xi32, #tpu.memory_space<vmem>> -> memref<1x128xi32, #tpu.memory_space<vmem>>
      %dma_start3A_441 = tpu.memref_squeeze %dma_start3A_440 : memref<1x128xi32, #tpu.memory_space<vmem>> -> memref<128xi32, #tpu.memory_space<vmem>>
      %dma_start3A_442 = arith.constant 0 : i32
      %dma_start3A_443 = arith.constant 0 : i32
      %dma_start3A_444 = tpu.memref_slice %arg6[%dma_start3A_442, %dma_start3A_443] : memref<100000x16xf32, #tpu.memory_space<vmem_shared>> -> memref<100000x16xf32, #tpu.memory_space<vmem_shared>>
      tpu.enqueue_indirect_dma source(%dma_start3A_438 : memref<128x16xf32, #tpu.memory_space<vmem>>) target(%dma_start3A_444 : memref<100000x16xf32, #tpu.memory_space<vmem_shared>>) offsets(%dma_start3A_441 : memref<128xi32, #tpu.memory_space<vmem>>) semaphore(%arg12 : memref<!tpu.dma_semaphore, #tpu.memory_space<semaphore_mem>>) {add = true}
      %dma_wait3A_445 = arith.constant 8 : i32
      %dma_wait3A_446 = arith.constant 8 : i32
      %dma_wait3A_447 = arith.constant 0 : i32
      %dma_wait3A_448 = arith.constant 0 : i32
      %dma_wait3A_449 = tpu.memref_slice %arg7[%dma_wait3A_446, %dma_wait3A_447, %dma_wait3A_448] : memref<11x128x16xf32, #tpu.memory_space<vmem>> -> memref<1x128x16xf32, #tpu.memory_space<vmem>>
      %dma_wait3A_450 = tpu.memref_squeeze %dma_wait3A_449 : memref<1x128x16xf32, #tpu.memory_space<vmem>> -> memref<128x16xf32, #tpu.memory_space<vmem>>
      %dma_wait3A_451 = arith.constant 0 : i32
      %dma_wait3A_452 = tpu.memref_slice %arg8[%dma_wait3A_445, %dma_wait3A_451] : memref<11x128xi32, #tpu.memory_space<vmem>> -> memref<1x128xi32, #tpu.memory_space<vmem>>
      %dma_wait3A_453 = tpu.memref_squeeze %dma_wait3A_452 : memref<1x128xi32, #tpu.memory_space<vmem>> -> memref<128xi32, #tpu.memory_space<vmem>>
      %dma_wait3A_454 = arith.constant 0 : i32
      %dma_wait3A_455 = arith.constant 0 : i32
      %dma_wait3A_456 = tpu.memref_slice %arg2[%arg0, %dma_wait3A_454, %dma_wait3A_455] : memref<2x102400x16xf32, #tpu.memory_space<hbm>> -> memref<1x102400x16xf32, #tpu.memory_space<hbm>>
      %dma_wait3A_457 = tpu.memref_squeeze %dma_wait3A_456 : memref<1x102400x16xf32, #tpu.memory_space<hbm>> -> memref<102400x16xf32, #tpu.memory_space<hbm>>
      %dma_wait3A_458 = arith.constant 0 : i32
      %dma_wait3A_459 = arith.constant 0 : i32
      %dma_wait3A_460 = tpu.memref_slice %dma_wait3A_457[%dma_wait3A_458, %dma_wait3A_459] : memref<102400x16xf32, #tpu.memory_space<hbm>> -> memref<102400x16xf32, #tpu.memory_space<hbm>>
      tpu.wait_indirect_dma semaphore(%arg11 : memref<!tpu.dma_semaphore, #tpu.memory_space<semaphore_mem>>) src(%dma_wait3A_460 : memref<102400x16xf32, #tpu.memory_space<hbm>>) dst(%dma_wait3A_450 : memref<128x16xf32, #tpu.memory_space<vmem>>)
      %dma_start3A_461 = arith.constant 8 : i32
      %dma_start3A_462 = arith.constant 8 : i32
      %dma_start3A_463 = arith.constant 0 : i32
      %dma_start3A_464 = arith.constant 0 : i32
      %dma_start3A_465 = tpu.memref_slice %arg7[%dma_start3A_461, %dma_start3A_463, %dma_start3A_464] : memref<11x128x16xf32, #tpu.memory_space<vmem>> -> memref<1x128x16xf32, #tpu.memory_space<vmem>>
      %dma_start3A_466 = tpu.memref_squeeze %dma_start3A_465 : memref<1x128x16xf32, #tpu.memory_space<vmem>> -> memref<128x16xf32, #tpu.memory_space<vmem>>
      %dma_start3A_467 = arith.constant 0 : i32
      %dma_start3A_468 = tpu.memref_slice %arg9[%dma_start3A_462, %dma_start3A_467] : memref<11x128xi32, #tpu.memory_space<vmem>> -> memref<1x128xi32, #tpu.memory_space<vmem>>
      %dma_start3A_469 = tpu.memref_squeeze %dma_start3A_468 : memref<1x128xi32, #tpu.memory_space<vmem>> -> memref<128xi32, #tpu.memory_space<vmem>>
      %dma_start3A_470 = arith.constant 0 : i32
      %dma_start3A_471 = arith.constant 0 : i32
      %dma_start3A_472 = tpu.memref_slice %arg6[%dma_start3A_470, %dma_start3A_471] : memref<100000x16xf32, #tpu.memory_space<vmem_shared>> -> memref<100000x16xf32, #tpu.memory_space<vmem_shared>>
      tpu.enqueue_indirect_dma source(%dma_start3A_466 : memref<128x16xf32, #tpu.memory_space<vmem>>) target(%dma_start3A_472 : memref<100000x16xf32, #tpu.memory_space<vmem_shared>>) offsets(%dma_start3A_469 : memref<128xi32, #tpu.memory_space<vmem>>) semaphore(%arg12 : memref<!tpu.dma_semaphore, #tpu.memory_space<semaphore_mem>>) {add = true}
      %dma_wait3A_473 = arith.constant 9 : i32
      %dma_wait3A_474 = arith.constant 9 : i32
      %dma_wait3A_475 = arith.constant 0 : i32
      %dma_wait3A_476 = arith.constant 0 : i32
      %dma_wait3A_477 = tpu.memref_slice %arg7[%dma_wait3A_474, %dma_wait3A_475, %dma_wait3A_476] : memref<11x128x16xf32, #tpu.memory_space<vmem>> -> memref<1x128x16xf32, #tpu.memory_space<vmem>>
      %dma_wait3A_478 = tpu.memref_squeeze %dma_wait3A_477 : memref<1x128x16xf32, #tpu.memory_space<vmem>> -> memref<128x16xf32, #tpu.memory_space<vmem>>
      %dma_wait3A_479 = arith.constant 0 : i32
      %dma_wait3A_480 = tpu.memref_slice %arg8[%dma_wait3A_473, %dma_wait3A_479] : memref<11x128xi32, #tpu.memory_space<vmem>> -> memref<1x128xi32, #tpu.memory_space<vmem>>
      %dma_wait3A_481 = tpu.memref_squeeze %dma_wait3A_480 : memref<1x128xi32, #tpu.memory_space<vmem>> -> memref<128xi32, #tpu.memory_space<vmem>>
      %dma_wait3A_482 = arith.constant 0 : i32
      %dma_wait3A_483 = arith.constant 0 : i32
      %dma_wait3A_484 = tpu.memref_slice %arg2[%arg0, %dma_wait3A_482, %dma_wait3A_483] : memref<2x102400x16xf32, #tpu.memory_space<hbm>> -> memref<1x102400x16xf32, #tpu.memory_space<hbm>>
      %dma_wait3A_485 = tpu.memref_squeeze %dma_wait3A_484 : memref<1x102400x16xf32, #tpu.memory_space<hbm>> -> memref<102400x16xf32, #tpu.memory_space<hbm>>
      %dma_wait3A_486 = arith.constant 0 : i32
      %dma_wait3A_487 = arith.constant 0 : i32
      %dma_wait3A_488 = tpu.memref_slice %dma_wait3A_485[%dma_wait3A_486, %dma_wait3A_487] : memref<102400x16xf32, #tpu.memory_space<hbm>> -> memref<102400x16xf32, #tpu.memory_space<hbm>>
      tpu.wait_indirect_dma semaphore(%arg11 : memref<!tpu.dma_semaphore, #tpu.memory_space<semaphore_mem>>) src(%dma_wait3A_488 : memref<102400x16xf32, #tpu.memory_space<hbm>>) dst(%dma_wait3A_478 : memref<128x16xf32, #tpu.memory_space<vmem>>)
      %dma_start3A_489 = arith.constant 9 : i32
      %dma_start3A_490 = arith.constant 9 : i32
      %dma_start3A_491 = arith.constant 0 : i32
      %dma_start3A_492 = arith.constant 0 : i32
      %dma_start3A_493 = tpu.memref_slice %arg7[%dma_start3A_489, %dma_start3A_491, %dma_start3A_492] : memref<11x128x16xf32, #tpu.memory_space<vmem>> -> memref<1x128x16xf32, #tpu.memory_space<vmem>>
      %dma_start3A_494 = tpu.memref_squeeze %dma_start3A_493 : memref<1x128x16xf32, #tpu.memory_space<vmem>> -> memref<128x16xf32, #tpu.memory_space<vmem>>
      %dma_start3A_495 = arith.constant 0 : i32
      %dma_start3A_496 = tpu.memref_slice %arg9[%dma_start3A_490, %dma_start3A_495] : memref<11x128xi32, #tpu.memory_space<vmem>> -> memref<1x128xi32, #tpu.memory_space<vmem>>
      %dma_start3A_497 = tpu.memref_squeeze %dma_start3A_496 : memref<1x128xi32, #tpu.memory_space<vmem>> -> memref<128xi32, #tpu.memory_space<vmem>>
      %dma_start3A_498 = arith.constant 0 : i32
      %dma_start3A_499 = arith.constant 0 : i32
      %dma_start3A_500 = tpu.memref_slice %arg6[%dma_start3A_498, %dma_start3A_499] : memref<100000x16xf32, #tpu.memory_space<vmem_shared>> -> memref<100000x16xf32, #tpu.memory_space<vmem_shared>>
      tpu.enqueue_indirect_dma source(%dma_start3A_494 : memref<128x16xf32, #tpu.memory_space<vmem>>) target(%dma_start3A_500 : memref<100000x16xf32, #tpu.memory_space<vmem_shared>>) offsets(%dma_start3A_497 : memref<128xi32, #tpu.memory_space<vmem>>) semaphore(%arg12 : memref<!tpu.dma_semaphore, #tpu.memory_space<semaphore_mem>>) {add = true}
      %dma_wait3A_501 = arith.constant 10 : i32
      %dma_wait3A_502 = arith.constant 10 : i32
      %dma_wait3A_503 = arith.constant 0 : i32
      %dma_wait3A_504 = arith.constant 0 : i32
      %dma_wait3A_505 = tpu.memref_slice %arg7[%dma_wait3A_502, %dma_wait3A_503, %dma_wait3A_504] : memref<11x128x16xf32, #tpu.memory_space<vmem>> -> memref<1x128x16xf32, #tpu.memory_space<vmem>>
      %dma_wait3A_506 = tpu.memref_squeeze %dma_wait3A_505 : memref<1x128x16xf32, #tpu.memory_space<vmem>> -> memref<128x16xf32, #tpu.memory_space<vmem>>
      %dma_wait3A_507 = arith.constant 0 : i32
      %dma_wait3A_508 = tpu.memref_slice %arg8[%dma_wait3A_501, %dma_wait3A_507] : memref<11x128xi32, #tpu.memory_space<vmem>> -> memref<1x128xi32, #tpu.memory_space<vmem>>
      %dma_wait3A_509 = tpu.memref_squeeze %dma_wait3A_508 : memref<1x128xi32, #tpu.memory_space<vmem>> -> memref<128xi32, #tpu.memory_space<vmem>>
      %dma_wait3A_510 = arith.constant 0 : i32
      %dma_wait3A_511 = arith.constant 0 : i32
      %dma_wait3A_512 = tpu.memref_slice %arg2[%arg0, %dma_wait3A_510, %dma_wait3A_511] : memref<2x102400x16xf32, #tpu.memory_space<hbm>> -> memref<1x102400x16xf32, #tpu.memory_space<hbm>>
      %dma_wait3A_513 = tpu.memref_squeeze %dma_wait3A_512 : memref<1x102400x16xf32, #tpu.memory_space<hbm>> -> memref<102400x16xf32, #tpu.memory_space<hbm>>
      %dma_wait3A_514 = arith.constant 0 : i32
      %dma_wait3A_515 = arith.constant 0 : i32
      %dma_wait3A_516 = tpu.memref_slice %dma_wait3A_513[%dma_wait3A_514, %dma_wait3A_515] : memref<102400x16xf32, #tpu.memory_space<hbm>> -> memref<102400x16xf32, #tpu.memory_space<hbm>>
      tpu.wait_indirect_dma semaphore(%arg11 : memref<!tpu.dma_semaphore, #tpu.memory_space<semaphore_mem>>) src(%dma_wait3A_516 : memref<102400x16xf32, #tpu.memory_space<hbm>>) dst(%dma_wait3A_506 : memref<128x16xf32, #tpu.memory_space<vmem>>)
      %dma_start3A_517 = arith.constant 10 : i32
      %dma_start3A_518 = arith.constant 10 : i32
      %dma_start3A_519 = arith.constant 0 : i32
      %dma_start3A_520 = arith.constant 0 : i32
      %dma_start3A_521 = tpu.memref_slice %arg7[%dma_start3A_517, %dma_start3A_519, %dma_start3A_520] : memref<11x128x16xf32, #tpu.memory_space<vmem>> -> memref<1x128x16xf32, #tpu.memory_space<vmem>>
      %dma_start3A_522 = tpu.memref_squeeze %dma_start3A_521 : memref<1x128x16xf32, #tpu.memory_space<vmem>> -> memref<128x16xf32, #tpu.memory_space<vmem>>
      %dma_start3A_523 = arith.constant 0 : i32
      %dma_start3A_524 = tpu.memref_slice %arg9[%dma_start3A_518, %dma_start3A_523] : memref<11x128xi32, #tpu.memory_space<vmem>> -> memref<1x128xi32, #tpu.memory_space<vmem>>
      %dma_start3A_525 = tpu.memref_squeeze %dma_start3A_524 : memref<1x128xi32, #tpu.memory_space<vmem>> -> memref<128xi32, #tpu.memory_space<vmem>>
      %dma_start3A_526 = arith.constant 0 : i32
      %dma_start3A_527 = arith.constant 0 : i32
      %dma_start3A_528 = tpu.memref_slice %arg6[%dma_start3A_526, %dma_start3A_527] : memref<100000x16xf32, #tpu.memory_space<vmem_shared>> -> memref<100000x16xf32, #tpu.memory_space<vmem_shared>>
      tpu.enqueue_indirect_dma source(%dma_start3A_522 : memref<128x16xf32, #tpu.memory_space<vmem>>) target(%dma_start3A_528 : memref<100000x16xf32, #tpu.memory_space<vmem_shared>>) offsets(%dma_start3A_525 : memref<128xi32, #tpu.memory_space<vmem>>) semaphore(%arg12 : memref<!tpu.dma_semaphore, #tpu.memory_space<semaphore_mem>>) {add = true}
      %dma_wait3A_529 = arith.constant 0 : i32
      %dma_wait3A_530 = arith.constant 0 : i32
      %dma_wait3A_531 = arith.constant 0 : i32
      %dma_wait3A_532 = arith.constant 0 : i32
      %dma_wait3A_533 = tpu.memref_slice %arg7[%dma_wait3A_529, %dma_wait3A_531, %dma_wait3A_532] : memref<11x128x16xf32, #tpu.memory_space<vmem>> -> memref<1x128x16xf32, #tpu.memory_space<vmem>>
      %dma_wait3A_534 = tpu.memref_squeeze %dma_wait3A_533 : memref<1x128x16xf32, #tpu.memory_space<vmem>> -> memref<128x16xf32, #tpu.memory_space<vmem>>
      %dma_wait3A_535 = arith.constant 0 : i32
      %dma_wait3A_536 = tpu.memref_slice %arg9[%dma_wait3A_530, %dma_wait3A_535] : memref<11x128xi32, #tpu.memory_space<vmem>> -> memref<1x128xi32, #tpu.memory_space<vmem>>
      %dma_wait3A_537 = tpu.memref_squeeze %dma_wait3A_536 : memref<1x128xi32, #tpu.memory_space<vmem>> -> memref<128xi32, #tpu.memory_space<vmem>>
      %dma_wait3A_538 = arith.constant 0 : i32
      %dma_wait3A_539 = arith.constant 0 : i32
      %dma_wait3A_540 = tpu.memref_slice %arg6[%dma_wait3A_538, %dma_wait3A_539] : memref<100000x16xf32, #tpu.memory_space<vmem_shared>> -> memref<100000x16xf32, #tpu.memory_space<vmem_shared>>
      tpu.wait_indirect_dma semaphore(%arg12 : memref<!tpu.dma_semaphore, #tpu.memory_space<semaphore_mem>>) src(%dma_wait3A_534 : memref<128x16xf32, #tpu.memory_space<vmem>>) dst(%dma_wait3A_540 : memref<100000x16xf32, #tpu.memory_space<vmem_shared>>)
      %dma_wait3A_541 = arith.constant 1 : i32
      %dma_wait3A_542 = arith.constant 1 : i32
      %dma_wait3A_543 = arith.constant 0 : i32
      %dma_wait3A_544 = arith.constant 0 : i32
      %dma_wait3A_545 = tpu.memref_slice %arg7[%dma_wait3A_541, %dma_wait3A_543, %dma_wait3A_544] : memref<11x128x16xf32, #tpu.memory_space<vmem>> -> memref<1x128x16xf32, #tpu.memory_space<vmem>>
      %dma_wait3A_546 = tpu.memref_squeeze %dma_wait3A_545 : memref<1x128x16xf32, #tpu.memory_space<vmem>> -> memref<128x16xf32, #tpu.memory_space<vmem>>
      %dma_wait3A_547 = arith.constant 0 : i32
      %dma_wait3A_548 = tpu.memref_slice %arg9[%dma_wait3A_542, %dma_wait3A_547] : memref<11x128xi32, #tpu.memory_space<vmem>> -> memref<1x128xi32, #tpu.memory_space<vmem>>
      %dma_wait3A_549 = tpu.memref_squeeze %dma_wait3A_548 : memref<1x128xi32, #tpu.memory_space<vmem>> -> memref<128xi32, #tpu.memory_space<vmem>>
      %dma_wait3A_550 = arith.constant 0 : i32
      %dma_wait3A_551 = arith.constant 0 : i32
      %dma_wait3A_552 = tpu.memref_slice %arg6[%dma_wait3A_550, %dma_wait3A_551] : memref<100000x16xf32, #tpu.memory_space<vmem_shared>> -> memref<100000x16xf32, #tpu.memory_space<vmem_shared>>
      tpu.wait_indirect_dma semaphore(%arg12 : memref<!tpu.dma_semaphore, #tpu.memory_space<semaphore_mem>>) src(%dma_wait3A_546 : memref<128x16xf32, #tpu.memory_space<vmem>>) dst(%dma_wait3A_552 : memref<100000x16xf32, #tpu.memory_space<vmem_shared>>)
      %dma_wait3A_553 = arith.constant 2 : i32
      %dma_wait3A_554 = arith.constant 2 : i32
      %dma_wait3A_555 = arith.constant 0 : i32
      %dma_wait3A_556 = arith.constant 0 : i32
      %dma_wait3A_557 = tpu.memref_slice %arg7[%dma_wait3A_553, %dma_wait3A_555, %dma_wait3A_556] : memref<11x128x16xf32, #tpu.memory_space<vmem>> -> memref<1x128x16xf32, #tpu.memory_space<vmem>>
      %dma_wait3A_558 = tpu.memref_squeeze %dma_wait3A_557 : memref<1x128x16xf32, #tpu.memory_space<vmem>> -> memref<128x16xf32, #tpu.memory_space<vmem>>
      %dma_wait3A_559 = arith.constant 0 : i32
      %dma_wait3A_560 = tpu.memref_slice %arg9[%dma_wait3A_554, %dma_wait3A_559] : memref<11x128xi32, #tpu.memory_space<vmem>> -> memref<1x128xi32, #tpu.memory_space<vmem>>
      %dma_wait3A_561 = tpu.memref_squeeze %dma_wait3A_560 : memref<1x128xi32, #tpu.memory_space<vmem>> -> memref<128xi32, #tpu.memory_space<vmem>>
      %dma_wait3A_562 = arith.constant 0 : i32
      %dma_wait3A_563 = arith.constant 0 : i32
      %dma_wait3A_564 = tpu.memref_slice %arg6[%dma_wait3A_562, %dma_wait3A_563] : memref<100000x16xf32, #tpu.memory_space<vmem_shared>> -> memref<100000x16xf32, #tpu.memory_space<vmem_shared>>
      tpu.wait_indirect_dma semaphore(%arg12 : memref<!tpu.dma_semaphore, #tpu.memory_space<semaphore_mem>>) src(%dma_wait3A_558 : memref<128x16xf32, #tpu.memory_space<vmem>>) dst(%dma_wait3A_564 : memref<100000x16xf32, #tpu.memory_space<vmem_shared>>)
      %dma_wait3A_565 = arith.constant 3 : i32
      %dma_wait3A_566 = arith.constant 3 : i32
      %dma_wait3A_567 = arith.constant 0 : i32
      %dma_wait3A_568 = arith.constant 0 : i32
      %dma_wait3A_569 = tpu.memref_slice %arg7[%dma_wait3A_565, %dma_wait3A_567, %dma_wait3A_568] : memref<11x128x16xf32, #tpu.memory_space<vmem>> -> memref<1x128x16xf32, #tpu.memory_space<vmem>>
      %dma_wait3A_570 = tpu.memref_squeeze %dma_wait3A_569 : memref<1x128x16xf32, #tpu.memory_space<vmem>> -> memref<128x16xf32, #tpu.memory_space<vmem>>
      %dma_wait3A_571 = arith.constant 0 : i32
      %dma_wait3A_572 = tpu.memref_slice %arg9[%dma_wait3A_566, %dma_wait3A_571] : memref<11x128xi32, #tpu.memory_space<vmem>> -> memref<1x128xi32, #tpu.memory_space<vmem>>
      %dma_wait3A_573 = tpu.memref_squeeze %dma_wait3A_572 : memref<1x128xi32, #tpu.memory_space<vmem>> -> memref<128xi32, #tpu.memory_space<vmem>>
      %dma_wait3A_574 = arith.constant 0 : i32
      %dma_wait3A_575 = arith.constant 0 : i32
      %dma_wait3A_576 = tpu.memref_slice %arg6[%dma_wait3A_574, %dma_wait3A_575] : memref<100000x16xf32, #tpu.memory_space<vmem_shared>> -> memref<100000x16xf32, #tpu.memory_space<vmem_shared>>
      tpu.wait_indirect_dma semaphore(%arg12 : memref<!tpu.dma_semaphore, #tpu.memory_space<semaphore_mem>>) src(%dma_wait3A_570 : memref<128x16xf32, #tpu.memory_space<vmem>>) dst(%dma_wait3A_576 : memref<100000x16xf32, #tpu.memory_space<vmem_shared>>)
      %dma_wait3A_577 = arith.constant 4 : i32
      %dma_wait3A_578 = arith.constant 4 : i32
      %dma_wait3A_579 = arith.constant 0 : i32
      %dma_wait3A_580 = arith.constant 0 : i32
      %dma_wait3A_581 = tpu.memref_slice %arg7[%dma_wait3A_577, %dma_wait3A_579, %dma_wait3A_580] : memref<11x128x16xf32, #tpu.memory_space<vmem>> -> memref<1x128x16xf32, #tpu.memory_space<vmem>>
      %dma_wait3A_582 = tpu.memref_squeeze %dma_wait3A_581 : memref<1x128x16xf32, #tpu.memory_space<vmem>> -> memref<128x16xf32, #tpu.memory_space<vmem>>
      %dma_wait3A_583 = arith.constant 0 : i32
      %dma_wait3A_584 = tpu.memref_slice %arg9[%dma_wait3A_578, %dma_wait3A_583] : memref<11x128xi32, #tpu.memory_space<vmem>> -> memref<1x128xi32, #tpu.memory_space<vmem>>
      %dma_wait3A_585 = tpu.memref_squeeze %dma_wait3A_584 : memref<1x128xi32, #tpu.memory_space<vmem>> -> memref<128xi32, #tpu.memory_space<vmem>>
      %dma_wait3A_586 = arith.constant 0 : i32
      %dma_wait3A_587 = arith.constant 0 : i32
      %dma_wait3A_588 = tpu.memref_slice %arg6[%dma_wait3A_586, %dma_wait3A_587] : memref<100000x16xf32, #tpu.memory_space<vmem_shared>> -> memref<100000x16xf32, #tpu.memory_space<vmem_shared>>
      tpu.wait_indirect_dma semaphore(%arg12 : memref<!tpu.dma_semaphore, #tpu.memory_space<semaphore_mem>>) src(%dma_wait3A_582 : memref<128x16xf32, #tpu.memory_space<vmem>>) dst(%dma_wait3A_588 : memref<100000x16xf32, #tpu.memory_space<vmem_shared>>)
      %dma_wait3A_589 = arith.constant 5 : i32
      %dma_wait3A_590 = arith.constant 5 : i32
      %dma_wait3A_591 = arith.constant 0 : i32
      %dma_wait3A_592 = arith.constant 0 : i32
      %dma_wait3A_593 = tpu.memref_slice %arg7[%dma_wait3A_589, %dma_wait3A_591, %dma_wait3A_592] : memref<11x128x16xf32, #tpu.memory_space<vmem>> -> memref<1x128x16xf32, #tpu.memory_space<vmem>>
      %dma_wait3A_594 = tpu.memref_squeeze %dma_wait3A_593 : memref<1x128x16xf32, #tpu.memory_space<vmem>> -> memref<128x16xf32, #tpu.memory_space<vmem>>
      %dma_wait3A_595 = arith.constant 0 : i32
      %dma_wait3A_596 = tpu.memref_slice %arg9[%dma_wait3A_590, %dma_wait3A_595] : memref<11x128xi32, #tpu.memory_space<vmem>> -> memref<1x128xi32, #tpu.memory_space<vmem>>
      %dma_wait3A_597 = tpu.memref_squeeze %dma_wait3A_596 : memref<1x128xi32, #tpu.memory_space<vmem>> -> memref<128xi32, #tpu.memory_space<vmem>>
      %dma_wait3A_598 = arith.constant 0 : i32
      %dma_wait3A_599 = arith.constant 0 : i32
      %dma_wait3A_600 = tpu.memref_slice %arg6[%dma_wait3A_598, %dma_wait3A_599] : memref<100000x16xf32, #tpu.memory_space<vmem_shared>> -> memref<100000x16xf32, #tpu.memory_space<vmem_shared>>
      tpu.wait_indirect_dma semaphore(%arg12 : memref<!tpu.dma_semaphore, #tpu.memory_space<semaphore_mem>>) src(%dma_wait3A_594 : memref<128x16xf32, #tpu.memory_space<vmem>>) dst(%dma_wait3A_600 : memref<100000x16xf32, #tpu.memory_space<vmem_shared>>)
      %dma_wait3A_601 = arith.constant 6 : i32
      %dma_wait3A_602 = arith.constant 6 : i32
      %dma_wait3A_603 = arith.constant 0 : i32
      %dma_wait3A_604 = arith.constant 0 : i32
      %dma_wait3A_605 = tpu.memref_slice %arg7[%dma_wait3A_601, %dma_wait3A_603, %dma_wait3A_604] : memref<11x128x16xf32, #tpu.memory_space<vmem>> -> memref<1x128x16xf32, #tpu.memory_space<vmem>>
      %dma_wait3A_606 = tpu.memref_squeeze %dma_wait3A_605 : memref<1x128x16xf32, #tpu.memory_space<vmem>> -> memref<128x16xf32, #tpu.memory_space<vmem>>
      %dma_wait3A_607 = arith.constant 0 : i32
      %dma_wait3A_608 = tpu.memref_slice %arg9[%dma_wait3A_602, %dma_wait3A_607] : memref<11x128xi32, #tpu.memory_space<vmem>> -> memref<1x128xi32, #tpu.memory_space<vmem>>
      %dma_wait3A_609 = tpu.memref_squeeze %dma_wait3A_608 : memref<1x128xi32, #tpu.memory_space<vmem>> -> memref<128xi32, #tpu.memory_space<vmem>>
      %dma_wait3A_610 = arith.constant 0 : i32
      %dma_wait3A_611 = arith.constant 0 : i32
      %dma_wait3A_612 = tpu.memref_slice %arg6[%dma_wait3A_610, %dma_wait3A_611] : memref<100000x16xf32, #tpu.memory_space<vmem_shared>> -> memref<100000x16xf32, #tpu.memory_space<vmem_shared>>
      tpu.wait_indirect_dma semaphore(%arg12 : memref<!tpu.dma_semaphore, #tpu.memory_space<semaphore_mem>>) src(%dma_wait3A_606 : memref<128x16xf32, #tpu.memory_space<vmem>>) dst(%dma_wait3A_612 : memref<100000x16xf32, #tpu.memory_space<vmem_shared>>)
      %dma_wait3A_613 = arith.constant 7 : i32
      %dma_wait3A_614 = arith.constant 7 : i32
      %dma_wait3A_615 = arith.constant 0 : i32
      %dma_wait3A_616 = arith.constant 0 : i32
      %dma_wait3A_617 = tpu.memref_slice %arg7[%dma_wait3A_613, %dma_wait3A_615, %dma_wait3A_616] : memref<11x128x16xf32, #tpu.memory_space<vmem>> -> memref<1x128x16xf32, #tpu.memory_space<vmem>>
      %dma_wait3A_618 = tpu.memref_squeeze %dma_wait3A_617 : memref<1x128x16xf32, #tpu.memory_space<vmem>> -> memref<128x16xf32, #tpu.memory_space<vmem>>
      %dma_wait3A_619 = arith.constant 0 : i32
      %dma_wait3A_620 = tpu.memref_slice %arg9[%dma_wait3A_614, %dma_wait3A_619] : memref<11x128xi32, #tpu.memory_space<vmem>> -> memref<1x128xi32, #tpu.memory_space<vmem>>
      %dma_wait3A_621 = tpu.memref_squeeze %dma_wait3A_620 : memref<1x128xi32, #tpu.memory_space<vmem>> -> memref<128xi32, #tpu.memory_space<vmem>>
      %dma_wait3A_622 = arith.constant 0 : i32
      %dma_wait3A_623 = arith.constant 0 : i32
      %dma_wait3A_624 = tpu.memref_slice %arg6[%dma_wait3A_622, %dma_wait3A_623] : memref<100000x16xf32, #tpu.memory_space<vmem_shared>> -> memref<100000x16xf32, #tpu.memory_space<vmem_shared>>
      tpu.wait_indirect_dma semaphore(%arg12 : memref<!tpu.dma_semaphore, #tpu.memory_space<semaphore_mem>>) src(%dma_wait3A_618 : memref<128x16xf32, #tpu.memory_space<vmem>>) dst(%dma_wait3A_624 : memref<100000x16xf32, #tpu.memory_space<vmem_shared>>)
      %dma_wait3A_625 = arith.constant 8 : i32
      %dma_wait3A_626 = arith.constant 8 : i32
      %dma_wait3A_627 = arith.constant 0 : i32
      %dma_wait3A_628 = arith.constant 0 : i32
      %dma_wait3A_629 = tpu.memref_slice %arg7[%dma_wait3A_625, %dma_wait3A_627, %dma_wait3A_628] : memref<11x128x16xf32, #tpu.memory_space<vmem>> -> memref<1x128x16xf32, #tpu.memory_space<vmem>>
      %dma_wait3A_630 = tpu.memref_squeeze %dma_wait3A_629 : memref<1x128x16xf32, #tpu.memory_space<vmem>> -> memref<128x16xf32, #tpu.memory_space<vmem>>
      %dma_wait3A_631 = arith.constant 0 : i32
      %dma_wait3A_632 = tpu.memref_slice %arg9[%dma_wait3A_626, %dma_wait3A_631] : memref<11x128xi32, #tpu.memory_space<vmem>> -> memref<1x128xi32, #tpu.memory_space<vmem>>
      %dma_wait3A_633 = tpu.memref_squeeze %dma_wait3A_632 : memref<1x128xi32, #tpu.memory_space<vmem>> -> memref<128xi32, #tpu.memory_space<vmem>>
      %dma_wait3A_634 = arith.constant 0 : i32
      %dma_wait3A_635 = arith.constant 0 : i32
      %dma_wait3A_636 = tpu.memref_slice %arg6[%dma_wait3A_634, %dma_wait3A_635] : memref<100000x16xf32, #tpu.memory_space<vmem_shared>> -> memref<100000x16xf32, #tpu.memory_space<vmem_shared>>
      tpu.wait_indirect_dma semaphore(%arg12 : memref<!tpu.dma_semaphore, #tpu.memory_space<semaphore_mem>>) src(%dma_wait3A_630 : memref<128x16xf32, #tpu.memory_space<vmem>>) dst(%dma_wait3A_636 : memref<100000x16xf32, #tpu.memory_space<vmem_shared>>)
      %dma_wait3A_637 = arith.constant 9 : i32
      %dma_wait3A_638 = arith.constant 9 : i32
      %dma_wait3A_639 = arith.constant 0 : i32
      %dma_wait3A_640 = arith.constant 0 : i32
      %dma_wait3A_641 = tpu.memref_slice %arg7[%dma_wait3A_637, %dma_wait3A_639, %dma_wait3A_640] : memref<11x128x16xf32, #tpu.memory_space<vmem>> -> memref<1x128x16xf32, #tpu.memory_space<vmem>>
      %dma_wait3A_642 = tpu.memref_squeeze %dma_wait3A_641 : memref<1x128x16xf32, #tpu.memory_space<vmem>> -> memref<128x16xf32, #tpu.memory_space<vmem>>
      %dma_wait3A_643 = arith.constant 0 : i32
      %dma_wait3A_644 = tpu.memref_slice %arg9[%dma_wait3A_638, %dma_wait3A_643] : memref<11x128xi32, #tpu.memory_space<vmem>> -> memref<1x128xi32, #tpu.memory_space<vmem>>
      %dma_wait3A_645 = tpu.memref_squeeze %dma_wait3A_644 : memref<1x128xi32, #tpu.memory_space<vmem>> -> memref<128xi32, #tpu.memory_space<vmem>>
      %dma_wait3A_646 = arith.constant 0 : i32
      %dma_wait3A_647 = arith.constant 0 : i32
      %dma_wait3A_648 = tpu.memref_slice %arg6[%dma_wait3A_646, %dma_wait3A_647] : memref<100000x16xf32, #tpu.memory_space<vmem_shared>> -> memref<100000x16xf32, #tpu.memory_space<vmem_shared>>
      tpu.wait_indirect_dma semaphore(%arg12 : memref<!tpu.dma_semaphore, #tpu.memory_space<semaphore_mem>>) src(%dma_wait3A_642 : memref<128x16xf32, #tpu.memory_space<vmem>>) dst(%dma_wait3A_648 : memref<100000x16xf32, #tpu.memory_space<vmem_shared>>)
      %dma_wait3A_649 = arith.constant 10 : i32
      %dma_wait3A_650 = arith.constant 10 : i32
      %dma_wait3A_651 = arith.constant 0 : i32
      %dma_wait3A_652 = arith.constant 0 : i32
      %dma_wait3A_653 = tpu.memref_slice %arg7[%dma_wait3A_649, %dma_wait3A_651, %dma_wait3A_652] : memref<11x128x16xf32, #tpu.memory_space<vmem>> -> memref<1x128x16xf32, #tpu.memory_space<vmem>>
      %dma_wait3A_654 = tpu.memref_squeeze %dma_wait3A_653 : memref<1x128x16xf32, #tpu.memory_space<vmem>> -> memref<128x16xf32, #tpu.memory_space<vmem>>
      %dma_wait3A_655 = arith.constant 0 : i32
      %dma_wait3A_656 = tpu.memref_slice %arg9[%dma_wait3A_650, %dma_wait3A_655] : memref<11x128xi32, #tpu.memory_space<vmem>> -> memref<1x128xi32, #tpu.memory_space<vmem>>
      %dma_wait3A_657 = tpu.memref_squeeze %dma_wait3A_656 : memref<1x128xi32, #tpu.memory_space<vmem>> -> memref<128xi32, #tpu.memory_space<vmem>>
      %dma_wait3A_658 = arith.constant 0 : i32
      %dma_wait3A_659 = arith.constant 0 : i32
      %dma_wait3A_660 = tpu.memref_slice %arg6[%dma_wait3A_658, %dma_wait3A_659] : memref<100000x16xf32, #tpu.memory_space<vmem_shared>> -> memref<100000x16xf32, #tpu.memory_space<vmem_shared>>
      tpu.wait_indirect_dma semaphore(%arg12 : memref<!tpu.dma_semaphore, #tpu.memory_space<semaphore_mem>>) src(%dma_wait3A_654 : memref<128x16xf32, #tpu.memory_space<vmem>>) dst(%dma_wait3A_660 : memref<100000x16xf32, #tpu.memory_space<vmem_shared>>)
    }
    %scan3A_6 = arith.constant 71 : i32
    %lt3A = arith.constant 4 : i32
    %lt3A_7 = arith.cmpi slt, %arg1, %lt3A : i32
    %convert_element_type3A = arith.extui %lt3A_7 : i1 to i32
    %cond3A = arith.constant 0 : i32
    %cond3A_8 = arith.cmpi ne, %convert_element_type3A, %cond3A : i32
    scf.if %cond3A_8 {
      %add3A = arith.constant 12496 : i32
      %add3A_12 = arith.addi %add3A, %arg1 : i32
      %dma_start3A = arith.constant 0 : i32
      %dma_start3A_13 = arith.constant 0 : i32
      %dma_start3A_14 = arith.constant 0 : i32
      %dma_start3A_15 = tpu.memref_slice %arg8[%dma_start3A_13, %dma_start3A_14] : memref<11x128xi32, #tpu.memory_space<vmem>> -> memref<1x128xi32, #tpu.memory_space<vmem>>
      %dma_start3A_16 = arith.constant 0 : i32
      %dma_start3A_17 = tpu.memref_slice %arg3[%dma_start3A, %add3A_12, %dma_start3A_16] : memref<2x12500x128xi32, #tpu.memory_space<hbm>> -> memref<1x1x128xi32, #tpu.memory_space<hbm>>
      %dma_start3A_18 = tpu.memref_squeeze %dma_start3A_17 : memref<1x1x128xi32, #tpu.memory_space<hbm>> -> memref<1x128xi32, #tpu.memory_space<hbm>>
      %dma_start3A_19 = arith.constant 0 : i32
      %dma_start3A_20 = arith.constant 0 : i32
      %dma_start3A_21 = tpu.memref_slice %arg8[%dma_start3A_19, %dma_start3A_20] : memref<11x128xi32, #tpu.memory_space<vmem>> -> memref<1x128xi32, #tpu.memory_space<vmem>>
      %dma_start3A_22 = arith.constant 0 : i32
      %dma_start3A_23 = tpu.memref_slice %arg3[%dma_start3A, %add3A_12, %dma_start3A_22] : memref<2x12500x128xi32, #tpu.memory_space<hbm>> -> memref<1x1x128xi32, #tpu.memory_space<hbm>>
      %dma_start3A_24 = tpu.memref_squeeze %dma_start3A_23 : memref<1x1x128xi32, #tpu.memory_space<hbm>> -> memref<1x128xi32, #tpu.memory_space<hbm>>
      tpu.enqueue_dma source(%dma_start3A_24 : memref<1x128xi32, #tpu.memory_space<hbm>>) target(%dma_start3A_21 : memref<1x128xi32, #tpu.memory_space<vmem>>) target_semaphore(%arg10 : memref<!tpu.dma_semaphore, #tpu.memory_space<semaphore_mem>>)
      %dma_start3A_25 = arith.constant 1 : i32
      %dma_start3A_26 = arith.constant 0 : i32
      %dma_start3A_27 = arith.constant 0 : i32
      %dma_start3A_28 = tpu.memref_slice %arg9[%dma_start3A_26, %dma_start3A_27] : memref<11x128xi32, #tpu.memory_space<vmem>> -> memref<1x128xi32, #tpu.memory_space<vmem>>
      %dma_start3A_29 = arith.constant 0 : i32
      %dma_start3A_30 = tpu.memref_slice %arg3[%dma_start3A_25, %add3A_12, %dma_start3A_29] : memref<2x12500x128xi32, #tpu.memory_space<hbm>> -> memref<1x1x128xi32, #tpu.memory_space<hbm>>
      %dma_start3A_31 = tpu.memref_squeeze %dma_start3A_30 : memref<1x1x128xi32, #tpu.memory_space<hbm>> -> memref<1x128xi32, #tpu.memory_space<hbm>>
      %dma_start3A_32 = arith.constant 0 : i32
      %dma_start3A_33 = arith.constant 0 : i32
      %dma_start3A_34 = tpu.memref_slice %arg9[%dma_start3A_32, %dma_start3A_33] : memref<11x128xi32, #tpu.memory_space<vmem>> -> memref<1x128xi32, #tpu.memory_space<vmem>>
      %dma_start3A_35 = arith.constant 0 : i32
      %dma_start3A_36 = tpu.memref_slice %arg3[%dma_start3A_25, %add3A_12, %dma_start3A_35] : memref<2x12500x128xi32, #tpu.memory_space<hbm>> -> memref<1x1x128xi32, #tpu.memory_space<hbm>>
      %dma_start3A_37 = tpu.memref_squeeze %dma_start3A_36 : memref<1x1x128xi32, #tpu.memory_space<hbm>> -> memref<1x128xi32, #tpu.memory_space<hbm>>
      tpu.enqueue_dma source(%dma_start3A_37 : memref<1x128xi32, #tpu.memory_space<hbm>>) target(%dma_start3A_34 : memref<1x128xi32, #tpu.memory_space<vmem>>) target_semaphore(%arg10 : memref<!tpu.dma_semaphore, #tpu.memory_space<semaphore_mem>>)
      %dma_wait3A = arith.constant 0 : i32
      %dma_wait3A_38 = arith.constant 0 : i32
      %dma_wait3A_39 = arith.constant 0 : i32
      %dma_wait3A_40 = tpu.memref_slice %arg8[%dma_wait3A_38, %dma_wait3A_39] : memref<11x128xi32, #tpu.memory_space<vmem>> -> memref<1x128xi32, #tpu.memory_space<vmem>>
      %dma_wait3A_41 = arith.constant 0 : i32
      %dma_wait3A_42 = tpu.memref_slice %arg3[%dma_wait3A, %add3A_12, %dma_wait3A_41] : memref<2x12500x128xi32, #tpu.memory_space<hbm>> -> memref<1x1x128xi32, #tpu.memory_space<hbm>>
      %dma_wait3A_43 = tpu.memref_squeeze %dma_wait3A_42 : memref<1x1x128xi32, #tpu.memory_space<hbm>> -> memref<1x128xi32, #tpu.memory_space<hbm>>
      %dma_wait3A_44 = arith.constant 0 : i32
      %dma_wait3A_45 = arith.constant 0 : i32
      %dma_wait3A_46 = tpu.memref_slice %arg8[%dma_wait3A_44, %dma_wait3A_45] : memref<11x128xi32, #tpu.memory_space<vmem>> -> memref<1x128xi32, #tpu.memory_space<vmem>>
      %dma_wait3A_47 = arith.constant 0 : i32
      %dma_wait3A_48 = tpu.memref_slice %arg3[%dma_wait3A, %add3A_12, %dma_wait3A_47] : memref<2x12500x128xi32, #tpu.memory_space<hbm>> -> memref<1x1x128xi32, #tpu.memory_space<hbm>>
      %dma_wait3A_49 = tpu.memref_squeeze %dma_wait3A_48 : memref<1x1x128xi32, #tpu.memory_space<hbm>> -> memref<1x128xi32, #tpu.memory_space<hbm>>
      tpu.wait_dma2 semaphore(%arg10 : memref<!tpu.dma_semaphore, #tpu.memory_space<semaphore_mem>>) src(%dma_wait3A_49 : memref<1x128xi32, #tpu.memory_space<hbm>>) dst(%dma_wait3A_46 : memref<1x128xi32, #tpu.memory_space<vmem>>)
      %dma_start3A_50 = arith.constant 0 : i32
      %dma_start3A_51 = arith.constant 0 : i32
      %dma_start3A_52 = arith.constant 0 : i32
      %dma_start3A_53 = arith.constant 0 : i32
      %dma_start3A_54 = tpu.memref_slice %arg7[%dma_start3A_51, %dma_start3A_52, %dma_start3A_53] : memref<11x128x16xf32, #tpu.memory_space<vmem>> -> memref<1x128x16xf32, #tpu.memory_space<vmem>>
      %dma_start3A_55 = tpu.memref_squeeze %dma_start3A_54 : memref<1x128x16xf32, #tpu.memory_space<vmem>> -> memref<128x16xf32, #tpu.memory_space<vmem>>
      %dma_start3A_56 = arith.constant 0 : i32
      %dma_start3A_57 = tpu.memref_slice %arg8[%dma_start3A_50, %dma_start3A_56] : memref<11x128xi32, #tpu.memory_space<vmem>> -> memref<1x128xi32, #tpu.memory_space<vmem>>
      %dma_start3A_58 = tpu.memref_squeeze %dma_start3A_57 : memref<1x128xi32, #tpu.memory_space<vmem>> -> memref<128xi32, #tpu.memory_space<vmem>>
      %dma_start3A_59 = arith.constant 0 : i32
      %dma_start3A_60 = arith.constant 0 : i32
      %dma_start3A_61 = tpu.memref_slice %arg2[%arg0, %dma_start3A_59, %dma_start3A_60] : memref<2x102400x16xf32, #tpu.memory_space<hbm>> -> memref<1x102400x16xf32, #tpu.memory_space<hbm>>
      %dma_start3A_62 = tpu.memref_squeeze %dma_start3A_61 : memref<1x102400x16xf32, #tpu.memory_space<hbm>> -> memref<102400x16xf32, #tpu.memory_space<hbm>>
      %dma_start3A_63 = arith.constant 0 : i32
      %dma_start3A_64 = arith.constant 0 : i32
      %dma_start3A_65 = tpu.memref_slice %dma_start3A_62[%dma_start3A_63, %dma_start3A_64] : memref<102400x16xf32, #tpu.memory_space<hbm>> -> memref<102400x16xf32, #tpu.memory_space<hbm>>
      tpu.enqueue_indirect_dma source(%dma_start3A_65 : memref<102400x16xf32, #tpu.memory_space<hbm>>) target(%dma_start3A_55 : memref<128x16xf32, #tpu.memory_space<vmem>>) offsets(%dma_start3A_58 : memref<128xi32, #tpu.memory_space<vmem>>) semaphore(%arg11 : memref<!tpu.dma_semaphore, #tpu.memory_space<semaphore_mem>>)
      %dma_wait3A_66 = arith.constant 0 : i32
      %dma_wait3A_67 = arith.constant 0 : i32
      %dma_wait3A_68 = arith.constant 0 : i32
      %dma_wait3A_69 = arith.constant 0 : i32
      %dma_wait3A_70 = tpu.memref_slice %arg7[%dma_wait3A_67, %dma_wait3A_68, %dma_wait3A_69] : memref<11x128x16xf32, #tpu.memory_space<vmem>> -> memref<1x128x16xf32, #tpu.memory_space<vmem>>
      %dma_wait3A_71 = tpu.memref_squeeze %dma_wait3A_70 : memref<1x128x16xf32, #tpu.memory_space<vmem>> -> memref<128x16xf32, #tpu.memory_space<vmem>>
      %dma_wait3A_72 = arith.constant 0 : i32
      %dma_wait3A_73 = tpu.memref_slice %arg8[%dma_wait3A_66, %dma_wait3A_72] : memref<11x128xi32, #tpu.memory_space<vmem>> -> memref<1x128xi32, #tpu.memory_space<vmem>>
      %dma_wait3A_74 = tpu.memref_squeeze %dma_wait3A_73 : memref<1x128xi32, #tpu.memory_space<vmem>> -> memref<128xi32, #tpu.memory_space<vmem>>
      %dma_wait3A_75 = arith.constant 0 : i32
      %dma_wait3A_76 = arith.constant 0 : i32
      %dma_wait3A_77 = tpu.memref_slice %arg2[%arg0, %dma_wait3A_75, %dma_wait3A_76] : memref<2x102400x16xf32, #tpu.memory_space<hbm>> -> memref<1x102400x16xf32, #tpu.memory_space<hbm>>
      %dma_wait3A_78 = tpu.memref_squeeze %dma_wait3A_77 : memref<1x102400x16xf32, #tpu.memory_space<hbm>> -> memref<102400x16xf32, #tpu.memory_space<hbm>>
      %dma_wait3A_79 = arith.constant 0 : i32
      %dma_wait3A_80 = arith.constant 0 : i32
      %dma_wait3A_81 = tpu.memref_slice %dma_wait3A_78[%dma_wait3A_79, %dma_wait3A_80] : memref<102400x16xf32, #tpu.memory_space<hbm>> -> memref<102400x16xf32, #tpu.memory_space<hbm>>
      tpu.wait_indirect_dma semaphore(%arg11 : memref<!tpu.dma_semaphore, #tpu.memory_space<semaphore_mem>>) src(%dma_wait3A_81 : memref<102400x16xf32, #tpu.memory_space<hbm>>) dst(%dma_wait3A_71 : memref<128x16xf32, #tpu.memory_space<vmem>>)
      %dma_wait3A_82 = arith.constant 1 : i32
      %dma_wait3A_83 = arith.constant 0 : i32
      %dma_wait3A_84 = arith.constant 0 : i32
      %dma_wait3A_85 = tpu.memref_slice %arg9[%dma_wait3A_83, %dma_wait3A_84] : memref<11x128xi32, #tpu.memory_space<vmem>> -> memref<1x128xi32, #tpu.memory_space<vmem>>
      %dma_wait3A_86 = arith.constant 0 : i32
      %dma_wait3A_87 = tpu.memref_slice %arg3[%dma_wait3A_82, %add3A_12, %dma_wait3A_86] : memref<2x12500x128xi32, #tpu.memory_space<hbm>> -> memref<1x1x128xi32, #tpu.memory_space<hbm>>
      %dma_wait3A_88 = tpu.memref_squeeze %dma_wait3A_87 : memref<1x1x128xi32, #tpu.memory_space<hbm>> -> memref<1x128xi32, #tpu.memory_space<hbm>>
      %dma_wait3A_89 = arith.constant 0 : i32
      %dma_wait3A_90 = arith.constant 0 : i32
      %dma_wait3A_91 = tpu.memref_slice %arg9[%dma_wait3A_89, %dma_wait3A_90] : memref<11x128xi32, #tpu.memory_space<vmem>> -> memref<1x128xi32, #tpu.memory_space<vmem>>
      %dma_wait3A_92 = arith.constant 0 : i32
      %dma_wait3A_93 = tpu.memref_slice %arg3[%dma_wait3A_82, %add3A_12, %dma_wait3A_92] : memref<2x12500x128xi32, #tpu.memory_space<hbm>> -> memref<1x1x128xi32, #tpu.memory_space<hbm>>
      %dma_wait3A_94 = tpu.memref_squeeze %dma_wait3A_93 : memref<1x1x128xi32, #tpu.memory_space<hbm>> -> memref<1x128xi32, #tpu.memory_space<hbm>>
      tpu.wait_dma2 semaphore(%arg10 : memref<!tpu.dma_semaphore, #tpu.memory_space<semaphore_mem>>) src(%dma_wait3A_94 : memref<1x128xi32, #tpu.memory_space<hbm>>) dst(%dma_wait3A_91 : memref<1x128xi32, #tpu.memory_space<vmem>>)
      %dma_start3A_95 = arith.constant 0 : i32
      %dma_start3A_96 = arith.constant 0 : i32
      %dma_start3A_97 = arith.constant 0 : i32
      %dma_start3A_98 = arith.constant 0 : i32
      %dma_start3A_99 = tpu.memref_slice %arg7[%dma_start3A_95, %dma_start3A_97, %dma_start3A_98] : memref<11x128x16xf32, #tpu.memory_space<vmem>> -> memref<1x128x16xf32, #tpu.memory_space<vmem>>
      %dma_start3A_100 = tpu.memref_squeeze %dma_start3A_99 : memref<1x128x16xf32, #tpu.memory_space<vmem>> -> memref<128x16xf32, #tpu.memory_space<vmem>>
      %dma_start3A_101 = arith.constant 0 : i32
      %dma_start3A_102 = tpu.memref_slice %arg9[%dma_start3A_96, %dma_start3A_101] : memref<11x128xi32, #tpu.memory_space<vmem>> -> memref<1x128xi32, #tpu.memory_space<vmem>>
      %dma_start3A_103 = tpu.memref_squeeze %dma_start3A_102 : memref<1x128xi32, #tpu.memory_space<vmem>> -> memref<128xi32, #tpu.memory_space<vmem>>
      %dma_start3A_104 = arith.constant 0 : i32
      %dma_start3A_105 = arith.constant 0 : i32
      %dma_start3A_106 = tpu.memref_slice %arg6[%dma_start3A_104, %dma_start3A_105] : memref<100000x16xf32, #tpu.memory_space<vmem_shared>> -> memref<100000x16xf32, #tpu.memory_space<vmem_shared>>
      tpu.enqueue_indirect_dma source(%dma_start3A_100 : memref<128x16xf32, #tpu.memory_space<vmem>>) target(%dma_start3A_106 : memref<100000x16xf32, #tpu.memory_space<vmem_shared>>) offsets(%dma_start3A_103 : memref<128xi32, #tpu.memory_space<vmem>>) semaphore(%arg12 : memref<!tpu.dma_semaphore, #tpu.memory_space<semaphore_mem>>) {add = true}
      %dma_wait3A_107 = arith.constant 0 : i32
      %dma_wait3A_108 = arith.constant 0 : i32
      %dma_wait3A_109 = arith.constant 0 : i32
      %dma_wait3A_110 = arith.constant 0 : i32
      %dma_wait3A_111 = tpu.memref_slice %arg7[%dma_wait3A_107, %dma_wait3A_109, %dma_wait3A_110] : memref<11x128x16xf32, #tpu.memory_space<vmem>> -> memref<1x128x16xf32, #tpu.memory_space<vmem>>
      %dma_wait3A_112 = tpu.memref_squeeze %dma_wait3A_111 : memref<1x128x16xf32, #tpu.memory_space<vmem>> -> memref<128x16xf32, #tpu.memory_space<vmem>>
      %dma_wait3A_113 = arith.constant 0 : i32
      %dma_wait3A_114 = tpu.memref_slice %arg9[%dma_wait3A_108, %dma_wait3A_113] : memref<11x128xi32, #tpu.memory_space<vmem>> -> memref<1x128xi32, #tpu.memory_space<vmem>>
      %dma_wait3A_115 = tpu.memref_squeeze %dma_wait3A_114 : memref<1x128xi32, #tpu.memory_space<vmem>> -> memref<128xi32, #tpu.memory_space<vmem>>
      %dma_wait3A_116 = arith.constant 0 : i32
      %dma_wait3A_117 = arith.constant 0 : i32
      %dma_wait3A_118 = tpu.memref_slice %arg6[%dma_wait3A_116, %dma_wait3A_117] : memref<100000x16xf32, #tpu.memory_space<vmem_shared>> -> memref<100000x16xf32, #tpu.memory_space<vmem_shared>>
      tpu.wait_indirect_dma semaphore(%arg12 : memref<!tpu.dma_semaphore, #tpu.memory_space<semaphore_mem>>) src(%dma_wait3A_112 : memref<128x16xf32, #tpu.memory_space<vmem>>) dst(%dma_wait3A_118 : memref<100000x16xf32, #tpu.memory_space<vmem_shared>>)
    } else {
    }
    %barrier3A_9 = arith.constant 0 : index
    tpu.barrier barrier_id(%barrier3A_9)
    %mul3A_10 = arith.constant 6250 : i32
    %mul3A_11 = arith.muli %arg1, %mul3A_10 : i32
    "tpu.region"() ({
      %run_scoped3A = tpu.sem_alloc : memref<!tpu.dma_semaphore, #tpu.memory_space<semaphore_mem>>
      %dma_start3A = arith.constant 0 : i32
      %dma_start3A_12 = arith.constant 0 : i32
      %dma_start3A_13 = tpu.memref_slice %arg5[%arg0, %arg1, %dma_start3A, %dma_start3A_12] : memref<2x16x6250x16xf32, #tpu.memory_space<hbm>> -> memref<1x1x6250x16xf32, #tpu.memory_space<hbm>>
      %dma_start3A_14 = tpu.memref_squeeze %dma_start3A_13 : memref<1x1x6250x16xf32, #tpu.memory_space<hbm>> -> memref<6250x16xf32, #tpu.memory_space<hbm>>
      %dma_start3A_15 = arith.constant 0 : i32
      %dma_start3A_16 = tpu.memref_slice %arg6[%mul3A_11, %dma_start3A_15] : memref<100000x16xf32, #tpu.memory_space<vmem_shared>> -> memref<6250x16xf32, #tpu.memory_space<vmem_shared>>
      tpu.enqueue_dma source(%dma_start3A_16 : memref<6250x16xf32, #tpu.memory_space<vmem_shared>>) target(%dma_start3A_14 : memref<6250x16xf32, #tpu.memory_space<hbm>>) target_semaphore(%run_scoped3A : memref<!tpu.dma_semaphore, #tpu.memory_space<semaphore_mem>>)
      %dma_wait3A = arith.constant 0 : i32
      %dma_wait3A_17 = arith.constant 0 : i32
      %dma_wait3A_18 = tpu.memref_slice %arg5[%arg0, %arg1, %dma_wait3A, %dma_wait3A_17] : memref<2x16x6250x16xf32, #tpu.memory_space<hbm>> -> memref<1x1x6250x16xf32, #tpu.memory_space<hbm>>
      %dma_wait3A_19 = tpu.memref_squeeze %dma_wait3A_18 : memref<1x1x6250x16xf32, #tpu.memory_space<hbm>> -> memref<6250x16xf32, #tpu.memory_space<hbm>>
      %dma_wait3A_20 = arith.constant 0 : i32
      %dma_wait3A_21 = tpu.memref_slice %arg6[%mul3A_11, %dma_wait3A_20] : memref<100000x16xf32, #tpu.memory_space<vmem_shared>> -> memref<6250x16xf32, #tpu.memory_space<vmem_shared>>
      tpu.wait_dma2 semaphore(%run_scoped3A : memref<!tpu.dma_semaphore, #tpu.memory_space<semaphore_mem>>) src(%dma_wait3A_21 : memref<6250x16xf32, #tpu.memory_space<vmem_shared>>) dst(%dma_wait3A_19 : memref<6250x16xf32, #tpu.memory_space<hbm>>)
      tpu.yield
    }) : () -> ()
    return
  }
}

#map = affine_map<(d0, d1) -> (0, 0)>
#map1 = affine_map<(d0, d1) -> (0, 0, 0)>
#map2 = affine_map<(d0, d1) -> (0, 0, 0, 0)>
module attributes {stable_mosaic.version = 14 : i64} {
  func.func @k(%arg0: i32, %arg1: i32, %arg2: memref<100000x16xf32, #tpu.memory_space<hbm>>, %arg3: memref<2x12500x128xi32, #tpu.memory_space<hbm>>, %arg4: memref<6250x16xf32, #tpu.memory_space<hbm>>, %arg5: memref<2x16x6250x16xf32, #tpu.memory_space<hbm>>, %arg6: memref<100000x16xf32, #tpu.memory_space<vmem_shared>>, %arg7: memref<13x128x16xf32, #tpu.memory_space<vmem>>, %arg8: memref<13x128xi32, #tpu.memory_space<vmem>>, %arg9: memref<13x128xi32, #tpu.memory_space<vmem>>, %arg10: memref<!tpu.dma_semaphore, #tpu.memory_space<semaphore_mem>>, %arg11: memref<!tpu.dma_semaphore, #tpu.memory_space<semaphore_mem>>, %arg12: memref<!tpu.dma_semaphore, #tpu.memory_space<semaphore_mem>>) attributes {dimension_semantics = [#tpu.dimension_semantics<core_parallel>, #tpu.dimension_semantics<subcore_parallel>], iteration_bounds = array<i64: 2, 16>, scalar_prefetch = 0 : i64, scratch_operands = 7 : i64, tpu.core_type = #tpu.core_type<sc_vector_subcore>, window_params = [{transform_indices = #map}, {transform_indices = #map1}, {transform_indices = #map}, {transform_indices = #map2}]} {
    %mul3A = arith.constant 2 : i32
    %mul3A_0 = arith.muli %arg1, %mul3A : i32
    %add3A = arith.addi %mul3A_0, %arg0 : i32
    %mul3A_1 = arith.constant 390 : i32
    %mul3A_2 = arith.muli %add3A, %mul3A_1 : i32
    %mul3A_3 = arith.constant 6250 : i32
    %mul3A_4 = arith.muli %arg1, %mul3A_3 : i32
    "tpu.region"() ({
      %run_scoped3A = tpu.sem_alloc : memref<!tpu.dma_semaphore, #tpu.memory_space<semaphore_mem>>
      %dma_start3A = arith.constant 0 : i32
      %dma_start3A_14 = tpu.memref_slice %arg6[%mul3A_4, %dma_start3A] : memref<100000x16xf32, #tpu.memory_space<vmem_shared>> -> memref<6250x16xf32, #tpu.memory_space<vmem_shared>>
      tpu.enqueue_dma source(%arg4 : memref<6250x16xf32, #tpu.memory_space<hbm>>) target(%dma_start3A_14 : memref<6250x16xf32, #tpu.memory_space<vmem_shared>>) target_semaphore(%run_scoped3A : memref<!tpu.dma_semaphore, #tpu.memory_space<semaphore_mem>>)
      %dma_wait3A = arith.constant 0 : i32
      %dma_wait3A_15 = tpu.memref_slice %arg6[%mul3A_4, %dma_wait3A] : memref<100000x16xf32, #tpu.memory_space<vmem_shared>> -> memref<6250x16xf32, #tpu.memory_space<vmem_shared>>
      tpu.wait_dma2 semaphore(%run_scoped3A : memref<!tpu.dma_semaphore, #tpu.memory_space<semaphore_mem>>) src(%arg4 : memref<6250x16xf32, #tpu.memory_space<hbm>>) dst(%dma_wait3A_15 : memref<6250x16xf32, #tpu.memory_space<vmem_shared>>)
      tpu.yield
    }) : () -> ()
    %barrier3A = arith.constant 0 : index
    tpu.barrier barrier_id(%barrier3A)
    %scan3A = arith.constant 0 : i32
    %scan3A_5 = arith.constant 30 : i32
    %scan3A_6 = arith.addi %scan3A, %scan3A_5 : i32
    %scan3A_7 = arith.constant 1 : i32
    scf.for %scan3A_14 = %scan3A to %scan3A_6 step %scan3A_7  : i32 {
      %mul3A_15 = arith.constant 1 : i32
      %mul3A_16 = arith.muli %scan3A_14, %mul3A_15 : i32
      %add3A_17 = arith.constant 0 : i32
      %add3A_18 = arith.addi %add3A_17, %mul3A_16 : i32
      %mul3A_19 = arith.constant 13 : i32
      %mul3A_20 = arith.muli %add3A_18, %mul3A_19 : i32
      %add3A_21 = arith.addi %mul3A_2, %mul3A_20 : i32
      %dma_start3A = arith.constant 0 : i32
      %dma_start3A_22 = arith.constant 0 : i32
      %dma_start3A_23 = tpu.memref_slice %arg3[%dma_start3A, %add3A_21, %dma_start3A_22] : memref<2x12500x128xi32, #tpu.memory_space<hbm>> -> memref<1x13x128xi32, #tpu.memory_space<hbm>>
      %dma_start3A_24 = tpu.memref_squeeze %dma_start3A_23 : memref<1x13x128xi32, #tpu.memory_space<hbm>> -> memref<13x128xi32, #tpu.memory_space<hbm>>
      %dma_start3A_25 = arith.constant 0 : i32
      %dma_start3A_26 = tpu.memref_slice %arg3[%dma_start3A, %add3A_21, %dma_start3A_25] : memref<2x12500x128xi32, #tpu.memory_space<hbm>> -> memref<1x13x128xi32, #tpu.memory_space<hbm>>
      %dma_start3A_27 = tpu.memref_squeeze %dma_start3A_26 : memref<1x13x128xi32, #tpu.memory_space<hbm>> -> memref<13x128xi32, #tpu.memory_space<hbm>>
      tpu.enqueue_dma source(%dma_start3A_27 : memref<13x128xi32, #tpu.memory_space<hbm>>) target(%arg8 : memref<13x128xi32, #tpu.memory_space<vmem>>) target_semaphore(%arg10 : memref<!tpu.dma_semaphore, #tpu.memory_space<semaphore_mem>>)
      %dma_start3A_28 = arith.constant 1 : i32
      %dma_start3A_29 = arith.constant 0 : i32
      %dma_start3A_30 = tpu.memref_slice %arg3[%dma_start3A_28, %add3A_21, %dma_start3A_29] : memref<2x12500x128xi32, #tpu.memory_space<hbm>> -> memref<1x13x128xi32, #tpu.memory_space<hbm>>
      %dma_start3A_31 = tpu.memref_squeeze %dma_start3A_30 : memref<1x13x128xi32, #tpu.memory_space<hbm>> -> memref<13x128xi32, #tpu.memory_space<hbm>>
      %dma_start3A_32 = arith.constant 0 : i32
      %dma_start3A_33 = tpu.memref_slice %arg3[%dma_start3A_28, %add3A_21, %dma_start3A_32] : memref<2x12500x128xi32, #tpu.memory_space<hbm>> -> memref<1x13x128xi32, #tpu.memory_space<hbm>>
      %dma_start3A_34 = tpu.memref_squeeze %dma_start3A_33 : memref<1x13x128xi32, #tpu.memory_space<hbm>> -> memref<13x128xi32, #tpu.memory_space<hbm>>
      tpu.enqueue_dma source(%dma_start3A_34 : memref<13x128xi32, #tpu.memory_space<hbm>>) target(%arg9 : memref<13x128xi32, #tpu.memory_space<vmem>>) target_semaphore(%arg10 : memref<!tpu.dma_semaphore, #tpu.memory_space<semaphore_mem>>)
      %dma_wait3A = arith.constant 0 : i32
      %dma_wait3A_35 = arith.constant 0 : i32
      %dma_wait3A_36 = tpu.memref_slice %arg3[%dma_wait3A, %add3A_21, %dma_wait3A_35] : memref<2x12500x128xi32, #tpu.memory_space<hbm>> -> memref<1x13x128xi32, #tpu.memory_space<hbm>>
      %dma_wait3A_37 = tpu.memref_squeeze %dma_wait3A_36 : memref<1x13x128xi32, #tpu.memory_space<hbm>> -> memref<13x128xi32, #tpu.memory_space<hbm>>
      %dma_wait3A_38 = arith.constant 0 : i32
      %dma_wait3A_39 = tpu.memref_slice %arg3[%dma_wait3A, %add3A_21, %dma_wait3A_38] : memref<2x12500x128xi32, #tpu.memory_space<hbm>> -> memref<1x13x128xi32, #tpu.memory_space<hbm>>
      %dma_wait3A_40 = tpu.memref_squeeze %dma_wait3A_39 : memref<1x13x128xi32, #tpu.memory_space<hbm>> -> memref<13x128xi32, #tpu.memory_space<hbm>>
      tpu.wait_dma2 semaphore(%arg10 : memref<!tpu.dma_semaphore, #tpu.memory_space<semaphore_mem>>) src(%dma_wait3A_40 : memref<13x128xi32, #tpu.memory_space<hbm>>) dst(%arg8 : memref<13x128xi32, #tpu.memory_space<vmem>>)
      %dma_start3A_41 = arith.constant 0 : i32
      %dma_start3A_42 = arith.constant 0 : i32
      %dma_start3A_43 = arith.constant 0 : i32
      %dma_start3A_44 = arith.constant 0 : i32
      %dma_start3A_45 = tpu.memref_slice %arg7[%dma_start3A_42, %dma_start3A_43, %dma_start3A_44] : memref<13x128x16xf32, #tpu.memory_space<vmem>> -> memref<1x128x16xf32, #tpu.memory_space<vmem>>
      %dma_start3A_46 = tpu.memref_squeeze %dma_start3A_45 : memref<1x128x16xf32, #tpu.memory_space<vmem>> -> memref<128x16xf32, #tpu.memory_space<vmem>>
      %dma_start3A_47 = arith.constant 0 : i32
      %dma_start3A_48 = tpu.memref_slice %arg8[%dma_start3A_41, %dma_start3A_47] : memref<13x128xi32, #tpu.memory_space<vmem>> -> memref<1x128xi32, #tpu.memory_space<vmem>>
      %dma_start3A_49 = tpu.memref_squeeze %dma_start3A_48 : memref<1x128xi32, #tpu.memory_space<vmem>> -> memref<128xi32, #tpu.memory_space<vmem>>
      %dma_start3A_50 = arith.constant 0 : i32
      %dma_start3A_51 = arith.constant 0 : i32
      %dma_start3A_52 = tpu.memref_slice %arg2[%dma_start3A_50, %dma_start3A_51] : memref<100000x16xf32, #tpu.memory_space<hbm>> -> memref<100000x16xf32, #tpu.memory_space<hbm>>
      tpu.enqueue_indirect_dma source(%dma_start3A_52 : memref<100000x16xf32, #tpu.memory_space<hbm>>) target(%dma_start3A_46 : memref<128x16xf32, #tpu.memory_space<vmem>>) offsets(%dma_start3A_49 : memref<128xi32, #tpu.memory_space<vmem>>) semaphore(%arg11 : memref<!tpu.dma_semaphore, #tpu.memory_space<semaphore_mem>>)
      %dma_start3A_53 = arith.constant 1 : i32
      %dma_start3A_54 = arith.constant 1 : i32
      %dma_start3A_55 = arith.constant 0 : i32
      %dma_start3A_56 = arith.constant 0 : i32
      %dma_start3A_57 = tpu.memref_slice %arg7[%dma_start3A_54, %dma_start3A_55, %dma_start3A_56] : memref<13x128x16xf32, #tpu.memory_space<vmem>> -> memref<1x128x16xf32, #tpu.memory_space<vmem>>
      %dma_start3A_58 = tpu.memref_squeeze %dma_start3A_57 : memref<1x128x16xf32, #tpu.memory_space<vmem>> -> memref<128x16xf32, #tpu.memory_space<vmem>>
      %dma_start3A_59 = arith.constant 0 : i32
      %dma_start3A_60 = tpu.memref_slice %arg8[%dma_start3A_53, %dma_start3A_59] : memref<13x128xi32, #tpu.memory_space<vmem>> -> memref<1x128xi32, #tpu.memory_space<vmem>>
      %dma_start3A_61 = tpu.memref_squeeze %dma_start3A_60 : memref<1x128xi32, #tpu.memory_space<vmem>> -> memref<128xi32, #tpu.memory_space<vmem>>
      %dma_start3A_62 = arith.constant 0 : i32
      %dma_start3A_63 = arith.constant 0 : i32
      %dma_start3A_64 = tpu.memref_slice %arg2[%dma_start3A_62, %dma_start3A_63] : memref<100000x16xf32, #tpu.memory_space<hbm>> -> memref<100000x16xf32, #tpu.memory_space<hbm>>
      tpu.enqueue_indirect_dma source(%dma_start3A_64 : memref<100000x16xf32, #tpu.memory_space<hbm>>) target(%dma_start3A_58 : memref<128x16xf32, #tpu.memory_space<vmem>>) offsets(%dma_start3A_61 : memref<128xi32, #tpu.memory_space<vmem>>) semaphore(%arg11 : memref<!tpu.dma_semaphore, #tpu.memory_space<semaphore_mem>>)
      %dma_start3A_65 = arith.constant 2 : i32
      %dma_start3A_66 = arith.constant 2 : i32
      %dma_start3A_67 = arith.constant 0 : i32
      %dma_start3A_68 = arith.constant 0 : i32
      %dma_start3A_69 = tpu.memref_slice %arg7[%dma_start3A_66, %dma_start3A_67, %dma_start3A_68] : memref<13x128x16xf32, #tpu.memory_space<vmem>> -> memref<1x128x16xf32, #tpu.memory_space<vmem>>
      %dma_start3A_70 = tpu.memref_squeeze %dma_start3A_69 : memref<1x128x16xf32, #tpu.memory_space<vmem>> -> memref<128x16xf32, #tpu.memory_space<vmem>>
      %dma_start3A_71 = arith.constant 0 : i32
      %dma_start3A_72 = tpu.memref_slice %arg8[%dma_start3A_65, %dma_start3A_71] : memref<13x128xi32, #tpu.memory_space<vmem>> -> memref<1x128xi32, #tpu.memory_space<vmem>>
      %dma_start3A_73 = tpu.memref_squeeze %dma_start3A_72 : memref<1x128xi32, #tpu.memory_space<vmem>> -> memref<128xi32, #tpu.memory_space<vmem>>
      %dma_start3A_74 = arith.constant 0 : i32
      %dma_start3A_75 = arith.constant 0 : i32
      %dma_start3A_76 = tpu.memref_slice %arg2[%dma_start3A_74, %dma_start3A_75] : memref<100000x16xf32, #tpu.memory_space<hbm>> -> memref<100000x16xf32, #tpu.memory_space<hbm>>
      tpu.enqueue_indirect_dma source(%dma_start3A_76 : memref<100000x16xf32, #tpu.memory_space<hbm>>) target(%dma_start3A_70 : memref<128x16xf32, #tpu.memory_space<vmem>>) offsets(%dma_start3A_73 : memref<128xi32, #tpu.memory_space<vmem>>) semaphore(%arg11 : memref<!tpu.dma_semaphore, #tpu.memory_space<semaphore_mem>>)
      %dma_start3A_77 = arith.constant 3 : i32
      %dma_start3A_78 = arith.constant 3 : i32
      %dma_start3A_79 = arith.constant 0 : i32
      %dma_start3A_80 = arith.constant 0 : i32
      %dma_start3A_81 = tpu.memref_slice %arg7[%dma_start3A_78, %dma_start3A_79, %dma_start3A_80] : memref<13x128x16xf32, #tpu.memory_space<vmem>> -> memref<1x128x16xf32, #tpu.memory_space<vmem>>
      %dma_start3A_82 = tpu.memref_squeeze %dma_start3A_81 : memref<1x128x16xf32, #tpu.memory_space<vmem>> -> memref<128x16xf32, #tpu.memory_space<vmem>>
      %dma_start3A_83 = arith.constant 0 : i32
      %dma_start3A_84 = tpu.memref_slice %arg8[%dma_start3A_77, %dma_start3A_83] : memref<13x128xi32, #tpu.memory_space<vmem>> -> memref<1x128xi32, #tpu.memory_space<vmem>>
      %dma_start3A_85 = tpu.memref_squeeze %dma_start3A_84 : memref<1x128xi32, #tpu.memory_space<vmem>> -> memref<128xi32, #tpu.memory_space<vmem>>
      %dma_start3A_86 = arith.constant 0 : i32
      %dma_start3A_87 = arith.constant 0 : i32
      %dma_start3A_88 = tpu.memref_slice %arg2[%dma_start3A_86, %dma_start3A_87] : memref<100000x16xf32, #tpu.memory_space<hbm>> -> memref<100000x16xf32, #tpu.memory_space<hbm>>
      tpu.enqueue_indirect_dma source(%dma_start3A_88 : memref<100000x16xf32, #tpu.memory_space<hbm>>) target(%dma_start3A_82 : memref<128x16xf32, #tpu.memory_space<vmem>>) offsets(%dma_start3A_85 : memref<128xi32, #tpu.memory_space<vmem>>) semaphore(%arg11 : memref<!tpu.dma_semaphore, #tpu.memory_space<semaphore_mem>>)
      %dma_start3A_89 = arith.constant 4 : i32
      %dma_start3A_90 = arith.constant 4 : i32
      %dma_start3A_91 = arith.constant 0 : i32
      %dma_start3A_92 = arith.constant 0 : i32
      %dma_start3A_93 = tpu.memref_slice %arg7[%dma_start3A_90, %dma_start3A_91, %dma_start3A_92] : memref<13x128x16xf32, #tpu.memory_space<vmem>> -> memref<1x128x16xf32, #tpu.memory_space<vmem>>
      %dma_start3A_94 = tpu.memref_squeeze %dma_start3A_93 : memref<1x128x16xf32, #tpu.memory_space<vmem>> -> memref<128x16xf32, #tpu.memory_space<vmem>>
      %dma_start3A_95 = arith.constant 0 : i32
      %dma_start3A_96 = tpu.memref_slice %arg8[%dma_start3A_89, %dma_start3A_95] : memref<13x128xi32, #tpu.memory_space<vmem>> -> memref<1x128xi32, #tpu.memory_space<vmem>>
      %dma_start3A_97 = tpu.memref_squeeze %dma_start3A_96 : memref<1x128xi32, #tpu.memory_space<vmem>> -> memref<128xi32, #tpu.memory_space<vmem>>
      %dma_start3A_98 = arith.constant 0 : i32
      %dma_start3A_99 = arith.constant 0 : i32
      %dma_start3A_100 = tpu.memref_slice %arg2[%dma_start3A_98, %dma_start3A_99] : memref<100000x16xf32, #tpu.memory_space<hbm>> -> memref<100000x16xf32, #tpu.memory_space<hbm>>
      tpu.enqueue_indirect_dma source(%dma_start3A_100 : memref<100000x16xf32, #tpu.memory_space<hbm>>) target(%dma_start3A_94 : memref<128x16xf32, #tpu.memory_space<vmem>>) offsets(%dma_start3A_97 : memref<128xi32, #tpu.memory_space<vmem>>) semaphore(%arg11 : memref<!tpu.dma_semaphore, #tpu.memory_space<semaphore_mem>>)
      %dma_start3A_101 = arith.constant 5 : i32
      %dma_start3A_102 = arith.constant 5 : i32
      %dma_start3A_103 = arith.constant 0 : i32
      %dma_start3A_104 = arith.constant 0 : i32
      %dma_start3A_105 = tpu.memref_slice %arg7[%dma_start3A_102, %dma_start3A_103, %dma_start3A_104] : memref<13x128x16xf32, #tpu.memory_space<vmem>> -> memref<1x128x16xf32, #tpu.memory_space<vmem>>
      %dma_start3A_106 = tpu.memref_squeeze %dma_start3A_105 : memref<1x128x16xf32, #tpu.memory_space<vmem>> -> memref<128x16xf32, #tpu.memory_space<vmem>>
      %dma_start3A_107 = arith.constant 0 : i32
      %dma_start3A_108 = tpu.memref_slice %arg8[%dma_start3A_101, %dma_start3A_107] : memref<13x128xi32, #tpu.memory_space<vmem>> -> memref<1x128xi32, #tpu.memory_space<vmem>>
      %dma_start3A_109 = tpu.memref_squeeze %dma_start3A_108 : memref<1x128xi32, #tpu.memory_space<vmem>> -> memref<128xi32, #tpu.memory_space<vmem>>
      %dma_start3A_110 = arith.constant 0 : i32
      %dma_start3A_111 = arith.constant 0 : i32
      %dma_start3A_112 = tpu.memref_slice %arg2[%dma_start3A_110, %dma_start3A_111] : memref<100000x16xf32, #tpu.memory_space<hbm>> -> memref<100000x16xf32, #tpu.memory_space<hbm>>
      tpu.enqueue_indirect_dma source(%dma_start3A_112 : memref<100000x16xf32, #tpu.memory_space<hbm>>) target(%dma_start3A_106 : memref<128x16xf32, #tpu.memory_space<vmem>>) offsets(%dma_start3A_109 : memref<128xi32, #tpu.memory_space<vmem>>) semaphore(%arg11 : memref<!tpu.dma_semaphore, #tpu.memory_space<semaphore_mem>>)
      %dma_start3A_113 = arith.constant 6 : i32
      %dma_start3A_114 = arith.constant 6 : i32
      %dma_start3A_115 = arith.constant 0 : i32
      %dma_start3A_116 = arith.constant 0 : i32
      %dma_start3A_117 = tpu.memref_slice %arg7[%dma_start3A_114, %dma_start3A_115, %dma_start3A_116] : memref<13x128x16xf32, #tpu.memory_space<vmem>> -> memref<1x128x16xf32, #tpu.memory_space<vmem>>
      %dma_start3A_118 = tpu.memref_squeeze %dma_start3A_117 : memref<1x128x16xf32, #tpu.memory_space<vmem>> -> memref<128x16xf32, #tpu.memory_space<vmem>>
      %dma_start3A_119 = arith.constant 0 : i32
      %dma_start3A_120 = tpu.memref_slice %arg8[%dma_start3A_113, %dma_start3A_119] : memref<13x128xi32, #tpu.memory_space<vmem>> -> memref<1x128xi32, #tpu.memory_space<vmem>>
      %dma_start3A_121 = tpu.memref_squeeze %dma_start3A_120 : memref<1x128xi32, #tpu.memory_space<vmem>> -> memref<128xi32, #tpu.memory_space<vmem>>
      %dma_start3A_122 = arith.constant 0 : i32
      %dma_start3A_123 = arith.constant 0 : i32
      %dma_start3A_124 = tpu.memref_slice %arg2[%dma_start3A_122, %dma_start3A_123] : memref<100000x16xf32, #tpu.memory_space<hbm>> -> memref<100000x16xf32, #tpu.memory_space<hbm>>
      tpu.enqueue_indirect_dma source(%dma_start3A_124 : memref<100000x16xf32, #tpu.memory_space<hbm>>) target(%dma_start3A_118 : memref<128x16xf32, #tpu.memory_space<vmem>>) offsets(%dma_start3A_121 : memref<128xi32, #tpu.memory_space<vmem>>) semaphore(%arg11 : memref<!tpu.dma_semaphore, #tpu.memory_space<semaphore_mem>>)
      %dma_start3A_125 = arith.constant 7 : i32
      %dma_start3A_126 = arith.constant 7 : i32
      %dma_start3A_127 = arith.constant 0 : i32
      %dma_start3A_128 = arith.constant 0 : i32
      %dma_start3A_129 = tpu.memref_slice %arg7[%dma_start3A_126, %dma_start3A_127, %dma_start3A_128] : memref<13x128x16xf32, #tpu.memory_space<vmem>> -> memref<1x128x16xf32, #tpu.memory_space<vmem>>
      %dma_start3A_130 = tpu.memref_squeeze %dma_start3A_129 : memref<1x128x16xf32, #tpu.memory_space<vmem>> -> memref<128x16xf32, #tpu.memory_space<vmem>>
      %dma_start3A_131 = arith.constant 0 : i32
      %dma_start3A_132 = tpu.memref_slice %arg8[%dma_start3A_125, %dma_start3A_131] : memref<13x128xi32, #tpu.memory_space<vmem>> -> memref<1x128xi32, #tpu.memory_space<vmem>>
      %dma_start3A_133 = tpu.memref_squeeze %dma_start3A_132 : memref<1x128xi32, #tpu.memory_space<vmem>> -> memref<128xi32, #tpu.memory_space<vmem>>
      %dma_start3A_134 = arith.constant 0 : i32
      %dma_start3A_135 = arith.constant 0 : i32
      %dma_start3A_136 = tpu.memref_slice %arg2[%dma_start3A_134, %dma_start3A_135] : memref<100000x16xf32, #tpu.memory_space<hbm>> -> memref<100000x16xf32, #tpu.memory_space<hbm>>
      tpu.enqueue_indirect_dma source(%dma_start3A_136 : memref<100000x16xf32, #tpu.memory_space<hbm>>) target(%dma_start3A_130 : memref<128x16xf32, #tpu.memory_space<vmem>>) offsets(%dma_start3A_133 : memref<128xi32, #tpu.memory_space<vmem>>) semaphore(%arg11 : memref<!tpu.dma_semaphore, #tpu.memory_space<semaphore_mem>>)
      %dma_start3A_137 = arith.constant 8 : i32
      %dma_start3A_138 = arith.constant 8 : i32
      %dma_start3A_139 = arith.constant 0 : i32
      %dma_start3A_140 = arith.constant 0 : i32
      %dma_start3A_141 = tpu.memref_slice %arg7[%dma_start3A_138, %dma_start3A_139, %dma_start3A_140] : memref<13x128x16xf32, #tpu.memory_space<vmem>> -> memref<1x128x16xf32, #tpu.memory_space<vmem>>
      %dma_start3A_142 = tpu.memref_squeeze %dma_start3A_141 : memref<1x128x16xf32, #tpu.memory_space<vmem>> -> memref<128x16xf32, #tpu.memory_space<vmem>>
      %dma_start3A_143 = arith.constant 0 : i32
      %dma_start3A_144 = tpu.memref_slice %arg8[%dma_start3A_137, %dma_start3A_143] : memref<13x128xi32, #tpu.memory_space<vmem>> -> memref<1x128xi32, #tpu.memory_space<vmem>>
      %dma_start3A_145 = tpu.memref_squeeze %dma_start3A_144 : memref<1x128xi32, #tpu.memory_space<vmem>> -> memref<128xi32, #tpu.memory_space<vmem>>
      %dma_start3A_146 = arith.constant 0 : i32
      %dma_start3A_147 = arith.constant 0 : i32
      %dma_start3A_148 = tpu.memref_slice %arg2[%dma_start3A_146, %dma_start3A_147] : memref<100000x16xf32, #tpu.memory_space<hbm>> -> memref<100000x16xf32, #tpu.memory_space<hbm>>
      tpu.enqueue_indirect_dma source(%dma_start3A_148 : memref<100000x16xf32, #tpu.memory_space<hbm>>) target(%dma_start3A_142 : memref<128x16xf32, #tpu.memory_space<vmem>>) offsets(%dma_start3A_145 : memref<128xi32, #tpu.memory_space<vmem>>) semaphore(%arg11 : memref<!tpu.dma_semaphore, #tpu.memory_space<semaphore_mem>>)
      %dma_start3A_149 = arith.constant 9 : i32
      %dma_start3A_150 = arith.constant 9 : i32
      %dma_start3A_151 = arith.constant 0 : i32
      %dma_start3A_152 = arith.constant 0 : i32
      %dma_start3A_153 = tpu.memref_slice %arg7[%dma_start3A_150, %dma_start3A_151, %dma_start3A_152] : memref<13x128x16xf32, #tpu.memory_space<vmem>> -> memref<1x128x16xf32, #tpu.memory_space<vmem>>
      %dma_start3A_154 = tpu.memref_squeeze %dma_start3A_153 : memref<1x128x16xf32, #tpu.memory_space<vmem>> -> memref<128x16xf32, #tpu.memory_space<vmem>>
      %dma_start3A_155 = arith.constant 0 : i32
      %dma_start3A_156 = tpu.memref_slice %arg8[%dma_start3A_149, %dma_start3A_155] : memref<13x128xi32, #tpu.memory_space<vmem>> -> memref<1x128xi32, #tpu.memory_space<vmem>>
      %dma_start3A_157 = tpu.memref_squeeze %dma_start3A_156 : memref<1x128xi32, #tpu.memory_space<vmem>> -> memref<128xi32, #tpu.memory_space<vmem>>
      %dma_start3A_158 = arith.constant 0 : i32
      %dma_start3A_159 = arith.constant 0 : i32
      %dma_start3A_160 = tpu.memref_slice %arg2[%dma_start3A_158, %dma_start3A_159] : memref<100000x16xf32, #tpu.memory_space<hbm>> -> memref<100000x16xf32, #tpu.memory_space<hbm>>
      tpu.enqueue_indirect_dma source(%dma_start3A_160 : memref<100000x16xf32, #tpu.memory_space<hbm>>) target(%dma_start3A_154 : memref<128x16xf32, #tpu.memory_space<vmem>>) offsets(%dma_start3A_157 : memref<128xi32, #tpu.memory_space<vmem>>) semaphore(%arg11 : memref<!tpu.dma_semaphore, #tpu.memory_space<semaphore_mem>>)
      %dma_start3A_161 = arith.constant 10 : i32
      %dma_start3A_162 = arith.constant 10 : i32
      %dma_start3A_163 = arith.constant 0 : i32
      %dma_start3A_164 = arith.constant 0 : i32
      %dma_start3A_165 = tpu.memref_slice %arg7[%dma_start3A_162, %dma_start3A_163, %dma_start3A_164] : memref<13x128x16xf32, #tpu.memory_space<vmem>> -> memref<1x128x16xf32, #tpu.memory_space<vmem>>
      %dma_start3A_166 = tpu.memref_squeeze %dma_start3A_165 : memref<1x128x16xf32, #tpu.memory_space<vmem>> -> memref<128x16xf32, #tpu.memory_space<vmem>>
      %dma_start3A_167 = arith.constant 0 : i32
      %dma_start3A_168 = tpu.memref_slice %arg8[%dma_start3A_161, %dma_start3A_167] : memref<13x128xi32, #tpu.memory_space<vmem>> -> memref<1x128xi32, #tpu.memory_space<vmem>>
      %dma_start3A_169 = tpu.memref_squeeze %dma_start3A_168 : memref<1x128xi32, #tpu.memory_space<vmem>> -> memref<128xi32, #tpu.memory_space<vmem>>
      %dma_start3A_170 = arith.constant 0 : i32
      %dma_start3A_171 = arith.constant 0 : i32
      %dma_start3A_172 = tpu.memref_slice %arg2[%dma_start3A_170, %dma_start3A_171] : memref<100000x16xf32, #tpu.memory_space<hbm>> -> memref<100000x16xf32, #tpu.memory_space<hbm>>
      tpu.enqueue_indirect_dma source(%dma_start3A_172 : memref<100000x16xf32, #tpu.memory_space<hbm>>) target(%dma_start3A_166 : memref<128x16xf32, #tpu.memory_space<vmem>>) offsets(%dma_start3A_169 : memref<128xi32, #tpu.memory_space<vmem>>) semaphore(%arg11 : memref<!tpu.dma_semaphore, #tpu.memory_space<semaphore_mem>>)
      %dma_start3A_173 = arith.constant 11 : i32
      %dma_start3A_174 = arith.constant 11 : i32
      %dma_start3A_175 = arith.constant 0 : i32
      %dma_start3A_176 = arith.constant 0 : i32
      %dma_start3A_177 = tpu.memref_slice %arg7[%dma_start3A_174, %dma_start3A_175, %dma_start3A_176] : memref<13x128x16xf32, #tpu.memory_space<vmem>> -> memref<1x128x16xf32, #tpu.memory_space<vmem>>
      %dma_start3A_178 = tpu.memref_squeeze %dma_start3A_177 : memref<1x128x16xf32, #tpu.memory_space<vmem>> -> memref<128x16xf32, #tpu.memory_space<vmem>>
      %dma_start3A_179 = arith.constant 0 : i32
      %dma_start3A_180 = tpu.memref_slice %arg8[%dma_start3A_173, %dma_start3A_179] : memref<13x128xi32, #tpu.memory_space<vmem>> -> memref<1x128xi32, #tpu.memory_space<vmem>>
      %dma_start3A_181 = tpu.memref_squeeze %dma_start3A_180 : memref<1x128xi32, #tpu.memory_space<vmem>> -> memref<128xi32, #tpu.memory_space<vmem>>
      %dma_start3A_182 = arith.constant 0 : i32
      %dma_start3A_183 = arith.constant 0 : i32
      %dma_start3A_184 = tpu.memref_slice %arg2[%dma_start3A_182, %dma_start3A_183] : memref<100000x16xf32, #tpu.memory_space<hbm>> -> memref<100000x16xf32, #tpu.memory_space<hbm>>
      tpu.enqueue_indirect_dma source(%dma_start3A_184 : memref<100000x16xf32, #tpu.memory_space<hbm>>) target(%dma_start3A_178 : memref<128x16xf32, #tpu.memory_space<vmem>>) offsets(%dma_start3A_181 : memref<128xi32, #tpu.memory_space<vmem>>) semaphore(%arg11 : memref<!tpu.dma_semaphore, #tpu.memory_space<semaphore_mem>>)
      %dma_start3A_185 = arith.constant 12 : i32
      %dma_start3A_186 = arith.constant 12 : i32
      %dma_start3A_187 = arith.constant 0 : i32
      %dma_start3A_188 = arith.constant 0 : i32
      %dma_start3A_189 = tpu.memref_slice %arg7[%dma_start3A_186, %dma_start3A_187, %dma_start3A_188] : memref<13x128x16xf32, #tpu.memory_space<vmem>> -> memref<1x128x16xf32, #tpu.memory_space<vmem>>
      %dma_start3A_190 = tpu.memref_squeeze %dma_start3A_189 : memref<1x128x16xf32, #tpu.memory_space<vmem>> -> memref<128x16xf32, #tpu.memory_space<vmem>>
      %dma_start3A_191 = arith.constant 0 : i32
      %dma_start3A_192 = tpu.memref_slice %arg8[%dma_start3A_185, %dma_start3A_191] : memref<13x128xi32, #tpu.memory_space<vmem>> -> memref<1x128xi32, #tpu.memory_space<vmem>>
      %dma_start3A_193 = tpu.memref_squeeze %dma_start3A_192 : memref<1x128xi32, #tpu.memory_space<vmem>> -> memref<128xi32, #tpu.memory_space<vmem>>
      %dma_start3A_194 = arith.constant 0 : i32
      %dma_start3A_195 = arith.constant 0 : i32
      %dma_start3A_196 = tpu.memref_slice %arg2[%dma_start3A_194, %dma_start3A_195] : memref<100000x16xf32, #tpu.memory_space<hbm>> -> memref<100000x16xf32, #tpu.memory_space<hbm>>
      tpu.enqueue_indirect_dma source(%dma_start3A_196 : memref<100000x16xf32, #tpu.memory_space<hbm>>) target(%dma_start3A_190 : memref<128x16xf32, #tpu.memory_space<vmem>>) offsets(%dma_start3A_193 : memref<128xi32, #tpu.memory_space<vmem>>) semaphore(%arg11 : memref<!tpu.dma_semaphore, #tpu.memory_space<semaphore_mem>>)
      %dma_wait3A_197 = arith.constant 1 : i32
      %dma_wait3A_198 = arith.constant 0 : i32
      %dma_wait3A_199 = tpu.memref_slice %arg3[%dma_wait3A_197, %add3A_21, %dma_wait3A_198] : memref<2x12500x128xi32, #tpu.memory_space<hbm>> -> memref<1x13x128xi32, #tpu.memory_space<hbm>>
      %dma_wait3A_200 = tpu.memref_squeeze %dma_wait3A_199 : memref<1x13x128xi32, #tpu.memory_space<hbm>> -> memref<13x128xi32, #tpu.memory_space<hbm>>
      %dma_wait3A_201 = arith.constant 0 : i32
      %dma_wait3A_202 = tpu.memref_slice %arg3[%dma_wait3A_197, %add3A_21, %dma_wait3A_201] : memref<2x12500x128xi32, #tpu.memory_space<hbm>> -> memref<1x13x128xi32, #tpu.memory_space<hbm>>
      %dma_wait3A_203 = tpu.memref_squeeze %dma_wait3A_202 : memref<1x13x128xi32, #tpu.memory_space<hbm>> -> memref<13x128xi32, #tpu.memory_space<hbm>>
      tpu.wait_dma2 semaphore(%arg10 : memref<!tpu.dma_semaphore, #tpu.memory_space<semaphore_mem>>) src(%dma_wait3A_203 : memref<13x128xi32, #tpu.memory_space<hbm>>) dst(%arg9 : memref<13x128xi32, #tpu.memory_space<vmem>>)
      %dma_wait3A_204 = arith.constant 0 : i32
      %dma_wait3A_205 = arith.constant 0 : i32
      %dma_wait3A_206 = arith.constant 0 : i32
      %dma_wait3A_207 = arith.constant 0 : i32
      %dma_wait3A_208 = tpu.memref_slice %arg7[%dma_wait3A_205, %dma_wait3A_206, %dma_wait3A_207] : memref<13x128x16xf32, #tpu.memory_space<vmem>> -> memref<1x128x16xf32, #tpu.memory_space<vmem>>
      %dma_wait3A_209 = tpu.memref_squeeze %dma_wait3A_208 : memref<1x128x16xf32, #tpu.memory_space<vmem>> -> memref<128x16xf32, #tpu.memory_space<vmem>>
      %dma_wait3A_210 = arith.constant 0 : i32
      %dma_wait3A_211 = tpu.memref_slice %arg8[%dma_wait3A_204, %dma_wait3A_210] : memref<13x128xi32, #tpu.memory_space<vmem>> -> memref<1x128xi32, #tpu.memory_space<vmem>>
      %dma_wait3A_212 = tpu.memref_squeeze %dma_wait3A_211 : memref<1x128xi32, #tpu.memory_space<vmem>> -> memref<128xi32, #tpu.memory_space<vmem>>
      %dma_wait3A_213 = arith.constant 0 : i32
      %dma_wait3A_214 = arith.constant 0 : i32
      %dma_wait3A_215 = tpu.memref_slice %arg2[%dma_wait3A_213, %dma_wait3A_214] : memref<100000x16xf32, #tpu.memory_space<hbm>> -> memref<100000x16xf32, #tpu.memory_space<hbm>>
      tpu.wait_indirect_dma semaphore(%arg11 : memref<!tpu.dma_semaphore, #tpu.memory_space<semaphore_mem>>) src(%dma_wait3A_215 : memref<100000x16xf32, #tpu.memory_space<hbm>>) dst(%dma_wait3A_209 : memref<128x16xf32, #tpu.memory_space<vmem>>)
      %dma_start3A_216 = arith.constant 0 : i32
      %dma_start3A_217 = arith.constant 0 : i32
      %dma_start3A_218 = arith.constant 0 : i32
      %dma_start3A_219 = arith.constant 0 : i32
      %dma_start3A_220 = tpu.memref_slice %arg7[%dma_start3A_216, %dma_start3A_218, %dma_start3A_219] : memref<13x128x16xf32, #tpu.memory_space<vmem>> -> memref<1x128x16xf32, #tpu.memory_space<vmem>>
      %dma_start3A_221 = tpu.memref_squeeze %dma_start3A_220 : memref<1x128x16xf32, #tpu.memory_space<vmem>> -> memref<128x16xf32, #tpu.memory_space<vmem>>
      %dma_start3A_222 = arith.constant 0 : i32
      %dma_start3A_223 = tpu.memref_slice %arg9[%dma_start3A_217, %dma_start3A_222] : memref<13x128xi32, #tpu.memory_space<vmem>> -> memref<1x128xi32, #tpu.memory_space<vmem>>
      %dma_start3A_224 = tpu.memref_squeeze %dma_start3A_223 : memref<1x128xi32, #tpu.memory_space<vmem>> -> memref<128xi32, #tpu.memory_space<vmem>>
      %dma_start3A_225 = arith.constant 0 : i32
      %dma_start3A_226 = arith.constant 0 : i32
      %dma_start3A_227 = tpu.memref_slice %arg6[%dma_start3A_225, %dma_start3A_226] : memref<100000x16xf32, #tpu.memory_space<vmem_shared>> -> memref<100000x16xf32, #tpu.memory_space<vmem_shared>>
      tpu.enqueue_indirect_dma source(%dma_start3A_221 : memref<128x16xf32, #tpu.memory_space<vmem>>) target(%dma_start3A_227 : memref<100000x16xf32, #tpu.memory_space<vmem_shared>>) offsets(%dma_start3A_224 : memref<128xi32, #tpu.memory_space<vmem>>) semaphore(%arg12 : memref<!tpu.dma_semaphore, #tpu.memory_space<semaphore_mem>>) {add = true}
      %dma_wait3A_228 = arith.constant 1 : i32
      %dma_wait3A_229 = arith.constant 1 : i32
      %dma_wait3A_230 = arith.constant 0 : i32
      %dma_wait3A_231 = arith.constant 0 : i32
      %dma_wait3A_232 = tpu.memref_slice %arg7[%dma_wait3A_229, %dma_wait3A_230, %dma_wait3A_231] : memref<13x128x16xf32, #tpu.memory_space<vmem>> -> memref<1x128x16xf32, #tpu.memory_space<vmem>>
      %dma_wait3A_233 = tpu.memref_squeeze %dma_wait3A_232 : memref<1x128x16xf32, #tpu.memory_space<vmem>> -> memref<128x16xf32, #tpu.memory_space<vmem>>
      %dma_wait3A_234 = arith.constant 0 : i32
      %dma_wait3A_235 = tpu.memref_slice %arg8[%dma_wait3A_228, %dma_wait3A_234] : memref<13x128xi32, #tpu.memory_space<vmem>> -> memref<1x128xi32, #tpu.memory_space<vmem>>
      %dma_wait3A_236 = tpu.memref_squeeze %dma_wait3A_235 : memref<1x128xi32, #tpu.memory_space<vmem>> -> memref<128xi32, #tpu.memory_space<vmem>>
      %dma_wait3A_237 = arith.constant 0 : i32
      %dma_wait3A_238 = arith.constant 0 : i32
      %dma_wait3A_239 = tpu.memref_slice %arg2[%dma_wait3A_237, %dma_wait3A_238] : memref<100000x16xf32, #tpu.memory_space<hbm>> -> memref<100000x16xf32, #tpu.memory_space<hbm>>
      tpu.wait_indirect_dma semaphore(%arg11 : memref<!tpu.dma_semaphore, #tpu.memory_space<semaphore_mem>>) src(%dma_wait3A_239 : memref<100000x16xf32, #tpu.memory_space<hbm>>) dst(%dma_wait3A_233 : memref<128x16xf32, #tpu.memory_space<vmem>>)
      %dma_start3A_240 = arith.constant 1 : i32
      %dma_start3A_241 = arith.constant 1 : i32
      %dma_start3A_242 = arith.constant 0 : i32
      %dma_start3A_243 = arith.constant 0 : i32
      %dma_start3A_244 = tpu.memref_slice %arg7[%dma_start3A_240, %dma_start3A_242, %dma_start3A_243] : memref<13x128x16xf32, #tpu.memory_space<vmem>> -> memref<1x128x16xf32, #tpu.memory_space<vmem>>
      %dma_start3A_245 = tpu.memref_squeeze %dma_start3A_244 : memref<1x128x16xf32, #tpu.memory_space<vmem>> -> memref<128x16xf32, #tpu.memory_space<vmem>>
      %dma_start3A_246 = arith.constant 0 : i32
      %dma_start3A_247 = tpu.memref_slice %arg9[%dma_start3A_241, %dma_start3A_246] : memref<13x128xi32, #tpu.memory_space<vmem>> -> memref<1x128xi32, #tpu.memory_space<vmem>>
      %dma_start3A_248 = tpu.memref_squeeze %dma_start3A_247 : memref<1x128xi32, #tpu.memory_space<vmem>> -> memref<128xi32, #tpu.memory_space<vmem>>
      %dma_start3A_249 = arith.constant 0 : i32
      %dma_start3A_250 = arith.constant 0 : i32
      %dma_start3A_251 = tpu.memref_slice %arg6[%dma_start3A_249, %dma_start3A_250] : memref<100000x16xf32, #tpu.memory_space<vmem_shared>> -> memref<100000x16xf32, #tpu.memory_space<vmem_shared>>
      tpu.enqueue_indirect_dma source(%dma_start3A_245 : memref<128x16xf32, #tpu.memory_space<vmem>>) target(%dma_start3A_251 : memref<100000x16xf32, #tpu.memory_space<vmem_shared>>) offsets(%dma_start3A_248 : memref<128xi32, #tpu.memory_space<vmem>>) semaphore(%arg12 : memref<!tpu.dma_semaphore, #tpu.memory_space<semaphore_mem>>) {add = true}
      %dma_wait3A_252 = arith.constant 2 : i32
      %dma_wait3A_253 = arith.constant 2 : i32
      %dma_wait3A_254 = arith.constant 0 : i32
      %dma_wait3A_255 = arith.constant 0 : i32
      %dma_wait3A_256 = tpu.memref_slice %arg7[%dma_wait3A_253, %dma_wait3A_254, %dma_wait3A_255] : memref<13x128x16xf32, #tpu.memory_space<vmem>> -> memref<1x128x16xf32, #tpu.memory_space<vmem>>
      %dma_wait3A_257 = tpu.memref_squeeze %dma_wait3A_256 : memref<1x128x16xf32, #tpu.memory_space<vmem>> -> memref<128x16xf32, #tpu.memory_space<vmem>>
      %dma_wait3A_258 = arith.constant 0 : i32
      %dma_wait3A_259 = tpu.memref_slice %arg8[%dma_wait3A_252, %dma_wait3A_258] : memref<13x128xi32, #tpu.memory_space<vmem>> -> memref<1x128xi32, #tpu.memory_space<vmem>>
      %dma_wait3A_260 = tpu.memref_squeeze %dma_wait3A_259 : memref<1x128xi32, #tpu.memory_space<vmem>> -> memref<128xi32, #tpu.memory_space<vmem>>
      %dma_wait3A_261 = arith.constant 0 : i32
      %dma_wait3A_262 = arith.constant 0 : i32
      %dma_wait3A_263 = tpu.memref_slice %arg2[%dma_wait3A_261, %dma_wait3A_262] : memref<100000x16xf32, #tpu.memory_space<hbm>> -> memref<100000x16xf32, #tpu.memory_space<hbm>>
      tpu.wait_indirect_dma semaphore(%arg11 : memref<!tpu.dma_semaphore, #tpu.memory_space<semaphore_mem>>) src(%dma_wait3A_263 : memref<100000x16xf32, #tpu.memory_space<hbm>>) dst(%dma_wait3A_257 : memref<128x16xf32, #tpu.memory_space<vmem>>)
      %dma_start3A_264 = arith.constant 2 : i32
      %dma_start3A_265 = arith.constant 2 : i32
      %dma_start3A_266 = arith.constant 0 : i32
      %dma_start3A_267 = arith.constant 0 : i32
      %dma_start3A_268 = tpu.memref_slice %arg7[%dma_start3A_264, %dma_start3A_266, %dma_start3A_267] : memref<13x128x16xf32, #tpu.memory_space<vmem>> -> memref<1x128x16xf32, #tpu.memory_space<vmem>>
      %dma_start3A_269 = tpu.memref_squeeze %dma_start3A_268 : memref<1x128x16xf32, #tpu.memory_space<vmem>> -> memref<128x16xf32, #tpu.memory_space<vmem>>
      %dma_start3A_270 = arith.constant 0 : i32
      %dma_start3A_271 = tpu.memref_slice %arg9[%dma_start3A_265, %dma_start3A_270] : memref<13x128xi32, #tpu.memory_space<vmem>> -> memref<1x128xi32, #tpu.memory_space<vmem>>
      %dma_start3A_272 = tpu.memref_squeeze %dma_start3A_271 : memref<1x128xi32, #tpu.memory_space<vmem>> -> memref<128xi32, #tpu.memory_space<vmem>>
      %dma_start3A_273 = arith.constant 0 : i32
      %dma_start3A_274 = arith.constant 0 : i32
      %dma_start3A_275 = tpu.memref_slice %arg6[%dma_start3A_273, %dma_start3A_274] : memref<100000x16xf32, #tpu.memory_space<vmem_shared>> -> memref<100000x16xf32, #tpu.memory_space<vmem_shared>>
      tpu.enqueue_indirect_dma source(%dma_start3A_269 : memref<128x16xf32, #tpu.memory_space<vmem>>) target(%dma_start3A_275 : memref<100000x16xf32, #tpu.memory_space<vmem_shared>>) offsets(%dma_start3A_272 : memref<128xi32, #tpu.memory_space<vmem>>) semaphore(%arg12 : memref<!tpu.dma_semaphore, #tpu.memory_space<semaphore_mem>>) {add = true}
      %dma_wait3A_276 = arith.constant 3 : i32
      %dma_wait3A_277 = arith.constant 3 : i32
      %dma_wait3A_278 = arith.constant 0 : i32
      %dma_wait3A_279 = arith.constant 0 : i32
      %dma_wait3A_280 = tpu.memref_slice %arg7[%dma_wait3A_277, %dma_wait3A_278, %dma_wait3A_279] : memref<13x128x16xf32, #tpu.memory_space<vmem>> -> memref<1x128x16xf32, #tpu.memory_space<vmem>>
      %dma_wait3A_281 = tpu.memref_squeeze %dma_wait3A_280 : memref<1x128x16xf32, #tpu.memory_space<vmem>> -> memref<128x16xf32, #tpu.memory_space<vmem>>
      %dma_wait3A_282 = arith.constant 0 : i32
      %dma_wait3A_283 = tpu.memref_slice %arg8[%dma_wait3A_276, %dma_wait3A_282] : memref<13x128xi32, #tpu.memory_space<vmem>> -> memref<1x128xi32, #tpu.memory_space<vmem>>
      %dma_wait3A_284 = tpu.memref_squeeze %dma_wait3A_283 : memref<1x128xi32, #tpu.memory_space<vmem>> -> memref<128xi32, #tpu.memory_space<vmem>>
      %dma_wait3A_285 = arith.constant 0 : i32
      %dma_wait3A_286 = arith.constant 0 : i32
      %dma_wait3A_287 = tpu.memref_slice %arg2[%dma_wait3A_285, %dma_wait3A_286] : memref<100000x16xf32, #tpu.memory_space<hbm>> -> memref<100000x16xf32, #tpu.memory_space<hbm>>
      tpu.wait_indirect_dma semaphore(%arg11 : memref<!tpu.dma_semaphore, #tpu.memory_space<semaphore_mem>>) src(%dma_wait3A_287 : memref<100000x16xf32, #tpu.memory_space<hbm>>) dst(%dma_wait3A_281 : memref<128x16xf32, #tpu.memory_space<vmem>>)
      %dma_start3A_288 = arith.constant 3 : i32
      %dma_start3A_289 = arith.constant 3 : i32
      %dma_start3A_290 = arith.constant 0 : i32
      %dma_start3A_291 = arith.constant 0 : i32
      %dma_start3A_292 = tpu.memref_slice %arg7[%dma_start3A_288, %dma_start3A_290, %dma_start3A_291] : memref<13x128x16xf32, #tpu.memory_space<vmem>> -> memref<1x128x16xf32, #tpu.memory_space<vmem>>
      %dma_start3A_293 = tpu.memref_squeeze %dma_start3A_292 : memref<1x128x16xf32, #tpu.memory_space<vmem>> -> memref<128x16xf32, #tpu.memory_space<vmem>>
      %dma_start3A_294 = arith.constant 0 : i32
      %dma_start3A_295 = tpu.memref_slice %arg9[%dma_start3A_289, %dma_start3A_294] : memref<13x128xi32, #tpu.memory_space<vmem>> -> memref<1x128xi32, #tpu.memory_space<vmem>>
      %dma_start3A_296 = tpu.memref_squeeze %dma_start3A_295 : memref<1x128xi32, #tpu.memory_space<vmem>> -> memref<128xi32, #tpu.memory_space<vmem>>
      %dma_start3A_297 = arith.constant 0 : i32
      %dma_start3A_298 = arith.constant 0 : i32
      %dma_start3A_299 = tpu.memref_slice %arg6[%dma_start3A_297, %dma_start3A_298] : memref<100000x16xf32, #tpu.memory_space<vmem_shared>> -> memref<100000x16xf32, #tpu.memory_space<vmem_shared>>
      tpu.enqueue_indirect_dma source(%dma_start3A_293 : memref<128x16xf32, #tpu.memory_space<vmem>>) target(%dma_start3A_299 : memref<100000x16xf32, #tpu.memory_space<vmem_shared>>) offsets(%dma_start3A_296 : memref<128xi32, #tpu.memory_space<vmem>>) semaphore(%arg12 : memref<!tpu.dma_semaphore, #tpu.memory_space<semaphore_mem>>) {add = true}
      %dma_wait3A_300 = arith.constant 4 : i32
      %dma_wait3A_301 = arith.constant 4 : i32
      %dma_wait3A_302 = arith.constant 0 : i32
      %dma_wait3A_303 = arith.constant 0 : i32
      %dma_wait3A_304 = tpu.memref_slice %arg7[%dma_wait3A_301, %dma_wait3A_302, %dma_wait3A_303] : memref<13x128x16xf32, #tpu.memory_space<vmem>> -> memref<1x128x16xf32, #tpu.memory_space<vmem>>
      %dma_wait3A_305 = tpu.memref_squeeze %dma_wait3A_304 : memref<1x128x16xf32, #tpu.memory_space<vmem>> -> memref<128x16xf32, #tpu.memory_space<vmem>>
      %dma_wait3A_306 = arith.constant 0 : i32
      %dma_wait3A_307 = tpu.memref_slice %arg8[%dma_wait3A_300, %dma_wait3A_306] : memref<13x128xi32, #tpu.memory_space<vmem>> -> memref<1x128xi32, #tpu.memory_space<vmem>>
      %dma_wait3A_308 = tpu.memref_squeeze %dma_wait3A_307 : memref<1x128xi32, #tpu.memory_space<vmem>> -> memref<128xi32, #tpu.memory_space<vmem>>
      %dma_wait3A_309 = arith.constant 0 : i32
      %dma_wait3A_310 = arith.constant 0 : i32
      %dma_wait3A_311 = tpu.memref_slice %arg2[%dma_wait3A_309, %dma_wait3A_310] : memref<100000x16xf32, #tpu.memory_space<hbm>> -> memref<100000x16xf32, #tpu.memory_space<hbm>>
      tpu.wait_indirect_dma semaphore(%arg11 : memref<!tpu.dma_semaphore, #tpu.memory_space<semaphore_mem>>) src(%dma_wait3A_311 : memref<100000x16xf32, #tpu.memory_space<hbm>>) dst(%dma_wait3A_305 : memref<128x16xf32, #tpu.memory_space<vmem>>)
      %dma_start3A_312 = arith.constant 4 : i32
      %dma_start3A_313 = arith.constant 4 : i32
      %dma_start3A_314 = arith.constant 0 : i32
      %dma_start3A_315 = arith.constant 0 : i32
      %dma_start3A_316 = tpu.memref_slice %arg7[%dma_start3A_312, %dma_start3A_314, %dma_start3A_315] : memref<13x128x16xf32, #tpu.memory_space<vmem>> -> memref<1x128x16xf32, #tpu.memory_space<vmem>>
      %dma_start3A_317 = tpu.memref_squeeze %dma_start3A_316 : memref<1x128x16xf32, #tpu.memory_space<vmem>> -> memref<128x16xf32, #tpu.memory_space<vmem>>
      %dma_start3A_318 = arith.constant 0 : i32
      %dma_start3A_319 = tpu.memref_slice %arg9[%dma_start3A_313, %dma_start3A_318] : memref<13x128xi32, #tpu.memory_space<vmem>> -> memref<1x128xi32, #tpu.memory_space<vmem>>
      %dma_start3A_320 = tpu.memref_squeeze %dma_start3A_319 : memref<1x128xi32, #tpu.memory_space<vmem>> -> memref<128xi32, #tpu.memory_space<vmem>>
      %dma_start3A_321 = arith.constant 0 : i32
      %dma_start3A_322 = arith.constant 0 : i32
      %dma_start3A_323 = tpu.memref_slice %arg6[%dma_start3A_321, %dma_start3A_322] : memref<100000x16xf32, #tpu.memory_space<vmem_shared>> -> memref<100000x16xf32, #tpu.memory_space<vmem_shared>>
      tpu.enqueue_indirect_dma source(%dma_start3A_317 : memref<128x16xf32, #tpu.memory_space<vmem>>) target(%dma_start3A_323 : memref<100000x16xf32, #tpu.memory_space<vmem_shared>>) offsets(%dma_start3A_320 : memref<128xi32, #tpu.memory_space<vmem>>) semaphore(%arg12 : memref<!tpu.dma_semaphore, #tpu.memory_space<semaphore_mem>>) {add = true}
      %dma_wait3A_324 = arith.constant 5 : i32
      %dma_wait3A_325 = arith.constant 5 : i32
      %dma_wait3A_326 = arith.constant 0 : i32
      %dma_wait3A_327 = arith.constant 0 : i32
      %dma_wait3A_328 = tpu.memref_slice %arg7[%dma_wait3A_325, %dma_wait3A_326, %dma_wait3A_327] : memref<13x128x16xf32, #tpu.memory_space<vmem>> -> memref<1x128x16xf32, #tpu.memory_space<vmem>>
      %dma_wait3A_329 = tpu.memref_squeeze %dma_wait3A_328 : memref<1x128x16xf32, #tpu.memory_space<vmem>> -> memref<128x16xf32, #tpu.memory_space<vmem>>
      %dma_wait3A_330 = arith.constant 0 : i32
      %dma_wait3A_331 = tpu.memref_slice %arg8[%dma_wait3A_324, %dma_wait3A_330] : memref<13x128xi32, #tpu.memory_space<vmem>> -> memref<1x128xi32, #tpu.memory_space<vmem>>
      %dma_wait3A_332 = tpu.memref_squeeze %dma_wait3A_331 : memref<1x128xi32, #tpu.memory_space<vmem>> -> memref<128xi32, #tpu.memory_space<vmem>>
      %dma_wait3A_333 = arith.constant 0 : i32
      %dma_wait3A_334 = arith.constant 0 : i32
      %dma_wait3A_335 = tpu.memref_slice %arg2[%dma_wait3A_333, %dma_wait3A_334] : memref<100000x16xf32, #tpu.memory_space<hbm>> -> memref<100000x16xf32, #tpu.memory_space<hbm>>
      tpu.wait_indirect_dma semaphore(%arg11 : memref<!tpu.dma_semaphore, #tpu.memory_space<semaphore_mem>>) src(%dma_wait3A_335 : memref<100000x16xf32, #tpu.memory_space<hbm>>) dst(%dma_wait3A_329 : memref<128x16xf32, #tpu.memory_space<vmem>>)
      %dma_start3A_336 = arith.constant 5 : i32
      %dma_start3A_337 = arith.constant 5 : i32
      %dma_start3A_338 = arith.constant 0 : i32
      %dma_start3A_339 = arith.constant 0 : i32
      %dma_start3A_340 = tpu.memref_slice %arg7[%dma_start3A_336, %dma_start3A_338, %dma_start3A_339] : memref<13x128x16xf32, #tpu.memory_space<vmem>> -> memref<1x128x16xf32, #tpu.memory_space<vmem>>
      %dma_start3A_341 = tpu.memref_squeeze %dma_start3A_340 : memref<1x128x16xf32, #tpu.memory_space<vmem>> -> memref<128x16xf32, #tpu.memory_space<vmem>>
      %dma_start3A_342 = arith.constant 0 : i32
      %dma_start3A_343 = tpu.memref_slice %arg9[%dma_start3A_337, %dma_start3A_342] : memref<13x128xi32, #tpu.memory_space<vmem>> -> memref<1x128xi32, #tpu.memory_space<vmem>>
      %dma_start3A_344 = tpu.memref_squeeze %dma_start3A_343 : memref<1x128xi32, #tpu.memory_space<vmem>> -> memref<128xi32, #tpu.memory_space<vmem>>
      %dma_start3A_345 = arith.constant 0 : i32
      %dma_start3A_346 = arith.constant 0 : i32
      %dma_start3A_347 = tpu.memref_slice %arg6[%dma_start3A_345, %dma_start3A_346] : memref<100000x16xf32, #tpu.memory_space<vmem_shared>> -> memref<100000x16xf32, #tpu.memory_space<vmem_shared>>
      tpu.enqueue_indirect_dma source(%dma_start3A_341 : memref<128x16xf32, #tpu.memory_space<vmem>>) target(%dma_start3A_347 : memref<100000x16xf32, #tpu.memory_space<vmem_shared>>) offsets(%dma_start3A_344 : memref<128xi32, #tpu.memory_space<vmem>>) semaphore(%arg12 : memref<!tpu.dma_semaphore, #tpu.memory_space<semaphore_mem>>) {add = true}
      %dma_wait3A_348 = arith.constant 6 : i32
      %dma_wait3A_349 = arith.constant 6 : i32
      %dma_wait3A_350 = arith.constant 0 : i32
      %dma_wait3A_351 = arith.constant 0 : i32
      %dma_wait3A_352 = tpu.memref_slice %arg7[%dma_wait3A_349, %dma_wait3A_350, %dma_wait3A_351] : memref<13x128x16xf32, #tpu.memory_space<vmem>> -> memref<1x128x16xf32, #tpu.memory_space<vmem>>
      %dma_wait3A_353 = tpu.memref_squeeze %dma_wait3A_352 : memref<1x128x16xf32, #tpu.memory_space<vmem>> -> memref<128x16xf32, #tpu.memory_space<vmem>>
      %dma_wait3A_354 = arith.constant 0 : i32
      %dma_wait3A_355 = tpu.memref_slice %arg8[%dma_wait3A_348, %dma_wait3A_354] : memref<13x128xi32, #tpu.memory_space<vmem>> -> memref<1x128xi32, #tpu.memory_space<vmem>>
      %dma_wait3A_356 = tpu.memref_squeeze %dma_wait3A_355 : memref<1x128xi32, #tpu.memory_space<vmem>> -> memref<128xi32, #tpu.memory_space<vmem>>
      %dma_wait3A_357 = arith.constant 0 : i32
      %dma_wait3A_358 = arith.constant 0 : i32
      %dma_wait3A_359 = tpu.memref_slice %arg2[%dma_wait3A_357, %dma_wait3A_358] : memref<100000x16xf32, #tpu.memory_space<hbm>> -> memref<100000x16xf32, #tpu.memory_space<hbm>>
      tpu.wait_indirect_dma semaphore(%arg11 : memref<!tpu.dma_semaphore, #tpu.memory_space<semaphore_mem>>) src(%dma_wait3A_359 : memref<100000x16xf32, #tpu.memory_space<hbm>>) dst(%dma_wait3A_353 : memref<128x16xf32, #tpu.memory_space<vmem>>)
      %dma_start3A_360 = arith.constant 6 : i32
      %dma_start3A_361 = arith.constant 6 : i32
      %dma_start3A_362 = arith.constant 0 : i32
      %dma_start3A_363 = arith.constant 0 : i32
      %dma_start3A_364 = tpu.memref_slice %arg7[%dma_start3A_360, %dma_start3A_362, %dma_start3A_363] : memref<13x128x16xf32, #tpu.memory_space<vmem>> -> memref<1x128x16xf32, #tpu.memory_space<vmem>>
      %dma_start3A_365 = tpu.memref_squeeze %dma_start3A_364 : memref<1x128x16xf32, #tpu.memory_space<vmem>> -> memref<128x16xf32, #tpu.memory_space<vmem>>
      %dma_start3A_366 = arith.constant 0 : i32
      %dma_start3A_367 = tpu.memref_slice %arg9[%dma_start3A_361, %dma_start3A_366] : memref<13x128xi32, #tpu.memory_space<vmem>> -> memref<1x128xi32, #tpu.memory_space<vmem>>
      %dma_start3A_368 = tpu.memref_squeeze %dma_start3A_367 : memref<1x128xi32, #tpu.memory_space<vmem>> -> memref<128xi32, #tpu.memory_space<vmem>>
      %dma_start3A_369 = arith.constant 0 : i32
      %dma_start3A_370 = arith.constant 0 : i32
      %dma_start3A_371 = tpu.memref_slice %arg6[%dma_start3A_369, %dma_start3A_370] : memref<100000x16xf32, #tpu.memory_space<vmem_shared>> -> memref<100000x16xf32, #tpu.memory_space<vmem_shared>>
      tpu.enqueue_indirect_dma source(%dma_start3A_365 : memref<128x16xf32, #tpu.memory_space<vmem>>) target(%dma_start3A_371 : memref<100000x16xf32, #tpu.memory_space<vmem_shared>>) offsets(%dma_start3A_368 : memref<128xi32, #tpu.memory_space<vmem>>) semaphore(%arg12 : memref<!tpu.dma_semaphore, #tpu.memory_space<semaphore_mem>>) {add = true}
      %dma_wait3A_372 = arith.constant 7 : i32
      %dma_wait3A_373 = arith.constant 7 : i32
      %dma_wait3A_374 = arith.constant 0 : i32
      %dma_wait3A_375 = arith.constant 0 : i32
      %dma_wait3A_376 = tpu.memref_slice %arg7[%dma_wait3A_373, %dma_wait3A_374, %dma_wait3A_375] : memref<13x128x16xf32, #tpu.memory_space<vmem>> -> memref<1x128x16xf32, #tpu.memory_space<vmem>>
      %dma_wait3A_377 = tpu.memref_squeeze %dma_wait3A_376 : memref<1x128x16xf32, #tpu.memory_space<vmem>> -> memref<128x16xf32, #tpu.memory_space<vmem>>
      %dma_wait3A_378 = arith.constant 0 : i32
      %dma_wait3A_379 = tpu.memref_slice %arg8[%dma_wait3A_372, %dma_wait3A_378] : memref<13x128xi32, #tpu.memory_space<vmem>> -> memref<1x128xi32, #tpu.memory_space<vmem>>
      %dma_wait3A_380 = tpu.memref_squeeze %dma_wait3A_379 : memref<1x128xi32, #tpu.memory_space<vmem>> -> memref<128xi32, #tpu.memory_space<vmem>>
      %dma_wait3A_381 = arith.constant 0 : i32
      %dma_wait3A_382 = arith.constant 0 : i32
      %dma_wait3A_383 = tpu.memref_slice %arg2[%dma_wait3A_381, %dma_wait3A_382] : memref<100000x16xf32, #tpu.memory_space<hbm>> -> memref<100000x16xf32, #tpu.memory_space<hbm>>
      tpu.wait_indirect_dma semaphore(%arg11 : memref<!tpu.dma_semaphore, #tpu.memory_space<semaphore_mem>>) src(%dma_wait3A_383 : memref<100000x16xf32, #tpu.memory_space<hbm>>) dst(%dma_wait3A_377 : memref<128x16xf32, #tpu.memory_space<vmem>>)
      %dma_start3A_384 = arith.constant 7 : i32
      %dma_start3A_385 = arith.constant 7 : i32
      %dma_start3A_386 = arith.constant 0 : i32
      %dma_start3A_387 = arith.constant 0 : i32
      %dma_start3A_388 = tpu.memref_slice %arg7[%dma_start3A_384, %dma_start3A_386, %dma_start3A_387] : memref<13x128x16xf32, #tpu.memory_space<vmem>> -> memref<1x128x16xf32, #tpu.memory_space<vmem>>
      %dma_start3A_389 = tpu.memref_squeeze %dma_start3A_388 : memref<1x128x16xf32, #tpu.memory_space<vmem>> -> memref<128x16xf32, #tpu.memory_space<vmem>>
      %dma_start3A_390 = arith.constant 0 : i32
      %dma_start3A_391 = tpu.memref_slice %arg9[%dma_start3A_385, %dma_start3A_390] : memref<13x128xi32, #tpu.memory_space<vmem>> -> memref<1x128xi32, #tpu.memory_space<vmem>>
      %dma_start3A_392 = tpu.memref_squeeze %dma_start3A_391 : memref<1x128xi32, #tpu.memory_space<vmem>> -> memref<128xi32, #tpu.memory_space<vmem>>
      %dma_start3A_393 = arith.constant 0 : i32
      %dma_start3A_394 = arith.constant 0 : i32
      %dma_start3A_395 = tpu.memref_slice %arg6[%dma_start3A_393, %dma_start3A_394] : memref<100000x16xf32, #tpu.memory_space<vmem_shared>> -> memref<100000x16xf32, #tpu.memory_space<vmem_shared>>
      tpu.enqueue_indirect_dma source(%dma_start3A_389 : memref<128x16xf32, #tpu.memory_space<vmem>>) target(%dma_start3A_395 : memref<100000x16xf32, #tpu.memory_space<vmem_shared>>) offsets(%dma_start3A_392 : memref<128xi32, #tpu.memory_space<vmem>>) semaphore(%arg12 : memref<!tpu.dma_semaphore, #tpu.memory_space<semaphore_mem>>) {add = true}
      %dma_wait3A_396 = arith.constant 8 : i32
      %dma_wait3A_397 = arith.constant 8 : i32
      %dma_wait3A_398 = arith.constant 0 : i32
      %dma_wait3A_399 = arith.constant 0 : i32
      %dma_wait3A_400 = tpu.memref_slice %arg7[%dma_wait3A_397, %dma_wait3A_398, %dma_wait3A_399] : memref<13x128x16xf32, #tpu.memory_space<vmem>> -> memref<1x128x16xf32, #tpu.memory_space<vmem>>
      %dma_wait3A_401 = tpu.memref_squeeze %dma_wait3A_400 : memref<1x128x16xf32, #tpu.memory_space<vmem>> -> memref<128x16xf32, #tpu.memory_space<vmem>>
      %dma_wait3A_402 = arith.constant 0 : i32
      %dma_wait3A_403 = tpu.memref_slice %arg8[%dma_wait3A_396, %dma_wait3A_402] : memref<13x128xi32, #tpu.memory_space<vmem>> -> memref<1x128xi32, #tpu.memory_space<vmem>>
      %dma_wait3A_404 = tpu.memref_squeeze %dma_wait3A_403 : memref<1x128xi32, #tpu.memory_space<vmem>> -> memref<128xi32, #tpu.memory_space<vmem>>
      %dma_wait3A_405 = arith.constant 0 : i32
      %dma_wait3A_406 = arith.constant 0 : i32
      %dma_wait3A_407 = tpu.memref_slice %arg2[%dma_wait3A_405, %dma_wait3A_406] : memref<100000x16xf32, #tpu.memory_space<hbm>> -> memref<100000x16xf32, #tpu.memory_space<hbm>>
      tpu.wait_indirect_dma semaphore(%arg11 : memref<!tpu.dma_semaphore, #tpu.memory_space<semaphore_mem>>) src(%dma_wait3A_407 : memref<100000x16xf32, #tpu.memory_space<hbm>>) dst(%dma_wait3A_401 : memref<128x16xf32, #tpu.memory_space<vmem>>)
      %dma_start3A_408 = arith.constant 8 : i32
      %dma_start3A_409 = arith.constant 8 : i32
      %dma_start3A_410 = arith.constant 0 : i32
      %dma_start3A_411 = arith.constant 0 : i32
      %dma_start3A_412 = tpu.memref_slice %arg7[%dma_start3A_408, %dma_start3A_410, %dma_start3A_411] : memref<13x128x16xf32, #tpu.memory_space<vmem>> -> memref<1x128x16xf32, #tpu.memory_space<vmem>>
      %dma_start3A_413 = tpu.memref_squeeze %dma_start3A_412 : memref<1x128x16xf32, #tpu.memory_space<vmem>> -> memref<128x16xf32, #tpu.memory_space<vmem>>
      %dma_start3A_414 = arith.constant 0 : i32
      %dma_start3A_415 = tpu.memref_slice %arg9[%dma_start3A_409, %dma_start3A_414] : memref<13x128xi32, #tpu.memory_space<vmem>> -> memref<1x128xi32, #tpu.memory_space<vmem>>
      %dma_start3A_416 = tpu.memref_squeeze %dma_start3A_415 : memref<1x128xi32, #tpu.memory_space<vmem>> -> memref<128xi32, #tpu.memory_space<vmem>>
      %dma_start3A_417 = arith.constant 0 : i32
      %dma_start3A_418 = arith.constant 0 : i32
      %dma_start3A_419 = tpu.memref_slice %arg6[%dma_start3A_417, %dma_start3A_418] : memref<100000x16xf32, #tpu.memory_space<vmem_shared>> -> memref<100000x16xf32, #tpu.memory_space<vmem_shared>>
      tpu.enqueue_indirect_dma source(%dma_start3A_413 : memref<128x16xf32, #tpu.memory_space<vmem>>) target(%dma_start3A_419 : memref<100000x16xf32, #tpu.memory_space<vmem_shared>>) offsets(%dma_start3A_416 : memref<128xi32, #tpu.memory_space<vmem>>) semaphore(%arg12 : memref<!tpu.dma_semaphore, #tpu.memory_space<semaphore_mem>>) {add = true}
      %dma_wait3A_420 = arith.constant 9 : i32
      %dma_wait3A_421 = arith.constant 9 : i32
      %dma_wait3A_422 = arith.constant 0 : i32
      %dma_wait3A_423 = arith.constant 0 : i32
      %dma_wait3A_424 = tpu.memref_slice %arg7[%dma_wait3A_421, %dma_wait3A_422, %dma_wait3A_423] : memref<13x128x16xf32, #tpu.memory_space<vmem>> -> memref<1x128x16xf32, #tpu.memory_space<vmem>>
      %dma_wait3A_425 = tpu.memref_squeeze %dma_wait3A_424 : memref<1x128x16xf32, #tpu.memory_space<vmem>> -> memref<128x16xf32, #tpu.memory_space<vmem>>
      %dma_wait3A_426 = arith.constant 0 : i32
      %dma_wait3A_427 = tpu.memref_slice %arg8[%dma_wait3A_420, %dma_wait3A_426] : memref<13x128xi32, #tpu.memory_space<vmem>> -> memref<1x128xi32, #tpu.memory_space<vmem>>
      %dma_wait3A_428 = tpu.memref_squeeze %dma_wait3A_427 : memref<1x128xi32, #tpu.memory_space<vmem>> -> memref<128xi32, #tpu.memory_space<vmem>>
      %dma_wait3A_429 = arith.constant 0 : i32
      %dma_wait3A_430 = arith.constant 0 : i32
      %dma_wait3A_431 = tpu.memref_slice %arg2[%dma_wait3A_429, %dma_wait3A_430] : memref<100000x16xf32, #tpu.memory_space<hbm>> -> memref<100000x16xf32, #tpu.memory_space<hbm>>
      tpu.wait_indirect_dma semaphore(%arg11 : memref<!tpu.dma_semaphore, #tpu.memory_space<semaphore_mem>>) src(%dma_wait3A_431 : memref<100000x16xf32, #tpu.memory_space<hbm>>) dst(%dma_wait3A_425 : memref<128x16xf32, #tpu.memory_space<vmem>>)
      %dma_start3A_432 = arith.constant 9 : i32
      %dma_start3A_433 = arith.constant 9 : i32
      %dma_start3A_434 = arith.constant 0 : i32
      %dma_start3A_435 = arith.constant 0 : i32
      %dma_start3A_436 = tpu.memref_slice %arg7[%dma_start3A_432, %dma_start3A_434, %dma_start3A_435] : memref<13x128x16xf32, #tpu.memory_space<vmem>> -> memref<1x128x16xf32, #tpu.memory_space<vmem>>
      %dma_start3A_437 = tpu.memref_squeeze %dma_start3A_436 : memref<1x128x16xf32, #tpu.memory_space<vmem>> -> memref<128x16xf32, #tpu.memory_space<vmem>>
      %dma_start3A_438 = arith.constant 0 : i32
      %dma_start3A_439 = tpu.memref_slice %arg9[%dma_start3A_433, %dma_start3A_438] : memref<13x128xi32, #tpu.memory_space<vmem>> -> memref<1x128xi32, #tpu.memory_space<vmem>>
      %dma_start3A_440 = tpu.memref_squeeze %dma_start3A_439 : memref<1x128xi32, #tpu.memory_space<vmem>> -> memref<128xi32, #tpu.memory_space<vmem>>
      %dma_start3A_441 = arith.constant 0 : i32
      %dma_start3A_442 = arith.constant 0 : i32
      %dma_start3A_443 = tpu.memref_slice %arg6[%dma_start3A_441, %dma_start3A_442] : memref<100000x16xf32, #tpu.memory_space<vmem_shared>> -> memref<100000x16xf32, #tpu.memory_space<vmem_shared>>
      tpu.enqueue_indirect_dma source(%dma_start3A_437 : memref<128x16xf32, #tpu.memory_space<vmem>>) target(%dma_start3A_443 : memref<100000x16xf32, #tpu.memory_space<vmem_shared>>) offsets(%dma_start3A_440 : memref<128xi32, #tpu.memory_space<vmem>>) semaphore(%arg12 : memref<!tpu.dma_semaphore, #tpu.memory_space<semaphore_mem>>) {add = true}
      %dma_wait3A_444 = arith.constant 10 : i32
      %dma_wait3A_445 = arith.constant 10 : i32
      %dma_wait3A_446 = arith.constant 0 : i32
      %dma_wait3A_447 = arith.constant 0 : i32
      %dma_wait3A_448 = tpu.memref_slice %arg7[%dma_wait3A_445, %dma_wait3A_446, %dma_wait3A_447] : memref<13x128x16xf32, #tpu.memory_space<vmem>> -> memref<1x128x16xf32, #tpu.memory_space<vmem>>
      %dma_wait3A_449 = tpu.memref_squeeze %dma_wait3A_448 : memref<1x128x16xf32, #tpu.memory_space<vmem>> -> memref<128x16xf32, #tpu.memory_space<vmem>>
      %dma_wait3A_450 = arith.constant 0 : i32
      %dma_wait3A_451 = tpu.memref_slice %arg8[%dma_wait3A_444, %dma_wait3A_450] : memref<13x128xi32, #tpu.memory_space<vmem>> -> memref<1x128xi32, #tpu.memory_space<vmem>>
      %dma_wait3A_452 = tpu.memref_squeeze %dma_wait3A_451 : memref<1x128xi32, #tpu.memory_space<vmem>> -> memref<128xi32, #tpu.memory_space<vmem>>
      %dma_wait3A_453 = arith.constant 0 : i32
      %dma_wait3A_454 = arith.constant 0 : i32
      %dma_wait3A_455 = tpu.memref_slice %arg2[%dma_wait3A_453, %dma_wait3A_454] : memref<100000x16xf32, #tpu.memory_space<hbm>> -> memref<100000x16xf32, #tpu.memory_space<hbm>>
      tpu.wait_indirect_dma semaphore(%arg11 : memref<!tpu.dma_semaphore, #tpu.memory_space<semaphore_mem>>) src(%dma_wait3A_455 : memref<100000x16xf32, #tpu.memory_space<hbm>>) dst(%dma_wait3A_449 : memref<128x16xf32, #tpu.memory_space<vmem>>)
      %dma_start3A_456 = arith.constant 10 : i32
      %dma_start3A_457 = arith.constant 10 : i32
      %dma_start3A_458 = arith.constant 0 : i32
      %dma_start3A_459 = arith.constant 0 : i32
      %dma_start3A_460 = tpu.memref_slice %arg7[%dma_start3A_456, %dma_start3A_458, %dma_start3A_459] : memref<13x128x16xf32, #tpu.memory_space<vmem>> -> memref<1x128x16xf32, #tpu.memory_space<vmem>>
      %dma_start3A_461 = tpu.memref_squeeze %dma_start3A_460 : memref<1x128x16xf32, #tpu.memory_space<vmem>> -> memref<128x16xf32, #tpu.memory_space<vmem>>
      %dma_start3A_462 = arith.constant 0 : i32
      %dma_start3A_463 = tpu.memref_slice %arg9[%dma_start3A_457, %dma_start3A_462] : memref<13x128xi32, #tpu.memory_space<vmem>> -> memref<1x128xi32, #tpu.memory_space<vmem>>
      %dma_start3A_464 = tpu.memref_squeeze %dma_start3A_463 : memref<1x128xi32, #tpu.memory_space<vmem>> -> memref<128xi32, #tpu.memory_space<vmem>>
      %dma_start3A_465 = arith.constant 0 : i32
      %dma_start3A_466 = arith.constant 0 : i32
      %dma_start3A_467 = tpu.memref_slice %arg6[%dma_start3A_465, %dma_start3A_466] : memref<100000x16xf32, #tpu.memory_space<vmem_shared>> -> memref<100000x16xf32, #tpu.memory_space<vmem_shared>>
      tpu.enqueue_indirect_dma source(%dma_start3A_461 : memref<128x16xf32, #tpu.memory_space<vmem>>) target(%dma_start3A_467 : memref<100000x16xf32, #tpu.memory_space<vmem_shared>>) offsets(%dma_start3A_464 : memref<128xi32, #tpu.memory_space<vmem>>) semaphore(%arg12 : memref<!tpu.dma_semaphore, #tpu.memory_space<semaphore_mem>>) {add = true}
      %dma_wait3A_468 = arith.constant 11 : i32
      %dma_wait3A_469 = arith.constant 11 : i32
      %dma_wait3A_470 = arith.constant 0 : i32
      %dma_wait3A_471 = arith.constant 0 : i32
      %dma_wait3A_472 = tpu.memref_slice %arg7[%dma_wait3A_469, %dma_wait3A_470, %dma_wait3A_471] : memref<13x128x16xf32, #tpu.memory_space<vmem>> -> memref<1x128x16xf32, #tpu.memory_space<vmem>>
      %dma_wait3A_473 = tpu.memref_squeeze %dma_wait3A_472 : memref<1x128x16xf32, #tpu.memory_space<vmem>> -> memref<128x16xf32, #tpu.memory_space<vmem>>
      %dma_wait3A_474 = arith.constant 0 : i32
      %dma_wait3A_475 = tpu.memref_slice %arg8[%dma_wait3A_468, %dma_wait3A_474] : memref<13x128xi32, #tpu.memory_space<vmem>> -> memref<1x128xi32, #tpu.memory_space<vmem>>
      %dma_wait3A_476 = tpu.memref_squeeze %dma_wait3A_475 : memref<1x128xi32, #tpu.memory_space<vmem>> -> memref<128xi32, #tpu.memory_space<vmem>>
      %dma_wait3A_477 = arith.constant 0 : i32
      %dma_wait3A_478 = arith.constant 0 : i32
      %dma_wait3A_479 = tpu.memref_slice %arg2[%dma_wait3A_477, %dma_wait3A_478] : memref<100000x16xf32, #tpu.memory_space<hbm>> -> memref<100000x16xf32, #tpu.memory_space<hbm>>
      tpu.wait_indirect_dma semaphore(%arg11 : memref<!tpu.dma_semaphore, #tpu.memory_space<semaphore_mem>>) src(%dma_wait3A_479 : memref<100000x16xf32, #tpu.memory_space<hbm>>) dst(%dma_wait3A_473 : memref<128x16xf32, #tpu.memory_space<vmem>>)
      %dma_start3A_480 = arith.constant 11 : i32
      %dma_start3A_481 = arith.constant 11 : i32
      %dma_start3A_482 = arith.constant 0 : i32
      %dma_start3A_483 = arith.constant 0 : i32
      %dma_start3A_484 = tpu.memref_slice %arg7[%dma_start3A_480, %dma_start3A_482, %dma_start3A_483] : memref<13x128x16xf32, #tpu.memory_space<vmem>> -> memref<1x128x16xf32, #tpu.memory_space<vmem>>
      %dma_start3A_485 = tpu.memref_squeeze %dma_start3A_484 : memref<1x128x16xf32, #tpu.memory_space<vmem>> -> memref<128x16xf32, #tpu.memory_space<vmem>>
      %dma_start3A_486 = arith.constant 0 : i32
      %dma_start3A_487 = tpu.memref_slice %arg9[%dma_start3A_481, %dma_start3A_486] : memref<13x128xi32, #tpu.memory_space<vmem>> -> memref<1x128xi32, #tpu.memory_space<vmem>>
      %dma_start3A_488 = tpu.memref_squeeze %dma_start3A_487 : memref<1x128xi32, #tpu.memory_space<vmem>> -> memref<128xi32, #tpu.memory_space<vmem>>
      %dma_start3A_489 = arith.constant 0 : i32
      %dma_start3A_490 = arith.constant 0 : i32
      %dma_start3A_491 = tpu.memref_slice %arg6[%dma_start3A_489, %dma_start3A_490] : memref<100000x16xf32, #tpu.memory_space<vmem_shared>> -> memref<100000x16xf32, #tpu.memory_space<vmem_shared>>
      tpu.enqueue_indirect_dma source(%dma_start3A_485 : memref<128x16xf32, #tpu.memory_space<vmem>>) target(%dma_start3A_491 : memref<100000x16xf32, #tpu.memory_space<vmem_shared>>) offsets(%dma_start3A_488 : memref<128xi32, #tpu.memory_space<vmem>>) semaphore(%arg12 : memref<!tpu.dma_semaphore, #tpu.memory_space<semaphore_mem>>) {add = true}
      %dma_wait3A_492 = arith.constant 12 : i32
      %dma_wait3A_493 = arith.constant 12 : i32
      %dma_wait3A_494 = arith.constant 0 : i32
      %dma_wait3A_495 = arith.constant 0 : i32
      %dma_wait3A_496 = tpu.memref_slice %arg7[%dma_wait3A_493, %dma_wait3A_494, %dma_wait3A_495] : memref<13x128x16xf32, #tpu.memory_space<vmem>> -> memref<1x128x16xf32, #tpu.memory_space<vmem>>
      %dma_wait3A_497 = tpu.memref_squeeze %dma_wait3A_496 : memref<1x128x16xf32, #tpu.memory_space<vmem>> -> memref<128x16xf32, #tpu.memory_space<vmem>>
      %dma_wait3A_498 = arith.constant 0 : i32
      %dma_wait3A_499 = tpu.memref_slice %arg8[%dma_wait3A_492, %dma_wait3A_498] : memref<13x128xi32, #tpu.memory_space<vmem>> -> memref<1x128xi32, #tpu.memory_space<vmem>>
      %dma_wait3A_500 = tpu.memref_squeeze %dma_wait3A_499 : memref<1x128xi32, #tpu.memory_space<vmem>> -> memref<128xi32, #tpu.memory_space<vmem>>
      %dma_wait3A_501 = arith.constant 0 : i32
      %dma_wait3A_502 = arith.constant 0 : i32
      %dma_wait3A_503 = tpu.memref_slice %arg2[%dma_wait3A_501, %dma_wait3A_502] : memref<100000x16xf32, #tpu.memory_space<hbm>> -> memref<100000x16xf32, #tpu.memory_space<hbm>>
      tpu.wait_indirect_dma semaphore(%arg11 : memref<!tpu.dma_semaphore, #tpu.memory_space<semaphore_mem>>) src(%dma_wait3A_503 : memref<100000x16xf32, #tpu.memory_space<hbm>>) dst(%dma_wait3A_497 : memref<128x16xf32, #tpu.memory_space<vmem>>)
      %dma_start3A_504 = arith.constant 12 : i32
      %dma_start3A_505 = arith.constant 12 : i32
      %dma_start3A_506 = arith.constant 0 : i32
      %dma_start3A_507 = arith.constant 0 : i32
      %dma_start3A_508 = tpu.memref_slice %arg7[%dma_start3A_504, %dma_start3A_506, %dma_start3A_507] : memref<13x128x16xf32, #tpu.memory_space<vmem>> -> memref<1x128x16xf32, #tpu.memory_space<vmem>>
      %dma_start3A_509 = tpu.memref_squeeze %dma_start3A_508 : memref<1x128x16xf32, #tpu.memory_space<vmem>> -> memref<128x16xf32, #tpu.memory_space<vmem>>
      %dma_start3A_510 = arith.constant 0 : i32
      %dma_start3A_511 = tpu.memref_slice %arg9[%dma_start3A_505, %dma_start3A_510] : memref<13x128xi32, #tpu.memory_space<vmem>> -> memref<1x128xi32, #tpu.memory_space<vmem>>
      %dma_start3A_512 = tpu.memref_squeeze %dma_start3A_511 : memref<1x128xi32, #tpu.memory_space<vmem>> -> memref<128xi32, #tpu.memory_space<vmem>>
      %dma_start3A_513 = arith.constant 0 : i32
      %dma_start3A_514 = arith.constant 0 : i32
      %dma_start3A_515 = tpu.memref_slice %arg6[%dma_start3A_513, %dma_start3A_514] : memref<100000x16xf32, #tpu.memory_space<vmem_shared>> -> memref<100000x16xf32, #tpu.memory_space<vmem_shared>>
      tpu.enqueue_indirect_dma source(%dma_start3A_509 : memref<128x16xf32, #tpu.memory_space<vmem>>) target(%dma_start3A_515 : memref<100000x16xf32, #tpu.memory_space<vmem_shared>>) offsets(%dma_start3A_512 : memref<128xi32, #tpu.memory_space<vmem>>) semaphore(%arg12 : memref<!tpu.dma_semaphore, #tpu.memory_space<semaphore_mem>>) {add = true}
      %dma_wait3A_516 = arith.constant 0 : i32
      %dma_wait3A_517 = arith.constant 0 : i32
      %dma_wait3A_518 = arith.constant 0 : i32
      %dma_wait3A_519 = arith.constant 0 : i32
      %dma_wait3A_520 = tpu.memref_slice %arg7[%dma_wait3A_516, %dma_wait3A_518, %dma_wait3A_519] : memref<13x128x16xf32, #tpu.memory_space<vmem>> -> memref<1x128x16xf32, #tpu.memory_space<vmem>>
      %dma_wait3A_521 = tpu.memref_squeeze %dma_wait3A_520 : memref<1x128x16xf32, #tpu.memory_space<vmem>> -> memref<128x16xf32, #tpu.memory_space<vmem>>
      %dma_wait3A_522 = arith.constant 0 : i32
      %dma_wait3A_523 = tpu.memref_slice %arg9[%dma_wait3A_517, %dma_wait3A_522] : memref<13x128xi32, #tpu.memory_space<vmem>> -> memref<1x128xi32, #tpu.memory_space<vmem>>
      %dma_wait3A_524 = tpu.memref_squeeze %dma_wait3A_523 : memref<1x128xi32, #tpu.memory_space<vmem>> -> memref<128xi32, #tpu.memory_space<vmem>>
      %dma_wait3A_525 = arith.constant 0 : i32
      %dma_wait3A_526 = arith.constant 0 : i32
      %dma_wait3A_527 = tpu.memref_slice %arg6[%dma_wait3A_525, %dma_wait3A_526] : memref<100000x16xf32, #tpu.memory_space<vmem_shared>> -> memref<100000x16xf32, #tpu.memory_space<vmem_shared>>
      tpu.wait_indirect_dma semaphore(%arg12 : memref<!tpu.dma_semaphore, #tpu.memory_space<semaphore_mem>>) src(%dma_wait3A_521 : memref<128x16xf32, #tpu.memory_space<vmem>>) dst(%dma_wait3A_527 : memref<100000x16xf32, #tpu.memory_space<vmem_shared>>)
      %dma_wait3A_528 = arith.constant 1 : i32
      %dma_wait3A_529 = arith.constant 1 : i32
      %dma_wait3A_530 = arith.constant 0 : i32
      %dma_wait3A_531 = arith.constant 0 : i32
      %dma_wait3A_532 = tpu.memref_slice %arg7[%dma_wait3A_528, %dma_wait3A_530, %dma_wait3A_531] : memref<13x128x16xf32, #tpu.memory_space<vmem>> -> memref<1x128x16xf32, #tpu.memory_space<vmem>>
      %dma_wait3A_533 = tpu.memref_squeeze %dma_wait3A_532 : memref<1x128x16xf32, #tpu.memory_space<vmem>> -> memref<128x16xf32, #tpu.memory_space<vmem>>
      %dma_wait3A_534 = arith.constant 0 : i32
      %dma_wait3A_535 = tpu.memref_slice %arg9[%dma_wait3A_529, %dma_wait3A_534] : memref<13x128xi32, #tpu.memory_space<vmem>> -> memref<1x128xi32, #tpu.memory_space<vmem>>
      %dma_wait3A_536 = tpu.memref_squeeze %dma_wait3A_535 : memref<1x128xi32, #tpu.memory_space<vmem>> -> memref<128xi32, #tpu.memory_space<vmem>>
      %dma_wait3A_537 = arith.constant 0 : i32
      %dma_wait3A_538 = arith.constant 0 : i32
      %dma_wait3A_539 = tpu.memref_slice %arg6[%dma_wait3A_537, %dma_wait3A_538] : memref<100000x16xf32, #tpu.memory_space<vmem_shared>> -> memref<100000x16xf32, #tpu.memory_space<vmem_shared>>
      tpu.wait_indirect_dma semaphore(%arg12 : memref<!tpu.dma_semaphore, #tpu.memory_space<semaphore_mem>>) src(%dma_wait3A_533 : memref<128x16xf32, #tpu.memory_space<vmem>>) dst(%dma_wait3A_539 : memref<100000x16xf32, #tpu.memory_space<vmem_shared>>)
      %dma_wait3A_540 = arith.constant 2 : i32
      %dma_wait3A_541 = arith.constant 2 : i32
      %dma_wait3A_542 = arith.constant 0 : i32
      %dma_wait3A_543 = arith.constant 0 : i32
      %dma_wait3A_544 = tpu.memref_slice %arg7[%dma_wait3A_540, %dma_wait3A_542, %dma_wait3A_543] : memref<13x128x16xf32, #tpu.memory_space<vmem>> -> memref<1x128x16xf32, #tpu.memory_space<vmem>>
      %dma_wait3A_545 = tpu.memref_squeeze %dma_wait3A_544 : memref<1x128x16xf32, #tpu.memory_space<vmem>> -> memref<128x16xf32, #tpu.memory_space<vmem>>
      %dma_wait3A_546 = arith.constant 0 : i32
      %dma_wait3A_547 = tpu.memref_slice %arg9[%dma_wait3A_541, %dma_wait3A_546] : memref<13x128xi32, #tpu.memory_space<vmem>> -> memref<1x128xi32, #tpu.memory_space<vmem>>
      %dma_wait3A_548 = tpu.memref_squeeze %dma_wait3A_547 : memref<1x128xi32, #tpu.memory_space<vmem>> -> memref<128xi32, #tpu.memory_space<vmem>>
      %dma_wait3A_549 = arith.constant 0 : i32
      %dma_wait3A_550 = arith.constant 0 : i32
      %dma_wait3A_551 = tpu.memref_slice %arg6[%dma_wait3A_549, %dma_wait3A_550] : memref<100000x16xf32, #tpu.memory_space<vmem_shared>> -> memref<100000x16xf32, #tpu.memory_space<vmem_shared>>
      tpu.wait_indirect_dma semaphore(%arg12 : memref<!tpu.dma_semaphore, #tpu.memory_space<semaphore_mem>>) src(%dma_wait3A_545 : memref<128x16xf32, #tpu.memory_space<vmem>>) dst(%dma_wait3A_551 : memref<100000x16xf32, #tpu.memory_space<vmem_shared>>)
      %dma_wait3A_552 = arith.constant 3 : i32
      %dma_wait3A_553 = arith.constant 3 : i32
      %dma_wait3A_554 = arith.constant 0 : i32
      %dma_wait3A_555 = arith.constant 0 : i32
      %dma_wait3A_556 = tpu.memref_slice %arg7[%dma_wait3A_552, %dma_wait3A_554, %dma_wait3A_555] : memref<13x128x16xf32, #tpu.memory_space<vmem>> -> memref<1x128x16xf32, #tpu.memory_space<vmem>>
      %dma_wait3A_557 = tpu.memref_squeeze %dma_wait3A_556 : memref<1x128x16xf32, #tpu.memory_space<vmem>> -> memref<128x16xf32, #tpu.memory_space<vmem>>
      %dma_wait3A_558 = arith.constant 0 : i32
      %dma_wait3A_559 = tpu.memref_slice %arg9[%dma_wait3A_553, %dma_wait3A_558] : memref<13x128xi32, #tpu.memory_space<vmem>> -> memref<1x128xi32, #tpu.memory_space<vmem>>
      %dma_wait3A_560 = tpu.memref_squeeze %dma_wait3A_559 : memref<1x128xi32, #tpu.memory_space<vmem>> -> memref<128xi32, #tpu.memory_space<vmem>>
      %dma_wait3A_561 = arith.constant 0 : i32
      %dma_wait3A_562 = arith.constant 0 : i32
      %dma_wait3A_563 = tpu.memref_slice %arg6[%dma_wait3A_561, %dma_wait3A_562] : memref<100000x16xf32, #tpu.memory_space<vmem_shared>> -> memref<100000x16xf32, #tpu.memory_space<vmem_shared>>
      tpu.wait_indirect_dma semaphore(%arg12 : memref<!tpu.dma_semaphore, #tpu.memory_space<semaphore_mem>>) src(%dma_wait3A_557 : memref<128x16xf32, #tpu.memory_space<vmem>>) dst(%dma_wait3A_563 : memref<100000x16xf32, #tpu.memory_space<vmem_shared>>)
      %dma_wait3A_564 = arith.constant 4 : i32
      %dma_wait3A_565 = arith.constant 4 : i32
      %dma_wait3A_566 = arith.constant 0 : i32
      %dma_wait3A_567 = arith.constant 0 : i32
      %dma_wait3A_568 = tpu.memref_slice %arg7[%dma_wait3A_564, %dma_wait3A_566, %dma_wait3A_567] : memref<13x128x16xf32, #tpu.memory_space<vmem>> -> memref<1x128x16xf32, #tpu.memory_space<vmem>>
      %dma_wait3A_569 = tpu.memref_squeeze %dma_wait3A_568 : memref<1x128x16xf32, #tpu.memory_space<vmem>> -> memref<128x16xf32, #tpu.memory_space<vmem>>
      %dma_wait3A_570 = arith.constant 0 : i32
      %dma_wait3A_571 = tpu.memref_slice %arg9[%dma_wait3A_565, %dma_wait3A_570] : memref<13x128xi32, #tpu.memory_space<vmem>> -> memref<1x128xi32, #tpu.memory_space<vmem>>
      %dma_wait3A_572 = tpu.memref_squeeze %dma_wait3A_571 : memref<1x128xi32, #tpu.memory_space<vmem>> -> memref<128xi32, #tpu.memory_space<vmem>>
      %dma_wait3A_573 = arith.constant 0 : i32
      %dma_wait3A_574 = arith.constant 0 : i32
      %dma_wait3A_575 = tpu.memref_slice %arg6[%dma_wait3A_573, %dma_wait3A_574] : memref<100000x16xf32, #tpu.memory_space<vmem_shared>> -> memref<100000x16xf32, #tpu.memory_space<vmem_shared>>
      tpu.wait_indirect_dma semaphore(%arg12 : memref<!tpu.dma_semaphore, #tpu.memory_space<semaphore_mem>>) src(%dma_wait3A_569 : memref<128x16xf32, #tpu.memory_space<vmem>>) dst(%dma_wait3A_575 : memref<100000x16xf32, #tpu.memory_space<vmem_shared>>)
      %dma_wait3A_576 = arith.constant 5 : i32
      %dma_wait3A_577 = arith.constant 5 : i32
      %dma_wait3A_578 = arith.constant 0 : i32
      %dma_wait3A_579 = arith.constant 0 : i32
      %dma_wait3A_580 = tpu.memref_slice %arg7[%dma_wait3A_576, %dma_wait3A_578, %dma_wait3A_579] : memref<13x128x16xf32, #tpu.memory_space<vmem>> -> memref<1x128x16xf32, #tpu.memory_space<vmem>>
      %dma_wait3A_581 = tpu.memref_squeeze %dma_wait3A_580 : memref<1x128x16xf32, #tpu.memory_space<vmem>> -> memref<128x16xf32, #tpu.memory_space<vmem>>
      %dma_wait3A_582 = arith.constant 0 : i32
      %dma_wait3A_583 = tpu.memref_slice %arg9[%dma_wait3A_577, %dma_wait3A_582] : memref<13x128xi32, #tpu.memory_space<vmem>> -> memref<1x128xi32, #tpu.memory_space<vmem>>
      %dma_wait3A_584 = tpu.memref_squeeze %dma_wait3A_583 : memref<1x128xi32, #tpu.memory_space<vmem>> -> memref<128xi32, #tpu.memory_space<vmem>>
      %dma_wait3A_585 = arith.constant 0 : i32
      %dma_wait3A_586 = arith.constant 0 : i32
      %dma_wait3A_587 = tpu.memref_slice %arg6[%dma_wait3A_585, %dma_wait3A_586] : memref<100000x16xf32, #tpu.memory_space<vmem_shared>> -> memref<100000x16xf32, #tpu.memory_space<vmem_shared>>
      tpu.wait_indirect_dma semaphore(%arg12 : memref<!tpu.dma_semaphore, #tpu.memory_space<semaphore_mem>>) src(%dma_wait3A_581 : memref<128x16xf32, #tpu.memory_space<vmem>>) dst(%dma_wait3A_587 : memref<100000x16xf32, #tpu.memory_space<vmem_shared>>)
      %dma_wait3A_588 = arith.constant 6 : i32
      %dma_wait3A_589 = arith.constant 6 : i32
      %dma_wait3A_590 = arith.constant 0 : i32
      %dma_wait3A_591 = arith.constant 0 : i32
      %dma_wait3A_592 = tpu.memref_slice %arg7[%dma_wait3A_588, %dma_wait3A_590, %dma_wait3A_591] : memref<13x128x16xf32, #tpu.memory_space<vmem>> -> memref<1x128x16xf32, #tpu.memory_space<vmem>>
      %dma_wait3A_593 = tpu.memref_squeeze %dma_wait3A_592 : memref<1x128x16xf32, #tpu.memory_space<vmem>> -> memref<128x16xf32, #tpu.memory_space<vmem>>
      %dma_wait3A_594 = arith.constant 0 : i32
      %dma_wait3A_595 = tpu.memref_slice %arg9[%dma_wait3A_589, %dma_wait3A_594] : memref<13x128xi32, #tpu.memory_space<vmem>> -> memref<1x128xi32, #tpu.memory_space<vmem>>
      %dma_wait3A_596 = tpu.memref_squeeze %dma_wait3A_595 : memref<1x128xi32, #tpu.memory_space<vmem>> -> memref<128xi32, #tpu.memory_space<vmem>>
      %dma_wait3A_597 = arith.constant 0 : i32
      %dma_wait3A_598 = arith.constant 0 : i32
      %dma_wait3A_599 = tpu.memref_slice %arg6[%dma_wait3A_597, %dma_wait3A_598] : memref<100000x16xf32, #tpu.memory_space<vmem_shared>> -> memref<100000x16xf32, #tpu.memory_space<vmem_shared>>
      tpu.wait_indirect_dma semaphore(%arg12 : memref<!tpu.dma_semaphore, #tpu.memory_space<semaphore_mem>>) src(%dma_wait3A_593 : memref<128x16xf32, #tpu.memory_space<vmem>>) dst(%dma_wait3A_599 : memref<100000x16xf32, #tpu.memory_space<vmem_shared>>)
      %dma_wait3A_600 = arith.constant 7 : i32
      %dma_wait3A_601 = arith.constant 7 : i32
      %dma_wait3A_602 = arith.constant 0 : i32
      %dma_wait3A_603 = arith.constant 0 : i32
      %dma_wait3A_604 = tpu.memref_slice %arg7[%dma_wait3A_600, %dma_wait3A_602, %dma_wait3A_603] : memref<13x128x16xf32, #tpu.memory_space<vmem>> -> memref<1x128x16xf32, #tpu.memory_space<vmem>>
      %dma_wait3A_605 = tpu.memref_squeeze %dma_wait3A_604 : memref<1x128x16xf32, #tpu.memory_space<vmem>> -> memref<128x16xf32, #tpu.memory_space<vmem>>
      %dma_wait3A_606 = arith.constant 0 : i32
      %dma_wait3A_607 = tpu.memref_slice %arg9[%dma_wait3A_601, %dma_wait3A_606] : memref<13x128xi32, #tpu.memory_space<vmem>> -> memref<1x128xi32, #tpu.memory_space<vmem>>
      %dma_wait3A_608 = tpu.memref_squeeze %dma_wait3A_607 : memref<1x128xi32, #tpu.memory_space<vmem>> -> memref<128xi32, #tpu.memory_space<vmem>>
      %dma_wait3A_609 = arith.constant 0 : i32
      %dma_wait3A_610 = arith.constant 0 : i32
      %dma_wait3A_611 = tpu.memref_slice %arg6[%dma_wait3A_609, %dma_wait3A_610] : memref<100000x16xf32, #tpu.memory_space<vmem_shared>> -> memref<100000x16xf32, #tpu.memory_space<vmem_shared>>
      tpu.wait_indirect_dma semaphore(%arg12 : memref<!tpu.dma_semaphore, #tpu.memory_space<semaphore_mem>>) src(%dma_wait3A_605 : memref<128x16xf32, #tpu.memory_space<vmem>>) dst(%dma_wait3A_611 : memref<100000x16xf32, #tpu.memory_space<vmem_shared>>)
      %dma_wait3A_612 = arith.constant 8 : i32
      %dma_wait3A_613 = arith.constant 8 : i32
      %dma_wait3A_614 = arith.constant 0 : i32
      %dma_wait3A_615 = arith.constant 0 : i32
      %dma_wait3A_616 = tpu.memref_slice %arg7[%dma_wait3A_612, %dma_wait3A_614, %dma_wait3A_615] : memref<13x128x16xf32, #tpu.memory_space<vmem>> -> memref<1x128x16xf32, #tpu.memory_space<vmem>>
      %dma_wait3A_617 = tpu.memref_squeeze %dma_wait3A_616 : memref<1x128x16xf32, #tpu.memory_space<vmem>> -> memref<128x16xf32, #tpu.memory_space<vmem>>
      %dma_wait3A_618 = arith.constant 0 : i32
      %dma_wait3A_619 = tpu.memref_slice %arg9[%dma_wait3A_613, %dma_wait3A_618] : memref<13x128xi32, #tpu.memory_space<vmem>> -> memref<1x128xi32, #tpu.memory_space<vmem>>
      %dma_wait3A_620 = tpu.memref_squeeze %dma_wait3A_619 : memref<1x128xi32, #tpu.memory_space<vmem>> -> memref<128xi32, #tpu.memory_space<vmem>>
      %dma_wait3A_621 = arith.constant 0 : i32
      %dma_wait3A_622 = arith.constant 0 : i32
      %dma_wait3A_623 = tpu.memref_slice %arg6[%dma_wait3A_621, %dma_wait3A_622] : memref<100000x16xf32, #tpu.memory_space<vmem_shared>> -> memref<100000x16xf32, #tpu.memory_space<vmem_shared>>
      tpu.wait_indirect_dma semaphore(%arg12 : memref<!tpu.dma_semaphore, #tpu.memory_space<semaphore_mem>>) src(%dma_wait3A_617 : memref<128x16xf32, #tpu.memory_space<vmem>>) dst(%dma_wait3A_623 : memref<100000x16xf32, #tpu.memory_space<vmem_shared>>)
      %dma_wait3A_624 = arith.constant 9 : i32
      %dma_wait3A_625 = arith.constant 9 : i32
      %dma_wait3A_626 = arith.constant 0 : i32
      %dma_wait3A_627 = arith.constant 0 : i32
      %dma_wait3A_628 = tpu.memref_slice %arg7[%dma_wait3A_624, %dma_wait3A_626, %dma_wait3A_627] : memref<13x128x16xf32, #tpu.memory_space<vmem>> -> memref<1x128x16xf32, #tpu.memory_space<vmem>>
      %dma_wait3A_629 = tpu.memref_squeeze %dma_wait3A_628 : memref<1x128x16xf32, #tpu.memory_space<vmem>> -> memref<128x16xf32, #tpu.memory_space<vmem>>
      %dma_wait3A_630 = arith.constant 0 : i32
      %dma_wait3A_631 = tpu.memref_slice %arg9[%dma_wait3A_625, %dma_wait3A_630] : memref<13x128xi32, #tpu.memory_space<vmem>> -> memref<1x128xi32, #tpu.memory_space<vmem>>
      %dma_wait3A_632 = tpu.memref_squeeze %dma_wait3A_631 : memref<1x128xi32, #tpu.memory_space<vmem>> -> memref<128xi32, #tpu.memory_space<vmem>>
      %dma_wait3A_633 = arith.constant 0 : i32
      %dma_wait3A_634 = arith.constant 0 : i32
      %dma_wait3A_635 = tpu.memref_slice %arg6[%dma_wait3A_633, %dma_wait3A_634] : memref<100000x16xf32, #tpu.memory_space<vmem_shared>> -> memref<100000x16xf32, #tpu.memory_space<vmem_shared>>
      tpu.wait_indirect_dma semaphore(%arg12 : memref<!tpu.dma_semaphore, #tpu.memory_space<semaphore_mem>>) src(%dma_wait3A_629 : memref<128x16xf32, #tpu.memory_space<vmem>>) dst(%dma_wait3A_635 : memref<100000x16xf32, #tpu.memory_space<vmem_shared>>)
      %dma_wait3A_636 = arith.constant 10 : i32
      %dma_wait3A_637 = arith.constant 10 : i32
      %dma_wait3A_638 = arith.constant 0 : i32
      %dma_wait3A_639 = arith.constant 0 : i32
      %dma_wait3A_640 = tpu.memref_slice %arg7[%dma_wait3A_636, %dma_wait3A_638, %dma_wait3A_639] : memref<13x128x16xf32, #tpu.memory_space<vmem>> -> memref<1x128x16xf32, #tpu.memory_space<vmem>>
      %dma_wait3A_641 = tpu.memref_squeeze %dma_wait3A_640 : memref<1x128x16xf32, #tpu.memory_space<vmem>> -> memref<128x16xf32, #tpu.memory_space<vmem>>
      %dma_wait3A_642 = arith.constant 0 : i32
      %dma_wait3A_643 = tpu.memref_slice %arg9[%dma_wait3A_637, %dma_wait3A_642] : memref<13x128xi32, #tpu.memory_space<vmem>> -> memref<1x128xi32, #tpu.memory_space<vmem>>
      %dma_wait3A_644 = tpu.memref_squeeze %dma_wait3A_643 : memref<1x128xi32, #tpu.memory_space<vmem>> -> memref<128xi32, #tpu.memory_space<vmem>>
      %dma_wait3A_645 = arith.constant 0 : i32
      %dma_wait3A_646 = arith.constant 0 : i32
      %dma_wait3A_647 = tpu.memref_slice %arg6[%dma_wait3A_645, %dma_wait3A_646] : memref<100000x16xf32, #tpu.memory_space<vmem_shared>> -> memref<100000x16xf32, #tpu.memory_space<vmem_shared>>
      tpu.wait_indirect_dma semaphore(%arg12 : memref<!tpu.dma_semaphore, #tpu.memory_space<semaphore_mem>>) src(%dma_wait3A_641 : memref<128x16xf32, #tpu.memory_space<vmem>>) dst(%dma_wait3A_647 : memref<100000x16xf32, #tpu.memory_space<vmem_shared>>)
      %dma_wait3A_648 = arith.constant 11 : i32
      %dma_wait3A_649 = arith.constant 11 : i32
      %dma_wait3A_650 = arith.constant 0 : i32
      %dma_wait3A_651 = arith.constant 0 : i32
      %dma_wait3A_652 = tpu.memref_slice %arg7[%dma_wait3A_648, %dma_wait3A_650, %dma_wait3A_651] : memref<13x128x16xf32, #tpu.memory_space<vmem>> -> memref<1x128x16xf32, #tpu.memory_space<vmem>>
      %dma_wait3A_653 = tpu.memref_squeeze %dma_wait3A_652 : memref<1x128x16xf32, #tpu.memory_space<vmem>> -> memref<128x16xf32, #tpu.memory_space<vmem>>
      %dma_wait3A_654 = arith.constant 0 : i32
      %dma_wait3A_655 = tpu.memref_slice %arg9[%dma_wait3A_649, %dma_wait3A_654] : memref<13x128xi32, #tpu.memory_space<vmem>> -> memref<1x128xi32, #tpu.memory_space<vmem>>
      %dma_wait3A_656 = tpu.memref_squeeze %dma_wait3A_655 : memref<1x128xi32, #tpu.memory_space<vmem>> -> memref<128xi32, #tpu.memory_space<vmem>>
      %dma_wait3A_657 = arith.constant 0 : i32
      %dma_wait3A_658 = arith.constant 0 : i32
      %dma_wait3A_659 = tpu.memref_slice %arg6[%dma_wait3A_657, %dma_wait3A_658] : memref<100000x16xf32, #tpu.memory_space<vmem_shared>> -> memref<100000x16xf32, #tpu.memory_space<vmem_shared>>
      tpu.wait_indirect_dma semaphore(%arg12 : memref<!tpu.dma_semaphore, #tpu.memory_space<semaphore_mem>>) src(%dma_wait3A_653 : memref<128x16xf32, #tpu.memory_space<vmem>>) dst(%dma_wait3A_659 : memref<100000x16xf32, #tpu.memory_space<vmem_shared>>)
      %dma_wait3A_660 = arith.constant 12 : i32
      %dma_wait3A_661 = arith.constant 12 : i32
      %dma_wait3A_662 = arith.constant 0 : i32
      %dma_wait3A_663 = arith.constant 0 : i32
      %dma_wait3A_664 = tpu.memref_slice %arg7[%dma_wait3A_660, %dma_wait3A_662, %dma_wait3A_663] : memref<13x128x16xf32, #tpu.memory_space<vmem>> -> memref<1x128x16xf32, #tpu.memory_space<vmem>>
      %dma_wait3A_665 = tpu.memref_squeeze %dma_wait3A_664 : memref<1x128x16xf32, #tpu.memory_space<vmem>> -> memref<128x16xf32, #tpu.memory_space<vmem>>
      %dma_wait3A_666 = arith.constant 0 : i32
      %dma_wait3A_667 = tpu.memref_slice %arg9[%dma_wait3A_661, %dma_wait3A_666] : memref<13x128xi32, #tpu.memory_space<vmem>> -> memref<1x128xi32, #tpu.memory_space<vmem>>
      %dma_wait3A_668 = tpu.memref_squeeze %dma_wait3A_667 : memref<1x128xi32, #tpu.memory_space<vmem>> -> memref<128xi32, #tpu.memory_space<vmem>>
      %dma_wait3A_669 = arith.constant 0 : i32
      %dma_wait3A_670 = arith.constant 0 : i32
      %dma_wait3A_671 = tpu.memref_slice %arg6[%dma_wait3A_669, %dma_wait3A_670] : memref<100000x16xf32, #tpu.memory_space<vmem_shared>> -> memref<100000x16xf32, #tpu.memory_space<vmem_shared>>
      tpu.wait_indirect_dma semaphore(%arg12 : memref<!tpu.dma_semaphore, #tpu.memory_space<semaphore_mem>>) src(%dma_wait3A_665 : memref<128x16xf32, #tpu.memory_space<vmem>>) dst(%dma_wait3A_671 : memref<100000x16xf32, #tpu.memory_space<vmem_shared>>)
    }
    %scan3A_8 = arith.constant 30 : i32
    %lt3A = arith.constant 20 : i32
    %lt3A_9 = arith.cmpi slt, %add3A, %lt3A : i32
    %convert_element_type3A = arith.extui %lt3A_9 : i1 to i32
    %cond3A = arith.constant 0 : i32
    %cond3A_10 = arith.cmpi ne, %convert_element_type3A, %cond3A : i32
    scf.if %cond3A_10 {
      %add3A_14 = arith.constant 12480 : i32
      %add3A_15 = arith.addi %add3A_14, %add3A : i32
      %dma_start3A = arith.constant 0 : i32
      %dma_start3A_16 = arith.constant 0 : i32
      %dma_start3A_17 = arith.constant 0 : i32
      %dma_start3A_18 = tpu.memref_slice %arg8[%dma_start3A_16, %dma_start3A_17] : memref<13x128xi32, #tpu.memory_space<vmem>> -> memref<1x128xi32, #tpu.memory_space<vmem>>
      %dma_start3A_19 = arith.constant 0 : i32
      %dma_start3A_20 = tpu.memref_slice %arg3[%dma_start3A, %add3A_15, %dma_start3A_19] : memref<2x12500x128xi32, #tpu.memory_space<hbm>> -> memref<1x1x128xi32, #tpu.memory_space<hbm>>
      %dma_start3A_21 = tpu.memref_squeeze %dma_start3A_20 : memref<1x1x128xi32, #tpu.memory_space<hbm>> -> memref<1x128xi32, #tpu.memory_space<hbm>>
      %dma_start3A_22 = arith.constant 0 : i32
      %dma_start3A_23 = arith.constant 0 : i32
      %dma_start3A_24 = tpu.memref_slice %arg8[%dma_start3A_22, %dma_start3A_23] : memref<13x128xi32, #tpu.memory_space<vmem>> -> memref<1x128xi32, #tpu.memory_space<vmem>>
      %dma_start3A_25 = arith.constant 0 : i32
      %dma_start3A_26 = tpu.memref_slice %arg3[%dma_start3A, %add3A_15, %dma_start3A_25] : memref<2x12500x128xi32, #tpu.memory_space<hbm>> -> memref<1x1x128xi32, #tpu.memory_space<hbm>>
      %dma_start3A_27 = tpu.memref_squeeze %dma_start3A_26 : memref<1x1x128xi32, #tpu.memory_space<hbm>> -> memref<1x128xi32, #tpu.memory_space<hbm>>
      tpu.enqueue_dma source(%dma_start3A_27 : memref<1x128xi32, #tpu.memory_space<hbm>>) target(%dma_start3A_24 : memref<1x128xi32, #tpu.memory_space<vmem>>) target_semaphore(%arg10 : memref<!tpu.dma_semaphore, #tpu.memory_space<semaphore_mem>>)
      %dma_start3A_28 = arith.constant 1 : i32
      %dma_start3A_29 = arith.constant 0 : i32
      %dma_start3A_30 = arith.constant 0 : i32
      %dma_start3A_31 = tpu.memref_slice %arg9[%dma_start3A_29, %dma_start3A_30] : memref<13x128xi32, #tpu.memory_space<vmem>> -> memref<1x128xi32, #tpu.memory_space<vmem>>
      %dma_start3A_32 = arith.constant 0 : i32
      %dma_start3A_33 = tpu.memref_slice %arg3[%dma_start3A_28, %add3A_15, %dma_start3A_32] : memref<2x12500x128xi32, #tpu.memory_space<hbm>> -> memref<1x1x128xi32, #tpu.memory_space<hbm>>
      %dma_start3A_34 = tpu.memref_squeeze %dma_start3A_33 : memref<1x1x128xi32, #tpu.memory_space<hbm>> -> memref<1x128xi32, #tpu.memory_space<hbm>>
      %dma_start3A_35 = arith.constant 0 : i32
      %dma_start3A_36 = arith.constant 0 : i32
      %dma_start3A_37 = tpu.memref_slice %arg9[%dma_start3A_35, %dma_start3A_36] : memref<13x128xi32, #tpu.memory_space<vmem>> -> memref<1x128xi32, #tpu.memory_space<vmem>>
      %dma_start3A_38 = arith.constant 0 : i32
      %dma_start3A_39 = tpu.memref_slice %arg3[%dma_start3A_28, %add3A_15, %dma_start3A_38] : memref<2x12500x128xi32, #tpu.memory_space<hbm>> -> memref<1x1x128xi32, #tpu.memory_space<hbm>>
      %dma_start3A_40 = tpu.memref_squeeze %dma_start3A_39 : memref<1x1x128xi32, #tpu.memory_space<hbm>> -> memref<1x128xi32, #tpu.memory_space<hbm>>
      tpu.enqueue_dma source(%dma_start3A_40 : memref<1x128xi32, #tpu.memory_space<hbm>>) target(%dma_start3A_37 : memref<1x128xi32, #tpu.memory_space<vmem>>) target_semaphore(%arg10 : memref<!tpu.dma_semaphore, #tpu.memory_space<semaphore_mem>>)
      %dma_wait3A = arith.constant 0 : i32
      %dma_wait3A_41 = arith.constant 0 : i32
      %dma_wait3A_42 = arith.constant 0 : i32
      %dma_wait3A_43 = tpu.memref_slice %arg8[%dma_wait3A_41, %dma_wait3A_42] : memref<13x128xi32, #tpu.memory_space<vmem>> -> memref<1x128xi32, #tpu.memory_space<vmem>>
      %dma_wait3A_44 = arith.constant 0 : i32
      %dma_wait3A_45 = tpu.memref_slice %arg3[%dma_wait3A, %add3A_15, %dma_wait3A_44] : memref<2x12500x128xi32, #tpu.memory_space<hbm>> -> memref<1x1x128xi32, #tpu.memory_space<hbm>>
      %dma_wait3A_46 = tpu.memref_squeeze %dma_wait3A_45 : memref<1x1x128xi32, #tpu.memory_space<hbm>> -> memref<1x128xi32, #tpu.memory_space<hbm>>
      %dma_wait3A_47 = arith.constant 0 : i32
      %dma_wait3A_48 = arith.constant 0 : i32
      %dma_wait3A_49 = tpu.memref_slice %arg8[%dma_wait3A_47, %dma_wait3A_48] : memref<13x128xi32, #tpu.memory_space<vmem>> -> memref<1x128xi32, #tpu.memory_space<vmem>>
      %dma_wait3A_50 = arith.constant 0 : i32
      %dma_wait3A_51 = tpu.memref_slice %arg3[%dma_wait3A, %add3A_15, %dma_wait3A_50] : memref<2x12500x128xi32, #tpu.memory_space<hbm>> -> memref<1x1x128xi32, #tpu.memory_space<hbm>>
      %dma_wait3A_52 = tpu.memref_squeeze %dma_wait3A_51 : memref<1x1x128xi32, #tpu.memory_space<hbm>> -> memref<1x128xi32, #tpu.memory_space<hbm>>
      tpu.wait_dma2 semaphore(%arg10 : memref<!tpu.dma_semaphore, #tpu.memory_space<semaphore_mem>>) src(%dma_wait3A_52 : memref<1x128xi32, #tpu.memory_space<hbm>>) dst(%dma_wait3A_49 : memref<1x128xi32, #tpu.memory_space<vmem>>)
      %dma_start3A_53 = arith.constant 0 : i32
      %dma_start3A_54 = arith.constant 0 : i32
      %dma_start3A_55 = arith.constant 0 : i32
      %dma_start3A_56 = arith.constant 0 : i32
      %dma_start3A_57 = tpu.memref_slice %arg7[%dma_start3A_54, %dma_start3A_55, %dma_start3A_56] : memref<13x128x16xf32, #tpu.memory_space<vmem>> -> memref<1x128x16xf32, #tpu.memory_space<vmem>>
      %dma_start3A_58 = tpu.memref_squeeze %dma_start3A_57 : memref<1x128x16xf32, #tpu.memory_space<vmem>> -> memref<128x16xf32, #tpu.memory_space<vmem>>
      %dma_start3A_59 = arith.constant 0 : i32
      %dma_start3A_60 = tpu.memref_slice %arg8[%dma_start3A_53, %dma_start3A_59] : memref<13x128xi32, #tpu.memory_space<vmem>> -> memref<1x128xi32, #tpu.memory_space<vmem>>
      %dma_start3A_61 = tpu.memref_squeeze %dma_start3A_60 : memref<1x128xi32, #tpu.memory_space<vmem>> -> memref<128xi32, #tpu.memory_space<vmem>>
      %dma_start3A_62 = arith.constant 0 : i32
      %dma_start3A_63 = arith.constant 0 : i32
      %dma_start3A_64 = tpu.memref_slice %arg2[%dma_start3A_62, %dma_start3A_63] : memref<100000x16xf32, #tpu.memory_space<hbm>> -> memref<100000x16xf32, #tpu.memory_space<hbm>>
      tpu.enqueue_indirect_dma source(%dma_start3A_64 : memref<100000x16xf32, #tpu.memory_space<hbm>>) target(%dma_start3A_58 : memref<128x16xf32, #tpu.memory_space<vmem>>) offsets(%dma_start3A_61 : memref<128xi32, #tpu.memory_space<vmem>>) semaphore(%arg11 : memref<!tpu.dma_semaphore, #tpu.memory_space<semaphore_mem>>)
      %dma_wait3A_65 = arith.constant 0 : i32
      %dma_wait3A_66 = arith.constant 0 : i32
      %dma_wait3A_67 = arith.constant 0 : i32
      %dma_wait3A_68 = arith.constant 0 : i32
      %dma_wait3A_69 = tpu.memref_slice %arg7[%dma_wait3A_66, %dma_wait3A_67, %dma_wait3A_68] : memref<13x128x16xf32, #tpu.memory_space<vmem>> -> memref<1x128x16xf32, #tpu.memory_space<vmem>>
      %dma_wait3A_70 = tpu.memref_squeeze %dma_wait3A_69 : memref<1x128x16xf32, #tpu.memory_space<vmem>> -> memref<128x16xf32, #tpu.memory_space<vmem>>
      %dma_wait3A_71 = arith.constant 0 : i32
      %dma_wait3A_72 = tpu.memref_slice %arg8[%dma_wait3A_65, %dma_wait3A_71] : memref<13x128xi32, #tpu.memory_space<vmem>> -> memref<1x128xi32, #tpu.memory_space<vmem>>
      %dma_wait3A_73 = tpu.memref_squeeze %dma_wait3A_72 : memref<1x128xi32, #tpu.memory_space<vmem>> -> memref<128xi32, #tpu.memory_space<vmem>>
      %dma_wait3A_74 = arith.constant 0 : i32
      %dma_wait3A_75 = arith.constant 0 : i32
      %dma_wait3A_76 = tpu.memref_slice %arg2[%dma_wait3A_74, %dma_wait3A_75] : memref<100000x16xf32, #tpu.memory_space<hbm>> -> memref<100000x16xf32, #tpu.memory_space<hbm>>
      tpu.wait_indirect_dma semaphore(%arg11 : memref<!tpu.dma_semaphore, #tpu.memory_space<semaphore_mem>>) src(%dma_wait3A_76 : memref<100000x16xf32, #tpu.memory_space<hbm>>) dst(%dma_wait3A_70 : memref<128x16xf32, #tpu.memory_space<vmem>>)
      %dma_wait3A_77 = arith.constant 1 : i32
      %dma_wait3A_78 = arith.constant 0 : i32
      %dma_wait3A_79 = arith.constant 0 : i32
      %dma_wait3A_80 = tpu.memref_slice %arg9[%dma_wait3A_78, %dma_wait3A_79] : memref<13x128xi32, #tpu.memory_space<vmem>> -> memref<1x128xi32, #tpu.memory_space<vmem>>
      %dma_wait3A_81 = arith.constant 0 : i32
      %dma_wait3A_82 = tpu.memref_slice %arg3[%dma_wait3A_77, %add3A_15, %dma_wait3A_81] : memref<2x12500x128xi32, #tpu.memory_space<hbm>> -> memref<1x1x128xi32, #tpu.memory_space<hbm>>
      %dma_wait3A_83 = tpu.memref_squeeze %dma_wait3A_82 : memref<1x1x128xi32, #tpu.memory_space<hbm>> -> memref<1x128xi32, #tpu.memory_space<hbm>>
      %dma_wait3A_84 = arith.constant 0 : i32
      %dma_wait3A_85 = arith.constant 0 : i32
      %dma_wait3A_86 = tpu.memref_slice %arg9[%dma_wait3A_84, %dma_wait3A_85] : memref<13x128xi32, #tpu.memory_space<vmem>> -> memref<1x128xi32, #tpu.memory_space<vmem>>
      %dma_wait3A_87 = arith.constant 0 : i32
      %dma_wait3A_88 = tpu.memref_slice %arg3[%dma_wait3A_77, %add3A_15, %dma_wait3A_87] : memref<2x12500x128xi32, #tpu.memory_space<hbm>> -> memref<1x1x128xi32, #tpu.memory_space<hbm>>
      %dma_wait3A_89 = tpu.memref_squeeze %dma_wait3A_88 : memref<1x1x128xi32, #tpu.memory_space<hbm>> -> memref<1x128xi32, #tpu.memory_space<hbm>>
      tpu.wait_dma2 semaphore(%arg10 : memref<!tpu.dma_semaphore, #tpu.memory_space<semaphore_mem>>) src(%dma_wait3A_89 : memref<1x128xi32, #tpu.memory_space<hbm>>) dst(%dma_wait3A_86 : memref<1x128xi32, #tpu.memory_space<vmem>>)
      %dma_start3A_90 = arith.constant 0 : i32
      %dma_start3A_91 = arith.constant 0 : i32
      %dma_start3A_92 = arith.constant 0 : i32
      %dma_start3A_93 = arith.constant 0 : i32
      %dma_start3A_94 = tpu.memref_slice %arg7[%dma_start3A_90, %dma_start3A_92, %dma_start3A_93] : memref<13x128x16xf32, #tpu.memory_space<vmem>> -> memref<1x128x16xf32, #tpu.memory_space<vmem>>
      %dma_start3A_95 = tpu.memref_squeeze %dma_start3A_94 : memref<1x128x16xf32, #tpu.memory_space<vmem>> -> memref<128x16xf32, #tpu.memory_space<vmem>>
      %dma_start3A_96 = arith.constant 0 : i32
      %dma_start3A_97 = tpu.memref_slice %arg9[%dma_start3A_91, %dma_start3A_96] : memref<13x128xi32, #tpu.memory_space<vmem>> -> memref<1x128xi32, #tpu.memory_space<vmem>>
      %dma_start3A_98 = tpu.memref_squeeze %dma_start3A_97 : memref<1x128xi32, #tpu.memory_space<vmem>> -> memref<128xi32, #tpu.memory_space<vmem>>
      %dma_start3A_99 = arith.constant 0 : i32
      %dma_start3A_100 = arith.constant 0 : i32
      %dma_start3A_101 = tpu.memref_slice %arg6[%dma_start3A_99, %dma_start3A_100] : memref<100000x16xf32, #tpu.memory_space<vmem_shared>> -> memref<100000x16xf32, #tpu.memory_space<vmem_shared>>
      tpu.enqueue_indirect_dma source(%dma_start3A_95 : memref<128x16xf32, #tpu.memory_space<vmem>>) target(%dma_start3A_101 : memref<100000x16xf32, #tpu.memory_space<vmem_shared>>) offsets(%dma_start3A_98 : memref<128xi32, #tpu.memory_space<vmem>>) semaphore(%arg12 : memref<!tpu.dma_semaphore, #tpu.memory_space<semaphore_mem>>) {add = true}
      %dma_wait3A_102 = arith.constant 0 : i32
      %dma_wait3A_103 = arith.constant 0 : i32
      %dma_wait3A_104 = arith.constant 0 : i32
      %dma_wait3A_105 = arith.constant 0 : i32
      %dma_wait3A_106 = tpu.memref_slice %arg7[%dma_wait3A_102, %dma_wait3A_104, %dma_wait3A_105] : memref<13x128x16xf32, #tpu.memory_space<vmem>> -> memref<1x128x16xf32, #tpu.memory_space<vmem>>
      %dma_wait3A_107 = tpu.memref_squeeze %dma_wait3A_106 : memref<1x128x16xf32, #tpu.memory_space<vmem>> -> memref<128x16xf32, #tpu.memory_space<vmem>>
      %dma_wait3A_108 = arith.constant 0 : i32
      %dma_wait3A_109 = tpu.memref_slice %arg9[%dma_wait3A_103, %dma_wait3A_108] : memref<13x128xi32, #tpu.memory_space<vmem>> -> memref<1x128xi32, #tpu.memory_space<vmem>>
      %dma_wait3A_110 = tpu.memref_squeeze %dma_wait3A_109 : memref<1x128xi32, #tpu.memory_space<vmem>> -> memref<128xi32, #tpu.memory_space<vmem>>
      %dma_wait3A_111 = arith.constant 0 : i32
      %dma_wait3A_112 = arith.constant 0 : i32
      %dma_wait3A_113 = tpu.memref_slice %arg6[%dma_wait3A_111, %dma_wait3A_112] : memref<100000x16xf32, #tpu.memory_space<vmem_shared>> -> memref<100000x16xf32, #tpu.memory_space<vmem_shared>>
      tpu.wait_indirect_dma semaphore(%arg12 : memref<!tpu.dma_semaphore, #tpu.memory_space<semaphore_mem>>) src(%dma_wait3A_107 : memref<128x16xf32, #tpu.memory_space<vmem>>) dst(%dma_wait3A_113 : memref<100000x16xf32, #tpu.memory_space<vmem_shared>>)
    } else {
    }
    %barrier3A_11 = arith.constant 0 : index
    tpu.barrier barrier_id(%barrier3A_11)
    %mul3A_12 = arith.constant 6250 : i32
    %mul3A_13 = arith.muli %arg1, %mul3A_12 : i32
    "tpu.region"() ({
      %run_scoped3A = tpu.sem_alloc : memref<!tpu.dma_semaphore, #tpu.memory_space<semaphore_mem>>
      %dma_start3A = arith.constant 0 : i32
      %dma_start3A_14 = arith.constant 0 : i32
      %dma_start3A_15 = tpu.memref_slice %arg5[%arg0, %arg1, %dma_start3A, %dma_start3A_14] : memref<2x16x6250x16xf32, #tpu.memory_space<hbm>> -> memref<1x1x6250x16xf32, #tpu.memory_space<hbm>>
      %dma_start3A_16 = tpu.memref_squeeze %dma_start3A_15 : memref<1x1x6250x16xf32, #tpu.memory_space<hbm>> -> memref<6250x16xf32, #tpu.memory_space<hbm>>
      %dma_start3A_17 = arith.constant 0 : i32
      %dma_start3A_18 = tpu.memref_slice %arg6[%mul3A_13, %dma_start3A_17] : memref<100000x16xf32, #tpu.memory_space<vmem_shared>> -> memref<6250x16xf32, #tpu.memory_space<vmem_shared>>
      tpu.enqueue_dma source(%dma_start3A_18 : memref<6250x16xf32, #tpu.memory_space<vmem_shared>>) target(%dma_start3A_16 : memref<6250x16xf32, #tpu.memory_space<hbm>>) target_semaphore(%run_scoped3A : memref<!tpu.dma_semaphore, #tpu.memory_space<semaphore_mem>>)
      %dma_wait3A = arith.constant 0 : i32
      %dma_wait3A_19 = arith.constant 0 : i32
      %dma_wait3A_20 = tpu.memref_slice %arg5[%arg0, %arg1, %dma_wait3A, %dma_wait3A_19] : memref<2x16x6250x16xf32, #tpu.memory_space<hbm>> -> memref<1x1x6250x16xf32, #tpu.memory_space<hbm>>
      %dma_wait3A_21 = tpu.memref_squeeze %dma_wait3A_20 : memref<1x1x6250x16xf32, #tpu.memory_space<hbm>> -> memref<6250x16xf32, #tpu.memory_space<hbm>>
      %dma_wait3A_22 = arith.constant 0 : i32
      %dma_wait3A_23 = tpu.memref_slice %arg6[%mul3A_13, %dma_wait3A_22] : memref<100000x16xf32, #tpu.memory_space<vmem_shared>> -> memref<6250x16xf32, #tpu.memory_space<vmem_shared>>
      tpu.wait_dma2 semaphore(%run_scoped3A : memref<!tpu.dma_semaphore, #tpu.memory_space<semaphore_mem>>) src(%dma_wait3A_23 : memref<6250x16xf32, #tpu.memory_space<vmem_shared>>) dst(%dma_wait3A_21 : memref<6250x16xf32, #tpu.memory_space<hbm>>)
      tpu.yield
    }) : () -> ()
    return
  }
}

#map = affine_map<(d0, d1) -> (0, 0, 0)>
#map1 = affine_map<(d0, d1) -> (0, 0)>
#map2 = affine_map<(d0, d1) -> (0, 0, 0, 0)>
module attributes {stable_mosaic.version = 14 : i64} {
  func.func @k(%arg0: i32, %arg1: i32, %arg2: memref<2x12500x128xi32, #tpu.memory_space<hbm>>, %arg3: memref<6250x16xf32, #tpu.memory_space<hbm>>, %arg4: memref<128x16xf32, #tpu.memory_space<hbm>>, %arg5: memref<2x16x6250x16xf32, #tpu.memory_space<hbm>>, %arg6: memref<100000x16xf32, #tpu.memory_space<vmem_shared>>, %arg7: memref<128x16xf32, #tpu.memory_space<vmem>>, %arg8: memref<13x128xi32, #tpu.memory_space<vmem>>, %arg9: memref<!tpu.dma_semaphore, #tpu.memory_space<semaphore_mem>>, %arg10: memref<!tpu.dma_semaphore, #tpu.memory_space<semaphore_mem>>) attributes {dimension_semantics = [#tpu.dimension_semantics<core_parallel>, #tpu.dimension_semantics<subcore_parallel>], iteration_bounds = array<i64: 2, 16>, scalar_prefetch = 0 : i64, scratch_operands = 5 : i64, tpu.core_type = #tpu.core_type<sc_vector_subcore>, window_params = [{transform_indices = #map}, {transform_indices = #map1}, {transform_indices = #map1}, {transform_indices = #map2}]} {
    %mul3A = arith.constant 2 : i32
    %mul3A_0 = arith.muli %arg1, %mul3A : i32
    %add3A = arith.addi %mul3A_0, %arg0 : i32
    %mul3A_1 = arith.constant 390 : i32
    %mul3A_2 = arith.muli %add3A, %mul3A_1 : i32
    "tpu.region"() ({
      %run_scoped3A = tpu.sem_alloc : memref<!tpu.dma_semaphore, #tpu.memory_space<semaphore_mem>>
      tpu.enqueue_dma source(%arg4 : memref<128x16xf32, #tpu.memory_space<hbm>>) target(%arg7 : memref<128x16xf32, #tpu.memory_space<vmem>>) target_semaphore(%run_scoped3A : memref<!tpu.dma_semaphore, #tpu.memory_space<semaphore_mem>>)
      tpu.wait_dma2 semaphore(%run_scoped3A : memref<!tpu.dma_semaphore, #tpu.memory_space<semaphore_mem>>) src(%arg4 : memref<128x16xf32, #tpu.memory_space<hbm>>) dst(%arg7 : memref<128x16xf32, #tpu.memory_space<vmem>>)
      tpu.yield
    }) : () -> ()
    %mul3A_3 = arith.constant 6250 : i32
    %mul3A_4 = arith.muli %arg1, %mul3A_3 : i32
    "tpu.region"() ({
      %run_scoped3A = tpu.sem_alloc : memref<!tpu.dma_semaphore, #tpu.memory_space<semaphore_mem>>
      %dma_start3A = arith.constant 0 : i32
      %dma_start3A_14 = tpu.memref_slice %arg6[%mul3A_4, %dma_start3A] : memref<100000x16xf32, #tpu.memory_space<vmem_shared>> -> memref<6250x16xf32, #tpu.memory_space<vmem_shared>>
      tpu.enqueue_dma source(%arg3 : memref<6250x16xf32, #tpu.memory_space<hbm>>) target(%dma_start3A_14 : memref<6250x16xf32, #tpu.memory_space<vmem_shared>>) target_semaphore(%run_scoped3A : memref<!tpu.dma_semaphore, #tpu.memory_space<semaphore_mem>>)
      %dma_wait3A = arith.constant 0 : i32
      %dma_wait3A_15 = tpu.memref_slice %arg6[%mul3A_4, %dma_wait3A] : memref<100000x16xf32, #tpu.memory_space<vmem_shared>> -> memref<6250x16xf32, #tpu.memory_space<vmem_shared>>
      tpu.wait_dma2 semaphore(%run_scoped3A : memref<!tpu.dma_semaphore, #tpu.memory_space<semaphore_mem>>) src(%arg3 : memref<6250x16xf32, #tpu.memory_space<hbm>>) dst(%dma_wait3A_15 : memref<6250x16xf32, #tpu.memory_space<vmem_shared>>)
      tpu.yield
    }) : () -> ()
    %barrier3A = arith.constant 0 : index
    tpu.barrier barrier_id(%barrier3A)
    %scan3A = arith.constant 0 : i32
    %scan3A_5 = arith.constant 30 : i32
    %scan3A_6 = arith.addi %scan3A, %scan3A_5 : i32
    %scan3A_7 = arith.constant 1 : i32
    scf.for %scan3A_14 = %scan3A to %scan3A_6 step %scan3A_7  : i32 {
      %mul3A_15 = arith.constant 1 : i32
      %mul3A_16 = arith.muli %scan3A_14, %mul3A_15 : i32
      %add3A_17 = arith.constant 0 : i32
      %add3A_18 = arith.addi %add3A_17, %mul3A_16 : i32
      %mul3A_19 = arith.constant 13 : i32
      %mul3A_20 = arith.muli %add3A_18, %mul3A_19 : i32
      %add3A_21 = arith.addi %mul3A_2, %mul3A_20 : i32
      %dma_start3A = arith.constant 1 : i32
      %dma_start3A_22 = arith.constant 0 : i32
      %dma_start3A_23 = tpu.memref_slice %arg2[%dma_start3A, %add3A_21, %dma_start3A_22] : memref<2x12500x128xi32, #tpu.memory_space<hbm>> -> memref<1x13x128xi32, #tpu.memory_space<hbm>>
      %dma_start3A_24 = tpu.memref_squeeze %dma_start3A_23 : memref<1x13x128xi32, #tpu.memory_space<hbm>> -> memref<13x128xi32, #tpu.memory_space<hbm>>
      %dma_start3A_25 = arith.constant 0 : i32
      %dma_start3A_26 = tpu.memref_slice %arg2[%dma_start3A, %add3A_21, %dma_start3A_25] : memref<2x12500x128xi32, #tpu.memory_space<hbm>> -> memref<1x13x128xi32, #tpu.memory_space<hbm>>
      %dma_start3A_27 = tpu.memref_squeeze %dma_start3A_26 : memref<1x13x128xi32, #tpu.memory_space<hbm>> -> memref<13x128xi32, #tpu.memory_space<hbm>>
      tpu.enqueue_dma source(%dma_start3A_27 : memref<13x128xi32, #tpu.memory_space<hbm>>) target(%arg8 : memref<13x128xi32, #tpu.memory_space<vmem>>) target_semaphore(%arg9 : memref<!tpu.dma_semaphore, #tpu.memory_space<semaphore_mem>>)
      %dma_wait3A = arith.constant 1 : i32
      %dma_wait3A_28 = arith.constant 0 : i32
      %dma_wait3A_29 = tpu.memref_slice %arg2[%dma_wait3A, %add3A_21, %dma_wait3A_28] : memref<2x12500x128xi32, #tpu.memory_space<hbm>> -> memref<1x13x128xi32, #tpu.memory_space<hbm>>
      %dma_wait3A_30 = tpu.memref_squeeze %dma_wait3A_29 : memref<1x13x128xi32, #tpu.memory_space<hbm>> -> memref<13x128xi32, #tpu.memory_space<hbm>>
      %dma_wait3A_31 = arith.constant 0 : i32
      %dma_wait3A_32 = tpu.memref_slice %arg2[%dma_wait3A, %add3A_21, %dma_wait3A_31] : memref<2x12500x128xi32, #tpu.memory_space<hbm>> -> memref<1x13x128xi32, #tpu.memory_space<hbm>>
      %dma_wait3A_33 = tpu.memref_squeeze %dma_wait3A_32 : memref<1x13x128xi32, #tpu.memory_space<hbm>> -> memref<13x128xi32, #tpu.memory_space<hbm>>
      tpu.wait_dma2 semaphore(%arg9 : memref<!tpu.dma_semaphore, #tpu.memory_space<semaphore_mem>>) src(%dma_wait3A_33 : memref<13x128xi32, #tpu.memory_space<hbm>>) dst(%arg8 : memref<13x128xi32, #tpu.memory_space<vmem>>)
      %dma_start3A_34 = arith.constant 0 : i32
      %dma_start3A_35 = arith.constant 0 : i32
      %dma_start3A_36 = tpu.memref_slice %arg8[%dma_start3A_34, %dma_start3A_35] : memref<13x128xi32, #tpu.memory_space<vmem>> -> memref<1x128xi32, #tpu.memory_space<vmem>>
      %dma_start3A_37 = tpu.memref_squeeze %dma_start3A_36 : memref<1x128xi32, #tpu.memory_space<vmem>> -> memref<128xi32, #tpu.memory_space<vmem>>
      %dma_start3A_38 = arith.constant 0 : i32
      %dma_start3A_39 = arith.constant 0 : i32
      %dma_start3A_40 = tpu.memref_slice %arg6[%dma_start3A_38, %dma_start3A_39] : memref<100000x16xf32, #tpu.memory_space<vmem_shared>> -> memref<100000x16xf32, #tpu.memory_space<vmem_shared>>
      tpu.enqueue_indirect_dma source(%arg7 : memref<128x16xf32, #tpu.memory_space<vmem>>) target(%dma_start3A_40 : memref<100000x16xf32, #tpu.memory_space<vmem_shared>>) offsets(%dma_start3A_37 : memref<128xi32, #tpu.memory_space<vmem>>) semaphore(%arg10 : memref<!tpu.dma_semaphore, #tpu.memory_space<semaphore_mem>>) {add = true}
      %dma_start3A_41 = arith.constant 1 : i32
      %dma_start3A_42 = arith.constant 0 : i32
      %dma_start3A_43 = tpu.memref_slice %arg8[%dma_start3A_41, %dma_start3A_42] : memref<13x128xi32, #tpu.memory_space<vmem>> -> memref<1x128xi32, #tpu.memory_space<vmem>>
      %dma_start3A_44 = tpu.memref_squeeze %dma_start3A_43 : memref<1x128xi32, #tpu.memory_space<vmem>> -> memref<128xi32, #tpu.memory_space<vmem>>
      %dma_start3A_45 = arith.constant 0 : i32
      %dma_start3A_46 = arith.constant 0 : i32
      %dma_start3A_47 = tpu.memref_slice %arg6[%dma_start3A_45, %dma_start3A_46] : memref<100000x16xf32, #tpu.memory_space<vmem_shared>> -> memref<100000x16xf32, #tpu.memory_space<vmem_shared>>
      tpu.enqueue_indirect_dma source(%arg7 : memref<128x16xf32, #tpu.memory_space<vmem>>) target(%dma_start3A_47 : memref<100000x16xf32, #tpu.memory_space<vmem_shared>>) offsets(%dma_start3A_44 : memref<128xi32, #tpu.memory_space<vmem>>) semaphore(%arg10 : memref<!tpu.dma_semaphore, #tpu.memory_space<semaphore_mem>>) {add = true}
      %dma_start3A_48 = arith.constant 2 : i32
      %dma_start3A_49 = arith.constant 0 : i32
      %dma_start3A_50 = tpu.memref_slice %arg8[%dma_start3A_48, %dma_start3A_49] : memref<13x128xi32, #tpu.memory_space<vmem>> -> memref<1x128xi32, #tpu.memory_space<vmem>>
      %dma_start3A_51 = tpu.memref_squeeze %dma_start3A_50 : memref<1x128xi32, #tpu.memory_space<vmem>> -> memref<128xi32, #tpu.memory_space<vmem>>
      %dma_start3A_52 = arith.constant 0 : i32
      %dma_start3A_53 = arith.constant 0 : i32
      %dma_start3A_54 = tpu.memref_slice %arg6[%dma_start3A_52, %dma_start3A_53] : memref<100000x16xf32, #tpu.memory_space<vmem_shared>> -> memref<100000x16xf32, #tpu.memory_space<vmem_shared>>
      tpu.enqueue_indirect_dma source(%arg7 : memref<128x16xf32, #tpu.memory_space<vmem>>) target(%dma_start3A_54 : memref<100000x16xf32, #tpu.memory_space<vmem_shared>>) offsets(%dma_start3A_51 : memref<128xi32, #tpu.memory_space<vmem>>) semaphore(%arg10 : memref<!tpu.dma_semaphore, #tpu.memory_space<semaphore_mem>>) {add = true}
      %dma_start3A_55 = arith.constant 3 : i32
      %dma_start3A_56 = arith.constant 0 : i32
      %dma_start3A_57 = tpu.memref_slice %arg8[%dma_start3A_55, %dma_start3A_56] : memref<13x128xi32, #tpu.memory_space<vmem>> -> memref<1x128xi32, #tpu.memory_space<vmem>>
      %dma_start3A_58 = tpu.memref_squeeze %dma_start3A_57 : memref<1x128xi32, #tpu.memory_space<vmem>> -> memref<128xi32, #tpu.memory_space<vmem>>
      %dma_start3A_59 = arith.constant 0 : i32
      %dma_start3A_60 = arith.constant 0 : i32
      %dma_start3A_61 = tpu.memref_slice %arg6[%dma_start3A_59, %dma_start3A_60] : memref<100000x16xf32, #tpu.memory_space<vmem_shared>> -> memref<100000x16xf32, #tpu.memory_space<vmem_shared>>
      tpu.enqueue_indirect_dma source(%arg7 : memref<128x16xf32, #tpu.memory_space<vmem>>) target(%dma_start3A_61 : memref<100000x16xf32, #tpu.memory_space<vmem_shared>>) offsets(%dma_start3A_58 : memref<128xi32, #tpu.memory_space<vmem>>) semaphore(%arg10 : memref<!tpu.dma_semaphore, #tpu.memory_space<semaphore_mem>>) {add = true}
      %dma_start3A_62 = arith.constant 4 : i32
      %dma_start3A_63 = arith.constant 0 : i32
      %dma_start3A_64 = tpu.memref_slice %arg8[%dma_start3A_62, %dma_start3A_63] : memref<13x128xi32, #tpu.memory_space<vmem>> -> memref<1x128xi32, #tpu.memory_space<vmem>>
      %dma_start3A_65 = tpu.memref_squeeze %dma_start3A_64 : memref<1x128xi32, #tpu.memory_space<vmem>> -> memref<128xi32, #tpu.memory_space<vmem>>
      %dma_start3A_66 = arith.constant 0 : i32
      %dma_start3A_67 = arith.constant 0 : i32
      %dma_start3A_68 = tpu.memref_slice %arg6[%dma_start3A_66, %dma_start3A_67] : memref<100000x16xf32, #tpu.memory_space<vmem_shared>> -> memref<100000x16xf32, #tpu.memory_space<vmem_shared>>
      tpu.enqueue_indirect_dma source(%arg7 : memref<128x16xf32, #tpu.memory_space<vmem>>) target(%dma_start3A_68 : memref<100000x16xf32, #tpu.memory_space<vmem_shared>>) offsets(%dma_start3A_65 : memref<128xi32, #tpu.memory_space<vmem>>) semaphore(%arg10 : memref<!tpu.dma_semaphore, #tpu.memory_space<semaphore_mem>>) {add = true}
      %dma_start3A_69 = arith.constant 5 : i32
      %dma_start3A_70 = arith.constant 0 : i32
      %dma_start3A_71 = tpu.memref_slice %arg8[%dma_start3A_69, %dma_start3A_70] : memref<13x128xi32, #tpu.memory_space<vmem>> -> memref<1x128xi32, #tpu.memory_space<vmem>>
      %dma_start3A_72 = tpu.memref_squeeze %dma_start3A_71 : memref<1x128xi32, #tpu.memory_space<vmem>> -> memref<128xi32, #tpu.memory_space<vmem>>
      %dma_start3A_73 = arith.constant 0 : i32
      %dma_start3A_74 = arith.constant 0 : i32
      %dma_start3A_75 = tpu.memref_slice %arg6[%dma_start3A_73, %dma_start3A_74] : memref<100000x16xf32, #tpu.memory_space<vmem_shared>> -> memref<100000x16xf32, #tpu.memory_space<vmem_shared>>
      tpu.enqueue_indirect_dma source(%arg7 : memref<128x16xf32, #tpu.memory_space<vmem>>) target(%dma_start3A_75 : memref<100000x16xf32, #tpu.memory_space<vmem_shared>>) offsets(%dma_start3A_72 : memref<128xi32, #tpu.memory_space<vmem>>) semaphore(%arg10 : memref<!tpu.dma_semaphore, #tpu.memory_space<semaphore_mem>>) {add = true}
      %dma_start3A_76 = arith.constant 6 : i32
      %dma_start3A_77 = arith.constant 0 : i32
      %dma_start3A_78 = tpu.memref_slice %arg8[%dma_start3A_76, %dma_start3A_77] : memref<13x128xi32, #tpu.memory_space<vmem>> -> memref<1x128xi32, #tpu.memory_space<vmem>>
      %dma_start3A_79 = tpu.memref_squeeze %dma_start3A_78 : memref<1x128xi32, #tpu.memory_space<vmem>> -> memref<128xi32, #tpu.memory_space<vmem>>
      %dma_start3A_80 = arith.constant 0 : i32
      %dma_start3A_81 = arith.constant 0 : i32
      %dma_start3A_82 = tpu.memref_slice %arg6[%dma_start3A_80, %dma_start3A_81] : memref<100000x16xf32, #tpu.memory_space<vmem_shared>> -> memref<100000x16xf32, #tpu.memory_space<vmem_shared>>
      tpu.enqueue_indirect_dma source(%arg7 : memref<128x16xf32, #tpu.memory_space<vmem>>) target(%dma_start3A_82 : memref<100000x16xf32, #tpu.memory_space<vmem_shared>>) offsets(%dma_start3A_79 : memref<128xi32, #tpu.memory_space<vmem>>) semaphore(%arg10 : memref<!tpu.dma_semaphore, #tpu.memory_space<semaphore_mem>>) {add = true}
      %dma_start3A_83 = arith.constant 7 : i32
      %dma_start3A_84 = arith.constant 0 : i32
      %dma_start3A_85 = tpu.memref_slice %arg8[%dma_start3A_83, %dma_start3A_84] : memref<13x128xi32, #tpu.memory_space<vmem>> -> memref<1x128xi32, #tpu.memory_space<vmem>>
      %dma_start3A_86 = tpu.memref_squeeze %dma_start3A_85 : memref<1x128xi32, #tpu.memory_space<vmem>> -> memref<128xi32, #tpu.memory_space<vmem>>
      %dma_start3A_87 = arith.constant 0 : i32
      %dma_start3A_88 = arith.constant 0 : i32
      %dma_start3A_89 = tpu.memref_slice %arg6[%dma_start3A_87, %dma_start3A_88] : memref<100000x16xf32, #tpu.memory_space<vmem_shared>> -> memref<100000x16xf32, #tpu.memory_space<vmem_shared>>
      tpu.enqueue_indirect_dma source(%arg7 : memref<128x16xf32, #tpu.memory_space<vmem>>) target(%dma_start3A_89 : memref<100000x16xf32, #tpu.memory_space<vmem_shared>>) offsets(%dma_start3A_86 : memref<128xi32, #tpu.memory_space<vmem>>) semaphore(%arg10 : memref<!tpu.dma_semaphore, #tpu.memory_space<semaphore_mem>>) {add = true}
      %dma_start3A_90 = arith.constant 8 : i32
      %dma_start3A_91 = arith.constant 0 : i32
      %dma_start3A_92 = tpu.memref_slice %arg8[%dma_start3A_90, %dma_start3A_91] : memref<13x128xi32, #tpu.memory_space<vmem>> -> memref<1x128xi32, #tpu.memory_space<vmem>>
      %dma_start3A_93 = tpu.memref_squeeze %dma_start3A_92 : memref<1x128xi32, #tpu.memory_space<vmem>> -> memref<128xi32, #tpu.memory_space<vmem>>
      %dma_start3A_94 = arith.constant 0 : i32
      %dma_start3A_95 = arith.constant 0 : i32
      %dma_start3A_96 = tpu.memref_slice %arg6[%dma_start3A_94, %dma_start3A_95] : memref<100000x16xf32, #tpu.memory_space<vmem_shared>> -> memref<100000x16xf32, #tpu.memory_space<vmem_shared>>
      tpu.enqueue_indirect_dma source(%arg7 : memref<128x16xf32, #tpu.memory_space<vmem>>) target(%dma_start3A_96 : memref<100000x16xf32, #tpu.memory_space<vmem_shared>>) offsets(%dma_start3A_93 : memref<128xi32, #tpu.memory_space<vmem>>) semaphore(%arg10 : memref<!tpu.dma_semaphore, #tpu.memory_space<semaphore_mem>>) {add = true}
      %dma_start3A_97 = arith.constant 9 : i32
      %dma_start3A_98 = arith.constant 0 : i32
      %dma_start3A_99 = tpu.memref_slice %arg8[%dma_start3A_97, %dma_start3A_98] : memref<13x128xi32, #tpu.memory_space<vmem>> -> memref<1x128xi32, #tpu.memory_space<vmem>>
      %dma_start3A_100 = tpu.memref_squeeze %dma_start3A_99 : memref<1x128xi32, #tpu.memory_space<vmem>> -> memref<128xi32, #tpu.memory_space<vmem>>
      %dma_start3A_101 = arith.constant 0 : i32
      %dma_start3A_102 = arith.constant 0 : i32
      %dma_start3A_103 = tpu.memref_slice %arg6[%dma_start3A_101, %dma_start3A_102] : memref<100000x16xf32, #tpu.memory_space<vmem_shared>> -> memref<100000x16xf32, #tpu.memory_space<vmem_shared>>
      tpu.enqueue_indirect_dma source(%arg7 : memref<128x16xf32, #tpu.memory_space<vmem>>) target(%dma_start3A_103 : memref<100000x16xf32, #tpu.memory_space<vmem_shared>>) offsets(%dma_start3A_100 : memref<128xi32, #tpu.memory_space<vmem>>) semaphore(%arg10 : memref<!tpu.dma_semaphore, #tpu.memory_space<semaphore_mem>>) {add = true}
      %dma_start3A_104 = arith.constant 10 : i32
      %dma_start3A_105 = arith.constant 0 : i32
      %dma_start3A_106 = tpu.memref_slice %arg8[%dma_start3A_104, %dma_start3A_105] : memref<13x128xi32, #tpu.memory_space<vmem>> -> memref<1x128xi32, #tpu.memory_space<vmem>>
      %dma_start3A_107 = tpu.memref_squeeze %dma_start3A_106 : memref<1x128xi32, #tpu.memory_space<vmem>> -> memref<128xi32, #tpu.memory_space<vmem>>
      %dma_start3A_108 = arith.constant 0 : i32
      %dma_start3A_109 = arith.constant 0 : i32
      %dma_start3A_110 = tpu.memref_slice %arg6[%dma_start3A_108, %dma_start3A_109] : memref<100000x16xf32, #tpu.memory_space<vmem_shared>> -> memref<100000x16xf32, #tpu.memory_space<vmem_shared>>
      tpu.enqueue_indirect_dma source(%arg7 : memref<128x16xf32, #tpu.memory_space<vmem>>) target(%dma_start3A_110 : memref<100000x16xf32, #tpu.memory_space<vmem_shared>>) offsets(%dma_start3A_107 : memref<128xi32, #tpu.memory_space<vmem>>) semaphore(%arg10 : memref<!tpu.dma_semaphore, #tpu.memory_space<semaphore_mem>>) {add = true}
      %dma_start3A_111 = arith.constant 11 : i32
      %dma_start3A_112 = arith.constant 0 : i32
      %dma_start3A_113 = tpu.memref_slice %arg8[%dma_start3A_111, %dma_start3A_112] : memref<13x128xi32, #tpu.memory_space<vmem>> -> memref<1x128xi32, #tpu.memory_space<vmem>>
      %dma_start3A_114 = tpu.memref_squeeze %dma_start3A_113 : memref<1x128xi32, #tpu.memory_space<vmem>> -> memref<128xi32, #tpu.memory_space<vmem>>
      %dma_start3A_115 = arith.constant 0 : i32
      %dma_start3A_116 = arith.constant 0 : i32
      %dma_start3A_117 = tpu.memref_slice %arg6[%dma_start3A_115, %dma_start3A_116] : memref<100000x16xf32, #tpu.memory_space<vmem_shared>> -> memref<100000x16xf32, #tpu.memory_space<vmem_shared>>
      tpu.enqueue_indirect_dma source(%arg7 : memref<128x16xf32, #tpu.memory_space<vmem>>) target(%dma_start3A_117 : memref<100000x16xf32, #tpu.memory_space<vmem_shared>>) offsets(%dma_start3A_114 : memref<128xi32, #tpu.memory_space<vmem>>) semaphore(%arg10 : memref<!tpu.dma_semaphore, #tpu.memory_space<semaphore_mem>>) {add = true}
      %dma_start3A_118 = arith.constant 12 : i32
      %dma_start3A_119 = arith.constant 0 : i32
      %dma_start3A_120 = tpu.memref_slice %arg8[%dma_start3A_118, %dma_start3A_119] : memref<13x128xi32, #tpu.memory_space<vmem>> -> memref<1x128xi32, #tpu.memory_space<vmem>>
      %dma_start3A_121 = tpu.memref_squeeze %dma_start3A_120 : memref<1x128xi32, #tpu.memory_space<vmem>> -> memref<128xi32, #tpu.memory_space<vmem>>
      %dma_start3A_122 = arith.constant 0 : i32
      %dma_start3A_123 = arith.constant 0 : i32
      %dma_start3A_124 = tpu.memref_slice %arg6[%dma_start3A_122, %dma_start3A_123] : memref<100000x16xf32, #tpu.memory_space<vmem_shared>> -> memref<100000x16xf32, #tpu.memory_space<vmem_shared>>
      tpu.enqueue_indirect_dma source(%arg7 : memref<128x16xf32, #tpu.memory_space<vmem>>) target(%dma_start3A_124 : memref<100000x16xf32, #tpu.memory_space<vmem_shared>>) offsets(%dma_start3A_121 : memref<128xi32, #tpu.memory_space<vmem>>) semaphore(%arg10 : memref<!tpu.dma_semaphore, #tpu.memory_space<semaphore_mem>>) {add = true}
      %dma_wait3A_125 = arith.constant 0 : i32
      %dma_wait3A_126 = arith.constant 0 : i32
      %dma_wait3A_127 = tpu.memref_slice %arg8[%dma_wait3A_125, %dma_wait3A_126] : memref<13x128xi32, #tpu.memory_space<vmem>> -> memref<1x128xi32, #tpu.memory_space<vmem>>
      %dma_wait3A_128 = tpu.memref_squeeze %dma_wait3A_127 : memref<1x128xi32, #tpu.memory_space<vmem>> -> memref<128xi32, #tpu.memory_space<vmem>>
      %dma_wait3A_129 = arith.constant 0 : i32
      %dma_wait3A_130 = arith.constant 0 : i32
      %dma_wait3A_131 = tpu.memref_slice %arg6[%dma_wait3A_129, %dma_wait3A_130] : memref<100000x16xf32, #tpu.memory_space<vmem_shared>> -> memref<100000x16xf32, #tpu.memory_space<vmem_shared>>
      tpu.wait_indirect_dma semaphore(%arg10 : memref<!tpu.dma_semaphore, #tpu.memory_space<semaphore_mem>>) src(%arg7 : memref<128x16xf32, #tpu.memory_space<vmem>>) dst(%dma_wait3A_131 : memref<100000x16xf32, #tpu.memory_space<vmem_shared>>)
      %dma_wait3A_132 = arith.constant 1 : i32
      %dma_wait3A_133 = arith.constant 0 : i32
      %dma_wait3A_134 = tpu.memref_slice %arg8[%dma_wait3A_132, %dma_wait3A_133] : memref<13x128xi32, #tpu.memory_space<vmem>> -> memref<1x128xi32, #tpu.memory_space<vmem>>
      %dma_wait3A_135 = tpu.memref_squeeze %dma_wait3A_134 : memref<1x128xi32, #tpu.memory_space<vmem>> -> memref<128xi32, #tpu.memory_space<vmem>>
      %dma_wait3A_136 = arith.constant 0 : i32
      %dma_wait3A_137 = arith.constant 0 : i32
      %dma_wait3A_138 = tpu.memref_slice %arg6[%dma_wait3A_136, %dma_wait3A_137] : memref<100000x16xf32, #tpu.memory_space<vmem_shared>> -> memref<100000x16xf32, #tpu.memory_space<vmem_shared>>
      tpu.wait_indirect_dma semaphore(%arg10 : memref<!tpu.dma_semaphore, #tpu.memory_space<semaphore_mem>>) src(%arg7 : memref<128x16xf32, #tpu.memory_space<vmem>>) dst(%dma_wait3A_138 : memref<100000x16xf32, #tpu.memory_space<vmem_shared>>)
      %dma_wait3A_139 = arith.constant 2 : i32
      %dma_wait3A_140 = arith.constant 0 : i32
      %dma_wait3A_141 = tpu.memref_slice %arg8[%dma_wait3A_139, %dma_wait3A_140] : memref<13x128xi32, #tpu.memory_space<vmem>> -> memref<1x128xi32, #tpu.memory_space<vmem>>
      %dma_wait3A_142 = tpu.memref_squeeze %dma_wait3A_141 : memref<1x128xi32, #tpu.memory_space<vmem>> -> memref<128xi32, #tpu.memory_space<vmem>>
      %dma_wait3A_143 = arith.constant 0 : i32
      %dma_wait3A_144 = arith.constant 0 : i32
      %dma_wait3A_145 = tpu.memref_slice %arg6[%dma_wait3A_143, %dma_wait3A_144] : memref<100000x16xf32, #tpu.memory_space<vmem_shared>> -> memref<100000x16xf32, #tpu.memory_space<vmem_shared>>
      tpu.wait_indirect_dma semaphore(%arg10 : memref<!tpu.dma_semaphore, #tpu.memory_space<semaphore_mem>>) src(%arg7 : memref<128x16xf32, #tpu.memory_space<vmem>>) dst(%dma_wait3A_145 : memref<100000x16xf32, #tpu.memory_space<vmem_shared>>)
      %dma_wait3A_146 = arith.constant 3 : i32
      %dma_wait3A_147 = arith.constant 0 : i32
      %dma_wait3A_148 = tpu.memref_slice %arg8[%dma_wait3A_146, %dma_wait3A_147] : memref<13x128xi32, #tpu.memory_space<vmem>> -> memref<1x128xi32, #tpu.memory_space<vmem>>
      %dma_wait3A_149 = tpu.memref_squeeze %dma_wait3A_148 : memref<1x128xi32, #tpu.memory_space<vmem>> -> memref<128xi32, #tpu.memory_space<vmem>>
      %dma_wait3A_150 = arith.constant 0 : i32
      %dma_wait3A_151 = arith.constant 0 : i32
      %dma_wait3A_152 = tpu.memref_slice %arg6[%dma_wait3A_150, %dma_wait3A_151] : memref<100000x16xf32, #tpu.memory_space<vmem_shared>> -> memref<100000x16xf32, #tpu.memory_space<vmem_shared>>
      tpu.wait_indirect_dma semaphore(%arg10 : memref<!tpu.dma_semaphore, #tpu.memory_space<semaphore_mem>>) src(%arg7 : memref<128x16xf32, #tpu.memory_space<vmem>>) dst(%dma_wait3A_152 : memref<100000x16xf32, #tpu.memory_space<vmem_shared>>)
      %dma_wait3A_153 = arith.constant 4 : i32
      %dma_wait3A_154 = arith.constant 0 : i32
      %dma_wait3A_155 = tpu.memref_slice %arg8[%dma_wait3A_153, %dma_wait3A_154] : memref<13x128xi32, #tpu.memory_space<vmem>> -> memref<1x128xi32, #tpu.memory_space<vmem>>
      %dma_wait3A_156 = tpu.memref_squeeze %dma_wait3A_155 : memref<1x128xi32, #tpu.memory_space<vmem>> -> memref<128xi32, #tpu.memory_space<vmem>>
      %dma_wait3A_157 = arith.constant 0 : i32
      %dma_wait3A_158 = arith.constant 0 : i32
      %dma_wait3A_159 = tpu.memref_slice %arg6[%dma_wait3A_157, %dma_wait3A_158] : memref<100000x16xf32, #tpu.memory_space<vmem_shared>> -> memref<100000x16xf32, #tpu.memory_space<vmem_shared>>
      tpu.wait_indirect_dma semaphore(%arg10 : memref<!tpu.dma_semaphore, #tpu.memory_space<semaphore_mem>>) src(%arg7 : memref<128x16xf32, #tpu.memory_space<vmem>>) dst(%dma_wait3A_159 : memref<100000x16xf32, #tpu.memory_space<vmem_shared>>)
      %dma_wait3A_160 = arith.constant 5 : i32
      %dma_wait3A_161 = arith.constant 0 : i32
      %dma_wait3A_162 = tpu.memref_slice %arg8[%dma_wait3A_160, %dma_wait3A_161] : memref<13x128xi32, #tpu.memory_space<vmem>> -> memref<1x128xi32, #tpu.memory_space<vmem>>
      %dma_wait3A_163 = tpu.memref_squeeze %dma_wait3A_162 : memref<1x128xi32, #tpu.memory_space<vmem>> -> memref<128xi32, #tpu.memory_space<vmem>>
      %dma_wait3A_164 = arith.constant 0 : i32
      %dma_wait3A_165 = arith.constant 0 : i32
      %dma_wait3A_166 = tpu.memref_slice %arg6[%dma_wait3A_164, %dma_wait3A_165] : memref<100000x16xf32, #tpu.memory_space<vmem_shared>> -> memref<100000x16xf32, #tpu.memory_space<vmem_shared>>
      tpu.wait_indirect_dma semaphore(%arg10 : memref<!tpu.dma_semaphore, #tpu.memory_space<semaphore_mem>>) src(%arg7 : memref<128x16xf32, #tpu.memory_space<vmem>>) dst(%dma_wait3A_166 : memref<100000x16xf32, #tpu.memory_space<vmem_shared>>)
      %dma_wait3A_167 = arith.constant 6 : i32
      %dma_wait3A_168 = arith.constant 0 : i32
      %dma_wait3A_169 = tpu.memref_slice %arg8[%dma_wait3A_167, %dma_wait3A_168] : memref<13x128xi32, #tpu.memory_space<vmem>> -> memref<1x128xi32, #tpu.memory_space<vmem>>
      %dma_wait3A_170 = tpu.memref_squeeze %dma_wait3A_169 : memref<1x128xi32, #tpu.memory_space<vmem>> -> memref<128xi32, #tpu.memory_space<vmem>>
      %dma_wait3A_171 = arith.constant 0 : i32
      %dma_wait3A_172 = arith.constant 0 : i32
      %dma_wait3A_173 = tpu.memref_slice %arg6[%dma_wait3A_171, %dma_wait3A_172] : memref<100000x16xf32, #tpu.memory_space<vmem_shared>> -> memref<100000x16xf32, #tpu.memory_space<vmem_shared>>
      tpu.wait_indirect_dma semaphore(%arg10 : memref<!tpu.dma_semaphore, #tpu.memory_space<semaphore_mem>>) src(%arg7 : memref<128x16xf32, #tpu.memory_space<vmem>>) dst(%dma_wait3A_173 : memref<100000x16xf32, #tpu.memory_space<vmem_shared>>)
      %dma_wait3A_174 = arith.constant 7 : i32
      %dma_wait3A_175 = arith.constant 0 : i32
      %dma_wait3A_176 = tpu.memref_slice %arg8[%dma_wait3A_174, %dma_wait3A_175] : memref<13x128xi32, #tpu.memory_space<vmem>> -> memref<1x128xi32, #tpu.memory_space<vmem>>
      %dma_wait3A_177 = tpu.memref_squeeze %dma_wait3A_176 : memref<1x128xi32, #tpu.memory_space<vmem>> -> memref<128xi32, #tpu.memory_space<vmem>>
      %dma_wait3A_178 = arith.constant 0 : i32
      %dma_wait3A_179 = arith.constant 0 : i32
      %dma_wait3A_180 = tpu.memref_slice %arg6[%dma_wait3A_178, %dma_wait3A_179] : memref<100000x16xf32, #tpu.memory_space<vmem_shared>> -> memref<100000x16xf32, #tpu.memory_space<vmem_shared>>
      tpu.wait_indirect_dma semaphore(%arg10 : memref<!tpu.dma_semaphore, #tpu.memory_space<semaphore_mem>>) src(%arg7 : memref<128x16xf32, #tpu.memory_space<vmem>>) dst(%dma_wait3A_180 : memref<100000x16xf32, #tpu.memory_space<vmem_shared>>)
      %dma_wait3A_181 = arith.constant 8 : i32
      %dma_wait3A_182 = arith.constant 0 : i32
      %dma_wait3A_183 = tpu.memref_slice %arg8[%dma_wait3A_181, %dma_wait3A_182] : memref<13x128xi32, #tpu.memory_space<vmem>> -> memref<1x128xi32, #tpu.memory_space<vmem>>
      %dma_wait3A_184 = tpu.memref_squeeze %dma_wait3A_183 : memref<1x128xi32, #tpu.memory_space<vmem>> -> memref<128xi32, #tpu.memory_space<vmem>>
      %dma_wait3A_185 = arith.constant 0 : i32
      %dma_wait3A_186 = arith.constant 0 : i32
      %dma_wait3A_187 = tpu.memref_slice %arg6[%dma_wait3A_185, %dma_wait3A_186] : memref<100000x16xf32, #tpu.memory_space<vmem_shared>> -> memref<100000x16xf32, #tpu.memory_space<vmem_shared>>
      tpu.wait_indirect_dma semaphore(%arg10 : memref<!tpu.dma_semaphore, #tpu.memory_space<semaphore_mem>>) src(%arg7 : memref<128x16xf32, #tpu.memory_space<vmem>>) dst(%dma_wait3A_187 : memref<100000x16xf32, #tpu.memory_space<vmem_shared>>)
      %dma_wait3A_188 = arith.constant 9 : i32
      %dma_wait3A_189 = arith.constant 0 : i32
      %dma_wait3A_190 = tpu.memref_slice %arg8[%dma_wait3A_188, %dma_wait3A_189] : memref<13x128xi32, #tpu.memory_space<vmem>> -> memref<1x128xi32, #tpu.memory_space<vmem>>
      %dma_wait3A_191 = tpu.memref_squeeze %dma_wait3A_190 : memref<1x128xi32, #tpu.memory_space<vmem>> -> memref<128xi32, #tpu.memory_space<vmem>>
      %dma_wait3A_192 = arith.constant 0 : i32
      %dma_wait3A_193 = arith.constant 0 : i32
      %dma_wait3A_194 = tpu.memref_slice %arg6[%dma_wait3A_192, %dma_wait3A_193] : memref<100000x16xf32, #tpu.memory_space<vmem_shared>> -> memref<100000x16xf32, #tpu.memory_space<vmem_shared>>
      tpu.wait_indirect_dma semaphore(%arg10 : memref<!tpu.dma_semaphore, #tpu.memory_space<semaphore_mem>>) src(%arg7 : memref<128x16xf32, #tpu.memory_space<vmem>>) dst(%dma_wait3A_194 : memref<100000x16xf32, #tpu.memory_space<vmem_shared>>)
      %dma_wait3A_195 = arith.constant 10 : i32
      %dma_wait3A_196 = arith.constant 0 : i32
      %dma_wait3A_197 = tpu.memref_slice %arg8[%dma_wait3A_195, %dma_wait3A_196] : memref<13x128xi32, #tpu.memory_space<vmem>> -> memref<1x128xi32, #tpu.memory_space<vmem>>
      %dma_wait3A_198 = tpu.memref_squeeze %dma_wait3A_197 : memref<1x128xi32, #tpu.memory_space<vmem>> -> memref<128xi32, #tpu.memory_space<vmem>>
      %dma_wait3A_199 = arith.constant 0 : i32
      %dma_wait3A_200 = arith.constant 0 : i32
      %dma_wait3A_201 = tpu.memref_slice %arg6[%dma_wait3A_199, %dma_wait3A_200] : memref<100000x16xf32, #tpu.memory_space<vmem_shared>> -> memref<100000x16xf32, #tpu.memory_space<vmem_shared>>
      tpu.wait_indirect_dma semaphore(%arg10 : memref<!tpu.dma_semaphore, #tpu.memory_space<semaphore_mem>>) src(%arg7 : memref<128x16xf32, #tpu.memory_space<vmem>>) dst(%dma_wait3A_201 : memref<100000x16xf32, #tpu.memory_space<vmem_shared>>)
      %dma_wait3A_202 = arith.constant 11 : i32
      %dma_wait3A_203 = arith.constant 0 : i32
      %dma_wait3A_204 = tpu.memref_slice %arg8[%dma_wait3A_202, %dma_wait3A_203] : memref<13x128xi32, #tpu.memory_space<vmem>> -> memref<1x128xi32, #tpu.memory_space<vmem>>
      %dma_wait3A_205 = tpu.memref_squeeze %dma_wait3A_204 : memref<1x128xi32, #tpu.memory_space<vmem>> -> memref<128xi32, #tpu.memory_space<vmem>>
      %dma_wait3A_206 = arith.constant 0 : i32
      %dma_wait3A_207 = arith.constant 0 : i32
      %dma_wait3A_208 = tpu.memref_slice %arg6[%dma_wait3A_206, %dma_wait3A_207] : memref<100000x16xf32, #tpu.memory_space<vmem_shared>> -> memref<100000x16xf32, #tpu.memory_space<vmem_shared>>
      tpu.wait_indirect_dma semaphore(%arg10 : memref<!tpu.dma_semaphore, #tpu.memory_space<semaphore_mem>>) src(%arg7 : memref<128x16xf32, #tpu.memory_space<vmem>>) dst(%dma_wait3A_208 : memref<100000x16xf32, #tpu.memory_space<vmem_shared>>)
      %dma_wait3A_209 = arith.constant 12 : i32
      %dma_wait3A_210 = arith.constant 0 : i32
      %dma_wait3A_211 = tpu.memref_slice %arg8[%dma_wait3A_209, %dma_wait3A_210] : memref<13x128xi32, #tpu.memory_space<vmem>> -> memref<1x128xi32, #tpu.memory_space<vmem>>
      %dma_wait3A_212 = tpu.memref_squeeze %dma_wait3A_211 : memref<1x128xi32, #tpu.memory_space<vmem>> -> memref<128xi32, #tpu.memory_space<vmem>>
      %dma_wait3A_213 = arith.constant 0 : i32
      %dma_wait3A_214 = arith.constant 0 : i32
      %dma_wait3A_215 = tpu.memref_slice %arg6[%dma_wait3A_213, %dma_wait3A_214] : memref<100000x16xf32, #tpu.memory_space<vmem_shared>> -> memref<100000x16xf32, #tpu.memory_space<vmem_shared>>
      tpu.wait_indirect_dma semaphore(%arg10 : memref<!tpu.dma_semaphore, #tpu.memory_space<semaphore_mem>>) src(%arg7 : memref<128x16xf32, #tpu.memory_space<vmem>>) dst(%dma_wait3A_215 : memref<100000x16xf32, #tpu.memory_space<vmem_shared>>)
    }
    %scan3A_8 = arith.constant 30 : i32
    %lt3A = arith.constant 20 : i32
    %lt3A_9 = arith.cmpi slt, %add3A, %lt3A : i32
    %convert_element_type3A = arith.extui %lt3A_9 : i1 to i32
    %cond3A = arith.constant 0 : i32
    %cond3A_10 = arith.cmpi ne, %convert_element_type3A, %cond3A : i32
    scf.if %cond3A_10 {
      %add3A_14 = arith.constant 12480 : i32
      %add3A_15 = arith.addi %add3A_14, %add3A : i32
      %dma_start3A = arith.constant 1 : i32
      %dma_start3A_16 = arith.constant 0 : i32
      %dma_start3A_17 = arith.constant 0 : i32
      %dma_start3A_18 = tpu.memref_slice %arg8[%dma_start3A_16, %dma_start3A_17] : memref<13x128xi32, #tpu.memory_space<vmem>> -> memref<1x128xi32, #tpu.memory_space<vmem>>
      %dma_start3A_19 = arith.constant 0 : i32
      %dma_start3A_20 = tpu.memref_slice %arg2[%dma_start3A, %add3A_15, %dma_start3A_19] : memref<2x12500x128xi32, #tpu.memory_space<hbm>> -> memref<1x1x128xi32, #tpu.memory_space<hbm>>
      %dma_start3A_21 = tpu.memref_squeeze %dma_start3A_20 : memref<1x1x128xi32, #tpu.memory_space<hbm>> -> memref<1x128xi32, #tpu.memory_space<hbm>>
      %dma_start3A_22 = arith.constant 0 : i32
      %dma_start3A_23 = arith.constant 0 : i32
      %dma_start3A_24 = tpu.memref_slice %arg8[%dma_start3A_22, %dma_start3A_23] : memref<13x128xi32, #tpu.memory_space<vmem>> -> memref<1x128xi32, #tpu.memory_space<vmem>>
      %dma_start3A_25 = arith.constant 0 : i32
      %dma_start3A_26 = tpu.memref_slice %arg2[%dma_start3A, %add3A_15, %dma_start3A_25] : memref<2x12500x128xi32, #tpu.memory_space<hbm>> -> memref<1x1x128xi32, #tpu.memory_space<hbm>>
      %dma_start3A_27 = tpu.memref_squeeze %dma_start3A_26 : memref<1x1x128xi32, #tpu.memory_space<hbm>> -> memref<1x128xi32, #tpu.memory_space<hbm>>
      tpu.enqueue_dma source(%dma_start3A_27 : memref<1x128xi32, #tpu.memory_space<hbm>>) target(%dma_start3A_24 : memref<1x128xi32, #tpu.memory_space<vmem>>) target_semaphore(%arg9 : memref<!tpu.dma_semaphore, #tpu.memory_space<semaphore_mem>>)
      %dma_wait3A = arith.constant 1 : i32
      %dma_wait3A_28 = arith.constant 0 : i32
      %dma_wait3A_29 = arith.constant 0 : i32
      %dma_wait3A_30 = tpu.memref_slice %arg8[%dma_wait3A_28, %dma_wait3A_29] : memref<13x128xi32, #tpu.memory_space<vmem>> -> memref<1x128xi32, #tpu.memory_space<vmem>>
      %dma_wait3A_31 = arith.constant 0 : i32
      %dma_wait3A_32 = tpu.memref_slice %arg2[%dma_wait3A, %add3A_15, %dma_wait3A_31] : memref<2x12500x128xi32, #tpu.memory_space<hbm>> -> memref<1x1x128xi32, #tpu.memory_space<hbm>>
      %dma_wait3A_33 = tpu.memref_squeeze %dma_wait3A_32 : memref<1x1x128xi32, #tpu.memory_space<hbm>> -> memref<1x128xi32, #tpu.memory_space<hbm>>
      %dma_wait3A_34 = arith.constant 0 : i32
      %dma_wait3A_35 = arith.constant 0 : i32
      %dma_wait3A_36 = tpu.memref_slice %arg8[%dma_wait3A_34, %dma_wait3A_35] : memref<13x128xi32, #tpu.memory_space<vmem>> -> memref<1x128xi32, #tpu.memory_space<vmem>>
      %dma_wait3A_37 = arith.constant 0 : i32
      %dma_wait3A_38 = tpu.memref_slice %arg2[%dma_wait3A, %add3A_15, %dma_wait3A_37] : memref<2x12500x128xi32, #tpu.memory_space<hbm>> -> memref<1x1x128xi32, #tpu.memory_space<hbm>>
      %dma_wait3A_39 = tpu.memref_squeeze %dma_wait3A_38 : memref<1x1x128xi32, #tpu.memory_space<hbm>> -> memref<1x128xi32, #tpu.memory_space<hbm>>
      tpu.wait_dma2 semaphore(%arg9 : memref<!tpu.dma_semaphore, #tpu.memory_space<semaphore_mem>>) src(%dma_wait3A_39 : memref<1x128xi32, #tpu.memory_space<hbm>>) dst(%dma_wait3A_36 : memref<1x128xi32, #tpu.memory_space<vmem>>)
      %dma_start3A_40 = arith.constant 0 : i32
      %dma_start3A_41 = arith.constant 0 : i32
      %dma_start3A_42 = tpu.memref_slice %arg8[%dma_start3A_40, %dma_start3A_41] : memref<13x128xi32, #tpu.memory_space<vmem>> -> memref<1x128xi32, #tpu.memory_space<vmem>>
      %dma_start3A_43 = tpu.memref_squeeze %dma_start3A_42 : memref<1x128xi32, #tpu.memory_space<vmem>> -> memref<128xi32, #tpu.memory_space<vmem>>
      %dma_start3A_44 = arith.constant 0 : i32
      %dma_start3A_45 = arith.constant 0 : i32
      %dma_start3A_46 = tpu.memref_slice %arg6[%dma_start3A_44, %dma_start3A_45] : memref<100000x16xf32, #tpu.memory_space<vmem_shared>> -> memref<100000x16xf32, #tpu.memory_space<vmem_shared>>
      tpu.enqueue_indirect_dma source(%arg7 : memref<128x16xf32, #tpu.memory_space<vmem>>) target(%dma_start3A_46 : memref<100000x16xf32, #tpu.memory_space<vmem_shared>>) offsets(%dma_start3A_43 : memref<128xi32, #tpu.memory_space<vmem>>) semaphore(%arg10 : memref<!tpu.dma_semaphore, #tpu.memory_space<semaphore_mem>>) {add = true}
      %dma_wait3A_47 = arith.constant 0 : i32
      %dma_wait3A_48 = arith.constant 0 : i32
      %dma_wait3A_49 = tpu.memref_slice %arg8[%dma_wait3A_47, %dma_wait3A_48] : memref<13x128xi32, #tpu.memory_space<vmem>> -> memref<1x128xi32, #tpu.memory_space<vmem>>
      %dma_wait3A_50 = tpu.memref_squeeze %dma_wait3A_49 : memref<1x128xi32, #tpu.memory_space<vmem>> -> memref<128xi32, #tpu.memory_space<vmem>>
      %dma_wait3A_51 = arith.constant 0 : i32
      %dma_wait3A_52 = arith.constant 0 : i32
      %dma_wait3A_53 = tpu.memref_slice %arg6[%dma_wait3A_51, %dma_wait3A_52] : memref<100000x16xf32, #tpu.memory_space<vmem_shared>> -> memref<100000x16xf32, #tpu.memory_space<vmem_shared>>
      tpu.wait_indirect_dma semaphore(%arg10 : memref<!tpu.dma_semaphore, #tpu.memory_space<semaphore_mem>>) src(%arg7 : memref<128x16xf32, #tpu.memory_space<vmem>>) dst(%dma_wait3A_53 : memref<100000x16xf32, #tpu.memory_space<vmem_shared>>)
    } else {
    }
    %barrier3A_11 = arith.constant 0 : index
    tpu.barrier barrier_id(%barrier3A_11)
    %mul3A_12 = arith.constant 6250 : i32
    %mul3A_13 = arith.muli %arg1, %mul3A_12 : i32
    "tpu.region"() ({
      %run_scoped3A = tpu.sem_alloc : memref<!tpu.dma_semaphore, #tpu.memory_space<semaphore_mem>>
      %dma_start3A = arith.constant 0 : i32
      %dma_start3A_14 = arith.constant 0 : i32
      %dma_start3A_15 = tpu.memref_slice %arg5[%arg0, %arg1, %dma_start3A, %dma_start3A_14] : memref<2x16x6250x16xf32, #tpu.memory_space<hbm>> -> memref<1x1x6250x16xf32, #tpu.memory_space<hbm>>
      %dma_start3A_16 = tpu.memref_squeeze %dma_start3A_15 : memref<1x1x6250x16xf32, #tpu.memory_space<hbm>> -> memref<6250x16xf32, #tpu.memory_space<hbm>>
      %dma_start3A_17 = arith.constant 0 : i32
      %dma_start3A_18 = tpu.memref_slice %arg6[%mul3A_13, %dma_start3A_17] : memref<100000x16xf32, #tpu.memory_space<vmem_shared>> -> memref<6250x16xf32, #tpu.memory_space<vmem_shared>>
      tpu.enqueue_dma source(%dma_start3A_18 : memref<6250x16xf32, #tpu.memory_space<vmem_shared>>) target(%dma_start3A_16 : memref<6250x16xf32, #tpu.memory_space<hbm>>) target_semaphore(%run_scoped3A : memref<!tpu.dma_semaphore, #tpu.memory_space<semaphore_mem>>)
      %dma_wait3A = arith.constant 0 : i32
      %dma_wait3A_19 = arith.constant 0 : i32
      %dma_wait3A_20 = tpu.memref_slice %arg5[%arg0, %arg1, %dma_wait3A, %dma_wait3A_19] : memref<2x16x6250x16xf32, #tpu.memory_space<hbm>> -> memref<1x1x6250x16xf32, #tpu.memory_space<hbm>>
      %dma_wait3A_21 = tpu.memref_squeeze %dma_wait3A_20 : memref<1x1x6250x16xf32, #tpu.memory_space<hbm>> -> memref<6250x16xf32, #tpu.memory_space<hbm>>
      %dma_wait3A_22 = arith.constant 0 : i32
      %dma_wait3A_23 = tpu.memref_slice %arg6[%mul3A_13, %dma_wait3A_22] : memref<100000x16xf32, #tpu.memory_space<vmem_shared>> -> memref<6250x16xf32, #tpu.memory_space<vmem_shared>>
      tpu.wait_dma2 semaphore(%run_scoped3A : memref<!tpu.dma_semaphore, #tpu.memory_space<semaphore_mem>>) src(%dma_wait3A_23 : memref<6250x16xf32, #tpu.memory_space<vmem_shared>>) dst(%dma_wait3A_21 : memref<6250x16xf32, #tpu.memory_space<hbm>>)
      tpu.yield
    }) : () -> ()
    return
  }
}

module attributes {stable_mosaic.version = 14 : i64} {
  func.func @_tc1_body(%arg0: i32, %arg1: memref<1600x128xf32, #tpu.memory_space<vmem>>, %arg2: memref<2x1600x128xf32, #tpu.memory_space<vmem>>, %arg3: memref<2x1600x128xf32, #tpu.memory_space<vmem>>, %arg4: memref<128x512xf32, #tpu.memory_space<vmem>>, %arg5: memref<128x512xf32, #tpu.memory_space<vmem>>, %arg6: memref<1x512xf32, #tpu.memory_space<vmem>>, %arg7: memref<512x128xf32, #tpu.memory_space<vmem>>, %arg8: memref<512x128xf32, #tpu.memory_space<vmem>>, %arg9: memref<512x256xf32, #tpu.memory_space<vmem>>, %arg10: memref<2x1600x128xf32, #tpu.memory_space<vmem>>, %arg11: memref<1600x256xf32, #tpu.memory_space<vmem>>) attributes {dimension_semantics = [#tpu.dimension_semantics<arbitrary>], iteration_bounds = array<i64: 8>, scalar_prefetch = 0 : i64, scratch_operands = 0 : i64, tpu.core_type = #tpu.core_type<tc>, window_params = [{transform_indices = @transform_0, window_bounds = array<i64: 1600, 128>}, {transform_indices = @transform_1, window_bounds = array<i64: 2, 1600, 128>}, {transform_indices = @transform_2, window_bounds = array<i64: 2, 1600, 128>}, {pipeline_mode = #tpu.pipeline_mode<synchronous>, transform_indices = @transform_3, window_bounds = array<i64: 128, 512>}, {pipeline_mode = #tpu.pipeline_mode<synchronous>, transform_indices = @transform_4, window_bounds = array<i64: 128, 512>}, {pipeline_mode = #tpu.pipeline_mode<synchronous>, transform_indices = @transform_5, window_bounds = array<i64: 1, 512>}, {pipeline_mode = #tpu.pipeline_mode<synchronous>, transform_indices = @transform_6, window_bounds = array<i64: 512, 128>}, {pipeline_mode = #tpu.pipeline_mode<synchronous>, transform_indices = @transform_7, window_bounds = array<i64: 512, 128>}, {pipeline_mode = #tpu.pipeline_mode<synchronous>, transform_indices = @transform_8, window_bounds = array<i64: 512, 256>}, {transform_indices = @transform_9, window_bounds = array<i64: 2, 1600, 128>}, {transform_indices = @transform_10, window_bounds = array<i64: 1600, 256>}]} {
    %get3A = arith.constant 0 : index
    %get3A_0 = arith.constant 0 : index
    %get3A_1 = arith.constant 0 : index
    %get3A_2 = vector.load %arg3[%get3A, %get3A_0, %get3A_1] : memref<2x1600x128xf32, #tpu.memory_space<vmem>>, vector<1x1600x128xf32>
    %get3A_3 = vector.shape_cast %get3A_2 : vector<1x1600x128xf32> to vector<1600x128xf32>
    %get3A_4 = arith.constant 1 : index
    %get3A_5 = arith.constant 0 : index
    %get3A_6 = arith.constant 0 : index
    %get3A_7 = vector.load %arg3[%get3A_4, %get3A_5, %get3A_6] : memref<2x1600x128xf32, #tpu.memory_space<vmem>>, vector<1x1600x128xf32>
    %get3A_8 = vector.shape_cast %get3A_7 : vector<1x1600x128xf32> to vector<1600x128xf32>
    %add3A = arith.addf %get3A_3, %get3A_8 : vector<1600x128xf32>
    %jit3A = arith.constant 1.000000e+00 : f32
    %max3A = vector.broadcast %jit3A : f32 to vector<1600x128xf32>
    %max3A_9 = arith.maximumf %max3A, %add3A : vector<1600x128xf32>
    %get3A_10 = arith.constant 0 : index
    %get3A_11 = arith.constant 0 : index
    %get3A_12 = arith.constant 0 : index
    %get3A_13 = vector.load %arg2[%get3A_10, %get3A_11, %get3A_12] : memref<2x1600x128xf32, #tpu.memory_space<vmem>>, vector<1x1600x128xf32>
    %get3A_14 = vector.shape_cast %get3A_13 : vector<1x1600x128xf32> to vector<1600x128xf32>
    %get3A_15 = arith.constant 1 : index
    %get3A_16 = arith.constant 0 : index
    %get3A_17 = arith.constant 0 : index
    %get3A_18 = vector.load %arg2[%get3A_15, %get3A_16, %get3A_17] : memref<2x1600x128xf32, #tpu.memory_space<vmem>>, vector<1x1600x128xf32>
    %get3A_19 = vector.shape_cast %get3A_18 : vector<1x1600x128xf32> to vector<1600x128xf32>
    %add3A_20 = arith.addf %get3A_14, %get3A_19 : vector<1600x128xf32>
    %div3A = arith.divf %add3A_20, %max3A_9 : vector<1600x128xf32>
    %get3A_21 = arith.constant 0 : index
    %get3A_22 = arith.constant 0 : index
    %get3A_23 = vector.load %arg1[%get3A_21, %get3A_22] : memref<1600x128xf32, #tpu.memory_space<vmem>>, vector<1600x128xf32>
    %get3A_24 = arith.constant 0 : index
    %get3A_25 = arith.constant 0 : index
    %get3A_26 = vector.load %arg4[%get3A_24, %get3A_25] : memref<128x512xf32, #tpu.memory_space<vmem>>, vector<128x512xf32>
    %dot_general3A = arith.constant dense<0.000000e+00> : vector<1600x512xf32>
    %dot_general3A_27 = tpu.matmul %get3A_23, %get3A_26, %dot_general3A {dimension_numbers = #tpu.dot_dimension_numbers<[1], [0], [0], [1], [0, 0, 1, 1], [], []>, transpose_lhs_hint = false} : vector<1600x128xf32>, vector<128x512xf32>, vector<1600x512xf32> -> vector<1600x512xf32>
    %get3A_28 = arith.constant 0 : index
    %get3A_29 = arith.constant 0 : index
    %get3A_30 = vector.load %arg5[%get3A_28, %get3A_29] : memref<128x512xf32, #tpu.memory_space<vmem>>, vector<128x512xf32>
    %dot_general3A_31 = arith.constant dense<0.000000e+00> : vector<1600x512xf32>
    %dot_general3A_32 = tpu.matmul %div3A, %get3A_30, %dot_general3A_31 {dimension_numbers = #tpu.dot_dimension_numbers<[1], [0], [0], [1], [0, 0, 1, 1], [], []>, transpose_lhs_hint = false} : vector<1600x128xf32>, vector<128x512xf32>, vector<1600x512xf32> -> vector<1600x512xf32>
    %add3A_33 = arith.addf %dot_general3A_27, %dot_general3A_32 : vector<1600x512xf32>
    %get3A_34 = arith.constant 0 : index
    %get3A_35 = arith.constant 0 : index
    %get3A_36 = vector.load %arg6[%get3A_34, %get3A_35] : memref<1x512xf32, #tpu.memory_space<vmem>>, vector<1x512xf32>
    %add3A_37 = vector.broadcast %get3A_36 : vector<1x512xf32> to vector<1600x512xf32>
    %add3A_38 = arith.addf %add3A_33, %add3A_37 : vector<1600x512xf32>
    %max3A_39 = arith.constant 0.000000e+00 : f32
    %max3A_40 = vector.broadcast %max3A_39 : f32 to vector<1600x512xf32>
    %max3A_41 = arith.maximumf %add3A_38, %max3A_40 : vector<1600x512xf32>
    %get3A_42 = arith.constant 0 : index
    %get3A_43 = arith.constant 0 : index
    %get3A_44 = vector.load %arg7[%get3A_42, %get3A_43] : memref<512x128xf32, #tpu.memory_space<vmem>>, vector<512x128xf32>
    %dot_general3A_45 = arith.constant dense<0.000000e+00> : vector<1600x128xf32>
    %dot_general3A_46 = tpu.matmul %max3A_41, %get3A_44, %dot_general3A_45 {dimension_numbers = #tpu.dot_dimension_numbers<[1], [0], [0], [1], [0, 0, 1, 1], [], []>, transpose_lhs_hint = false} : vector<1600x512xf32>, vector<512x128xf32>, vector<1600x128xf32> -> vector<1600x128xf32>
    %swap3A = arith.constant 0 : index
    %swap3A_47 = arith.constant 0 : index
    %swap3A_48 = arith.constant 0 : index
    %swap3A_49 = vector.load %arg10[%swap3A, %swap3A_47, %swap3A_48] : memref<2x1600x128xf32, #tpu.memory_space<vmem>>, vector<1x1600x128xf32>
    %swap3A_50 = vector.shape_cast %swap3A_49 : vector<1x1600x128xf32> to vector<1600x128xf32>
    %swap3A_51 = vector.shape_cast %dot_general3A_46 : vector<1600x128xf32> to vector<1x1600x128xf32>
    tpu.vector_store %arg10[%swap3A, %swap3A_47, %swap3A_48], %swap3A_51 {strides = array<i32>} : memref<2x1600x128xf32, #tpu.memory_space<vmem>>, vector<1x1600x128xf32>,
    %get3A_52 = arith.constant 0 : index
    %get3A_53 = arith.constant 0 : index
    %get3A_54 = vector.load %arg8[%get3A_52, %get3A_53] : memref<512x128xf32, #tpu.memory_space<vmem>>, vector<512x128xf32>
    %dot_general3A_55 = arith.constant dense<0.000000e+00> : vector<1600x128xf32>
    %dot_general3A_56 = tpu.matmul %max3A_41, %get3A_54, %dot_general3A_55 {dimension_numbers = #tpu.dot_dimension_numbers<[1], [0], [0], [1], [0, 0, 1, 1], [], []>, transpose_lhs_hint = false} : vector<1600x512xf32>, vector<512x128xf32>, vector<1600x128xf32> -> vector<1600x128xf32>
    %swap3A_57 = arith.constant 1 : index
    %swap3A_58 = arith.constant 0 : index
    %swap3A_59 = arith.constant 0 : index
    %swap3A_60 = vector.load %arg10[%swap3A_57, %swap3A_58, %swap3A_59] : memref<2x1600x128xf32, #tpu.memory_space<vmem>>, vector<1x1600x128xf32>
    %swap3A_61 = vector.shape_cast %swap3A_60 : vector<1x1600x128xf32> to vector<1600x128xf32>
    %swap3A_62 = vector.shape_cast %dot_general3A_56 : vector<1600x128xf32> to vector<1x1600x128xf32>
    tpu.vector_store %arg10[%swap3A_57, %swap3A_58, %swap3A_59], %swap3A_62 {strides = array<i32>} : memref<2x1600x128xf32, #tpu.memory_space<vmem>>, vector<1x1600x128xf32>,
    %get3A_63 = arith.constant 0 : index
    %get3A_64 = arith.constant 0 : index
    %get3A_65 = vector.load %arg9[%get3A_63, %get3A_64] : memref<512x256xf32, #tpu.memory_space<vmem>>, vector<512x256xf32>
    %dot_general3A_66 = arith.constant dense<0.000000e+00> : vector<1600x256xf32>
    %dot_general3A_67 = tpu.matmul %max3A_41, %get3A_65, %dot_general3A_66 {dimension_numbers = #tpu.dot_dimension_numbers<[1], [0], [0], [1], [0, 0, 1, 1], [], []>, transpose_lhs_hint = false} : vector<1600x512xf32>, vector<512x256xf32>, vector<1600x256xf32> -> vector<1600x256xf32>
    %swap3A_68 = arith.constant 0 : index
    %swap3A_69 = arith.constant 0 : index
    %swap3A_70 = vector.load %arg11[%swap3A_68, %swap3A_69] : memref<1600x256xf32, #tpu.memory_space<vmem>>, vector<1600x256xf32>
    tpu.vector_store %arg11[%swap3A_68, %swap3A_69], %dot_general3A_67 {strides = array<i32>} : memref<1600x256xf32, #tpu.memory_space<vmem>>, vector<1600x256xf32>,
    return
  }
  func.func @transform_0(%arg0: i32) -> (i32, i32) {
    %c0_i32 = arith.constant 0 : i32
    %c0_i32_0 = arith.constant 0 : i32
    return %arg0, %c0_i32 : i32, i32
  }
  func.func @transform_1(%arg0: i32) -> (i32, i32, i32) {
    %c0_i32 = arith.constant 0 : i32
    %c0_i32_0 = arith.constant 0 : i32
    %c0_i32_1 = arith.constant 0 : i32
    return %c0_i32, %arg0, %c0_i32_0 : i32, i32, i32
  }
  func.func @transform_2(%arg0: i32) -> (i32, i32, i32) {
    %c0_i32 = arith.constant 0 : i32
    %c0_i32_0 = arith.constant 0 : i32
    %c0_i32_1 = arith.constant 0 : i32
    return %c0_i32, %arg0, %c0_i32_0 : i32, i32, i32
  }
  func.func @transform_3(%arg0: i32) -> (i32, i32) {
    %c0_i32 = arith.constant 0 : i32
    %c0_i32_0 = arith.constant 0 : i32
    %c0_i32_1 = arith.constant 0 : i32
    return %c0_i32, %c0_i32_0 : i32, i32
  }
  func.func @transform_4(%arg0: i32) -> (i32, i32) {
    %c0_i32 = arith.constant 0 : i32
    %c0_i32_0 = arith.constant 0 : i32
    %c0_i32_1 = arith.constant 0 : i32
    return %c0_i32, %c0_i32_0 : i32, i32
  }
  func.func @transform_5(%arg0: i32) -> (i32, i32) {
    %c0_i32 = arith.constant 0 : i32
    %c0_i32_0 = arith.constant 0 : i32
    %c0_i32_1 = arith.constant 0 : i32
    return %c0_i32, %c0_i32_0 : i32, i32
  }
  func.func @transform_6(%arg0: i32) -> (i32, i32) {
    %c0_i32 = arith.constant 0 : i32
    %c0_i32_0 = arith.constant 0 : i32
    %c0_i32_1 = arith.constant 0 : i32
    return %c0_i32, %c0_i32_0 : i32, i32
  }
  func.func @transform_7(%arg0: i32) -> (i32, i32) {
    %c0_i32 = arith.constant 0 : i32
    %c0_i32_0 = arith.constant 0 : i32
    %c0_i32_1 = arith.constant 0 : i32
    return %c0_i32, %c0_i32_0 : i32, i32
  }
  func.func @transform_8(%arg0: i32) -> (i32, i32) {
    %c0_i32 = arith.constant 0 : i32
    %c0_i32_0 = arith.constant 0 : i32
    %c0_i32_1 = arith.constant 0 : i32
    return %c0_i32, %c0_i32_0 : i32, i32
  }
  func.func @transform_9(%arg0: i32) -> (i32, i32, i32) {
    %c0_i32 = arith.constant 0 : i32
    %c0_i32_0 = arith.constant 0 : i32
    %c0_i32_1 = arith.constant 0 : i32
    return %c0_i32, %arg0, %c0_i32_0 : i32, i32, i32
  }
  func.func @transform_10(%arg0: i32) -> (i32, i32) {
    %c0_i32 = arith.constant 0 : i32
    %c0_i32_0 = arith.constant 0 : i32
    return %arg0, %c0_i32 : i32, i32
  }
}

module attributes {stable_mosaic.version = 14 : i64} {
  func.func @_tc2_body(%arg0: i32, %arg1: memref<1600x256xf32, #tpu.memory_space<vmem>>, %arg2: memref<2x1600x128xf32, #tpu.memory_space<vmem>>, %arg3: memref<2x1600x128xf32, #tpu.memory_space<vmem>>, %arg4: memref<1600x128xf32, #tpu.memory_space<vmem>>, %arg5: memref<128x256xf32, #tpu.memory_space<vmem>>, %arg6: memref<128x256xf32, #tpu.memory_space<vmem>>, %arg7: memref<1x256xf32, #tpu.memory_space<vmem>>, %arg8: memref<256x256xf32, #tpu.memory_space<vmem>>, %arg9: memref<1x256xf32, #tpu.memory_space<vmem>>, %arg10: memref<256x256xf32, #tpu.memory_space<vmem>>, %arg11: memref<128x256xf32, #tpu.memory_space<vmem>>, %arg12: memref<256x32xf32, #tpu.memory_space<vmem>>, %arg13: memref<32x16xf32, #tpu.memory_space<vmem>>, %arg14: memref<1x16xf32, #tpu.memory_space<vmem>>, %arg15: memref<16x1xf32, #tpu.memory_space<vmem>>, %arg16: memref<1x1xf32, #tpu.memory_space<vmem>>, %arg17: memref<1x1xf32, #tpu.memory_space<vmem>>, %arg18: memref<1x1xf32, #tpu.memory_space<smem>>, %arg19: memref<1x1xf32, #tpu.memory_space<smem>>, %arg20: memref<1x32xf32, #tpu.memory_space<vmem>>) attributes {dimension_semantics = [#tpu.dimension_semantics<arbitrary>], iteration_bounds = array<i64: 8>, scalar_prefetch = 0 : i64, scratch_operands = 3 : i64, tpu.core_type = #tpu.core_type<tc>, window_params = [{transform_indices = @transform_0, window_bounds = array<i64: 1600, 256>}, {transform_indices = @transform_1, window_bounds = array<i64: 2, 1600, 128>}, {transform_indices = @transform_2, window_bounds = array<i64: 2, 1600, 128>}, {transform_indices = @transform_3, window_bounds = array<i64: 1600, 128>}, {pipeline_mode = #tpu.pipeline_mode<synchronous>, transform_indices = @transform_4, window_bounds = array<i64: 128, 256>}, {pipeline_mode = #tpu.pipeline_mode<synchronous>, transform_indices = @transform_5, window_bounds = array<i64: 128, 256>}, {pipeline_mode = #tpu.pipeline_mode<synchronous>, transform_indices = @transform_6, window_bounds = array<i64: 1, 256>}, {pipeline_mode = #tpu.pipeline_mode<synchronous>, transform_indices = @transform_7, window_bounds = array<i64: 256, 256>}, {pipeline_mode = #tpu.pipeline_mode<synchronous>, transform_indices = @transform_8, window_bounds = array<i64: 1, 256>}, {pipeline_mode = #tpu.pipeline_mode<synchronous>, transform_indices = @transform_9, window_bounds = array<i64: 256, 256>}, {pipeline_mode = #tpu.pipeline_mode<synchronous>, transform_indices = @transform_10, window_bounds = array<i64: 128, 256>}, {pipeline_mode = #tpu.pipeline_mode<synchronous>, transform_indices = @transform_11, window_bounds = array<i64: 256, 32>}, {pipeline_mode = #tpu.pipeline_mode<synchronous>, transform_indices = @transform_12, window_bounds = array<i64: 32, 16>}, {pipeline_mode = #tpu.pipeline_mode<synchronous>, transform_indices = @transform_13, window_bounds = array<i64: 1, 16>}, {pipeline_mode = #tpu.pipeline_mode<synchronous>, transform_indices = @transform_14, window_bounds = array<i64: 16, 1>}, {pipeline_mode = #tpu.pipeline_mode<synchronous>, transform_indices = @transform_15, window_bounds = array<i64: 1, 1>}, {pipeline_mode = #tpu.pipeline_mode<synchronous>, transform_indices = @transform_16, window_bounds = array<i64: 1, 1>}]} {
    %eq3A = arith.constant 0 : i32
    %eq3A_0 = arith.cmpi eq, %arg0, %eq3A : i32
    %convert_element_type3A = arith.extui %eq3A_0 : i1 to i32
    %cond3A = arith.constant 0 : i32
    %cond3A_1 = arith.cmpi ne, %convert_element_type3A, %cond3A : i32
    scf.if %cond3A_1 {
      %swap3A_128 = arith.constant -1.000000e+30 : f32
      %swap3A_129 = arith.constant 0 : index
      %swap3A_130 = arith.constant 0 : index
      %swap3A_131 = memref.load %arg18[%swap3A_129, %swap3A_130] : memref<1x1xf32, #tpu.memory_space<smem>>
      memref.store %swap3A_128, %arg18[%swap3A_129, %swap3A_130] : memref<1x1xf32, #tpu.memory_space<smem>>
      %swap3A_132 = arith.constant 0.000000e+00 : f32
      %swap3A_133 = arith.constant 0 : index
      %swap3A_134 = arith.constant 0 : index
      %swap3A_135 = memref.load %arg19[%swap3A_133, %swap3A_134] : memref<1x1xf32, #tpu.memory_space<smem>>
      memref.store %swap3A_132, %arg19[%swap3A_133, %swap3A_134] : memref<1x1xf32, #tpu.memory_space<smem>>
      %broadcast_in_dim3A_136 = arith.constant 0.000000e+00 : f32
      %broadcast_in_dim3A_137 = vector.broadcast %broadcast_in_dim3A_136 : f32 to vector<1x32xf32>
      %swap3A_138 = arith.constant 0 : index
      %swap3A_139 = arith.constant 0 : index
      %swap3A_140 = vector.load %arg20[%swap3A_138, %swap3A_139] : memref<1x32xf32, #tpu.memory_space<vmem>>, vector<1x32xf32>
      tpu.vector_store %arg20[%swap3A_138, %swap3A_139], %broadcast_in_dim3A_137 {strides = array<i32>} : memref<1x32xf32, #tpu.memory_space<vmem>>, vector<1x32xf32>,
    } else {
    }
    %get3A = arith.constant 0 : index
    %get3A_2 = arith.constant 0 : index
    %get3A_3 = arith.constant 0 : index
    %get3A_4 = vector.load %arg3[%get3A, %get3A_2, %get3A_3] : memref<2x1600x128xf32, #tpu.memory_space<vmem>>, vector<1x1600x128xf32>
    %get3A_5 = vector.shape_cast %get3A_4 : vector<1x1600x128xf32> to vector<1600x128xf32>
    %get3A_6 = arith.constant 1 : index
    %get3A_7 = arith.constant 0 : index
    %get3A_8 = arith.constant 0 : index
    %get3A_9 = vector.load %arg3[%get3A_6, %get3A_7, %get3A_8] : memref<2x1600x128xf32, #tpu.memory_space<vmem>>, vector<1x1600x128xf32>
    %get3A_10 = vector.shape_cast %get3A_9 : vector<1x1600x128xf32> to vector<1600x128xf32>
    %add3A = arith.addf %get3A_5, %get3A_10 : vector<1600x128xf32>
    %jit3A = arith.constant 1.000000e+00 : f32
    %max3A = vector.broadcast %jit3A : f32 to vector<1600x128xf32>
    %max3A_11 = arith.maximumf %max3A, %add3A : vector<1600x128xf32>
    %div3A = arith.constant 1.000000e+00 : f32
    %div3A_12 = vector.broadcast %div3A : f32 to vector<1600x128xf32>
    %div3A_13 = arith.divf %div3A_12, %max3A_11 : vector<1600x128xf32>
    %get3A_14 = arith.constant 0 : index
    %get3A_15 = arith.constant 0 : index
    %get3A_16 = arith.constant 0 : index
    %get3A_17 = vector.load %arg2[%get3A_14, %get3A_15, %get3A_16] : memref<2x1600x128xf32, #tpu.memory_space<vmem>>, vector<1x1600x128xf32>
    %get3A_18 = vector.shape_cast %get3A_17 : vector<1x1600x128xf32> to vector<1600x128xf32>
    %mul3A = arith.mulf %get3A_18, %div3A_13 : vector<1600x128xf32>
    %get3A_19 = arith.constant 0 : index
    %get3A_20 = arith.constant 0 : index
    %get3A_21 = vector.load %arg5[%get3A_19, %get3A_20] : memref<128x256xf32, #tpu.memory_space<vmem>>, vector<128x256xf32>
    %dot_general3A = arith.constant dense<0.000000e+00> : vector<1600x256xf32>
    %dot_general3A_22 = tpu.matmul %mul3A, %get3A_21, %dot_general3A {dimension_numbers = #tpu.dot_dimension_numbers<[1], [0], [0], [1], [0, 0, 1, 1], [], []>, transpose_lhs_hint = false} : vector<1600x128xf32>, vector<128x256xf32>, vector<1600x256xf32> -> vector<1600x256xf32>
    %get3A_23 = arith.constant 1 : index
    %get3A_24 = arith.constant 0 : index
    %get3A_25 = arith.constant 0 : index
    %get3A_26 = vector.load %arg2[%get3A_23, %get3A_24, %get3A_25] : memref<2x1600x128xf32, #tpu.memory_space<vmem>>, vector<1x1600x128xf32>
    %get3A_27 = vector.shape_cast %get3A_26 : vector<1x1600x128xf32> to vector<1600x128xf32>
    %mul3A_28 = arith.mulf %get3A_27, %div3A_13 : vector<1600x128xf32>
    %get3A_29 = arith.constant 0 : index
    %get3A_30 = arith.constant 0 : index
    %get3A_31 = vector.load %arg6[%get3A_29, %get3A_30] : memref<128x256xf32, #tpu.memory_space<vmem>>, vector<128x256xf32>
    %dot_general3A_32 = arith.constant dense<0.000000e+00> : vector<1600x256xf32>
    %dot_general3A_33 = tpu.matmul %mul3A_28, %get3A_31, %dot_general3A_32 {dimension_numbers = #tpu.dot_dimension_numbers<[1], [0], [0], [1], [0, 0, 1, 1], [], []>, transpose_lhs_hint = false} : vector<1600x128xf32>, vector<128x256xf32>, vector<1600x256xf32> -> vector<1600x256xf32>
    %add3A_34 = arith.addf %dot_general3A_22, %dot_general3A_33 : vector<1600x256xf32>
    %get3A_35 = arith.constant 0 : index
    %get3A_36 = arith.constant 0 : index
    %get3A_37 = vector.load %arg1[%get3A_35, %get3A_36] : memref<1600x256xf32, #tpu.memory_space<vmem>>, vector<1600x256xf32>
    %add3A_38 = arith.addf %get3A_37, %add3A_34 : vector<1600x256xf32>
    %get3A_39 = arith.constant 0 : index
    %get3A_40 = arith.constant 0 : index
    %get3A_41 = vector.load %arg7[%get3A_39, %get3A_40] : memref<1x256xf32, #tpu.memory_space<vmem>>, vector<1x256xf32>
    %add3A_42 = vector.broadcast %get3A_41 : vector<1x256xf32> to vector<1600x256xf32>
    %add3A_43 = arith.addf %add3A_38, %add3A_42 : vector<1600x256xf32>
    %max3A_44 = arith.constant 0.000000e+00 : f32
    %max3A_45 = vector.broadcast %max3A_44 : f32 to vector<1600x256xf32>
    %max3A_46 = arith.maximumf %add3A_43, %max3A_45 : vector<1600x256xf32>
    %get3A_47 = arith.constant 0 : index
    %get3A_48 = arith.constant 0 : index
    %get3A_49 = vector.load %arg8[%get3A_47, %get3A_48] : memref<256x256xf32, #tpu.memory_space<vmem>>, vector<256x256xf32>
    %dot_general3A_50 = arith.constant dense<0.000000e+00> : vector<1600x256xf32>
    %dot_general3A_51 = tpu.matmul %max3A_46, %get3A_49, %dot_general3A_50 {dimension_numbers = #tpu.dot_dimension_numbers<[1], [0], [0], [1], [0, 0, 1, 1], [], []>, transpose_lhs_hint = false} : vector<1600x256xf32>, vector<256x256xf32>, vector<1600x256xf32> -> vector<1600x256xf32>
    %get3A_52 = arith.constant 0 : index
    %get3A_53 = arith.constant 0 : index
    %get3A_54 = vector.load %arg9[%get3A_52, %get3A_53] : memref<1x256xf32, #tpu.memory_space<vmem>>, vector<1x256xf32>
    %add3A_55 = vector.broadcast %get3A_54 : vector<1x256xf32> to vector<1600x256xf32>
    %add3A_56 = arith.addf %dot_general3A_51, %add3A_55 : vector<1600x256xf32>
    %tanh3A = math.tanh %add3A_56 : vector<1600x256xf32>
    %get3A_57 = arith.constant 0 : index
    %get3A_58 = arith.constant 0 : index
    %get3A_59 = vector.load %arg10[%get3A_57, %get3A_58] : memref<256x256xf32, #tpu.memory_space<vmem>>, vector<256x256xf32>
    %dot_general3A_60 = arith.constant dense<0.000000e+00> : vector<1600x256xf32>
    %dot_general3A_61 = tpu.matmul %tanh3A, %get3A_59, %dot_general3A_60 {dimension_numbers = #tpu.dot_dimension_numbers<[1], [0], [0], [1], [0, 0, 1, 1], [], []>, transpose_lhs_hint = false} : vector<1600x256xf32>, vector<256x256xf32>, vector<1600x256xf32> -> vector<1600x256xf32>
    %get3A_62 = arith.constant 0 : index
    %get3A_63 = arith.constant 0 : index
    %get3A_64 = vector.load %arg4[%get3A_62, %get3A_63] : memref<1600x128xf32, #tpu.memory_space<vmem>>, vector<1600x128xf32>
    %get3A_65 = arith.constant 0 : index
    %get3A_66 = arith.constant 0 : index
    %get3A_67 = vector.load %arg11[%get3A_65, %get3A_66] : memref<128x256xf32, #tpu.memory_space<vmem>>, vector<128x256xf32>
    %dot_general3A_68 = arith.constant dense<0.000000e+00> : vector<1600x256xf32>
    %dot_general3A_69 = tpu.matmul %get3A_64, %get3A_67, %dot_general3A_68 {dimension_numbers = #tpu.dot_dimension_numbers<[1], [0], [0], [1], [0, 0, 1, 1], [], []>, transpose_lhs_hint = false} : vector<1600x128xf32>, vector<128x256xf32>, vector<1600x256xf32> -> vector<1600x256xf32>
    %add3A_70 = arith.addf %dot_general3A_61, %dot_general3A_69 : vector<1600x256xf32>
    %iota3A = tpu.iota {dimensions = array<i32: 0>} : vector<1600x256xi32>
    %mul3A_71 = arith.constant 1600 : i32
    %mul3A_72 = arith.muli %arg0, %mul3A_71 : i32
    %add3A_73 = vector.broadcast %mul3A_72 : i32 to vector<1600x256xi32>
    %add3A_74 = arith.addi %iota3A, %add3A_73 : vector<1600x256xi32>
    %lt3A = arith.constant 12500 : i32
    %lt3A_75 = vector.broadcast %lt3A : i32 to vector<1600x256xi32>
    %lt3A_76 = arith.cmpi slt, %add3A_74, %lt3A_75 : vector<1600x256xi32>
    %jit3A_77 = arith.constant -1.000000e+30 : f32
    %broadcast_in_dim3A = vector.broadcast %jit3A_77 : f32 to vector<1600x256xf32>
    %select_n3A = arith.select %lt3A_76, %add3A_70, %broadcast_in_dim3A : vector<1600x256xi1>, vector<1600x256xf32>
    %get3A_78 = arith.constant 0 : index
    %get3A_79 = arith.constant 0 : index
    %get3A_80 = memref.load %arg18[%get3A_78, %get3A_79] : memref<1x1xf32, #tpu.memory_space<smem>>
    %reduce_max3A = vector.shape_cast %select_n3A : vector<1600x256xf32> to vector<1x1600x256xf32>
    %reduce_max3A_81 = arith.constant dense<0xFF800000> : vector<1xf32>
    %reduce_max3A_82 = vector.multi_reduction <maximumf>, %reduce_max3A, %reduce_max3A_81 [1, 2] : vector<1x1600x256xf32> to vector<1xf32>
    %reduce_max3A_83 = vector.shape_cast %reduce_max3A_82 : vector<1xf32> to vector<1x1x1xf32>
    %reduce_max3A_84 = vector.extract %reduce_max3A_83[0, 0, 0] : f32 from vector<1x1x1xf32>
    %max3A_85 = arith.maximumf %get3A_80, %reduce_max3A_84 : f32
    %sub3A = arith.subf %get3A_80, %max3A_85 : f32
    %exp3A = math.exp %sub3A : f32
    %sub3A_86 = vector.broadcast %max3A_85 : f32 to vector<1600x256xf32>
    %sub3A_87 = arith.subf %select_n3A, %sub3A_86 : vector<1600x256xf32>
    %exp3A_88 = math.exp %sub3A_87 : vector<1600x256xf32>
    %get3A_89 = arith.constant 0 : index
    %get3A_90 = arith.constant 0 : index
    %get3A_91 = memref.load %arg19[%get3A_89, %get3A_90] : memref<1x1xf32, #tpu.memory_space<smem>>
    %mul3A_92 = arith.mulf %get3A_91, %exp3A : f32
    %reduce_sum3A = vector.shape_cast %exp3A_88 : vector<1600x256xf32> to vector<1x1600x256xf32>
    %reduce_sum3A_93 = arith.constant dense<0.000000e+00> : vector<1xf32>
    %reduce_sum3A_94 = vector.multi_reduction <add>, %reduce_sum3A, %reduce_sum3A_93 [1, 2] : vector<1x1600x256xf32> to vector<1xf32>
    %reduce_sum3A_95 = vector.shape_cast %reduce_sum3A_94 : vector<1xf32> to vector<1x1x1xf32>
    %reduce_sum3A_96 = vector.extract %reduce_sum3A_95[0, 0, 0] : f32 from vector<1x1x1xf32>
    %mul3A_97 = arith.constant 3.125000e-02 : f32
    %mul3A_98 = arith.mulf %reduce_sum3A_96, %mul3A_97 : f32
    %add3A_99 = arith.addf %mul3A_92, %mul3A_98 : f32
    %swap3A = arith.constant 0 : index
    %swap3A_100 = arith.constant 0 : index
    %swap3A_101 = memref.load %arg19[%swap3A, %swap3A_100] : memref<1x1xf32, #tpu.memory_space<smem>>
    memref.store %add3A_99, %arg19[%swap3A, %swap3A_100] : memref<1x1xf32, #tpu.memory_space<smem>>
    %get3A_102 = arith.constant 0 : index
    %get3A_103 = arith.constant 0 : index
    %get3A_104 = vector.load %arg20[%get3A_102, %get3A_103] : memref<1x32xf32, #tpu.memory_space<vmem>>, vector<1x32xf32>
    %mul3A_105 = vector.broadcast %exp3A : f32 to vector<1x32xf32>
    %mul3A_106 = arith.mulf %get3A_104, %mul3A_105 : vector<1x32xf32>
    %mul3A_107 = arith.mulf %max3A_46, %exp3A_88 : vector<1600x256xf32>
    %reduce_sum3A_108 = arith.constant dense<0.000000e+00> : vector<256xf32>
    %reduce_sum3A_109 = vector.multi_reduction <add>, %mul3A_107, %reduce_sum3A_108 [0] : vector<1600x256xf32> to vector<256xf32>
    %broadcast_in_dim3A_110 = vector.shape_cast %reduce_sum3A_109 : vector<256xf32> to vector<1x256xf32>
    %get3A_111 = arith.constant 0 : index
    %get3A_112 = arith.constant 0 : index
    %get3A_113 = vector.load %arg12[%get3A_111, %get3A_112] : memref<256x32xf32, #tpu.memory_space<vmem>>, vector<256x32xf32>
    %dot_general3A_114 = arith.constant dense<0.000000e+00> : vector<1x32xf32>
    %dot_general3A_115 = tpu.matmul %broadcast_in_dim3A_110, %get3A_113, %dot_general3A_114 {dimension_numbers = #tpu.dot_dimension_numbers<[1], [0], [0], [1], [0, 0, 1, 1], [], []>, transpose_lhs_hint = false} : vector<1x256xf32>, vector<256x32xf32>, vector<1x32xf32> -> vector<1x32xf32>
    %add3A_116 = arith.addf %mul3A_106, %dot_general3A_115 : vector<1x32xf32>
    %swap3A_117 = arith.constant 0 : index
    %swap3A_118 = arith.constant 0 : index
    %swap3A_119 = vector.load %arg20[%swap3A_117, %swap3A_118] : memref<1x32xf32, #tpu.memory_space<vmem>>, vector<1x32xf32>
    tpu.vector_store %arg20[%swap3A_117, %swap3A_118], %add3A_116 {strides = array<i32>} : memref<1x32xf32, #tpu.memory_space<vmem>>, vector<1x32xf32>,
    %swap3A_120 = arith.constant 0 : index
    %swap3A_121 = arith.constant 0 : index
    %swap3A_122 = memref.load %arg18[%swap3A_120, %swap3A_121] : memref<1x1xf32, #tpu.memory_space<smem>>
    memref.store %max3A_85, %arg18[%swap3A_120, %swap3A_121] : memref<1x1xf32, #tpu.memory_space<smem>>
    %eq3A_123 = arith.constant 7 : i32
    %eq3A_124 = arith.cmpi eq, %arg0, %eq3A_123 : i32
    %convert_element_type3A_125 = arith.extui %eq3A_124 : i1 to i32
    %cond3A_126 = arith.constant 0 : i32
    %cond3A_127 = arith.cmpi ne, %convert_element_type3A_125, %cond3A_126 : i32
    scf.if %cond3A_127 {
      %get3A_128 = arith.constant 0 : index
      %get3A_129 = arith.constant 0 : index
      %get3A_130 = vector.load %arg20[%get3A_128, %get3A_129] : memref<1x32xf32, #tpu.memory_space<vmem>>, vector<1x32xf32>
      %get3A_131 = arith.constant 0 : index
      %get3A_132 = arith.constant 0 : index
      %get3A_133 = memref.load %arg19[%get3A_131, %get3A_132] : memref<1x1xf32, #tpu.memory_space<smem>>
      %mul3A_134 = arith.constant 1.000000e+05 : f32
      %mul3A_135 = arith.mulf %mul3A_134, %get3A_133 : f32
      %div3A_136 = vector.broadcast %mul3A_135 : f32 to vector<1x32xf32>
      %div3A_137 = arith.divf %get3A_130, %div3A_136 : vector<1x32xf32>
      %get3A_138 = arith.constant 0 : index
      %get3A_139 = arith.constant 0 : index
      %get3A_140 = vector.load %arg13[%get3A_138, %get3A_139] : memref<32x16xf32, #tpu.memory_space<vmem>>, vector<32x16xf32>
      %dot_general3A_141 = arith.constant dense<0.000000e+00> : vector<1x16xf32>
      %dot_general3A_142 = tpu.matmul %div3A_137, %get3A_140, %dot_general3A_141 {dimension_numbers = #tpu.dot_dimension_numbers<[1], [0], [0], [1], [0, 0, 1, 1], [], []>, transpose_lhs_hint = false} : vector<1x32xf32>, vector<32x16xf32>, vector<1x16xf32> -> vector<1x16xf32>
      %get3A_143 = arith.constant 0 : index
      %get3A_144 = arith.constant 0 : index
      %get3A_145 = vector.load %arg14[%get3A_143, %get3A_144] : memref<1x16xf32, #tpu.memory_space<vmem>>, vector<1x16xf32>
      %add3A_146 = arith.addf %dot_general3A_142, %get3A_145 : vector<1x16xf32>
      %max3A_147 = arith.constant 0.000000e+00 : f32
      %max3A_148 = vector.broadcast %max3A_147 : f32 to vector<1x16xf32>
      %max3A_149 = arith.maximumf %add3A_146, %max3A_148 : vector<1x16xf32>
      %get3A_150 = arith.constant 0 : index
      %get3A_151 = arith.constant 0 : index
      %get3A_152 = vector.load %arg15[%get3A_150, %get3A_151] : memref<16x1xf32, #tpu.memory_space<vmem>>, vector<16x1xf32>
      %dot_general3A_153 = arith.constant dense<0.000000e+00> : vector<1x1xf32>
      %dot_general3A_154 = tpu.matmul %max3A_149, %get3A_152, %dot_general3A_153 {dimension_numbers = #tpu.dot_dimension_numbers<[1], [0], [0], [1], [0, 0, 1, 1], [], []>, transpose_lhs_hint = false} : vector<1x16xf32>, vector<16x1xf32>, vector<1x1xf32> -> vector<1x1xf32>
      %get3A_155 = arith.constant 0 : index
      %get3A_156 = arith.constant 0 : index
      %get3A_157 = vector.load %arg16[%get3A_155, %get3A_156] : memref<1x1xf32, #tpu.memory_space<vmem>>, vector<1x1xf32>
      %add3A_158 = arith.addf %dot_general3A_154, %get3A_157 : vector<1x1xf32>
      %logistic3A = arith.negf %add3A_158 : vector<1x1xf32>
      %logistic3A_159 = math.exp %logistic3A : vector<1x1xf32>
      %logistic3A_160 = arith.constant 1.000000e+00 : f32
      %logistic3A_161 = vector.broadcast %logistic3A_160 : f32 to vector<1x1xf32>
      %logistic3A_162 = arith.addf %logistic3A_161, %logistic3A_159 : vector<1x1xf32>
      %logistic3A_163 = arith.divf %logistic3A_161, %logistic3A_162 : vector<1x1xf32>
      %swap3A_164 = arith.constant 0 : index
      %swap3A_165 = arith.constant 0 : index
      %swap3A_166 = vector.load %arg17[%swap3A_164, %swap3A_165] : memref<1x1xf32, #tpu.memory_space<vmem>>, vector<1x1xf32>
      tpu.vector_store %arg17[%swap3A_164, %swap3A_165], %logistic3A_163 {strides = array<i32>} : memref<1x1xf32, #tpu.memory_space<vmem>>, vector<1x1xf32>,
    } else {
    }
    return
  }
  func.func @transform_0(%arg0: i32) -> (i32, i32) {
    %c0_i32 = arith.constant 0 : i32
    %c0_i32_0 = arith.constant 0 : i32
    return %arg0, %c0_i32 : i32, i32
  }
  func.func @transform_1(%arg0: i32) -> (i32, i32, i32) {
    %c0_i32 = arith.constant 0 : i32
    %c0_i32_0 = arith.constant 0 : i32
    %c0_i32_1 = arith.constant 0 : i32
    return %c0_i32, %arg0, %c0_i32_0 : i32, i32, i32
  }
  func.func @transform_2(%arg0: i32) -> (i32, i32, i32) {
    %c0_i32 = arith.constant 0 : i32
    %c0_i32_0 = arith.constant 0 : i32
    %c0_i32_1 = arith.constant 0 : i32
    return %c0_i32, %arg0, %c0_i32_0 : i32, i32, i32
  }
  func.func @transform_3(%arg0: i32) -> (i32, i32) {
    %c0_i32 = arith.constant 0 : i32
    %c0_i32_0 = arith.constant 0 : i32
    return %arg0, %c0_i32 : i32, i32
  }
  func.func @transform_4(%arg0: i32) -> (i32, i32) {
    %c0_i32 = arith.constant 0 : i32
    %c0_i32_0 = arith.constant 0 : i32
    %c0_i32_1 = arith.constant 0 : i32
    return %c0_i32, %c0_i32_0 : i32, i32
  }
  func.func @transform_5(%arg0: i32) -> (i32, i32) {
    %c0_i32 = arith.constant 0 : i32
    %c0_i32_0 = arith.constant 0 : i32
    %c0_i32_1 = arith.constant 0 : i32
    return %c0_i32, %c0_i32_0 : i32, i32
  }
  func.func @transform_6(%arg0: i32) -> (i32, i32) {
    %c0_i32 = arith.constant 0 : i32
    %c0_i32_0 = arith.constant 0 : i32
    %c0_i32_1 = arith.constant 0 : i32
    return %c0_i32, %c0_i32_0 : i32, i32
  }
  func.func @transform_7(%arg0: i32) -> (i32, i32) {
    %c0_i32 = arith.constant 0 : i32
    %c0_i32_0 = arith.constant 0 : i32
    %c0_i32_1 = arith.constant 0 : i32
    return %c0_i32, %c0_i32_0 : i32, i32
  }
  func.func @transform_8(%arg0: i32) -> (i32, i32) {
    %c0_i32 = arith.constant 0 : i32
    %c0_i32_0 = arith.constant 0 : i32
    %c0_i32_1 = arith.constant 0 : i32
    return %c0_i32, %c0_i32_0 : i32, i32
  }
  func.func @transform_9(%arg0: i32) -> (i32, i32) {
    %c0_i32 = arith.constant 0 : i32
    %c0_i32_0 = arith.constant 0 : i32
    %c0_i32_1 = arith.constant 0 : i32
    return %c0_i32, %c0_i32_0 : i32, i32
  }
  func.func @transform_10(%arg0: i32) -> (i32, i32) {
    %c0_i32 = arith.constant 0 : i32
    %c0_i32_0 = arith.constant 0 : i32
    %c0_i32_1 = arith.constant 0 : i32
    return %c0_i32, %c0_i32_0 : i32, i32
  }
  func.func @transform_11(%arg0: i32) -> (i32, i32) {
    %c0_i32 = arith.constant 0 : i32
    %c0_i32_0 = arith.constant 0 : i32
    %c0_i32_1 = arith.constant 0 : i32
    return %c0_i32, %c0_i32_0 : i32, i32
  }
  func.func @transform_12(%arg0: i32) -> (i32, i32) {
    %c0_i32 = arith.constant 0 : i32
    %c0_i32_0 = arith.constant 0 : i32
    %c0_i32_1 = arith.constant 0 : i32
    return %c0_i32, %c0_i32_0 : i32, i32
  }
  func.func @transform_13(%arg0: i32) -> (i32, i32) {
    %c0_i32 = arith.constant 0 : i32
    %c0_i32_0 = arith.constant 0 : i32
    %c0_i32_1 = arith.constant 0 : i32
    return %c0_i32, %c0_i32_0 : i32, i32
  }
  func.func @transform_14(%arg0: i32) -> (i32, i32) {
    %c0_i32 = arith.constant 0 : i32
    %c0_i32_0 = arith.constant 0 : i32
    %c0_i32_1 = arith.constant 0 : i32
    return %c0_i32, %c0_i32_0 : i32, i32
  }
  func.func @transform_15(%arg0: i32) -> (i32, i32) {
    %c0_i32 = arith.constant 0 : i32
    %c0_i32_0 = arith.constant 0 : i32
    %c0_i32_1 = arith.constant 0 : i32
    return %c0_i32, %c0_i32_0 : i32, i32
  }
  func.func @transform_16(%arg0: i32) -> (i32, i32) {
    %c0_i32 = arith.constant 0 : i32
    %c0_i32_0 = arith.constant 0 : i32
    %c0_i32_1 = arith.constant 0 : i32
    return %c0_i32, %c0_i32_0 : i32, i32
  }
}

</mosaic_0001>

<sc_bundles>
// kernel: kernel.10.cloned.1.call-start
scs
__scs_entry_jumppad:
0x0: {  	(pc) =	sbr.rel $0x88, $3  }
0x1: {  	(tag) =	ssettag $0x0;
	lr =	simm.s32 $0x1  }
0x2: {  	[smem:$0x3F92] =	sst lr;
	_ =	strace $0xD0000000  }
0x3: {  	_ = 	snop  }
0x4: {  	_ = 	snop  }
0x5: {  	_ = 	snop  }
0x6: {  	_ = 	snop  }
0x7: {  	_ = 	snop  }
__scs_overlays_trampoline_lowered:
0x8: {  	[smem:$0x3FA1] =	sst s0  }
0x9: {  	[smem:$0x3FA2] =	sst s1  }
0xa: {  	[smem:$0x3FA3] =	sst s2  }
0xb: {  	[smem:$0x3FA4] =	sst s3  }
0xc: {  	[smem:$0x3FA5] =	sst s4  }
0xd: {  	[smem:$0x3FA6] =	sst s5  }
0xe: {  	[smem:$0x3FA7] =	sst s6  }
0xf: {  	[smem:$0x3FA8] =	sst s7  }
0x10: {  	[smem:$0x3FA9] =	sst s8  }
0x11: {  	[smem:$0x3FAA] =	sst s9;
	s0 =	simm.s32 @!p0 $0x0  }
0x12: {  	s1 =	sld [smem:$0x3F90];
	s0 =	simm.s32 @p0 $0x1  }
0x13: {  	[smem:$0x3FAB] =	sst s0;
	s0 =	simm.s32 @!p1 $0x0  }
0x14: {  	s2 =	sld [smem:$0x3F8F];
	s0 =	simm.s32 @p1 $0x1  }
0x15: {  	[smem:$0x3FAC] =	sst s0;
	s0 =	simm.s32 @!p2 $0x0  }
0x16: {  	s3 =	sld [smem:$0x3FDB];
	s0 =	simm.s32 @p2 $0x1  }
0x17: {  	s4 =	simm.s32 $0x1BF5;
	[smem:$0x3FAE] =	sst s0  }
0x18: {  	s0 =	sld [smem:$0x3F91];
	_ =	swait.ge [sflag:s4], $0x0  }
0x19: {  	s7 =	sld [smem:$0x3F92]  }
0x1a: {  	s8 =	sadd.s32 $0xFFFFE003, lr  }
0x1b: {  	s9 =	sadd.s32 $0xFFFFFEF7, lr;
	s5 =	simm.s32 $0xFFFFFFFF;
	p2 =	slt.u32 s8, $0xFFFFF086  }
0x1c: {  	p1 =	slt.u32 s9, $0xF7A;
	s5 =	simm.s32 @!p2 $0x0  }
0x1d: {  	s5 =	simm.s32 @p1 $0x1;
	p0 =	seq.s32 s7, s2  }
0x1e: {  	s7 =	smul.u32 @!p0 $0xF7A, s2;
	p2 =	seq.s32 @!p0 s5, $0x0  }
0x1f: {  	s9 =	smul.u32 $0xF7A, s1;
	s8 =	simm.s32 @!p0 $0x1BF5;
	p2 =	por !p2, p0  }
0x20: {  	[sflag:s8] =	ssyncset.s32 @!p0 $0xFFFFF086;
	s6 =	sadd.s32 @!p0 s3, s7;
	s7 =	simm.s32 @!p0 $0x108  }
0x21: {  	s3 =	sadd.s32 s3, s9;
	s6 =	sadd.s32 @!p0 $0x88, s6;
	s7 =	simm.s32 @p2 $0x1082  }
0x22: {  	[simem:s7], [sflag:s8] =	dma.local @!p0 [hbm:s6], $0xF7A  }
0x23: {  	s9 =	sor.u32 $0xD0000000, s2;
	s6 =	simm.s32 $0x108;
	_ =	swait.ge @!p0 [sflag:s8], $0x0  }
0x24: {  	s3 =	sadd.s32 $0x88, s3;
	s6 =	simm.s32 @!p1 $0x1082;
	[sflag:s4] =	ssyncset.s32 $0xFFFFF086  }
0x25: {  	[simem:s6], [sflag:s4] =	dma.local [hbm:s3], $0xF7A  }
0x26: {  	[smem:$0x3F92] =	sst s1;
	(tag) =	ssettag s2;
	_ =	strace s9  }
0x27: {  	s1 =	sld [smem:$0x3FA2]  }
0x28: {  	s2 =	sld [smem:$0x3FA3]  }
0x29: {  	s4 =	sld [smem:$0x3FA5]  }
0x2a: {  	p0 =	seq.s32 s5, $0x0;
	s5 =	sld [smem:$0x3FA6]  }
0x2b: {  	s6 =	sld [smem:$0x3FA7]  }
0x2c: {  	s7 =	sld [smem:$0x3FA8]  }
0x2d: {  	s3 =	simm.s32 $0x108;
	s8 =	sld [smem:$0x3FA9]  }
0x2e: {  	s3 =	simm.s32 @!p0 $0x1082;
	s9 =	sld [smem:$0x3FAA]  }
0x2f: {  	lr =	sadd.s32 s0, s3;
	s0 =	sld [smem:$0x3FA1]  }
0x30: {  	s3 =	sld [smem:$0x3FA4]  }
0x31: {  	[smem:$0x3FAD] =	sst s10  }
0x32: {  	s10 =	sld [smem:$0x3FAB];
	_ =	sdelay $0x3  }
0x33: {  	p0 =	seq.s32 s10, $0x1;
	s10 =	sld [smem:$0x3FAD];
	_ =	sdelay $0x3  }
0x34: {  	[smem:$0x3FAD] =	sst s10  }
0x35: {  	s10 =	sld [smem:$0x3FAC];
	_ =	sdelay $0x3  }
0x36: {  	p1 =	seq.s32 s10, $0x1;
	s10 =	sld [smem:$0x3FAD];
	_ =	sdelay $0x3  }
0x37: {  	[smem:$0x3FAD] =	sst s10  }
0x38: {  	s10 =	sld [smem:$0x3FAE]  }
0x39: {  	_ = 	snop;
	(pc) =	sbr.ind lr, $3  }
0x3a: {  	_ = 	snop  }
0x3b: {  	_ = 	snop  }
0x3c: {  	p2 =	seq.s32 s10, $0x1;
	s10 =	sld [smem:$0x3FAD]  }
0x3d: {  	_ =	shalt  }
0x3e: {  	_ =	shalt  }
0x3f: {  	_ =	shalt  }
0x40: {  	_ =	shalt  }
0x41: {  	_ =	shalt  }
0x42: {  	_ =	shalt  }
0x43: {  	_ =	shalt  }
0x44: {  	_ =	shalt  }
0x45: {  	_ =	shalt  }
0x46: {  	_ =	shalt  }
0x47: {  	_ =	shalt  }
0x48: {  	_ =	shalt  }
0x49: {  	_ =	shalt  }
0x4a: {  	_ =	shalt  }
0x4b: {  	_ =	shalt  }
0x4c: {  	_ =	shalt  }
0x4d: {  	_ =	shalt  }
0x4e: {  	_ =	shalt  }
0x4f: {  	_ =	shalt  }
0x50: {  	_ =	shalt  }
0x51: {  	_ =	shalt  }
0x52: {  	_ =	shalt  }
0x53: {  	_ =	shalt  }
0x54: {  	_ =	shalt  }
0x55: {  	_ =	shalt  }
0x56: {  	_ =	shalt  }
0x57: {  	_ =	shalt  }
0x58: {  	_ =	shalt  }
0x59: {  	_ =	shalt  }
0x5a: {  	_ =	shalt  }
0x5b: {  	_ =	shalt  }
0x5c: {  	_ =	shalt  }
0x5d: {  	_ =	shalt  }
0x5e: {  	_ =	shalt  }
0x5f: {  	_ =	shalt  }
0x60: {  	_ =	shalt  }
0x61: {  	_ =	shalt  }
0x62: {  	_ =	shalt  }
0x63: {  	_ =	shalt  }
0x64: {  	_ =	shalt  }
0x65: {  	_ =	shalt  }
0x66: {  	_ =	shalt  }
0x67: {  	_ =	shalt  }
0x68: {  	_ =	shalt  }
0x69: {  	_ =	shalt  }
0x6a: {  	_ =	shalt  }
0x6b: {  	_ =	shalt  }
0x6c: {  	_ =	shalt  }
0x6d: {  	_ =	shalt  }
0x6e: {  	_ =	shalt  }
0x6f: {  	_ =	shalt  }
0x70: {  	_ =	shalt  }
0x71: {  	_ =	shalt  }
0x72: {  	_ =	shalt  }
0x73: {  	_ =	shalt  }
0x74: {  	_ =	shalt  }
0x75: {  	_ =	shalt  }
0x76: {  	_ =	shalt  }
0x77: {  	_ =	shalt  }
0x78: {  	_ =	shalt  }
0x79: {  	_ =	shalt  }
0x7a: {  	_ =	shalt  }
0x7b: {  	_ =	shalt  }
0x7c: {  	_ =	shalt  }
0x7d: {  	_ =	shalt  }
0x7e: {  	_ =	shalt  }
0x7f: {  	_ =	shalt  }
0x80: {  	_ =	shalt  }
0x81: {  	_ =	shalt  }
0x82: {  	_ =	shalt  }
0x83: {  	_ =	shalt  }
0x84: {  	_ =	shalt  }
0x85: {  	_ =	shalt  }
0x86: {  	_ =	shalt  }
0x87: {  	_ =	shalt  }
.Lfunc_end0:
.L_simem_size_0:
called_computation.1_lowered:
.L_overlay_start_0:
0x88: {  	s2 =	sld [smem:$0x3FD9]  }
0x89: {  	s3 =	sld [smem:$0x3FFE];
	_ =	sdelay $0x1  }
0x8a: {  	s1 =	srdreg.scid  }
0x8b: {  	s0 =	sand.u32 $0x1, s1  }
0x8c: {  	s16 =	sshll.u32 s0, $0xA;
	s2 =	sadd.s32 s3, s2  }
0x8d: {  	s2 =	sadd.s32 s2, s16  }
0x8e: {  	[smem:$0x3FB9] =	sst s2  }
0x8f: {  	_ = 	snop  }
0x90: {  	(tm) =	ssettm $0x1  }
0x91: {  	s17 =	sld [smem:$0x3FFB];
	_ =	sdelay $0x3  }
0x92: {  	_ =	strace s17  }
0x93: {  	s2 =	sld [smem:$0x3FFC];
	_ =	sdelay $0x3  }
0x94: {  	_ =	strace s2  }
0x95: {  	s2 =	sld [smem:$0x3FFD];
	_ =	sdelay $0x3  }
0x96: {  	_ =	strace s2  }
0x97: {  	_ =	strace $0x8FFFFFFF  }
0x98: {  	s18 =	sld [smem:$0x3FDB];
	_ =	sdelay $0x1  }
0x99: {  	s19 =	simm.s32 $_scs_section_size  }
0x9a: {  	s4 =	simm.s32 $_size__tile_overlayer_lowered;
	s5 =	simm.s32 $_tile_overlayer_lowered  }
0x9b: {  	s22 =	simm.s32 $0x1BFF;
	s21 =	sshll.u32 s5, $0x1;
	s2 =	sadd.s32 s19, s18  }
0x9c: {  	s6 =	simm.s32 $0x0;
	s20 =	sshll.u32 s4, $0x1;
	s4 =	sadd.s32 s21, s2  }
0x9d: {  	[timem:s6], [sflag:s22] =	dma.local [hbm:s4], s20  }
0x9e: {  	_ =	swait.ge [sflag:s22], s20  }
0x9f: {  	s3 =	ssub.s32 $0x0, s20;
	[sflag:s22] =	ssyncset.done $0x0  }
0xa0: {  	[sflag:s22] =	ssyncadd.s32 s3;
	_ =	sdelay $0x1  }
0xa1: {  	s23 =	simm.s32 $0x1B8B  }
0xa2: {  	_ =	swait.ge [sflag:s23], $0x1  }
0xa3: {  	[sflag:s23] =	ssyncset.done $0x0  }
0xa4: {  	s25 =	simm.s32 $0x1B8E;
	s24 =	sld [smem:$0x3FFE];
	[sflag:s23] =	ssyncadd.s32 $0xFFFFFFFF  }
0xa5: {  	s26 =	simm.s32 $execute0_lowered;
	[smem:$0x3FD2] =	sst s25  }
0xa6: {  	s4 =	sshll.u32 s26, $0x1;
	_ =	strace $0x80000046;
	[dreg:$0x1] =	wrdreg $0xFFFFFFFF  }
0xa7: {  	s28 =	simm.s32 $_size_execute0_lowered;
	s2 =	sadd.s32 s2, s4;
	[dreg:$0x0] =	wrdreg $0x0  }
0xa8: {  	s4 =	sshll.u32 s28, $0x1;
	[dreg:$0x2] =	wrdreg s2  }
0xa9: {  	[dreg:$0x3] =	wrdreg s4  }
0xaa: {  	[dreg:$0x4] =	wrdreg $0xC0  }
0xab: {  	_ =	task [dreg:s6], $0x5FFFF  }
0xac: {  	[dreg:$0x1] =	wrdreg $0xFFFFFFFF  }
0xad: {  	[dreg:$0x0] =	wrdreg $0x60  }
0xae: {  	[dreg:$0x2] =	wrdreg s24  }
0xaf: {  	[dreg:$0x3] =	wrdreg $0x0  }
0xb0: {  	[dreg:$0x4] =	wrdreg $0xA  }
0xb1: {  	_ =	task.clear_ibuf [dreg:s6], $0x5FFFF;
	_ =	strace $0x90000046  }
0xb2: {  	s29 =	simm.s32 $0xA;
	_ =	strace $0x80000048  }
0xb3: {  	_ =	swait.ge [sflag:s29], $0x1  }
0xb4: {  	[sflag:s29] =	ssyncadd.s32 $0xFFFFFFFF  }
0xb5: {  	_ =	strace $0x90000048  }
0xb6: {  	_ =	sfence  }
0xb7: {  	s30 =	sld [smem:$0x0];
	_ =	sdelay $0x2  }
0xb8: {  	s31 =	sshll.u32 s1, $0xD;
	s1 =	sshrl.u32 s1, $0x2  }
0xb9: {  	s3 =	sand.u32 $0x4000, s31;
	s1 =	sadd.s32 s1, s30  }
0xba: {  	s0 =	sor.u32 s3, s0;
	s1 =	sshll.u32 s1, $0x11  }
0xbb: {  	s0 =	sor.u32 s1, s0  }
0xbc: {  	s0 =	sadd.s32 $0x8F2B, s0  }
0xbd: {  	[sflag:s0] =	ssyncadd.remote.s32 $0x1  }
0xbe: {  	_ =	sfence.sel $0xFFFF  }
0xbf: {  	[dreg:$0x0] =	wrdreg $0xFFFFFFFF;
	(pc) =	sbr.abs _section_cstart, $3  }
0xc0: {  	[dreg:$0x1] =	wrdreg $0xFFFFFFFF  }
0xc1: {  	_ =	task.clear_ibuf [dreg:s6], $0x2FFFF;
	_ =	strace $0x9FFFFFFF  }
0xc2: {  	(tm) =	ssettm $0x7FFFFFFF  }
0xc3: {  	_ =	shalt  }
tec
execute0_lowered:
.L_overlay_start_1:
0x0: {  	(tag) =	ssettag $0x1  }
0x1: {  	s0 =	rddreg [dreg:$0x0]  }
0x2: {  	s1 =	rddreg [dreg:$0x1];
	s2 =	srdreg.scid;
	s3 =	simm.s32 $0x0  }
0x3: {  	s12 =	stileid.u32;
	s23 =	simm.s32 $0x1EF20;
	s25 =	simm.s32 $0x1EFA0  }
0x4: {  	s26 =	simm.s32 $0x1F020;
	s13 =	simm.s32 $0x1F1A0;
	s14 =	simm.s32 $0x1F220  }
0x5: {  	s15 =	simm.s32 $0x1F2A0;
	s16 =	simm.s32 $0x1F320;
	s17 =	simm.s32 $0x1F3A0  }
0x6: {  	s28 =	simm.s32 $0x1D6A0;
	s29 =	simm.s32 $0x1DEA0;
	s30 =	simm.s32 $0x1E6A0  }
0x7: {  	s31 =	simm.s32 $0x2;
	s2 =	sand.u32 $0x1, s2;
	[smem:$0x7FF] =	sst s3  }
0x8: {  	s6 =	smul.u32 $0x186A0, s12;
	s4 =	sadd.s32 $0x18C000, s0;
	s9 =	sadd.s32 $0x21EA00, s0  }
0x9: {  	s8 =	smul.u32 $0x61A80, s12;
	_ =	strace $0x80000047;
	[dreg:$0x17] =	wrdreg s9  }
0xa: {  	s7 =	sadd.s32 $0x1BCE00, s0;
	s21 =	smul.u32 $0x30C0, s12;
	[dreg:$0x4] =	wrdreg s23  }
0xb: {  	s22 =	sshll.u32 s12, $0x6;
	s11 =	sshll.u32 s12, $0x5;
	[dreg:$0x5] =	wrdreg s25  }
0xc: {  	p0 =	sgt.u32 s12, $0x9;
	s12 =	simm.s32 $0x4;
	[dreg:$0x6] =	wrdreg s26  }
0xd: {  	s5 =	smul.u32 $0x186A00, s2;
	s18 =	ssub.s32 $0x2, s2;
	[dreg:$0x9] =	wrdreg s13  }
0xe: {  	s10 =	smul.u32 $0x1860, s2;
	s2 =	sshll.u32 s2, $0x4;
	[dreg:$0xa] =	wrdreg s14  }
0xf: {  	s9 =	sor.u32 $0x1C04, s22;
	s13 =	simm.s32 $0x1EEA0;
	[dreg:$0xb] =	wrdreg s15  }
0x10: {  	s14 =	simm.s32 $0x1F520;
	s15 =	simm.s32 $0x1;
	[dreg:$0xc] =	wrdreg s16  }
0x11: {  	s16 =	simm.s32 $0x80;
	[dreg:$0xd] =	wrdreg s17;
	s17 =	simm.s32 $0x186A0  }
0x12: {  	s22 =	simm.s32 $0x1F6A0;
	s23 =	simm.s32 $0x1F720;
	s25 =	simm.s32 $0x1F820  }
0x13: {  	s26 =	simm.s32 $0x1F8A0;
	s19 =	sshrl.u32 s18, $0x1;
	[dreg:$0x12] =	wrdreg s22  }
0x14: {  	s20 =	sshrl.u32 s8, $0x2;
	s8 =	sadd.s32 s21, s7;
	[dreg:$0x13] =	wrdreg s23  }
0x15: {  	s2 =	sor.u32 s2, s11;
	s21 =	simm.s32 $0x1F620;
	[dreg:$0x15] =	wrdreg s25  }
0x16: {  	s22 =	simm.s32 $0x1AEA0;
	s23 =	simm.s32 $0x1B6A0;
	[dreg:$0x16] =	wrdreg s26  }
0x17: {  	s25 =	simm.s32 $0x1C6A0;
	s26 =	simm.s32 $0x1CEA0;
	s5 =	sadd.s32 s6, s5  }
0x18: {  	s6 =	sadd.s32 s20, s1;
	s8 =	sadd.s32 s10, s8;
	[dreg:$0x11] =	wrdreg s21  }
0x19: {  	s2 =	sadd.s32 s2, s7;
	s7 =	simm.s32 $0x1F0A0;
	[dreg:$0x3] =	wrdreg s8  }
0x1a: {  	s10 =	smov.u32 s9;
	s9 =	simm.s32 $0x1F120;
	[dreg:$0x7] =	wrdreg s7  }
0x1b: {  	s20 =	simm.s32 $0x1F5A0;
	s21 =	simm.s32 $0x1A6A0;
	[dreg:$0x8] =	wrdreg s9  }
0x1c: {  	s5 =	sshrl.u32 s5, $0x3;
	s24 =	sadd.s32 $0x30C00, s2;
	[dreg:$0x10] =	wrdreg s20  }
0x1d: {  	s2 =	sadd.s32 $0x61940, s2;
	s11 =	sshrl.u32 s6, $0x3;
	[dreg:$0x18] =	wrdreg s10  }
0x1e: {  	s20 =	simm.s32 $0x19EA0;
	s7 =	simm.s32 $0x1FAA0;
	[dreg:$0x19] =	wrdreg s24  }
0x1f: {  	s9 =	simm.s32 $0x3;
	s6 =	simm.s32 $0x0;
	[dreg:$0x1a] =	wrdreg s2  }
0x20: {  	s0 =	sadd.s32 s5, s0;
	s5 =	ssub.s32 s18, s19;
	[dreg:$0x1e] =	wrdreg s6  }
0x21: {  	s18 =	simm.s32 $0x1F420;
	s19 =	simm.s32 $0x1F4A0;
	[dreg:$0x1d] =	wrdreg s11  }
0x22: {  	s24 =	simm.s32 $0x1F7A0;
	s2 =	simm.s32 $0x1F9A0;
	[dreg:$0xe] =	wrdreg s18  }
0x23: {  	s0 =	sadd.s32 $0x221C00, s0;
	s8 =	smax.u32 s5, $0x1;
	[dreg:$0xf] =	wrdreg s19  }
0x24: {  	s18 =	simm.s32 $0x18EA0;
	s19 =	simm.s32 $0x196A0;
	[dreg:$0x14] =	wrdreg s24  }
0x25: {  	s24 =	simm.s32 $0x1BEA0;
	s5 =	simm.s32 $0x1FA20;
	[dreg:$0x1b] =	wrdreg s0  }
0x26: {  	[dreg:$0x1c] =	wrdreg s8;
	s0 =	simm.s32 $0x1F920;
	s8 =	simm.s32 $0x1FB20  }
.LBB2_1:
0x27: {  	s6 =	rddreg [dreg:$0x17]  }
0x28: {  	[spmem:s11], [sflag:s10] =	dma.local [hbm:s6], $0x30D4  }
0x29: {  	_ =	swait.ge [sflag:s12], $0x30D4  }
0x2a: {  	[sflag:s12] =	ssyncset.done $0x0  }
0x2b: {  	[sflag:s12] =	ssyncadd.s32 $0xFFFFCF2C  }
0x2c: {  	[bflag:$0x0] =	sbarrier.arrive $0xFFFF  }
0x2d: {  	s11 =	rddreg [dreg:$0x3]  }
0x2e: {  	s6 =	sadd.s32 $0x0, s11  }
0x2f: {  	[tilespmem:s13], [sflag:$0x1] =	stream.linear.gather [hbm4b:s6+s3], $0x680, $0x38;
	[tilespmem:$0x1FBA0] =	vst v63  }
0x30: {  	s6 =	sadd.s32 $0x30D40, s6  }
0x31: {  	[tilespmem:s14], [sflag:$0x1] =	stream.linear.gather [hbm4b:s6+s3], $0x680, $0x38;
	[tilespmem:$0x1FBA0] =	vst v63  }
0x32: {  	_ =	swait.ge [sflag:s15], $0x680  }
0x33: {  	[sflag:s15] =	ssyncset.done $0x0  }
0x34: {  	[sflag:s15] =	ssyncadd.s32 $0xFFFFF980  }
0x35: {  	[tilespmem:s17], [sflag:$0x2] =	stream.indirect.gather [hbm4b:s4+s16], $0x10, s13, s16, $0xb8;
	[tilespmem:$0x1FBA0] =	vst v63  }
0x36: {  	s12 =	rddreg [dreg:$0x4]  }
0x37: {  	[tilespmem:s18], [sflag:$0x2] =	stream.indirect.gather [hbm4b:s4+s16], $0x10, s12, s16, $0xb8;
	[tilespmem:$0x1FBA0] =	vst v63  }
0x38: {  	s10 =	rddreg [dreg:$0x5]  }
0x39: {  	[tilespmem:s19], [sflag:$0x2] =	stream.indirect.gather [hbm4b:s4+s16], $0x10, s10, s16, $0xb8;
	[tilespmem:$0x1FBA0] =	vst v63  }
0x3a: {  	s12 =	rddreg [dreg:$0x6]  }
0x3b: {  	[tilespmem:s20], [sflag:$0x2] =	stream.indirect.gather [hbm4b:s4+s16], $0x10, s12, s16, $0xb8;
	[tilespmem:$0x1FBA0] =	vst v63  }
0x3c: {  	s10 =	rddreg [dreg:$0x7]  }
0x3d: {  	[tilespmem:s21], [sflag:$0x2] =	stream.indirect.gather [hbm4b:s4+s16], $0x10, s10, s16, $0xb8;
	[tilespmem:$0x1FBA0] =	vst v63  }
0x3e: {  	s12 =	rddreg [dreg:$0x8]  }
0x3f: {  	[tilespmem:s22], [sflag:$0x2] =	stream.indirect.gather [hbm4b:s4+s16], $0x10, s12, s16, $0xb8;
	[tilespmem:$0x1FBA0] =	vst v63  }
0x40: {  	s10 =	rddreg [dreg:$0x9]  }
0x41: {  	[tilespmem:s23], [sflag:$0x2] =	stream.indirect.gather [hbm4b:s4+s16], $0x10, s10, s16, $0xb8;
	[tilespmem:$0x1FBA0] =	vst v63  }
0x42: {  	s12 =	rddreg [dreg:$0xa]  }
0x43: {  	[tilespmem:s24], [sflag:$0x2] =	stream.indirect.gather [hbm4b:s4+s16], $0x10, s12, s16, $0xb8;
	[tilespmem:$0x1FBA0] =	vst v63  }
0x44: {  	s10 =	rddreg [dreg:$0xb]  }
0x45: {  	[tilespmem:s25], [sflag:$0x2] =	stream.indirect.gather [hbm4b:s4+s16], $0x10, s10, s16, $0xb8;
	[tilespmem:$0x1FBA0] =	vst v63  }
0x46: {  	s12 =	rddreg [dreg:$0xc]  }
0x47: {  	[tilespmem:s26], [sflag:$0x2] =	stream.indirect.gather [hbm4b:s4+s16], $0x10, s12, s16, $0xb8;
	[tilespmem:$0x1FBA0] =	vst v63  }
0x48: {  	s10 =	rddreg [dreg:$0xd]  }
0x49: {  	[tilespmem:s28], [sflag:$0x2] =	stream.indirect.gather [hbm4b:s4+s16], $0x10, s10, s16, $0xb8;
	[tilespmem:$0x1FBA0] =	vst v63  }
0x4a: {  	s12 =	rddreg [dreg:$0xe]  }
0x4b: {  	[tilespmem:s29], [sflag:$0x2] =	stream.indirect.gather [hbm4b:s4+s16], $0x10, s12, s16, $0xb8;
	[tilespmem:$0x1FBA0] =	vst v63  }
0x4c: {  	s10 =	rddreg [dreg:$0xf]  }
0x4d: {  	[tilespmem:s30], [sflag:$0x2] =	stream.indirect.gather [hbm4b:s4+s16], $0x10, s10, s16, $0xb8;
	[tilespmem:$0x1FBA0] =	vst v63  }
0x4e: {  	_ =	swait.ge [sflag:s15], $0x680  }
0x4f: {  	[sflag:s15] =	ssyncset.done $0x0  }
0x50: {  	[sflag:s15] =	ssyncadd.s32 $0xFFFFF980  }
0x51: {  	_ =	swait.ge [sflag:s31], $0x800  }
0x52: {  	[sflag:s31] =	ssyncset.done $0x0  }
0x53: {  	[sflag:s31] =	ssyncadd.s32 $0xFFFFF800  }
0x54: {  	[spmem:s1] =	stream.indirect.scatter.add.f32 [tilespmem:s17], [sflag:$0x3], $0x10, s14, s16, $0xb8;
	[tilespmem:$0x1FBA0] =	vst v63  }
0x55: {  	_ =	swait.ge [sflag:s31], $0x800  }
0x56: {  	[sflag:s31] =	ssyncset.done $0x0  }
0x57: {  	s12 =	rddreg [dreg:$0x10];
	[sflag:s31] =	ssyncadd.s32 $0xFFFFF800  }
0x58: {  	[spmem:s1] =	stream.indirect.scatter.add.f32 [tilespmem:s18], [sflag:$0x3], $0x10, s12, s16, $0xb8;
	[tilespmem:$0x1FBA0] =	vst v63  }
0x59: {  	_ =	swait.ge [sflag:s31], $0x800  }
0x5a: {  	[sflag:s31] =	ssyncset.done $0x0  }
0x5b: {  	s10 =	rddreg [dreg:$0x11];
	[sflag:s31] =	ssyncadd.s32 $0xFFFFF800  }
0x5c: {  	[spmem:s1] =	stream.indirect.scatter.add.f32 [tilespmem:s19], [sflag:$0x3], $0x10, s10, s16, $0xb8;
	[tilespmem:$0x1FBA0] =	vst v63  }
0x5d: {  	_ =	swait.ge [sflag:s31], $0x800  }
0x5e: {  	[sflag:s31] =	ssyncset.done $0x0  }
0x5f: {  	s11 =	rddreg [dreg:$0x12];
	[sflag:s31] =	ssyncadd.s32 $0xFFFFF800  }
0x60: {  	[spmem:s1] =	stream.indirect.scatter.add.f32 [tilespmem:s20], [sflag:$0x3], $0x10, s11, s16, $0xb8;
	[tilespmem:$0x1FBA0] =	vst v63  }
0x61: {  	_ =	swait.ge [sflag:s31], $0x800  }
0x62: {  	[sflag:s31] =	ssyncset.done $0x0  }
0x63: {  	s12 =	rddreg [dreg:$0x13];
	[sflag:s31] =	ssyncadd.s32 $0xFFFFF800  }
0x64: {  	[spmem:s1] =	stream.indirect.scatter.add.f32 [tilespmem:s21], [sflag:$0x3], $0x10, s12, s16, $0xb8;
	[tilespmem:$0x1FBA0] =	vst v63  }
0x65: {  	_ =	swait.ge [sflag:s31], $0x800  }
0x66: {  	[sflag:s31] =	ssyncset.done $0x0  }
0x67: {  	s10 =	rddreg [dreg:$0x14];
	[sflag:s31] =	ssyncadd.s32 $0xFFFFF800  }
0x68: {  	[spmem:s1] =	stream.indirect.scatter.add.f32 [tilespmem:s22], [sflag:$0x3], $0x10, s10, s16, $0xb8;
	[tilespmem:$0x1FBA0] =	vst v63  }
0x69: {  	_ =	swait.ge [sflag:s31], $0x800  }
0x6a: {  	[sflag:s31] =	ssyncset.done $0x0  }
0x6b: {  	s11 =	rddreg [dreg:$0x15];
	[sflag:s31] =	ssyncadd.s32 $0xFFFFF800  }
0x6c: {  	[spmem:s1] =	stream.indirect.scatter.add.f32 [tilespmem:s23], [sflag:$0x3], $0x10, s11, s16, $0xb8;
	[tilespmem:$0x1FBA0] =	vst v63  }
0x6d: {  	_ =	swait.ge [sflag:s31], $0x800  }
0x6e: {  	[sflag:s31] =	ssyncset.done $0x0  }
0x6f: {  	s12 =	rddreg [dreg:$0x16];
	[sflag:s31] =	ssyncadd.s32 $0xFFFFF800  }
0x70: {  	[spmem:s1] =	stream.indirect.scatter.add.f32 [tilespmem:s24], [sflag:$0x3], $0x10, s12, s16, $0xb8;
	[tilespmem:$0x1FBA0] =	vst v63  }
0x71: {  	_ =	swait.ge [sflag:s31], $0x800  }
0x72: {  	[sflag:s31] =	ssyncset.done $0x0  }
0x73: {  	[sflag:s31] =	ssyncadd.s32 $0xFFFFF800  }
0x74: {  	[spmem:s1] =	stream.indirect.scatter.add.f32 [tilespmem:s25], [sflag:$0x3], $0x10, s0, s16, $0xb8;
	[tilespmem:$0x1FBA0] =	vst v63  }
0x75: {  	_ =	swait.ge [sflag:s31], $0x800  }
0x76: {  	[sflag:s31] =	ssyncset.done $0x0  }
0x77: {  	[sflag:s31] =	ssyncadd.s32 $0xFFFFF800  }
0x78: {  	[spmem:s1] =	stream.indirect.scatter.add.f32 [tilespmem:s26], [sflag:$0x3], $0x10, s2, s16, $0xb8;
	[tilespmem:$0x1FBA0] =	vst v63  }
0x79: {  	_ =	swait.ge [sflag:s31], $0x800  }
0x7a: {  	[sflag:s31] =	ssyncset.done $0x0  }
0x7b: {  	[sflag:s31] =	ssyncadd.s32 $0xFFFFF800  }
0x7c: {  	[spmem:s1] =	stream.indirect.scatter.add.f32 [tilespmem:s28], [sflag:$0x3], $0x10, s5, s16, $0xb8;
	[tilespmem:$0x1FBA0] =	vst v63  }
0x7d: {  	_ =	swait.ge [sflag:s31], $0x800  }
0x7e: {  	[sflag:s31] =	ssyncset.done $0x0  }
0x7f: {  	[sflag:s31] =	ssyncadd.s32 $0xFFFFF800  }
0x80: {  	[spmem:s1] =	stream.indirect.scatter.add.f32 [tilespmem:s29], [sflag:$0x3], $0x10, s7, s16, $0xb8;
	[tilespmem:$0x1FBA0] =	vst v63  }
0x81: {  	_ =	swait.ge [sflag:s31], $0x800  }
0x82: {  	[sflag:s31] =	ssyncset.done $0x0  }
0x83: {  	[sflag:s31] =	ssyncadd.s32 $0xFFFFF800  }
0x84: {  	[spmem:s1] =	stream.indirect.scatter.add.f32 [tilespmem:s30], [sflag:$0x3], $0x10, s8, s16, $0xb8;
	[tilespmem:$0x1FBA0] =	vst v63  }
0x85: {  	_ =	swait.ge [sflag:s9], $0x800  }
0x86: {  	[sflag:s9] =	ssyncset.done $0x0  }
0x87: {  	[sflag:s9] =	ssyncadd.s32 $0xFFFFF800  }
0x88: {  	_ =	swait.ge [sflag:s9], $0x800  }
0x89: {  	[sflag:s9] =	ssyncset.done $0x0  }
0x8a: {  	[sflag:s9] =	ssyncadd.s32 $0xFFFFF800  }
0x8b: {  	_ =	swait.ge [sflag:s9], $0x800  }
0x8c: {  	[sflag:s9] =	ssyncset.done $0x0  }
0x8d: {  	[sflag:s9] =	ssyncadd.s32 $0xFFFFF800  }
0x8e: {  	_ =	swait.ge [sflag:s9], $0x800  }
0x8f: {  	[sflag:s9] =	ssyncset.done $0x0  }
0x90: {  	[sflag:s9] =	ssyncadd.s32 $0xFFFFF800  }
0x91: {  	_ =	swait.ge [sflag:s9], $0x800  }
0x92: {  	[sflag:s9] =	ssyncset.done $0x0  }
0x93: {  	[sflag:s9] =	ssyncadd.s32 $0xFFFFF800  }
0x94: {  	_ =	swait.ge [sflag:s9], $0x800  }
0x95: {  	[sflag:s9] =	ssyncset.done $0x0  }
0x96: {  	[sflag:s9] =	ssyncadd.s32 $0xFFFFF800  }
0x97: {  	_ =	swait.ge [sflag:s9], $0x800  }
0x98: {  	[sflag:s9] =	ssyncset.done $0x0  }
0x99: {  	[sflag:s9] =	ssyncadd.s32 $0xFFFFF800  }
0x9a: {  	_ =	swait.ge [sflag:s9], $0x800  }
0x9b: {  	[sflag:s9] =	ssyncset.done $0x0  }
0x9c: {  	[sflag:s9] =	ssyncadd.s32 $0xFFFFF800  }
0x9d: {  	_ =	swait.ge [sflag:s9], $0x800  }
0x9e: {  	[sflag:s9] =	ssyncset.done $0x0  }
0x9f: {  	[sflag:s9] =	ssyncadd.s32 $0xFFFFF800  }
0xa0: {  	_ =	swait.ge [sflag:s9], $0x800  }
0xa1: {  	[sflag:s9] =	ssyncset.done $0x0  }
0xa2: {  	[sflag:s9] =	ssyncadd.s32 $0xFFFFF800  }
0xa3: {  	_ =	swait.ge [sflag:s9], $0x800  }
0xa4: {  	[sflag:s9] =	ssyncset.done $0x0  }
0xa5: {  	[sflag:s9] =	ssyncadd.s32 $0xFFFFF800  }
0xa6: {  	_ =	swait.ge [sflag:s9], $0x800  }
0xa7: {  	[sflag:s9] =	ssyncset.done $0x0  }
0xa8: {  	[sflag:s9] =	ssyncadd.s32 $0xFFFFF800  }
0xa9: {  	s6 =	simm.s32 $0xD0;
	_ =	swait.ge [sflag:s9], $0x800  }
0xaa: {  	s11 =	simm.s32 $0x1A0;
	s12 =	rddreg [dreg:$0x3];
	[sflag:s9] =	ssyncset.done $0x0  }
.LBB2_2:
0xab: {  	[sflag:s9] =	ssyncadd.s32 $0xFFFFF800;
	s12 =	sadd.s32 s6, s12  }
0xac: {  	[tilespmem:s13], [sflag:$0x1] =	stream.linear.gather [hbm4b:s12+s3], $0x680, $0x38;
	[tilespmem:$0x1FBA0] =	vst v63  }
0xad: {  	s12 =	sadd.s32 $0x30D40, s12  }
0xae: {  	[tilespmem:s14], [sflag:$0x1] =	stream.linear.gather [hbm4b:s12+s3], $0x680, $0x38;
	[tilespmem:$0x1FBA0] =	vst v63  }
0xaf: {  	_ =	swait.ge [sflag:s15], $0x680  }
0xb0: {  	[sflag:s15] =	ssyncset.done $0x0  }
0xb1: {  	s10 =	smov.u32 s11;
	[sflag:s15] =	ssyncadd.s32 $0xFFFFF980  }
0xb2: {  	[tilespmem:s17], [sflag:$0x2] =	stream.indirect.gather [hbm4b:s4+s16], $0x10, s13, s16, $0xb8;
	[tilespmem:$0x1FBA0] =	vst v63  }
0xb3: {  	s6 =	smov.u32 s10;
	s10 =	rddreg [dreg:$0x4]  }
0xb4: {  	[tilespmem:s18], [sflag:$0x2] =	stream.indirect.gather [hbm4b:s4+s16], $0x10, s10, s16, $0xb8;
	[tilespmem:$0x1FBA0] =	vst v63  }
0xb5: {  	s12 =	rddreg [dreg:$0x5]  }
0xb6: {  	[tilespmem:s19], [sflag:$0x2] =	stream.indirect.gather [hbm4b:s4+s16], $0x10, s12, s16, $0xb8;
	[tilespmem:$0x1FBA0] =	vst v63  }
0xb7: {  	s10 =	rddreg [dreg:$0x6]  }
0xb8: {  	[tilespmem:s20], [sflag:$0x2] =	stream.indirect.gather [hbm4b:s4+s16], $0x10, s10, s16, $0xb8;
	[tilespmem:$0x1FBA0] =	vst v63  }
0xb9: {  	s12 =	rddreg [dreg:$0x7]  }
0xba: {  	[tilespmem:s21], [sflag:$0x2] =	stream.indirect.gather [hbm4b:s4+s16], $0x10, s12, s16, $0xb8;
	[tilespmem:$0x1FBA0] =	vst v63  }
0xbb: {  	s10 =	rddreg [dreg:$0x8]  }
0xbc: {  	[tilespmem:s22], [sflag:$0x2] =	stream.indirect.gather [hbm4b:s4+s16], $0x10, s10, s16, $0xb8;
	[tilespmem:$0x1FBA0] =	vst v63  }
0xbd: {  	s12 =	rddreg [dreg:$0x9]  }
0xbe: {  	[tilespmem:s23], [sflag:$0x2] =	stream.indirect.gather [hbm4b:s4+s16], $0x10, s12, s16, $0xb8;
	[tilespmem:$0x1FBA0] =	vst v63  }
0xbf: {  	s10 =	rddreg [dreg:$0xa]  }
0xc0: {  	[tilespmem:s24], [sflag:$0x2] =	stream.indirect.gather [hbm4b:s4+s16], $0x10, s10, s16, $0xb8;
	[tilespmem:$0x1FBA0] =	vst v63  }
0xc1: {  	s12 =	rddreg [dreg:$0xb]  }
0xc2: {  	[tilespmem:s25], [sflag:$0x2] =	stream.indirect.gather [hbm4b:s4+s16], $0x10, s12, s16, $0xb8;
	[tilespmem:$0x1FBA0] =	vst v63  }
0xc3: {  	s10 =	rddreg [dreg:$0xc]  }
0xc4: {  	[tilespmem:s26], [sflag:$0x2] =	stream.indirect.gather [hbm4b:s4+s16], $0x10, s10, s16, $0xb8;
	[tilespmem:$0x1FBA0] =	vst v63  }
0xc5: {  	s12 =	rddreg [dreg:$0xd]  }
0xc6: {  	[tilespmem:s28], [sflag:$0x2] =	stream.indirect.gather [hbm4b:s4+s16], $0x10, s12, s16, $0xb8;
	[tilespmem:$0x1FBA0] =	vst v63  }
0xc7: {  	s10 =	rddreg [dreg:$0xe]  }
0xc8: {  	[tilespmem:s29], [sflag:$0x2] =	stream.indirect.gather [hbm4b:s4+s16], $0x10, s10, s16, $0xb8;
	[tilespmem:$0x1FBA0] =	vst v63  }
0xc9: {  	s12 =	rddreg [dreg:$0xf]  }
0xca: {  	[tilespmem:s30], [sflag:$0x2] =	stream.indirect.gather [hbm4b:s4+s16], $0x10, s12, s16, $0xb8;
	[tilespmem:$0x1FBA0] =	vst v63  }
0xcb: {  	_ =	swait.ge [sflag:s15], $0x680  }
0xcc: {  	[sflag:s15] =	ssyncset.done $0x0  }
0xcd: {  	[sflag:s15] =	ssyncadd.s32 $0xFFFFF980  }
0xce: {  	_ =	swait.ge [sflag:s31], $0x800  }
0xcf: {  	[sflag:s31] =	ssyncset.done $0x0  }
0xd0: {  	[sflag:s31] =	ssyncadd.s32 $0xFFFFF800  }
0xd1: {  	[spmem:s1] =	stream.indirect.scatter.add.f32 [tilespmem:s17], [sflag:$0x3], $0x10, s14, s16, $0xb8;
	[tilespmem:$0x1FBA0] =	vst v63  }
0xd2: {  	_ =	swait.ge [sflag:s31], $0x800  }
0xd3: {  	[sflag:s31] =	ssyncset.done $0x0  }
0xd4: {  	s12 =	rddreg [dreg:$0x10];
	[sflag:s31] =	ssyncadd.s32 $0xFFFFF800  }
0xd5: {  	[spmem:s1] =	stream.indirect.scatter.add.f32 [tilespmem:s18], [sflag:$0x3], $0x10, s12, s16, $0xb8;
	[tilespmem:$0x1FBA0] =	vst v63  }
0xd6: {  	_ =	swait.ge [sflag:s31], $0x800  }
0xd7: {  	[sflag:s31] =	ssyncset.done $0x0  }
0xd8: {  	s12 =	rddreg [dreg:$0x11];
	[sflag:s31] =	ssyncadd.s32 $0xFFFFF800  }
0xd9: {  	[spmem:s1] =	stream.indirect.scatter.add.f32 [tilespmem:s19], [sflag:$0x3], $0x10, s12, s16, $0xb8;
	[tilespmem:$0x1FBA0] =	vst v63  }
0xda: {  	_ =	swait.ge [sflag:s31], $0x800  }
0xdb: {  	[sflag:s31] =	ssyncset.done $0x0  }
0xdc: {  	s12 =	rddreg [dreg:$0x12];
	[sflag:s31] =	ssyncadd.s32 $0xFFFFF800  }
0xdd: {  	[spmem:s1] =	stream.indirect.scatter.add.f32 [tilespmem:s20], [sflag:$0x3], $0x10, s12, s16, $0xb8;
	[tilespmem:$0x1FBA0] =	vst v63  }
0xde: {  	_ =	swait.ge [sflag:s31], $0x800  }
0xdf: {  	[sflag:s31] =	ssyncset.done $0x0  }
0xe0: {  	s12 =	rddreg [dreg:$0x13];
	[sflag:s31] =	ssyncadd.s32 $0xFFFFF800  }
0xe1: {  	[spmem:s1] =	stream.indirect.scatter.add.f32 [tilespmem:s21], [sflag:$0x3], $0x10, s12, s16, $0xb8;
	[tilespmem:$0x1FBA0] =	vst v63  }
0xe2: {  	_ =	swait.ge [sflag:s31], $0x800  }
0xe3: {  	[sflag:s31] =	ssyncset.done $0x0  }
0xe4: {  	s12 =	rddreg [dreg:$0x14];
	[sflag:s31] =	ssyncadd.s32 $0xFFFFF800  }
0xe5: {  	[spmem:s1] =	stream.indirect.scatter.add.f32 [tilespmem:s22], [sflag:$0x3], $0x10, s12, s16, $0xb8;
	[tilespmem:$0x1FBA0] =	vst v63  }
0xe6: {  	_ =	swait.ge [sflag:s31], $0x800  }
0xe7: {  	[sflag:s31] =	ssyncset.done $0x0  }
0xe8: {  	s12 =	rddreg [dreg:$0x15];
	[sflag:s31] =	ssyncadd.s32 $0xFFFFF800  }
0xe9: {  	[spmem:s1] =	stream.indirect.scatter.add.f32 [tilespmem:s23], [sflag:$0x3], $0x10, s12, s16, $0xb8;
	[tilespmem:$0x1FBA0] =	vst v63  }
0xea: {  	_ =	swait.ge [sflag:s31], $0x800  }
0xeb: {  	[sflag:s31] =	ssyncset.done $0x0  }
0xec: {  	s12 =	rddreg [dreg:$0x16];
	[sflag:s31] =	ssyncadd.s32 $0xFFFFF800  }
0xed: {  	[spmem:s1] =	stream.indirect.scatter.add.f32 [tilespmem:s24], [sflag:$0x3], $0x10, s12, s16, $0xb8;
	[tilespmem:$0x1FBA0] =	vst v63  }
0xee: {  	_ =	swait.ge [sflag:s31], $0x800  }
0xef: {  	[sflag:s31] =	ssyncset.done $0x0  }
0xf0: {  	[sflag:s31] =	ssyncadd.s32 $0xFFFFF800  }
0xf1: {  	[spmem:s1] =	stream.indirect.scatter.add.f32 [tilespmem:s25], [sflag:$0x3], $0x10, s0, s16, $0xb8;
	[tilespmem:$0x1FBA0] =	vst v63  }
0xf2: {  	_ =	swait.ge [sflag:s31], $0x800  }
0xf3: {  	[sflag:s31] =	ssyncset.done $0x0  }
0xf4: {  	[sflag:s31] =	ssyncadd.s32 $0xFFFFF800  }
0xf5: {  	[spmem:s1] =	stream.indirect.scatter.add.f32 [tilespmem:s26], [sflag:$0x3], $0x10, s2, s16, $0xb8;
	[tilespmem:$0x1FBA0] =	vst v63  }
0xf6: {  	_ =	swait.ge [sflag:s31], $0x800  }
0xf7: {  	[sflag:s31] =	ssyncset.done $0x0  }
0xf8: {  	[sflag:s31] =	ssyncadd.s32 $0xFFFFF800  }
0xf9: {  	[spmem:s1] =	stream.indirect.scatter.add.f32 [tilespmem:s28], [sflag:$0x3], $0x10, s5, s16, $0xb8;
	[tilespmem:$0x1FBA0] =	vst v63  }
0xfa: {  	_ =	swait.ge [sflag:s31], $0x800  }
0xfb: {  	[sflag:s31] =	ssyncset.done $0x0  }
0xfc: {  	[sflag:s31] =	ssyncadd.s32 $0xFFFFF800  }
0xfd: {  	[spmem:s1] =	stream.indirect.scatter.add.f32 [tilespmem:s29], [sflag:$0x3], $0x10, s7, s16, $0xb8;
	[tilespmem:$0x1FBA0] =	vst v63  }
0xfe: {  	_ =	swait.ge [sflag:s31], $0x800  }
0xff: {  	[sflag:s31] =	ssyncset.done $0x0  }
0x100: {  	[sflag:s31] =	ssyncadd.s32 $0xFFFFF800  }
0x101: {  	[spmem:s1] =	stream.indirect.scatter.add.f32 [tilespmem:s30], [sflag:$0x3], $0x10, s8, s16, $0xb8;
	[tilespmem:$0x1FBA0] =	vst v63  }
0x102: {  	_ =	swait.ge [sflag:s9], $0x800  }
0x103: {  	[sflag:s9] =	ssyncset.done $0x0  }
0x104: {  	[sflag:s9] =	ssyncadd.s32 $0xFFFFF800  }
0x105: {  	_ =	swait.ge [sflag:s9], $0x800  }
0x106: {  	[sflag:s9] =	ssyncset.done $0x0  }
0x107: {  	[sflag:s9] =	ssyncadd.s32 $0xFFFFF800  }
0x108: {  	_ =	swait.ge [sflag:s9], $0x800  }
0x109: {  	[sflag:s9] =	ssyncset.done $0x0  }
0x10a: {  	[sflag:s9] =	ssyncadd.s32 $0xFFFFF800  }
0x10b: {  	_ =	swait.ge [sflag:s9], $0x800  }
0x10c: {  	[sflag:s9] =	ssyncset.done $0x0  }
0x10d: {  	[sflag:s9] =	ssyncadd.s32 $0xFFFFF800  }
0x10e: {  	_ =	swait.ge [sflag:s9], $0x800  }
0x10f: {  	[sflag:s9] =	ssyncset.done $0x0  }
0x110: {  	[sflag:s9] =	ssyncadd.s32 $0xFFFFF800  }
0x111: {  	_ =	swait.ge [sflag:s9], $0x800  }
0x112: {  	[sflag:s9] =	ssyncset.done $0x0  }
0x113: {  	[sflag:s9] =	ssyncadd.s32 $0xFFFFF800  }
0x114: {  	_ =	swait.ge [sflag:s9], $0x800  }
0x115: {  	[sflag:s9] =	ssyncset.done $0x0  }
0x116: {  	[sflag:s9] =	ssyncadd.s32 $0xFFFFF800  }
0x117: {  	_ =	swait.ge [sflag:s9], $0x800  }
0x118: {  	[sflag:s9] =	ssyncset.done $0x0  }
0x119: {  	[sflag:s9] =	ssyncadd.s32 $0xFFFFF800  }
0x11a: {  	_ =	swait.ge [sflag:s9], $0x800  }
0x11b: {  	[sflag:s9] =	ssyncset.done $0x0  }
0x11c: {  	[sflag:s9] =	ssyncadd.s32 $0xFFFFF800  }
0x11d: {  	_ =	swait.ge [sflag:s9], $0x800  }
0x11e: {  	[sflag:s9] =	ssyncset.done $0x0  }
0x11f: {  	[sflag:s9] =	ssyncadd.s32 $0xFFFFF800  }
0x120: {  	_ =	swait.ge [sflag:s9], $0x800  }
0x121: {  	[sflag:s9] =	ssyncset.done $0x0  }
0x122: {  	p1 =	sne.s32 s11, $0x1790;
	[sflag:s9] =	ssyncadd.s32 $0xFFFFF800  }
.Ltmp0:
0x123: {  	_ =	swait.ge [sflag:s9], $0x800;
	(pc) =	sbr.rel @p1 .LBB2_2-.Ltmp0, $4  }
0x124: {  	[sflag:s9] =	ssyncset.done $0x0  }
0x125: {  	[sflag:s9] =	ssyncadd.s32 $0xFFFFF800  }
0x126: {  	_ =	swait.ge [sflag:s9], $0x800  }
0x127: {  	s11 =	sadd.s32 $0xD0, s11;
	s12 =	rddreg [dreg:$0x3];
	[sflag:s9] =	ssyncset.done $0x0  }
0x128: {  	[sflag:s9] =	ssyncadd.s32 $0xFFFFF800;
	s6 =	sadd.s32 s6, s12  }
0x129: {  	[tilespmem:s13], [sflag:$0x1] =	stream.linear.gather [hbm4b:s6+s3], $0x680, $0x38;
	[tilespmem:$0x1FBA0] =	vst v63  }
0x12a: {  	s6 =	sadd.s32 $0x30D40, s6  }
0x12b: {  	[tilespmem:s14], [sflag:$0x1] =	stream.linear.gather [hbm4b:s6+s3], $0x680, $0x38;
	[tilespmem:$0x1FBA0] =	vst v63  }
0x12c: {  	_ =	swait.ge [sflag:s15], $0x680  }
0x12d: {  	[sflag:s15] =	ssyncset.done $0x0  }
0x12e: {  	[sflag:s15] =	ssyncadd.s32 $0xFFFFF980  }
0x12f: {  	[tilespmem:s17], [sflag:$0x2] =	stream.indirect.gather [hbm4b:s4+s16], $0x10, s13, s16, $0xb8;
	[tilespmem:$0x1FBA0] =	vst v63  }
0x130: {  	s11 =	rddreg [dreg:$0x4]  }
0x131: {  	[tilespmem:s18], [sflag:$0x2] =	stream.indirect.gather [hbm4b:s4+s16], $0x10, s11, s16, $0xb8;
	[tilespmem:$0x1FBA0] =	vst v63  }
0x132: {  	s10 =	rddreg [dreg:$0x5]  }
0x133: {  	[tilespmem:s19], [sflag:$0x2] =	stream.indirect.gather [hbm4b:s4+s16], $0x10, s10, s16, $0xb8;
	[tilespmem:$0x1FBA0] =	vst v63  }
0x134: {  	s12 =	rddreg [dreg:$0x6]  }
0x135: {  	[tilespmem:s20], [sflag:$0x2] =	stream.indirect.gather [hbm4b:s4+s16], $0x10, s12, s16, $0xb8;
	[tilespmem:$0x1FBA0] =	vst v63  }
0x136: {  	s11 =	rddreg [dreg:$0x7]  }
0x137: {  	[tilespmem:s21], [sflag:$0x2] =	stream.indirect.gather [hbm4b:s4+s16], $0x10, s11, s16, $0xb8;
	[tilespmem:$0x1FBA0] =	vst v63  }
0x138: {  	s12 =	rddreg [dreg:$0x8]  }
0x139: {  	[tilespmem:s22], [sflag:$0x2] =	stream.indirect.gather [hbm4b:s4+s16], $0x10, s12, s16, $0xb8;
	[tilespmem:$0x1FBA0] =	vst v63  }
0x13a: {  	s11 =	rddreg [dreg:$0x9]  }
0x13b: {  	[tilespmem:s23], [sflag:$0x2] =	stream.indirect.gather [hbm4b:s4+s16], $0x10, s11, s16, $0xb8;
	[tilespmem:$0x1FBA0] =	vst v63  }
0x13c: {  	s12 =	rddreg [dreg:$0xa]  }
0x13d: {  	[tilespmem:s24], [sflag:$0x2] =	stream.indirect.gather [hbm4b:s4+s16], $0x10, s12, s16, $0xb8;
	[tilespmem:$0x1FBA0] =	vst v63  }
0x13e: {  	s11 =	rddreg [dreg:$0xb]  }
0x13f: {  	[tilespmem:s25], [sflag:$0x2] =	stream.indirect.gather [hbm4b:s4+s16], $0x10, s11, s16, $0xb8;
	[tilespmem:$0x1FBA0] =	vst v63  }
0x140: {  	s12 =	rddreg [dreg:$0xc]  }
0x141: {  	[tilespmem:s26], [sflag:$0x2] =	stream.indirect.gather [hbm4b:s4+s16], $0x10, s12, s16, $0xb8;
	[tilespmem:$0x1FBA0] =	vst v63  }
0x142: {  	s11 =	rddreg [dreg:$0xd]  }
0x143: {  	[tilespmem:s28], [sflag:$0x2] =	stream.indirect.gather [hbm4b:s4+s16], $0x10, s11, s16, $0xb8;
	[tilespmem:$0x1FBA0] =	vst v63  }
0x144: {  	s12 =	rddreg [dreg:$0xe]  }
0x145: {  	[tilespmem:s29], [sflag:$0x2] =	stream.indirect.gather [hbm4b:s4+s16], $0x10, s12, s16, $0xb8;
	[tilespmem:$0x1FBA0] =	vst v63  }
0x146: {  	s11 =	rddreg [dreg:$0xf]  }
0x147: {  	[tilespmem:s30], [sflag:$0x2] =	stream.indirect.gather [hbm4b:s4+s16], $0x10, s11, s16, $0xb8;
	[tilespmem:$0x1FBA0] =	vst v63  }
0x148: {  	_ =	swait.ge [sflag:s15], $0x680  }
0x149: {  	[sflag:s15] =	ssyncset.done $0x0  }
0x14a: {  	[sflag:s15] =	ssyncadd.s32 $0xFFFFF980  }
0x14b: {  	_ =	swait.ge [sflag:s31], $0x800  }
0x14c: {  	[sflag:s31] =	ssyncset.done $0x0  }
0x14d: {  	[sflag:s31] =	ssyncadd.s32 $0xFFFFF800  }
0x14e: {  	[spmem:s1] =	stream.indirect.scatter.add.f32 [tilespmem:s17], [sflag:$0x3], $0x10, s14, s16, $0xb8;
	[tilespmem:$0x1FBA0] =	vst v63  }
0x14f: {  	_ =	swait.ge [sflag:s31], $0x800  }
0x150: {  	[sflag:s31] =	ssyncset.done $0x0  }
0x151: {  	s12 =	rddreg [dreg:$0x10];
	[sflag:s31] =	ssyncadd.s32 $0xFFFFF800  }
0x152: {  	[spmem:s1] =	stream.indirect.scatter.add.f32 [tilespmem:s18], [sflag:$0x3], $0x10, s12, s16, $0xb8;
	[tilespmem:$0x1FBA0] =	vst v63  }
0x153: {  	_ =	swait.ge [sflag:s31], $0x800  }
0x154: {  	[sflag:s31] =	ssyncset.done $0x0  }
0x155: {  	s10 =	rddreg [dreg:$0x11];
	[sflag:s31] =	ssyncadd.s32 $0xFFFFF800  }
0x156: {  	[spmem:s1] =	stream.indirect.scatter.add.f32 [tilespmem:s19], [sflag:$0x3], $0x10, s10, s16, $0xb8;
	[tilespmem:$0x1FBA0] =	vst v63  }
0x157: {  	_ =	swait.ge [sflag:s31], $0x800  }
0x158: {  	[sflag:s31] =	ssyncset.done $0x0  }
0x159: {  	s11 =	rddreg [dreg:$0x12];
	[sflag:s31] =	ssyncadd.s32 $0xFFFFF800  }
0x15a: {  	[spmem:s1] =	stream.indirect.scatter.add.f32 [tilespmem:s20], [sflag:$0x3], $0x10, s11, s16, $0xb8;
	[tilespmem:$0x1FBA0] =	vst v63  }
0x15b: {  	_ =	swait.ge [sflag:s31], $0x800  }
0x15c: {  	[sflag:s31] =	ssyncset.done $0x0  }
0x15d: {  	s12 =	rddreg [dreg:$0x13];
	[sflag:s31] =	ssyncadd.s32 $0xFFFFF800  }
0x15e: {  	[spmem:s1] =	stream.indirect.scatter.add.f32 [tilespmem:s21], [sflag:$0x3], $0x10, s12, s16, $0xb8;
	[tilespmem:$0x1FBA0] =	vst v63  }
0x15f: {  	_ =	swait.ge [sflag:s31], $0x800  }
0x160: {  	[sflag:s31] =	ssyncset.done $0x0  }
0x161: {  	s10 =	rddreg [dreg:$0x14];
	[sflag:s31] =	ssyncadd.s32 $0xFFFFF800  }
0x162: {  	[spmem:s1] =	stream.indirect.scatter.add.f32 [tilespmem:s22], [sflag:$0x3], $0x10, s10, s16, $0xb8;
	[tilespmem:$0x1FBA0] =	vst v63  }
0x163: {  	_ =	swait.ge [sflag:s31], $0x800  }
0x164: {  	[sflag:s31] =	ssyncset.done $0x0  }
0x165: {  	s11 =	rddreg [dreg:$0x15];
	[sflag:s31] =	ssyncadd.s32 $0xFFFFF800  }
0x166: {  	[spmem:s1] =	stream.indirect.scatter.add.f32 [tilespmem:s23], [sflag:$0x3], $0x10, s11, s16, $0xb8;
	[tilespmem:$0x1FBA0] =	vst v63  }
0x167: {  	_ =	swait.ge [sflag:s31], $0x800  }
0x168: {  	[sflag:s31] =	ssyncset.done $0x0  }
0x169: {  	s12 =	rddreg [dreg:$0x16];
	[sflag:s31] =	ssyncadd.s32 $0xFFFFF800  }
0x16a: {  	[spmem:s1] =	stream.indirect.scatter.add.f32 [tilespmem:s24], [sflag:$0x3], $0x10, s12, s16, $0xb8;
	[tilespmem:$0x1FBA0] =	vst v63  }
0x16b: {  	_ =	swait.ge [sflag:s31], $0x800  }
0x16c: {  	[sflag:s31] =	ssyncset.done $0x0  }
0x16d: {  	[sflag:s31] =	ssyncadd.s32 $0xFFFFF800  }
0x16e: {  	[spmem:s1] =	stream.indirect.scatter.add.f32 [tilespmem:s25], [sflag:$0x3], $0x10, s0, s16, $0xb8;
	[tilespmem:$0x1FBA0] =	vst v63  }
0x16f: {  	_ =	swait.ge [sflag:s31], $0x800  }
0x170: {  	[sflag:s31] =	ssyncset.done $0x0  }
0x171: {  	[sflag:s31] =	ssyncadd.s32 $0xFFFFF800  }
0x172: {  	[spmem:s1] =	stream.indirect.scatter.add.f32 [tilespmem:s26], [sflag:$0x3], $0x10, s2, s16, $0xb8;
	[tilespmem:$0x1FBA0] =	vst v63  }
0x173: {  	_ =	swait.ge [sflag:s31], $0x800  }
0x174: {  	[sflag:s31] =	ssyncset.done $0x0  }
0x175: {  	[sflag:s31] =	ssyncadd.s32 $0xFFFFF800  }
0x176: {  	[spmem:s1] =	stream.indirect.scatter.add.f32 [tilespmem:s28], [sflag:$0x3], $0x10, s5, s16, $0xb8;
	[tilespmem:$0x1FBA0] =	vst v63  }
0x177: {  	_ =	swait.ge [sflag:s31], $0x800  }
0x178: {  	[sflag:s31] =	ssyncset.done $0x0  }
0x179: {  	[sflag:s31] =	ssyncadd.s32 $0xFFFFF800  }
0x17a: {  	[spmem:s1] =	stream.indirect.scatter.add.f32 [tilespmem:s29], [sflag:$0x3], $0x10, s7, s16, $0xb8;
	[tilespmem:$0x1FBA0] =	vst v63  }
0x17b: {  	_ =	swait.ge [sflag:s31], $0x800  }
0x17c: {  	[sflag:s31] =	ssyncset.done $0x0  }
0x17d: {  	[sflag:s31] =	ssyncadd.s32 $0xFFFFF800  }
0x17e: {  	[spmem:s1] =	stream.indirect.scatter.add.f32 [tilespmem:s30], [sflag:$0x3], $0x10, s8, s16, $0xb8;
	[tilespmem:$0x1FBA0] =	vst v63  }
0x17f: {  	_ =	swait.ge [sflag:s9], $0x800  }
0x180: {  	[sflag:s9] =	ssyncset.done $0x0  }
0x181: {  	[sflag:s9] =	ssyncadd.s32 $0xFFFFF800  }
0x182: {  	_ =	swait.ge [sflag:s9], $0x800  }
0x183: {  	[sflag:s9] =	ssyncset.done $0x0  }
0x184: {  	[sflag:s9] =	ssyncadd.s32 $0xFFFFF800  }
0x185: {  	_ =	swait.ge [sflag:s9], $0x800  }
0x186: {  	[sflag:s9] =	ssyncset.done $0x0  }
0x187: {  	[sflag:s9] =	ssyncadd.s32 $0xFFFFF800  }
0x188: {  	_ =	swait.ge [sflag:s9], $0x800  }
0x189: {  	[sflag:s9] =	ssyncset.done $0x0  }
0x18a: {  	[sflag:s9] =	ssyncadd.s32 $0xFFFFF800  }
0x18b: {  	_ =	swait.ge [sflag:s9], $0x800  }
0x18c: {  	[sflag:s9] =	ssyncset.done $0x0  }
0x18d: {  	[sflag:s9] =	ssyncadd.s32 $0xFFFFF800  }
0x18e: {  	_ =	swait.ge [sflag:s9], $0x800  }
0x18f: {  	[sflag:s9] =	ssyncset.done $0x0  }
0x190: {  	[sflag:s9] =	ssyncadd.s32 $0xFFFFF800  }
0x191: {  	_ =	swait.ge [sflag:s9], $0x800  }
0x192: {  	[sflag:s9] =	ssyncset.done $0x0  }
0x193: {  	[sflag:s9] =	ssyncadd.s32 $0xFFFFF800  }
0x194: {  	_ =	swait.ge [sflag:s9], $0x800  }
0x195: {  	[sflag:s9] =	ssyncset.done $0x0  }
0x196: {  	[sflag:s9] =	ssyncadd.s32 $0xFFFFF800  }
0x197: {  	_ =	swait.ge [sflag:s9], $0x800  }
0x198: {  	[sflag:s9] =	ssyncset.done $0x0  }
0x199: {  	[sflag:s9] =	ssyncadd.s32 $0xFFFFF800  }
0x19a: {  	_ =	swait.ge [sflag:s9], $0x800  }
0x19b: {  	[sflag:s9] =	ssyncset.done $0x0  }
0x19c: {  	[sflag:s9] =	ssyncadd.s32 $0xFFFFF800  }
0x19d: {  	_ =	swait.ge [sflag:s9], $0x800  }
0x19e: {  	[sflag:s9] =	ssyncset.done $0x0  }
0x19f: {  	[sflag:s9] =	ssyncadd.s32 $0xFFFFF800  }
0x1a0: {  	_ =	swait.ge [sflag:s9], $0x800  }
0x1a1: {  	[sflag:s9] =	ssyncset.done $0x0  }
0x1a2: {  	[sflag:s9] =	ssyncadd.s32 $0xFFFFF800  }
0x1a3: {  	_ =	swait.ge [sflag:s9], $0x800  }
0x1a4: {  	s6 =	simm.s32 @!p0 $0x0;
	[sflag:s9] =	ssyncset.done $0x0  }
0x1a5: {  	s11 =	simm.s32 @!p0 $0x1EEA0;
	s10 =	rddreg [dreg:$0x19];
	[sflag:s9] =	ssyncadd.s32 $0xFFFFF800  }
0x1a6: {  	[tilespmem:s11], [sflag:$0x1] =	stream.linear.gather @!p0 [hbm4b:s10+s6], $0x80, $0x38;
	[tilespmem:$0x1FBA0] =	vst v63  }
0x1a7: {  	s12 =	simm.s32 @!p0 $0x1F520;
	s10 =	rddreg [dreg:$0x1a]  }
0x1a8: {  	[tilespmem:s12], [sflag:$0x1] =	stream.linear.gather @!p0 [hbm4b:s10+s6], $0x80, $0x38;
	[tilespmem:$0x1FBA0] =	vst v63  }
0x1a9: {  	s6 =	simm.s32 @!p0 $0x1  }
0x1aa: {  	_ =	swait.ge @!p0 [sflag:s6], $0x80  }
0x1ab: {  	[sflag:s6] =	ssyncset.done @!p0 $0x0  }
0x1ac: {  	s12 =	simm.s32 @!p0 $0x80;
	s10 =	simm.s32 @!p0 $0x186A0;
	[sflag:s6] =	ssyncadd.s32 @!p0 $0xFFFFFF80  }
0x1ad: {  	[tilespmem:s10], [sflag:$0x2] =	stream.indirect.gather @!p0 [hbm4b:s4+s12], $0x10, s11, s12, $0xb8;
	[tilespmem:$0x1FBA0] =	vst v63  }
0x1ae: {  	s11 =	simm.s32 @!p0 $0x2  }
0x1af: {  	_ =	swait.ge @!p0 [sflag:s11], $0x800  }
0x1b0: {  	[sflag:s11] =	ssyncset.done @!p0 $0x0  }
0x1b1: {  	[sflag:s11] =	ssyncadd.s32 @!p0 $0xFFFFF800  }
0x1b2: {  	_ =	swait.ge @!p0 [sflag:s6], $0x80  }
0x1b3: {  	[sflag:s6] =	ssyncset.done @!p0 $0x0  }
0x1b4: {  	[sflag:s6] =	ssyncadd.s32 @!p0 $0xFFFFFF80;
	s6 =	simm.s32 @!p0 $0x1F520  }
0x1b5: {  	[spmem:s1] =	stream.indirect.scatter.add.f32 @!p0 [tilespmem:s10], [sflag:$0x3], $0x10, s6, s12, $0xb8;
	[tilespmem:$0x1FBA0] =	vst v63  }
0x1b6: {  	s6 =	simm.s32 @!p0 $0x3  }
0x1b7: {  	_ =	swait.ge @!p0 [sflag:s6], $0x800  }
0x1b8: {  	[sflag:s6] =	ssyncset.done @!p0 $0x0  }
0x1b9: {  	[sflag:s6] =	ssyncadd.s32 @!p0 $0xFFFFF800  }
0x1ba: {  	[bflag:$0x0] =	sbarrier.arrive $0xFFFF  }
0x1bb: {  	s6 =	rddreg [dreg:$0x18]  }
0x1bc: {  	s12 =	rddreg [dreg:$0x1b]  }
0x1bd: {  	s11 =	rddreg [dreg:$0x1d]  }
0x1be: {  	[hbm:s12], [sflag:s6] =	dma.local [spmem:s11], $0x30D4  }
0x1bf: {  	s12 =	simm.s32 $0x4  }
0x1c0: {  	_ =	swait.ge [sflag:s12], $0x30D4  }
0x1c1: {  	s6 =	rddreg [dreg:$0x1e]  }
0x1c2: {  	s10 =	sadd.s32 $0x1, s6;
	s6 =	rddreg [dreg:$0x1c]  }
0x1c3: {  	p1 =	sne.s32 s10, s6  }
.Ltmp1:
0x1c4: {  	_ = 	snop;
	(pc) =	sbr.rel @p1 .LBB2_1-.Ltmp1, $3  }
0x1c5: {  	_ =	sdelay $0x1  }
0x1c6: {  	[sflag:s12] =	ssyncset.done $0x0;
	[dreg:$0x1e] =	wrdreg s10  }
0x1c7: {  	[sflag:s12] =	ssyncadd.s32 $0xFFFFCF2C;
	s10 =	rddreg [dreg:$0x18]  }
0x1c8: {  	_ =	sfence.sel $0x180000  }
0x1c9: {  	[bflag:$0x0] =	sbarrier.arrive $0xFFFF  }
0x1ca: {  	_ =	strace $0x90000047  }
0x1cb: {  	s0 =	stileid.u32;
	[bflag:$0x2] =	sbarrier.arrive $0xFFFF  }
0x1cc: {  	p0 =	sne.s32 s0, $0x0;
	s0 =	rddreg [dreg:$0x2]  }
0x1cd: {  	s0 =	sadd.s32 @!p0 $0x100000, s0  }
0x1ce: {  	[sflag:s0] =	ssyncadd.tile.s32 @!p0 $0x1;
	_ =	shalt  }
.Lfunc_end2:
_tile_overlayer_lowered:
.L_overlay_start_2:
0x1cf: {  	(tag) =	ssettag $0x2  }
0x1d0: {  	s0 =	rddreg [dreg:$0x0];
	s2 =	stileid.u32  }
0x1d1: {  	s1 =	rddreg [dreg:$0x1];
	p0 =	sne.s32 s2, $0x0  }
0x1d2: {  	s3 =	rddreg [dreg:$0x2];
	[bflag:$0x3] =	sbarrier.arrive $0xFFFF;
	s2 =	simm.s32 @!p0 $0x1C04  }
0x1d3: {  	[timem:s3], [sflag:s2] =	dma.local @!p0 [hbm:s0], s1  }
0x1d4: {  	s0 =	simm.s32 @!p0 $0x4  }
0x1d5: {  	_ =	swait.ge @!p0 [sflag:s0], s1  }
0x1d6: {  	s1 =	ssub.s32 @!p0 $0x0, s1;
	[sflag:s0] =	ssyncset.done @!p0 $0x0  }
0x1d7: {  	[sflag:s0] =	ssyncadd.s32 @!p0 s1  }
0x1d8: {  	[bflag:$0x3] =	sbarrier.arrive $0xFFFF  }
0x1d9: {  	_ =	shalt  }

// kernel: kernel.13.cloned.1.call-start
scs
__scs_entry_jumppad:
0x0: {  	(pc) =	sbr.rel $0x88, $3  }
0x1: {  	(tag) =	ssettag $0x0;
	lr =	simm.s32 $0x1  }
0x2: {  	[smem:$0x3F92] =	sst lr;
	_ =	strace $0xD0000000  }
0x3: {  	_ = 	snop  }
0x4: {  	_ = 	snop  }
0x5: {  	_ = 	snop  }
0x6: {  	_ = 	snop  }
0x7: {  	_ = 	snop  }
__scs_overlays_trampoline_lowered:
0x8: {  	[smem:$0x3FA1] =	sst s0  }
0x9: {  	[smem:$0x3FA2] =	sst s1  }
0xa: {  	[smem:$0x3FA3] =	sst s2  }
0xb: {  	[smem:$0x3FA4] =	sst s3  }
0xc: {  	[smem:$0x3FA5] =	sst s4  }
0xd: {  	[smem:$0x3FA6] =	sst s5  }
0xe: {  	[smem:$0x3FA7] =	sst s6  }
0xf: {  	[smem:$0x3FA8] =	sst s7  }
0x10: {  	[smem:$0x3FA9] =	sst s8  }
0x11: {  	[smem:$0x3FAA] =	sst s9;
	s0 =	simm.s32 @!p0 $0x0  }
0x12: {  	s1 =	sld [smem:$0x3F90];
	s0 =	simm.s32 @p0 $0x1  }
0x13: {  	[smem:$0x3FAB] =	sst s0;
	s0 =	simm.s32 @!p1 $0x0  }
0x14: {  	s2 =	sld [smem:$0x3F8F];
	s0 =	simm.s32 @p1 $0x1  }
0x15: {  	[smem:$0x3FAC] =	sst s0;
	s0 =	simm.s32 @!p2 $0x0  }
0x16: {  	s3 =	sld [smem:$0x3FDB];
	s0 =	simm.s32 @p2 $0x1  }
0x17: {  	s4 =	simm.s32 $0x1BF5;
	[smem:$0x3FAE] =	sst s0  }
0x18: {  	s0 =	sld [smem:$0x3F91];
	_ =	swait.ge [sflag:s4], $0x0  }
0x19: {  	s7 =	sld [smem:$0x3F92]  }
0x1a: {  	s8 =	sadd.s32 $0xFFFFE003, lr  }
0x1b: {  	s9 =	sadd.s32 $0xFFFFFEF7, lr;
	s5 =	simm.s32 $0xFFFFFFFF;
	p2 =	slt.u32 s8, $0xFFFFF086  }
0x1c: {  	p1 =	slt.u32 s9, $0xF7A;
	s5 =	simm.s32 @!p2 $0x0  }
0x1d: {  	s5 =	simm.s32 @p1 $0x1;
	p0 =	seq.s32 s7, s2  }
0x1e: {  	s7 =	smul.u32 @!p0 $0xF7A, s2;
	p2 =	seq.s32 @!p0 s5, $0x0  }
0x1f: {  	s9 =	smul.u32 $0xF7A, s1;
	s8 =	simm.s32 @!p0 $0x1BF5;
	p2 =	por !p2, p0  }
0x20: {  	[sflag:s8] =	ssyncset.s32 @!p0 $0xFFFFF086;
	s6 =	sadd.s32 @!p0 s3, s7;
	s7 =	simm.s32 @!p0 $0x108  }
0x21: {  	s3 =	sadd.s32 s3, s9;
	s6 =	sadd.s32 @!p0 $0x88, s6;
	s7 =	simm.s32 @p2 $0x1082  }
0x22: {  	[simem:s7], [sflag:s8] =	dma.local @!p0 [hbm:s6], $0xF7A  }
0x23: {  	s9 =	sor.u32 $0xD0000000, s2;
	s6 =	simm.s32 $0x108;
	_ =	swait.ge @!p0 [sflag:s8], $0x0  }
0x24: {  	s3 =	sadd.s32 $0x88, s3;
	s6 =	simm.s32 @!p1 $0x1082;
	[sflag:s4] =	ssyncset.s32 $0xFFFFF086  }
0x25: {  	[simem:s6], [sflag:s4] =	dma.local [hbm:s3], $0xF7A  }
0x26: {  	[smem:$0x3F92] =	sst s1;
	(tag) =	ssettag s2;
	_ =	strace s9  }
0x27: {  	s1 =	sld [smem:$0x3FA2]  }
0x28: {  	s2 =	sld [smem:$0x3FA3]  }
0x29: {  	s4 =	sld [smem:$0x3FA5]  }
0x2a: {  	p0 =	seq.s32 s5, $0x0;
	s5 =	sld [smem:$0x3FA6]  }
0x2b: {  	s6 =	sld [smem:$0x3FA7]  }
0x2c: {  	s7 =	sld [smem:$0x3FA8]  }
0x2d: {  	s3 =	simm.s32 $0x108;
	s8 =	sld [smem:$0x3FA9]  }
0x2e: {  	s3 =	simm.s32 @!p0 $0x1082;
	s9 =	sld [smem:$0x3FAA]  }
0x2f: {  	lr =	sadd.s32 s0, s3;
	s0 =	sld [smem:$0x3FA1]  }
0x30: {  	s3 =	sld [smem:$0x3FA4]  }
0x31: {  	[smem:$0x3FAD] =	sst s10  }
0x32: {  	s10 =	sld [smem:$0x3FAB];
	_ =	sdelay $0x3  }
0x33: {  	p0 =	seq.s32 s10, $0x1;
	s10 =	sld [smem:$0x3FAD];
	_ =	sdelay $0x3  }
0x34: {  	[smem:$0x3FAD] =	sst s10  }
0x35: {  	s10 =	sld [smem:$0x3FAC];
	_ =	sdelay $0x3  }
0x36: {  	p1 =	seq.s32 s10, $0x1;
	s10 =	sld [smem:$0x3FAD];
	_ =	sdelay $0x3  }
0x37: {  	[smem:$0x3FAD] =	sst s10  }
0x38: {  	s10 =	sld [smem:$0x3FAE]  }
0x39: {  	_ = 	snop;
	(pc) =	sbr.ind lr, $3  }
0x3a: {  	_ = 	snop  }
0x3b: {  	_ = 	snop  }
0x3c: {  	p2 =	seq.s32 s10, $0x1;
	s10 =	sld [smem:$0x3FAD]  }
0x3d: {  	_ =	shalt  }
0x3e: {  	_ =	shalt  }
0x3f: {  	_ =	shalt  }
0x40: {  	_ =	shalt  }
0x41: {  	_ =	shalt  }
0x42: {  	_ =	shalt  }
0x43: {  	_ =	shalt  }
0x44: {  	_ =	shalt  }
0x45: {  	_ =	shalt  }
0x46: {  	_ =	shalt  }
0x47: {  	_ =	shalt  }
0x48: {  	_ =	shalt  }
0x49: {  	_ =	shalt  }
0x4a: {  	_ =	shalt  }
0x4b: {  	_ =	shalt  }
0x4c: {  	_ =	shalt  }
0x4d: {  	_ =	shalt  }
0x4e: {  	_ =	shalt  }
0x4f: {  	_ =	shalt  }
0x50: {  	_ =	shalt  }
0x51: {  	_ =	shalt  }
0x52: {  	_ =	shalt  }
0x53: {  	_ =	shalt  }
0x54: {  	_ =	shalt  }
0x55: {  	_ =	shalt  }
0x56: {  	_ =	shalt  }
0x57: {  	_ =	shalt  }
0x58: {  	_ =	shalt  }
0x59: {  	_ =	shalt  }
0x5a: {  	_ =	shalt  }
0x5b: {  	_ =	shalt  }
0x5c: {  	_ =	shalt  }
0x5d: {  	_ =	shalt  }
0x5e: {  	_ =	shalt  }
0x5f: {  	_ =	shalt  }
0x60: {  	_ =	shalt  }
0x61: {  	_ =	shalt  }
0x62: {  	_ =	shalt  }
0x63: {  	_ =	shalt  }
0x64: {  	_ =	shalt  }
0x65: {  	_ =	shalt  }
0x66: {  	_ =	shalt  }
0x67: {  	_ =	shalt  }
0x68: {  	_ =	shalt  }
0x69: {  	_ =	shalt  }
0x6a: {  	_ =	shalt  }
0x6b: {  	_ =	shalt  }
0x6c: {  	_ =	shalt  }
0x6d: {  	_ =	shalt  }
0x6e: {  	_ =	shalt  }
0x6f: {  	_ =	shalt  }
0x70: {  	_ =	shalt  }
0x71: {  	_ =	shalt  }
0x72: {  	_ =	shalt  }
0x73: {  	_ =	shalt  }
0x74: {  	_ =	shalt  }
0x75: {  	_ =	shalt  }
0x76: {  	_ =	shalt  }
0x77: {  	_ =	shalt  }
0x78: {  	_ =	shalt  }
0x79: {  	_ =	shalt  }
0x7a: {  	_ =	shalt  }
0x7b: {  	_ =	shalt  }
0x7c: {  	_ =	shalt  }
0x7d: {  	_ =	shalt  }
0x7e: {  	_ =	shalt  }
0x7f: {  	_ =	shalt  }
0x80: {  	_ =	shalt  }
0x81: {  	_ =	shalt  }
0x82: {  	_ =	shalt  }
0x83: {  	_ =	shalt  }
0x84: {  	_ =	shalt  }
0x85: {  	_ =	shalt  }
0x86: {  	_ =	shalt  }
0x87: {  	_ =	shalt  }
.Lfunc_end0:
.L_simem_size_0:
called_computation.2_lowered:
.L_overlay_start_0:
0x88: {  	s2 =	sld [smem:$0x3FD9]  }
0x89: {  	s3 =	sld [smem:$0x3FFE];
	_ =	sdelay $0x1  }
0x8a: {  	s1 =	srdreg.scid  }
0x8b: {  	s0 =	sand.u32 $0x1, s1  }
0x8c: {  	s16 =	sshll.u32 s0, $0xA;
	s2 =	sadd.s32 s3, s2  }
0x8d: {  	s2 =	sadd.s32 s2, s16  }
0x8e: {  	[smem:$0x3FB9] =	sst s2  }
0x8f: {  	_ = 	snop  }
0x90: {  	(tm) =	ssettm $0x1  }
0x91: {  	s17 =	sld [smem:$0x3FFB];
	_ =	sdelay $0x3  }
0x92: {  	_ =	strace s17  }
0x93: {  	s2 =	sld [smem:$0x3FFC];
	_ =	sdelay $0x3  }
0x94: {  	_ =	strace s2  }
0x95: {  	s2 =	sld [smem:$0x3FFD];
	_ =	sdelay $0x3  }
0x96: {  	_ =	strace s2  }
0x97: {  	_ =	strace $0x8FFFFFFF  }
0x98: {  	s18 =	sld [smem:$0x3FDB];
	_ =	sdelay $0x1  }
0x99: {  	s19 =	simm.s32 $_scs_section_size  }
0x9a: {  	s4 =	simm.s32 $_size__tile_overlayer_lowered;
	s5 =	simm.s32 $_tile_overlayer_lowered  }
0x9b: {  	s22 =	simm.s32 $0x1BFF;
	s21 =	sshll.u32 s5, $0x1;
	s2 =	sadd.s32 s19, s18  }
0x9c: {  	s6 =	simm.s32 $0x0;
	s20 =	sshll.u32 s4, $0x1;
	s4 =	sadd.s32 s21, s2  }
0x9d: {  	[timem:s6], [sflag:s22] =	dma.local [hbm:s4], s20  }
0x9e: {  	_ =	swait.ge [sflag:s22], s20  }
0x9f: {  	s3 =	ssub.s32 $0x0, s20;
	[sflag:s22] =	ssyncset.done $0x0  }
0xa0: {  	[sflag:s22] =	ssyncadd.s32 s3;
	_ =	sdelay $0x1  }
0xa1: {  	s23 =	simm.s32 $0x1B8B  }
0xa2: {  	_ =	swait.ge [sflag:s23], $0x1  }
0xa3: {  	[sflag:s23] =	ssyncset.done $0x0  }
0xa4: {  	s25 =	simm.s32 $0x1B8E;
	s24 =	sld [smem:$0x3FFE];
	[sflag:s23] =	ssyncadd.s32 $0xFFFFFFFF  }
0xa5: {  	s26 =	simm.s32 $execute0_lowered;
	[smem:$0x3FD2] =	sst s25  }
0xa6: {  	s4 =	sshll.u32 s26, $0x1;
	_ =	strace $0x8000004C;
	[dreg:$0x1] =	wrdreg $0xFFFFFFFF  }
0xa7: {  	s28 =	simm.s32 $_size_execute0_lowered;
	s2 =	sadd.s32 s2, s4;
	[dreg:$0x0] =	wrdreg $0x0  }
0xa8: {  	s4 =	sshll.u32 s28, $0x1;
	[dreg:$0x2] =	wrdreg s2  }
0xa9: {  	[dreg:$0x3] =	wrdreg s4  }
0xaa: {  	[dreg:$0x4] =	wrdreg $0xC0  }
0xab: {  	_ =	task [dreg:s6], $0x5FFFF  }
0xac: {  	[dreg:$0x1] =	wrdreg $0xFFFFFFFF  }
0xad: {  	[dreg:$0x0] =	wrdreg $0x60  }
0xae: {  	[dreg:$0x2] =	wrdreg s24  }
0xaf: {  	[dreg:$0x3] =	wrdreg $0x0  }
0xb0: {  	[dreg:$0x4] =	wrdreg $0x9  }
0xb1: {  	_ =	task.clear_ibuf [dreg:s6], $0x5FFFF;
	_ =	strace $0x9000004C  }
0xb2: {  	s29 =	simm.s32 $0x9;
	_ =	strace $0x8000004E  }
0xb3: {  	_ =	swait.ge [sflag:s29], $0x1  }
0xb4: {  	[sflag:s29] =	ssyncadd.s32 $0xFFFFFFFF  }
0xb5: {  	_ =	strace $0x9000004E  }
0xb6: {  	_ =	sfence  }
0xb7: {  	s30 =	sld [smem:$0x0];
	_ =	sdelay $0x2  }
0xb8: {  	s31 =	sshll.u32 s1, $0xD;
	s1 =	sshrl.u32 s1, $0x2  }
0xb9: {  	s3 =	sand.u32 $0x4000, s31;
	s1 =	sadd.s32 s1, s30  }
0xba: {  	s0 =	sor.u32 s3, s0;
	s1 =	sshll.u32 s1, $0x11  }
0xbb: {  	s0 =	sor.u32 s1, s0  }
0xbc: {  	s0 =	sadd.s32 $0x8F2B, s0  }
0xbd: {  	[sflag:s0] =	ssyncadd.remote.s32 $0x1  }
0xbe: {  	_ =	sfence.sel $0xFFFF  }
0xbf: {  	[dreg:$0x0] =	wrdreg $0xFFFFFFFF;
	(pc) =	sbr.abs _section_cstart, $3  }
0xc0: {  	[dreg:$0x1] =	wrdreg $0xFFFFFFFF  }
0xc1: {  	_ =	task.clear_ibuf [dreg:s6], $0x2FFFF;
	_ =	strace $0x9FFFFFFF  }
0xc2: {  	(tm) =	ssettm $0x7FFFFFFF  }
0xc3: {  	_ =	shalt  }
tec
execute0_lowered:
.L_overlay_start_1:
0x0: {  	(tag) =	ssettag $0x1  }
0x1: {  	s0 =	rddreg [dreg:$0x0]  }
0x2: {  	s1 =	rddreg [dreg:$0x1];
	s2 =	srdreg.scid;
	s3 =	simm.s32 $0x0  }
0x3: {  	s10 =	stileid.u32;
	s14 =	simm.s32 $0x1DF20;
	s15 =	simm.s32 $0x1DFA0  }
0x4: {  	s16 =	simm.s32 $0x1E020;
	s17 =	simm.s32 $0x1E0A0;
	s18 =	simm.s32 $0x1E120  }
0x5: {  	s19 =	simm.s32 $0x1E1A0;
	s20 =	simm.s32 $0x1E220;
	s28 =	simm.s32 $0x1D6A0  }
0x6: {  	s29 =	simm.s32 $0x2;
	s30 =	simm.s32 $0x1E620;
	s31 =	simm.s32 $0x1E6A0  }
0x7: {  	s2 =	sand.u32 $0x1, s2;
	s6 =	smul.u32 $0x186A0, s10;
	s7 =	sadd.s32 $0x1BCE00, s0  }
0x8: {  	[smem:$0x7FF] =	sst s3;
	s8 =	smul.u32 $0x61A80, s10;
	s9 =	sadd.s32 $0x21EA00, s0  }
0x9: {  	s23 =	sshll.u32 s10, $0x6;
	s24 =	sshll.u32 s10, $0x4;
	s25 =	smul.u32 $0x30D0, s10  }
0xa: {  	p0 =	sgt.u32 s10, $0x3;
	_ =	strace $0x8000004D;
	[dreg:$0x11] =	wrdreg s9  }
0xb: {  	s10 =	simm.s32 $0x4;
	s4 =	smul.u32 $0x32000, s2;
	[dreg:$0x4] =	wrdreg s14  }
0xc: {  	s5 =	smul.u32 $0x186A00, s2;
	s2 =	ssub.s32 $0x2, s2;
	[dreg:$0x5] =	wrdreg s15  }
0xd: {  	s11 =	sor.u32 $0x1C04, s23;
	s26 =	sadd.s32 s24, s7;
	[dreg:$0x6] =	wrdreg s16  }
0xe: {  	s14 =	simm.s32 $0x1E420;
	s15 =	simm.s32 $0x1;
	[dreg:$0x7] =	wrdreg s17  }
0xf: {  	s16 =	simm.s32 $0x80;
	s17 =	simm.s32 $0x186A0;
	[dreg:$0x8] =	wrdreg s18  }
0x10: {  	s18 =	simm.s32 $0x18EA0;
	[dreg:$0x9] =	wrdreg s19;
	s19 =	simm.s32 $0x196A0  }
0x11: {  	[dreg:$0xa] =	wrdreg s20;
	s20 =	simm.s32 $0x19EA0;
	s23 =	simm.s32 $0x1E3A0  }
0x12: {  	s24 =	simm.s32 $0x1E4A0;
	s9 =	simm.s32 $0x3;
	s21 =	sshrl.u32 s2, $0x1  }
0x13: {  	s8 =	sshrl.u32 s8, $0x2;
	s12 =	sadd.s32 s25, s7;
	[dreg:$0xd] =	wrdreg s23  }
0x14: {  	s23 =	simm.s32 $0x1B6A0;
	[dreg:$0xe] =	wrdreg s24;
	s25 =	simm.s32 $0x1E520  }
0x15: {  	s24 =	simm.s32 $0x1BEA0;
	s7 =	simm.s32 $0x1E8A0;
	[dreg:$0x12] =	wrdreg s11  }
0x16: {  	s4 =	sadd.s32 s4, s0;
	s5 =	sadd.s32 s6, s5;
	s2 =	ssub.s32 s2, s21  }
0x17: {  	s22 =	sadd.s32 s8, s1;
	s8 =	sadd.s32 $0x30D00, s26;
	[dreg:$0x3] =	wrdreg s12  }
0x18: {  	s21 =	simm.s32 $0x1E2A0;
	[dreg:$0xf] =	wrdreg s25;
	s25 =	simm.s32 $0x1C6A0  }
0x19: {  	s5 =	sshrl.u32 s5, $0x3;
	s6 =	sadd.s32 $0x5600, s4;
	[dreg:$0x13] =	wrdreg s8  }
0x1a: {  	s4 =	sadd.s32 $0x61A40, s26;
	s13 =	smax.u32 s2, $0x1;
	[dreg:$0xb] =	wrdreg s21  }
0x1b: {  	s12 =	sshrl.u32 s22, $0x3;
	s22 =	simm.s32 $0x1E320;
	[dreg:$0x14] =	wrdreg s4  }
0x1c: {  	s21 =	simm.s32 $0x1A6A0;
	s26 =	simm.s32 $0x1E5A0;
	[dreg:$0x16] =	wrdreg s13  }
0x1d: {  	s2 =	simm.s32 $0x1E7A0;
	s8 =	simm.s32 $0x1E920;
	[dreg:$0xc] =	wrdreg s22  }
0x1e: {  	s0 =	sadd.s32 s5, s0;
	s13 =	simm.s32 $0x1DEA0;
	[dreg:$0x10] =	wrdreg s26  }
0x1f: {  	s22 =	simm.s32 $0x1AEA0;
	s5 =	simm.s32 $0x0;
	[dreg:$0x17] =	wrdreg s12  }
0x20: {  	s26 =	simm.s32 $0x1CEA0;
	s0 =	sadd.s32 $0x131600, s0;
	[dreg:$0x18] =	wrdreg s5  }
0x21: {  	s4 =	simm.s32 $0x1E820;
	[dreg:$0x15] =	wrdreg s0;
	s0 =	simm.s32 $0x1E720  }
.LBB2_1:
0x22: {  	s5 =	rddreg [dreg:$0x11]  }
0x23: {  	[spmem:s12], [sflag:s11] =	dma.local [hbm:s5], $0x30D4  }
0x24: {  	_ =	swait.ge [sflag:s10], $0x30D4  }
0x25: {  	[sflag:s10] =	ssyncset.done $0x0  }
0x26: {  	[sflag:s10] =	ssyncadd.s32 $0xFFFFCF2C  }
0x27: {  	[bflag:$0x0] =	sbarrier.arrive $0xFFFF  }
0x28: {  	s10 =	rddreg [dreg:$0x3]  }
0x29: {  	s5 =	sadd.s32 $0x0, s10  }
0x2a: {  	[tilespmem:s13], [sflag:$0x1] =	stream.linear.gather [hbm4b:s5+s3], $0x580, $0x38;
	[tilespmem:$0x1E9A0] =	vst v63  }
0x2b: {  	s5 =	sadd.s32 $0x30D40, s5  }
0x2c: {  	[tilespmem:s14], [sflag:$0x1] =	stream.linear.gather [hbm4b:s5+s3], $0x580, $0x38;
	[tilespmem:$0x1E9A0] =	vst v63  }
0x2d: {  	_ =	swait.ge [sflag:s15], $0x580  }
0x2e: {  	[sflag:s15] =	ssyncset.done $0x0  }
0x2f: {  	[sflag:s15] =	ssyncadd.s32 $0xFFFFFA80  }
0x30: {  	[tilespmem:s17], [sflag:$0x2] =	stream.indirect.gather [hbm4b:s6+s16], $0x10, s13, s16, $0xb8;
	[tilespmem:$0x1E9A0] =	vst v63  }
0x31: {  	s11 =	rddreg [dreg:$0x4]  }
0x32: {  	[tilespmem:s18], [sflag:$0x2] =	stream.indirect.gather [hbm4b:s6+s16], $0x10, s11, s16, $0xb8;
	[tilespmem:$0x1E9A0] =	vst v63  }
0x33: {  	s12 =	rddreg [dreg:$0x5]  }
0x34: {  	[tilespmem:s19], [sflag:$0x2] =	stream.indirect.gather [hbm4b:s6+s16], $0x10, s12, s16, $0xb8;
	[tilespmem:$0x1E9A0] =	vst v63  }
0x35: {  	s10 =	rddreg [dreg:$0x6]  }
0x36: {  	[tilespmem:s20], [sflag:$0x2] =	stream.indirect.gather [hbm4b:s6+s16], $0x10, s10, s16, $0xb8;
	[tilespmem:$0x1E9A0] =	vst v63  }
0x37: {  	s12 =	rddreg [dreg:$0x7]  }
0x38: {  	[tilespmem:s21], [sflag:$0x2] =	stream.indirect.gather [hbm4b:s6+s16], $0x10, s12, s16, $0xb8;
	[tilespmem:$0x1E9A0] =	vst v63  }
0x39: {  	s10 =	rddreg [dreg:$0x8]  }
0x3a: {  	[tilespmem:s22], [sflag:$0x2] =	stream.indirect.gather [hbm4b:s6+s16], $0x10, s10, s16, $0xb8;
	[tilespmem:$0x1E9A0] =	vst v63  }
0x3b: {  	s12 =	rddreg [dreg:$0x9]  }
0x3c: {  	[tilespmem:s23], [sflag:$0x2] =	stream.indirect.gather [hbm4b:s6+s16], $0x10, s12, s16, $0xb8;
	[tilespmem:$0x1E9A0] =	vst v63  }
0x3d: {  	s10 =	rddreg [dreg:$0xa]  }
0x3e: {  	[tilespmem:s24], [sflag:$0x2] =	stream.indirect.gather [hbm4b:s6+s16], $0x10, s10, s16, $0xb8;
	[tilespmem:$0x1E9A0] =	vst v63  }
0x3f: {  	s12 =	rddreg [dreg:$0xb]  }
0x40: {  	[tilespmem:s25], [sflag:$0x2] =	stream.indirect.gather [hbm4b:s6+s16], $0x10, s12, s16, $0xb8;
	[tilespmem:$0x1E9A0] =	vst v63  }
0x41: {  	s10 =	rddreg [dreg:$0xc]  }
0x42: {  	[tilespmem:s26], [sflag:$0x2] =	stream.indirect.gather [hbm4b:s6+s16], $0x10, s10, s16, $0xb8;
	[tilespmem:$0x1E9A0] =	vst v63  }
0x43: {  	s12 =	rddreg [dreg:$0xd]  }
0x44: {  	[tilespmem:s28], [sflag:$0x2] =	stream.indirect.gather [hbm4b:s6+s16], $0x10, s12, s16, $0xb8;
	[tilespmem:$0x1E9A0] =	vst v63  }
0x45: {  	_ =	swait.ge [sflag:s15], $0x580  }
0x46: {  	[sflag:s15] =	ssyncset.done $0x0  }
0x47: {  	[sflag:s15] =	ssyncadd.s32 $0xFFFFFA80  }
0x48: {  	_ =	swait.ge [sflag:s29], $0x800  }
0x49: {  	[sflag:s29] =	ssyncset.done $0x0  }
0x4a: {  	[sflag:s29] =	ssyncadd.s32 $0xFFFFF800  }
0x4b: {  	[spmem:s1] =	stream.indirect.scatter.add.f32 [tilespmem:s17], [sflag:$0x3], $0x10, s14, s16, $0xb8;
	[tilespmem:$0x1E9A0] =	vst v63  }
0x4c: {  	_ =	swait.ge [sflag:s29], $0x800  }
0x4d: {  	[sflag:s29] =	ssyncset.done $0x0  }
0x4e: {  	s10 =	rddreg [dreg:$0xe];
	[sflag:s29] =	ssyncadd.s32 $0xFFFFF800  }
0x4f: {  	[spmem:s1] =	stream.indirect.scatter.add.f32 [tilespmem:s18], [sflag:$0x3], $0x10, s10, s16, $0xb8;
	[tilespmem:$0x1E9A0] =	vst v63  }
0x50: {  	_ =	swait.ge [sflag:s29], $0x800  }
0x51: {  	[sflag:s29] =	ssyncset.done $0x0  }
0x52: {  	s11 =	rddreg [dreg:$0xf];
	[sflag:s29] =	ssyncadd.s32 $0xFFFFF800  }
0x53: {  	[spmem:s1] =	stream.indirect.scatter.add.f32 [tilespmem:s19], [sflag:$0x3], $0x10, s11, s16, $0xb8;
	[tilespmem:$0x1E9A0] =	vst v63  }
0x54: {  	_ =	swait.ge [sflag:s29], $0x800  }
0x55: {  	[sflag:s29] =	ssyncset.done $0x0  }
0x56: {  	s12 =	rddreg [dreg:$0x10];
	[sflag:s29] =	ssyncadd.s32 $0xFFFFF800  }
0x57: {  	[spmem:s1] =	stream.indirect.scatter.add.f32 [tilespmem:s20], [sflag:$0x3], $0x10, s12, s16, $0xb8;
	[tilespmem:$0x1E9A0] =	vst v63  }
0x58: {  	_ =	swait.ge [sflag:s29], $0x800  }
0x59: {  	[sflag:s29] =	ssyncset.done $0x0  }
0x5a: {  	[sflag:s29] =	ssyncadd.s32 $0xFFFFF800  }
0x5b: {  	[spmem:s1] =	stream.indirect.scatter.add.f32 [tilespmem:s21], [sflag:$0x3], $0x10, s30, s16, $0xb8;
	[tilespmem:$0x1E9A0] =	vst v63  }
0x5c: {  	_ =	swait.ge [sflag:s29], $0x800  }
0x5d: {  	[sflag:s29] =	ssyncset.done $0x0  }
0x5e: {  	[sflag:s29] =	ssyncadd.s32 $0xFFFFF800  }
0x5f: {  	[spmem:s1] =	stream.indirect.scatter.add.f32 [tilespmem:s22], [sflag:$0x3], $0x10, s31, s16, $0xb8;
	[tilespmem:$0x1E9A0] =	vst v63  }
0x60: {  	_ =	swait.ge [sflag:s29], $0x800  }
0x61: {  	[sflag:s29] =	ssyncset.done $0x0  }
0x62: {  	[sflag:s29] =	ssyncadd.s32 $0xFFFFF800  }
0x63: {  	[spmem:s1] =	stream.indirect.scatter.add.f32 [tilespmem:s23], [sflag:$0x3], $0x10, s0, s16, $0xb8;
	[tilespmem:$0x1E9A0] =	vst v63  }
0x64: {  	_ =	swait.ge [sflag:s29], $0x800  }
0x65: {  	[sflag:s29] =	ssyncset.done $0x0  }
0x66: {  	[sflag:s29] =	ssyncadd.s32 $0xFFFFF800  }
0x67: {  	[spmem:s1] =	stream.indirect.scatter.add.f32 [tilespmem:s24], [sflag:$0x3], $0x10, s2, s16, $0xb8;
	[tilespmem:$0x1E9A0] =	vst v63  }
0x68: {  	_ =	swait.ge [sflag:s29], $0x800  }
0x69: {  	[sflag:s29] =	ssyncset.done $0x0  }
0x6a: {  	[sflag:s29] =	ssyncadd.s32 $0xFFFFF800  }
0x6b: {  	[spmem:s1] =	stream.indirect.scatter.add.f32 [tilespmem:s25], [sflag:$0x3], $0x10, s4, s16, $0xb8;
	[tilespmem:$0x1E9A0] =	vst v63  }
0x6c: {  	_ =	swait.ge [sflag:s29], $0x800  }
0x6d: {  	[sflag:s29] =	ssyncset.done $0x0  }
0x6e: {  	[sflag:s29] =	ssyncadd.s32 $0xFFFFF800  }
0x6f: {  	[spmem:s1] =	stream.indirect.scatter.add.f32 [tilespmem:s26], [sflag:$0x3], $0x10, s7, s16, $0xb8;
	[tilespmem:$0x1E9A0] =	vst v63  }
0x70: {  	_ =	swait.ge [sflag:s29], $0x800  }
0x71: {  	[sflag:s29] =	ssyncset.done $0x0  }
0x72: {  	[sflag:s29] =	ssyncadd.s32 $0xFFFFF800  }
0x73: {  	[spmem:s1] =	stream.indirect.scatter.add.f32 [tilespmem:s28], [sflag:$0x3], $0x10, s8, s16, $0xb8;
	[tilespmem:$0x1E9A0] =	vst v63  }
0x74: {  	_ =	swait.ge [sflag:s9], $0x800  }
0x75: {  	[sflag:s9] =	ssyncset.done $0x0  }
0x76: {  	[sflag:s9] =	ssyncadd.s32 $0xFFFFF800  }
0x77: {  	_ =	swait.ge [sflag:s9], $0x800  }
0x78: {  	[sflag:s9] =	ssyncset.done $0x0  }
0x79: {  	[sflag:s9] =	ssyncadd.s32 $0xFFFFF800  }
0x7a: {  	_ =	swait.ge [sflag:s9], $0x800  }
0x7b: {  	[sflag:s9] =	ssyncset.done $0x0  }
0x7c: {  	[sflag:s9] =	ssyncadd.s32 $0xFFFFF800  }
0x7d: {  	_ =	swait.ge [sflag:s9], $0x800  }
0x7e: {  	[sflag:s9] =	ssyncset.done $0x0  }
0x7f: {  	[sflag:s9] =	ssyncadd.s32 $0xFFFFF800  }
0x80: {  	_ =	swait.ge [sflag:s9], $0x800  }
0x81: {  	[sflag:s9] =	ssyncset.done $0x0  }
0x82: {  	[sflag:s9] =	ssyncadd.s32 $0xFFFFF800  }
0x83: {  	_ =	swait.ge [sflag:s9], $0x800  }
0x84: {  	[sflag:s9] =	ssyncset.done $0x0  }
0x85: {  	[sflag:s9] =	ssyncadd.s32 $0xFFFFF800  }
0x86: {  	_ =	swait.ge [sflag:s9], $0x800  }
0x87: {  	[sflag:s9] =	ssyncset.done $0x0  }
0x88: {  	[sflag:s9] =	ssyncadd.s32 $0xFFFFF800  }
0x89: {  	_ =	swait.ge [sflag:s9], $0x800  }
0x8a: {  	[sflag:s9] =	ssyncset.done $0x0  }
0x8b: {  	[sflag:s9] =	ssyncadd.s32 $0xFFFFF800  }
0x8c: {  	_ =	swait.ge [sflag:s9], $0x800  }
0x8d: {  	[sflag:s9] =	ssyncset.done $0x0  }
0x8e: {  	[sflag:s9] =	ssyncadd.s32 $0xFFFFF800  }
0x8f: {  	_ =	swait.ge [sflag:s9], $0x800  }
0x90: {  	[sflag:s9] =	ssyncset.done $0x0  }
0x91: {  	[sflag:s9] =	ssyncadd.s32 $0xFFFFF800  }
0x92: {  	s5 =	simm.s32 $0xB0;
	_ =	swait.ge [sflag:s9], $0x800  }
0x93: {  	s11 =	simm.s32 $0x160;
	s12 =	rddreg [dreg:$0x3];
	[sflag:s9] =	ssyncset.done $0x0  }
.LBB2_2:
0x94: {  	[sflag:s9] =	ssyncadd.s32 $0xFFFFF800;
	s12 =	sadd.s32 s5, s12  }
0x95: {  	[tilespmem:s13], [sflag:$0x1] =	stream.linear.gather [hbm4b:s12+s3], $0x580, $0x38;
	[tilespmem:$0x1E9A0] =	vst v63  }
0x96: {  	s12 =	sadd.s32 $0x30D40, s12  }
0x97: {  	[tilespmem:s14], [sflag:$0x1] =	stream.linear.gather [hbm4b:s12+s3], $0x580, $0x38;
	[tilespmem:$0x1E9A0] =	vst v63  }
0x98: {  	_ =	swait.ge [sflag:s15], $0x580  }
0x99: {  	[sflag:s15] =	ssyncset.done $0x0  }
0x9a: {  	s10 =	smov.u32 s11;
	[sflag:s15] =	ssyncadd.s32 $0xFFFFFA80  }
0x9b: {  	[tilespmem:s17], [sflag:$0x2] =	stream.indirect.gather [hbm4b:s6+s16], $0x10, s13, s16, $0xb8;
	[tilespmem:$0x1E9A0] =	vst v63  }
0x9c: {  	s5 =	smov.u32 s10;
	s10 =	rddreg [dreg:$0x4]  }
0x9d: {  	[tilespmem:s18], [sflag:$0x2] =	stream.indirect.gather [hbm4b:s6+s16], $0x10, s10, s16, $0xb8;
	[tilespmem:$0x1E9A0] =	vst v63  }
0x9e: {  	s12 =	rddreg [dreg:$0x5]  }
0x9f: {  	[tilespmem:s19], [sflag:$0x2] =	stream.indirect.gather [hbm4b:s6+s16], $0x10, s12, s16, $0xb8;
	[tilespmem:$0x1E9A0] =	vst v63  }
0xa0: {  	s10 =	rddreg [dreg:$0x6]  }
0xa1: {  	[tilespmem:s20], [sflag:$0x2] =	stream.indirect.gather [hbm4b:s6+s16], $0x10, s10, s16, $0xb8;
	[tilespmem:$0x1E9A0] =	vst v63  }
0xa2: {  	s12 =	rddreg [dreg:$0x7]  }
0xa3: {  	[tilespmem:s21], [sflag:$0x2] =	stream.indirect.gather [hbm4b:s6+s16], $0x10, s12, s16, $0xb8;
	[tilespmem:$0x1E9A0] =	vst v63  }
0xa4: {  	s10 =	rddreg [dreg:$0x8]  }
0xa5: {  	[tilespmem:s22], [sflag:$0x2] =	stream.indirect.gather [hbm4b:s6+s16], $0x10, s10, s16, $0xb8;
	[tilespmem:$0x1E9A0] =	vst v63  }
0xa6: {  	s12 =	rddreg [dreg:$0x9]  }
0xa7: {  	[tilespmem:s23], [sflag:$0x2] =	stream.indirect.gather [hbm4b:s6+s16], $0x10, s12, s16, $0xb8;
	[tilespmem:$0x1E9A0] =	vst v63  }
0xa8: {  	s10 =	rddreg [dreg:$0xa]  }
0xa9: {  	[tilespmem:s24], [sflag:$0x2] =	stream.indirect.gather [hbm4b:s6+s16], $0x10, s10, s16, $0xb8;
	[tilespmem:$0x1E9A0] =	vst v63  }
0xaa: {  	s12 =	rddreg [dreg:$0xb]  }
0xab: {  	[tilespmem:s25], [sflag:$0x2] =	stream.indirect.gather [hbm4b:s6+s16], $0x10, s12, s16, $0xb8;
	[tilespmem:$0x1E9A0] =	vst v63  }
0xac: {  	s10 =	rddreg [dreg:$0xc]  }
0xad: {  	[tilespmem:s26], [sflag:$0x2] =	stream.indirect.gather [hbm4b:s6+s16], $0x10, s10, s16, $0xb8;
	[tilespmem:$0x1E9A0] =	vst v63  }
0xae: {  	s12 =	rddreg [dreg:$0xd]  }
0xaf: {  	[tilespmem:s28], [sflag:$0x2] =	stream.indirect.gather [hbm4b:s6+s16], $0x10, s12, s16, $0xb8;
	[tilespmem:$0x1E9A0] =	vst v63  }
0xb0: {  	_ =	swait.ge [sflag:s15], $0x580  }
0xb1: {  	[sflag:s15] =	ssyncset.done $0x0  }
0xb2: {  	[sflag:s15] =	ssyncadd.s32 $0xFFFFFA80  }
0xb3: {  	_ =	swait.ge [sflag:s29], $0x800  }
0xb4: {  	[sflag:s29] =	ssyncset.done $0x0  }
0xb5: {  	[sflag:s29] =	ssyncadd.s32 $0xFFFFF800  }
0xb6: {  	[spmem:s1] =	stream.indirect.scatter.add.f32 [tilespmem:s17], [sflag:$0x3], $0x10, s14, s16, $0xb8;
	[tilespmem:$0x1E9A0] =	vst v63  }
0xb7: {  	_ =	swait.ge [sflag:s29], $0x800  }
0xb8: {  	[sflag:s29] =	ssyncset.done $0x0  }
0xb9: {  	s12 =	rddreg [dreg:$0xe];
	[sflag:s29] =	ssyncadd.s32 $0xFFFFF800  }
0xba: {  	[spmem:s1] =	stream.indirect.scatter.add.f32 [tilespmem:s18], [sflag:$0x3], $0x10, s12, s16, $0xb8;
	[tilespmem:$0x1E9A0] =	vst v63  }
0xbb: {  	_ =	swait.ge [sflag:s29], $0x800  }
0xbc: {  	[sflag:s29] =	ssyncset.done $0x0  }
0xbd: {  	s12 =	rddreg [dreg:$0xf];
	[sflag:s29] =	ssyncadd.s32 $0xFFFFF800  }
0xbe: {  	[spmem:s1] =	stream.indirect.scatter.add.f32 [tilespmem:s19], [sflag:$0x3], $0x10, s12, s16, $0xb8;
	[tilespmem:$0x1E9A0] =	vst v63  }
0xbf: {  	_ =	swait.ge [sflag:s29], $0x800  }
0xc0: {  	[sflag:s29] =	ssyncset.done $0x0  }
0xc1: {  	s12 =	rddreg [dreg:$0x10];
	[sflag:s29] =	ssyncadd.s32 $0xFFFFF800  }
0xc2: {  	[spmem:s1] =	stream.indirect.scatter.add.f32 [tilespmem:s20], [sflag:$0x3], $0x10, s12, s16, $0xb8;
	[tilespmem:$0x1E9A0] =	vst v63  }
0xc3: {  	_ =	swait.ge [sflag:s29], $0x800  }
0xc4: {  	[sflag:s29] =	ssyncset.done $0x0  }
0xc5: {  	[sflag:s29] =	ssyncadd.s32 $0xFFFFF800  }
0xc6: {  	[spmem:s1] =	stream.indirect.scatter.add.f32 [tilespmem:s21], [sflag:$0x3], $0x10, s30, s16, $0xb8;
	[tilespmem:$0x1E9A0] =	vst v63  }
0xc7: {  	_ =	swait.ge [sflag:s29], $0x800  }
0xc8: {  	[sflag:s29] =	ssyncset.done $0x0  }
0xc9: {  	[sflag:s29] =	ssyncadd.s32 $0xFFFFF800  }
0xca: {  	[spmem:s1] =	stream.indirect.scatter.add.f32 [tilespmem:s22], [sflag:$0x3], $0x10, s31, s16, $0xb8;
	[tilespmem:$0x1E9A0] =	vst v63  }
0xcb: {  	_ =	swait.ge [sflag:s29], $0x800  }
0xcc: {  	[sflag:s29] =	ssyncset.done $0x0  }
0xcd: {  	[sflag:s29] =	ssyncadd.s32 $0xFFFFF800  }
0xce: {  	[spmem:s1] =	stream.indirect.scatter.add.f32 [tilespmem:s23], [sflag:$0x3], $0x10, s0, s16, $0xb8;
	[tilespmem:$0x1E9A0] =	vst v63  }
0xcf: {  	_ =	swait.ge [sflag:s29], $0x800  }
0xd0: {  	[sflag:s29] =	ssyncset.done $0x0  }
0xd1: {  	[sflag:s29] =	ssyncadd.s32 $0xFFFFF800  }
0xd2: {  	[spmem:s1] =	stream.indirect.scatter.add.f32 [tilespmem:s24], [sflag:$0x3], $0x10, s2, s16, $0xb8;
	[tilespmem:$0x1E9A0] =	vst v63  }
0xd3: {  	_ =	swait.ge [sflag:s29], $0x800  }
0xd4: {  	[sflag:s29] =	ssyncset.done $0x0  }
0xd5: {  	[sflag:s29] =	ssyncadd.s32 $0xFFFFF800  }
0xd6: {  	[spmem:s1] =	stream.indirect.scatter.add.f32 [tilespmem:s25], [sflag:$0x3], $0x10, s4, s16, $0xb8;
	[tilespmem:$0x1E9A0] =	vst v63  }
0xd7: {  	_ =	swait.ge [sflag:s29], $0x800  }
0xd8: {  	[sflag:s29] =	ssyncset.done $0x0  }
0xd9: {  	[sflag:s29] =	ssyncadd.s32 $0xFFFFF800  }
0xda: {  	[spmem:s1] =	stream.indirect.scatter.add.f32 [tilespmem:s26], [sflag:$0x3], $0x10, s7, s16, $0xb8;
	[tilespmem:$0x1E9A0] =	vst v63  }
0xdb: {  	_ =	swait.ge [sflag:s29], $0x800  }
0xdc: {  	[sflag:s29] =	ssyncset.done $0x0  }
0xdd: {  	[sflag:s29] =	ssyncadd.s32 $0xFFFFF800  }
0xde: {  	[spmem:s1] =	stream.indirect.scatter.add.f32 [tilespmem:s28], [sflag:$0x3], $0x10, s8, s16, $0xb8;
	[tilespmem:$0x1E9A0] =	vst v63  }
0xdf: {  	_ =	swait.ge [sflag:s9], $0x800  }
0xe0: {  	[sflag:s9] =	ssyncset.done $0x0  }
0xe1: {  	[sflag:s9] =	ssyncadd.s32 $0xFFFFF800  }
0xe2: {  	_ =	swait.ge [sflag:s9], $0x800  }
0xe3: {  	[sflag:s9] =	ssyncset.done $0x0  }
0xe4: {  	[sflag:s9] =	ssyncadd.s32 $0xFFFFF800  }
0xe5: {  	_ =	swait.ge [sflag:s9], $0x800  }
0xe6: {  	[sflag:s9] =	ssyncset.done $0x0  }
0xe7: {  	[sflag:s9] =	ssyncadd.s32 $0xFFFFF800  }
0xe8: {  	_ =	swait.ge [sflag:s9], $0x800  }
0xe9: {  	[sflag:s9] =	ssyncset.done $0x0  }
0xea: {  	[sflag:s9] =	ssyncadd.s32 $0xFFFFF800  }
0xeb: {  	_ =	swait.ge [sflag:s9], $0x800  }
0xec: {  	[sflag:s9] =	ssyncset.done $0x0  }
0xed: {  	[sflag:s9] =	ssyncadd.s32 $0xFFFFF800  }
0xee: {  	_ =	swait.ge [sflag:s9], $0x800  }
0xef: {  	[sflag:s9] =	ssyncset.done $0x0  }
0xf0: {  	[sflag:s9] =	ssyncadd.s32 $0xFFFFF800  }
0xf1: {  	_ =	swait.ge [sflag:s9], $0x800  }
0xf2: {  	[sflag:s9] =	ssyncset.done $0x0  }
0xf3: {  	[sflag:s9] =	ssyncadd.s32 $0xFFFFF800  }
0xf4: {  	_ =	swait.ge [sflag:s9], $0x800  }
0xf5: {  	[sflag:s9] =	ssyncset.done $0x0  }
0xf6: {  	[sflag:s9] =	ssyncadd.s32 $0xFFFFF800  }
0xf7: {  	_ =	swait.ge [sflag:s9], $0x800  }
0xf8: {  	[sflag:s9] =	ssyncset.done $0x0  }
0xf9: {  	p1 =	sne.s32 s11, $0x3020;
	[sflag:s9] =	ssyncadd.s32 $0xFFFFF800  }
.Ltmp0:
0xfa: {  	_ =	swait.ge [sflag:s9], $0x800;
	(pc) =	sbr.rel @p1 .LBB2_2-.Ltmp0, $4  }
0xfb: {  	[sflag:s9] =	ssyncset.done $0x0  }
0xfc: {  	[sflag:s9] =	ssyncadd.s32 $0xFFFFF800  }
0xfd: {  	_ =	swait.ge [sflag:s9], $0x800  }
0xfe: {  	s11 =	sadd.s32 $0xB0, s11;
	s12 =	rddreg [dreg:$0x3];
	[sflag:s9] =	ssyncset.done $0x0  }
0xff: {  	[sflag:s9] =	ssyncadd.s32 $0xFFFFF800;
	s5 =	sadd.s32 s5, s12  }
0x100: {  	[tilespmem:s13], [sflag:$0x1] =	stream.linear.gather [hbm4b:s5+s3], $0x580, $0x38;
	[tilespmem:$0x1E9A0] =	vst v63  }
0x101: {  	s5 =	sadd.s32 $0x30D40, s5  }
0x102: {  	[tilespmem:s14], [sflag:$0x1] =	stream.linear.gather [hbm4b:s5+s3], $0x580, $0x38;
	[tilespmem:$0x1E9A0] =	vst v63  }
0x103: {  	_ =	swait.ge [sflag:s15], $0x580  }
0x104: {  	[sflag:s15] =	ssyncset.done $0x0  }
0x105: {  	[sflag:s15] =	ssyncadd.s32 $0xFFFFFA80  }
0x106: {  	[tilespmem:s17], [sflag:$0x2] =	stream.indirect.gather [hbm4b:s6+s16], $0x10, s13, s16, $0xb8;
	[tilespmem:$0x1E9A0] =	vst v63  }
0x107: {  	s12 =	rddreg [dreg:$0x4]  }
0x108: {  	[tilespmem:s18], [sflag:$0x2] =	stream.indirect.gather [hbm4b:s6+s16], $0x10, s12, s16, $0xb8;
	[tilespmem:$0x1E9A0] =	vst v63  }
0x109: {  	s10 =	rddreg [dreg:$0x5]  }
0x10a: {  	[tilespmem:s19], [sflag:$0x2] =	stream.indirect.gather [hbm4b:s6+s16], $0x10, s10, s16, $0xb8;
	[tilespmem:$0x1E9A0] =	vst v63  }
0x10b: {  	s11 =	rddreg [dreg:$0x6]  }
0x10c: {  	[tilespmem:s20], [sflag:$0x2] =	stream.indirect.gather [hbm4b:s6+s16], $0x10, s11, s16, $0xb8;
	[tilespmem:$0x1E9A0] =	vst v63  }
0x10d: {  	s12 =	rddreg [dreg:$0x7]  }
0x10e: {  	[tilespmem:s21], [sflag:$0x2] =	stream.indirect.gather [hbm4b:s6+s16], $0x10, s12, s16, $0xb8;
	[tilespmem:$0x1E9A0] =	vst v63  }
0x10f: {  	s11 =	rddreg [dreg:$0x8]  }
0x110: {  	[tilespmem:s22], [sflag:$0x2] =	stream.indirect.gather [hbm4b:s6+s16], $0x10, s11, s16, $0xb8;
	[tilespmem:$0x1E9A0] =	vst v63  }
0x111: {  	s12 =	rddreg [dreg:$0x9]  }
0x112: {  	[tilespmem:s23], [sflag:$0x2] =	stream.indirect.gather [hbm4b:s6+s16], $0x10, s12, s16, $0xb8;
	[tilespmem:$0x1E9A0] =	vst v63  }
0x113: {  	s11 =	rddreg [dreg:$0xa]  }
0x114: {  	[tilespmem:s24], [sflag:$0x2] =	stream.indirect.gather [hbm4b:s6+s16], $0x10, s11, s16, $0xb8;
	[tilespmem:$0x1E9A0] =	vst v63  }
0x115: {  	s12 =	rddreg [dreg:$0xb]  }
0x116: {  	[tilespmem:s25], [sflag:$0x2] =	stream.indirect.gather [hbm4b:s6+s16], $0x10, s12, s16, $0xb8;
	[tilespmem:$0x1E9A0] =	vst v63  }
0x117: {  	s11 =	rddreg [dreg:$0xc]  }
0x118: {  	[tilespmem:s26], [sflag:$0x2] =	stream.indirect.gather [hbm4b:s6+s16], $0x10, s11, s16, $0xb8;
	[tilespmem:$0x1E9A0] =	vst v63  }
0x119: {  	s12 =	rddreg [dreg:$0xd]  }
0x11a: {  	[tilespmem:s28], [sflag:$0x2] =	stream.indirect.gather [hbm4b:s6+s16], $0x10, s12, s16, $0xb8;
	[tilespmem:$0x1E9A0] =	vst v63  }
0x11b: {  	_ =	swait.ge [sflag:s15], $0x580  }
0x11c: {  	[sflag:s15] =	ssyncset.done $0x0  }
0x11d: {  	[sflag:s15] =	ssyncadd.s32 $0xFFFFFA80  }
0x11e: {  	_ =	swait.ge [sflag:s29], $0x800  }
0x11f: {  	[sflag:s29] =	ssyncset.done $0x0  }
0x120: {  	[sflag:s29] =	ssyncadd.s32 $0xFFFFF800  }
0x121: {  	[spmem:s1] =	stream.indirect.scatter.add.f32 [tilespmem:s17], [sflag:$0x3], $0x10, s14, s16, $0xb8;
	[tilespmem:$0x1E9A0] =	vst v63  }
0x122: {  	_ =	swait.ge [sflag:s29], $0x800  }
0x123: {  	[sflag:s29] =	ssyncset.done $0x0  }
0x124: {  	s10 =	rddreg [dreg:$0xe];
	[sflag:s29] =	ssyncadd.s32 $0xFFFFF800  }
0x125: {  	[spmem:s1] =	stream.indirect.scatter.add.f32 [tilespmem:s18], [sflag:$0x3], $0x10, s10, s16, $0xb8;
	[tilespmem:$0x1E9A0] =	vst v63  }
0x126: {  	_ =	swait.ge [sflag:s29], $0x800  }
0x127: {  	[sflag:s29] =	ssyncset.done $0x0  }
0x128: {  	s11 =	rddreg [dreg:$0xf];
	[sflag:s29] =	ssyncadd.s32 $0xFFFFF800  }
0x129: {  	[spmem:s1] =	stream.indirect.scatter.add.f32 [tilespmem:s19], [sflag:$0x3], $0x10, s11, s16, $0xb8;
	[tilespmem:$0x1E9A0] =	vst v63  }
0x12a: {  	_ =	swait.ge [sflag:s29], $0x800  }
0x12b: {  	[sflag:s29] =	ssyncset.done $0x0  }
0x12c: {  	s12 =	rddreg [dreg:$0x10];
	[sflag:s29] =	ssyncadd.s32 $0xFFFFF800  }
0x12d: {  	[spmem:s1] =	stream.indirect.scatter.add.f32 [tilespmem:s20], [sflag:$0x3], $0x10, s12, s16, $0xb8;
	[tilespmem:$0x1E9A0] =	vst v63  }
0x12e: {  	_ =	swait.ge [sflag:s29], $0x800  }
0x12f: {  	[sflag:s29] =	ssyncset.done $0x0  }
0x130: {  	[sflag:s29] =	ssyncadd.s32 $0xFFFFF800  }
0x131: {  	[spmem:s1] =	stream.indirect.scatter.add.f32 [tilespmem:s21], [sflag:$0x3], $0x10, s30, s16, $0xb8;
	[tilespmem:$0x1E9A0] =	vst v63  }
0x132: {  	_ =	swait.ge [sflag:s29], $0x800  }
0x133: {  	[sflag:s29] =	ssyncset.done $0x0  }
0x134: {  	[sflag:s29] =	ssyncadd.s32 $0xFFFFF800  }
0x135: {  	[spmem:s1] =	stream.indirect.scatter.add.f32 [tilespmem:s22], [sflag:$0x3], $0x10, s31, s16, $0xb8;
	[tilespmem:$0x1E9A0] =	vst v63  }
0x136: {  	_ =	swait.ge [sflag:s29], $0x800  }
0x137: {  	[sflag:s29] =	ssyncset.done $0x0  }
0x138: {  	[sflag:s29] =	ssyncadd.s32 $0xFFFFF800  }
0x139: {  	[spmem:s1] =	stream.indirect.scatter.add.f32 [tilespmem:s23], [sflag:$0x3], $0x10, s0, s16, $0xb8;
	[tilespmem:$0x1E9A0] =	vst v63  }
0x13a: {  	_ =	swait.ge [sflag:s29], $0x800  }
0x13b: {  	[sflag:s29] =	ssyncset.done $0x0  }
0x13c: {  	[sflag:s29] =	ssyncadd.s32 $0xFFFFF800  }
0x13d: {  	[spmem:s1] =	stream.indirect.scatter.add.f32 [tilespmem:s24], [sflag:$0x3], $0x10, s2, s16, $0xb8;
	[tilespmem:$0x1E9A0] =	vst v63  }
0x13e: {  	_ =	swait.ge [sflag:s29], $0x800  }
0x13f: {  	[sflag:s29] =	ssyncset.done $0x0  }
0x140: {  	[sflag:s29] =	ssyncadd.s32 $0xFFFFF800  }
0x141: {  	[spmem:s1] =	stream.indirect.scatter.add.f32 [tilespmem:s25], [sflag:$0x3], $0x10, s4, s16, $0xb8;
	[tilespmem:$0x1E9A0] =	vst v63  }
0x142: {  	_ =	swait.ge [sflag:s29], $0x800  }
0x143: {  	[sflag:s29] =	ssyncset.done $0x0  }
0x144: {  	[sflag:s29] =	ssyncadd.s32 $0xFFFFF800  }
0x145: {  	[spmem:s1] =	stream.indirect.scatter.add.f32 [tilespmem:s26], [sflag:$0x3], $0x10, s7, s16, $0xb8;
	[tilespmem:$0x1E9A0] =	vst v63  }
0x146: {  	_ =	swait.ge [sflag:s29], $0x800  }
0x147: {  	[sflag:s29] =	ssyncset.done $0x0  }
0x148: {  	[sflag:s29] =	ssyncadd.s32 $0xFFFFF800  }
0x149: {  	[spmem:s1] =	stream.indirect.scatter.add.f32 [tilespmem:s28], [sflag:$0x3], $0x10, s8, s16, $0xb8;
	[tilespmem:$0x1E9A0] =	vst v63  }
0x14a: {  	_ =	swait.ge [sflag:s9], $0x800  }
0x14b: {  	[sflag:s9] =	ssyncset.done $0x0  }
0x14c: {  	[sflag:s9] =	ssyncadd.s32 $0xFFFFF800  }
0x14d: {  	_ =	swait.ge [sflag:s9], $0x800  }
0x14e: {  	[sflag:s9] =	ssyncset.done $0x0  }
0x14f: {  	[sflag:s9] =	ssyncadd.s32 $0xFFFFF800  }
0x150: {  	_ =	swait.ge [sflag:s9], $0x800  }
0x151: {  	[sflag:s9] =	ssyncset.done $0x0  }
0x152: {  	[sflag:s9] =	ssyncadd.s32 $0xFFFFF800  }
0x153: {  	_ =	swait.ge [sflag:s9], $0x800  }
0x154: {  	[sflag:s9] =	ssyncset.done $0x0  }
0x155: {  	[sflag:s9] =	ssyncadd.s32 $0xFFFFF800  }
0x156: {  	_ =	swait.ge [sflag:s9], $0x800  }
0x157: {  	[sflag:s9] =	ssyncset.done $0x0  }
0x158: {  	[sflag:s9] =	ssyncadd.s32 $0xFFFFF800  }
0x159: {  	_ =	swait.ge [sflag:s9], $0x800  }
0x15a: {  	[sflag:s9] =	ssyncset.done $0x0  }
0x15b: {  	[sflag:s9] =	ssyncadd.s32 $0xFFFFF800  }
0x15c: {  	_ =	swait.ge [sflag:s9], $0x800  }
0x15d: {  	[sflag:s9] =	ssyncset.done $0x0  }
0x15e: {  	[sflag:s9] =	ssyncadd.s32 $0xFFFFF800  }
0x15f: {  	_ =	swait.ge [sflag:s9], $0x800  }
0x160: {  	[sflag:s9] =	ssyncset.done $0x0  }
0x161: {  	[sflag:s9] =	ssyncadd.s32 $0xFFFFF800  }
0x162: {  	_ =	swait.ge [sflag:s9], $0x800  }
0x163: {  	[sflag:s9] =	ssyncset.done $0x0  }
0x164: {  	[sflag:s9] =	ssyncadd.s32 $0xFFFFF800  }
0x165: {  	_ =	swait.ge [sflag:s9], $0x800  }
0x166: {  	[sflag:s9] =	ssyncset.done $0x0  }
0x167: {  	[sflag:s9] =	ssyncadd.s32 $0xFFFFF800  }
0x168: {  	_ =	swait.ge [sflag:s9], $0x800  }
0x169: {  	s5 =	simm.s32 @!p0 $0x0;
	[sflag:s9] =	ssyncset.done $0x0  }
0x16a: {  	s11 =	simm.s32 @!p0 $0x1DEA0;
	s10 =	rddreg [dreg:$0x13];
	[sflag:s9] =	ssyncadd.s32 $0xFFFFF800  }
0x16b: {  	[tilespmem:s11], [sflag:$0x1] =	stream.linear.gather @!p0 [hbm4b:s10+s5], $0x80, $0x38;
	[tilespmem:$0x1E9A0] =	vst v63  }
0x16c: {  	s12 =	simm.s32 @!p0 $0x1E420;
	s10 =	rddreg [dreg:$0x14]  }
0x16d: {  	[tilespmem:s12], [sflag:$0x1] =	stream.linear.gather @!p0 [hbm4b:s10+s5], $0x80, $0x38;
	[tilespmem:$0x1E9A0] =	vst v63  }
0x16e: {  	s5 =	simm.s32 @!p0 $0x1  }
0x16f: {  	_ =	swait.ge @!p0 [sflag:s5], $0x80  }
0x170: {  	[sflag:s5] =	ssyncset.done @!p0 $0x0  }
0x171: {  	s12 =	simm.s32 @!p0 $0x80;
	s10 =	simm.s32 @!p0 $0x186A0;
	[sflag:s5] =	ssyncadd.s32 @!p0 $0xFFFFFF80  }
0x172: {  	[tilespmem:s10], [sflag:$0x2] =	stream.indirect.gather @!p0 [hbm4b:s6+s12], $0x10, s11, s12, $0xb8;
	[tilespmem:$0x1E9A0] =	vst v63  }
0x173: {  	s11 =	simm.s32 @!p0 $0x2  }
0x174: {  	_ =	swait.ge @!p0 [sflag:s11], $0x800  }
0x175: {  	[sflag:s11] =	ssyncset.done @!p0 $0x0  }
0x176: {  	[sflag:s11] =	ssyncadd.s32 @!p0 $0xFFFFF800  }
0x177: {  	_ =	swait.ge @!p0 [sflag:s5], $0x80  }
0x178: {  	[sflag:s5] =	ssyncset.done @!p0 $0x0  }
0x179: {  	[sflag:s5] =	ssyncadd.s32 @!p0 $0xFFFFFF80;
	s5 =	simm.s32 @!p0 $0x1E420  }
0x17a: {  	[spmem:s1] =	stream.indirect.scatter.add.f32 @!p0 [tilespmem:s10], [sflag:$0x3], $0x10, s5, s12, $0xb8;
	[tilespmem:$0x1E9A0] =	vst v63  }
0x17b: {  	s5 =	simm.s32 @!p0 $0x3  }
0x17c: {  	_ =	swait.ge @!p0 [sflag:s5], $0x800  }
0x17d: {  	[sflag:s5] =	ssyncset.done @!p0 $0x0  }
0x17e: {  	[sflag:s5] =	ssyncadd.s32 @!p0 $0xFFFFF800  }
0x17f: {  	[bflag:$0x0] =	sbarrier.arrive $0xFFFF  }
0x180: {  	s5 =	rddreg [dreg:$0x12]  }
0x181: {  	s11 =	rddreg [dreg:$0x15]  }
0x182: {  	s10 =	simm.s32 $0x4;
	s12 =	rddreg [dreg:$0x17]  }
0x183: {  	[hbm:s11], [sflag:s5] =	dma.local [spmem:s12], $0x30D4  }
0x184: {  	_ =	swait.ge [sflag:s10], $0x30D4  }
0x185: {  	s5 =	rddreg [dreg:$0x18]  }
0x186: {  	s11 =	sadd.s32 $0x1, s5;
	s5 =	rddreg [dreg:$0x16]  }
0x187: {  	p1 =	sne.s32 s11, s5  }
.Ltmp1:
0x188: {  	_ = 	snop;
	(pc) =	sbr.rel @p1 .LBB2_1-.Ltmp1, $3  }
0x189: {  	_ =	sdelay $0x1  }
0x18a: {  	[sflag:s10] =	ssyncset.done $0x0;
	[dreg:$0x18] =	wrdreg s11  }
0x18b: {  	[sflag:s10] =	ssyncadd.s32 $0xFFFFCF2C;
	s11 =	rddreg [dreg:$0x12]  }
0x18c: {  	_ =	sfence.sel $0x180000  }
0x18d: {  	[bflag:$0x0] =	sbarrier.arrive $0xFFFF  }
0x18e: {  	_ =	strace $0x9000004D  }
0x18f: {  	s0 =	stileid.u32;
	[bflag:$0x2] =	sbarrier.arrive $0xFFFF  }
0x190: {  	p0 =	sne.s32 s0, $0x0;
	s0 =	rddreg [dreg:$0x2]  }
0x191: {  	s0 =	sadd.s32 @!p0 $0x100000, s0  }
0x192: {  	[sflag:s0] =	ssyncadd.tile.s32 @!p0 $0x1;
	_ =	shalt  }
.Lfunc_end2:
_tile_overlayer_lowered:
.L_overlay_start_2:
0x193: {  	(tag) =	ssettag $0x2  }
0x194: {  	s0 =	rddreg [dreg:$0x0];
	s2 =	stileid.u32  }
0x195: {  	s1 =	rddreg [dreg:$0x1];
	p0 =	sne.s32 s2, $0x0  }
0x196: {  	s3 =	rddreg [dreg:$0x2];
	[bflag:$0x3] =	sbarrier.arrive $0xFFFF;
	s2 =	simm.s32 @!p0 $0x1C04  }
0x197: {  	[timem:s3], [sflag:s2] =	dma.local @!p0 [hbm:s0], s1  }
0x198: {  	s0 =	simm.s32 @!p0 $0x4  }
0x199: {  	_ =	swait.ge @!p0 [sflag:s0], s1  }
0x19a: {  	s1 =	ssub.s32 @!p0 $0x0, s1;
	[sflag:s0] =	ssyncset.done @!p0 $0x0  }
0x19b: {  	[sflag:s0] =	ssyncadd.s32 @!p0 s1  }
0x19c: {  	[bflag:$0x3] =	sbarrier.arrive $0xFFFF  }
0x19d: {  	_ =	shalt  }

// kernel: kernel.7.cloned.1.call-start
scs
__scs_entry_jumppad:
0x0: {  	(pc) =	sbr.rel $0x88, $3  }
0x1: {  	(tag) =	ssettag $0x0;
	lr =	simm.s32 $0x1  }
0x2: {  	[smem:$0x3F92] =	sst lr;
	_ =	strace $0xD0000000  }
0x3: {  	_ = 	snop  }
0x4: {  	_ = 	snop  }
0x5: {  	_ = 	snop  }
0x6: {  	_ = 	snop  }
0x7: {  	_ = 	snop  }
__scs_overlays_trampoline_lowered:
0x8: {  	[smem:$0x3FA1] =	sst s0  }
0x9: {  	[smem:$0x3FA2] =	sst s1  }
0xa: {  	[smem:$0x3FA3] =	sst s2  }
0xb: {  	[smem:$0x3FA4] =	sst s3  }
0xc: {  	[smem:$0x3FA5] =	sst s4  }
0xd: {  	[smem:$0x3FA6] =	sst s5  }
0xe: {  	[smem:$0x3FA7] =	sst s6  }
0xf: {  	[smem:$0x3FA8] =	sst s7  }
0x10: {  	[smem:$0x3FA9] =	sst s8  }
0x11: {  	[smem:$0x3FAA] =	sst s9;
	s0 =	simm.s32 @!p0 $0x0  }
0x12: {  	s1 =	sld [smem:$0x3F90];
	s0 =	simm.s32 @p0 $0x1  }
0x13: {  	[smem:$0x3FAB] =	sst s0;
	s0 =	simm.s32 @!p1 $0x0  }
0x14: {  	s2 =	sld [smem:$0x3F8F];
	s0 =	simm.s32 @p1 $0x1  }
0x15: {  	[smem:$0x3FAC] =	sst s0;
	s0 =	simm.s32 @!p2 $0x0  }
0x16: {  	s3 =	sld [smem:$0x3FDB];
	s0 =	simm.s32 @p2 $0x1  }
0x17: {  	s4 =	simm.s32 $0x1BF5;
	[smem:$0x3FAE] =	sst s0  }
0x18: {  	s0 =	sld [smem:$0x3F91];
	_ =	swait.ge [sflag:s4], $0x0  }
0x19: {  	s7 =	sld [smem:$0x3F92]  }
0x1a: {  	s8 =	sadd.s32 $0xFFFFE003, lr  }
0x1b: {  	s9 =	sadd.s32 $0xFFFFFEF7, lr;
	s5 =	simm.s32 $0xFFFFFFFF;
	p2 =	slt.u32 s8, $0xFFFFF086  }
0x1c: {  	p1 =	slt.u32 s9, $0xF7A;
	s5 =	simm.s32 @!p2 $0x0  }
0x1d: {  	s5 =	simm.s32 @p1 $0x1;
	p0 =	seq.s32 s7, s2  }
0x1e: {  	s7 =	smul.u32 @!p0 $0xF7A, s2;
	p2 =	seq.s32 @!p0 s5, $0x0  }
0x1f: {  	s9 =	smul.u32 $0xF7A, s1;
	s8 =	simm.s32 @!p0 $0x1BF5;
	p2 =	por !p2, p0  }
0x20: {  	[sflag:s8] =	ssyncset.s32 @!p0 $0xFFFFF086;
	s6 =	sadd.s32 @!p0 s3, s7;
	s7 =	simm.s32 @!p0 $0x108  }
0x21: {  	s3 =	sadd.s32 s3, s9;
	s6 =	sadd.s32 @!p0 $0x88, s6;
	s7 =	simm.s32 @p2 $0x1082  }
0x22: {  	[simem:s7], [sflag:s8] =	dma.local @!p0 [hbm:s6], $0xF7A  }
0x23: {  	s9 =	sor.u32 $0xD0000000, s2;
	s6 =	simm.s32 $0x108;
	_ =	swait.ge @!p0 [sflag:s8], $0x0  }
0x24: {  	s3 =	sadd.s32 $0x88, s3;
	s6 =	simm.s32 @!p1 $0x1082;
	[sflag:s4] =	ssyncset.s32 $0xFFFFF086  }
0x25: {  	[simem:s6], [sflag:s4] =	dma.local [hbm:s3], $0xF7A  }
0x26: {  	[smem:$0x3F92] =	sst s1;
	(tag) =	ssettag s2;
	_ =	strace s9  }
0x27: {  	s1 =	sld [smem:$0x3FA2]  }
0x28: {  	s2 =	sld [smem:$0x3FA3]  }
0x29: {  	s4 =	sld [smem:$0x3FA5]  }
0x2a: {  	p0 =	seq.s32 s5, $0x0;
	s5 =	sld [smem:$0x3FA6]  }
0x2b: {  	s6 =	sld [smem:$0x3FA7]  }
0x2c: {  	s7 =	sld [smem:$0x3FA8]  }
0x2d: {  	s3 =	simm.s32 $0x108;
	s8 =	sld [smem:$0x3FA9]  }
0x2e: {  	s3 =	simm.s32 @!p0 $0x1082;
	s9 =	sld [smem:$0x3FAA]  }
0x2f: {  	lr =	sadd.s32 s0, s3;
	s0 =	sld [smem:$0x3FA1]  }
0x30: {  	s3 =	sld [smem:$0x3FA4]  }
0x31: {  	[smem:$0x3FAD] =	sst s10  }
0x32: {  	s10 =	sld [smem:$0x3FAB];
	_ =	sdelay $0x3  }
0x33: {  	p0 =	seq.s32 s10, $0x1;
	s10 =	sld [smem:$0x3FAD];
	_ =	sdelay $0x3  }
0x34: {  	[smem:$0x3FAD] =	sst s10  }
0x35: {  	s10 =	sld [smem:$0x3FAC];
	_ =	sdelay $0x3  }
0x36: {  	p1 =	seq.s32 s10, $0x1;
	s10 =	sld [smem:$0x3FAD];
	_ =	sdelay $0x3  }
0x37: {  	[smem:$0x3FAD] =	sst s10  }
0x38: {  	s10 =	sld [smem:$0x3FAE]  }
0x39: {  	_ = 	snop;
	(pc) =	sbr.ind lr, $3  }
0x3a: {  	_ = 	snop  }
0x3b: {  	_ = 	snop  }
0x3c: {  	p2 =	seq.s32 s10, $0x1;
	s10 =	sld [smem:$0x3FAD]  }
0x3d: {  	_ =	shalt  }
0x3e: {  	_ =	shalt  }
0x3f: {  	_ =	shalt  }
0x40: {  	_ =	shalt  }
0x41: {  	_ =	shalt  }
0x42: {  	_ =	shalt  }
0x43: {  	_ =	shalt  }
0x44: {  	_ =	shalt  }
0x45: {  	_ =	shalt  }
0x46: {  	_ =	shalt  }
0x47: {  	_ =	shalt  }
0x48: {  	_ =	shalt  }
0x49: {  	_ =	shalt  }
0x4a: {  	_ =	shalt  }
0x4b: {  	_ =	shalt  }
0x4c: {  	_ =	shalt  }
0x4d: {  	_ =	shalt  }
0x4e: {  	_ =	shalt  }
0x4f: {  	_ =	shalt  }
0x50: {  	_ =	shalt  }
0x51: {  	_ =	shalt  }
0x52: {  	_ =	shalt  }
0x53: {  	_ =	shalt  }
0x54: {  	_ =	shalt  }
0x55: {  	_ =	shalt  }
0x56: {  	_ =	shalt  }
0x57: {  	_ =	shalt  }
0x58: {  	_ =	shalt  }
0x59: {  	_ =	shalt  }
0x5a: {  	_ =	shalt  }
0x5b: {  	_ =	shalt  }
0x5c: {  	_ =	shalt  }
0x5d: {  	_ =	shalt  }
0x5e: {  	_ =	shalt  }
0x5f: {  	_ =	shalt  }
0x60: {  	_ =	shalt  }
0x61: {  	_ =	shalt  }
0x62: {  	_ =	shalt  }
0x63: {  	_ =	shalt  }
0x64: {  	_ =	shalt  }
0x65: {  	_ =	shalt  }
0x66: {  	_ =	shalt  }
0x67: {  	_ =	shalt  }
0x68: {  	_ =	shalt  }
0x69: {  	_ =	shalt  }
0x6a: {  	_ =	shalt  }
0x6b: {  	_ =	shalt  }
0x6c: {  	_ =	shalt  }
0x6d: {  	_ =	shalt  }
0x6e: {  	_ =	shalt  }
0x6f: {  	_ =	shalt  }
0x70: {  	_ =	shalt  }
0x71: {  	_ =	shalt  }
0x72: {  	_ =	shalt  }
0x73: {  	_ =	shalt  }
0x74: {  	_ =	shalt  }
0x75: {  	_ =	shalt  }
0x76: {  	_ =	shalt  }
0x77: {  	_ =	shalt  }
0x78: {  	_ =	shalt  }
0x79: {  	_ =	shalt  }
0x7a: {  	_ =	shalt  }
0x7b: {  	_ =	shalt  }
0x7c: {  	_ =	shalt  }
0x7d: {  	_ =	shalt  }
0x7e: {  	_ =	shalt  }
0x7f: {  	_ =	shalt  }
0x80: {  	_ =	shalt  }
0x81: {  	_ =	shalt  }
0x82: {  	_ =	shalt  }
0x83: {  	_ =	shalt  }
0x84: {  	_ =	shalt  }
0x85: {  	_ =	shalt  }
0x86: {  	_ =	shalt  }
0x87: {  	_ =	shalt  }
.Lfunc_end0:
.L_simem_size_0:
called_computation_lowered:
.L_overlay_start_0:
0x88: {  	s2 =	sld [smem:$0x3FD9]  }
0x89: {  	s3 =	sld [smem:$0x3FFE];
	_ =	sdelay $0x1  }
0x8a: {  	s1 =	srdreg.scid  }
0x8b: {  	s0 =	sand.u32 $0x1, s1  }
0x8c: {  	s17 =	sshll.u32 s0, $0xA;
	s2 =	sadd.s32 s3, s2  }
0x8d: {  	s2 =	sadd.s32 s2, s17  }
0x8e: {  	[smem:$0x3FB9] =	sst s2  }
0x8f: {  	_ = 	snop  }
0x90: {  	(tm) =	ssettm $0x1  }
0x91: {  	s18 =	sld [smem:$0x3FFB];
	_ =	sdelay $0x3  }
0x92: {  	_ =	strace s18  }
0x93: {  	s2 =	sld [smem:$0x3FFC];
	_ =	sdelay $0x3  }
0x94: {  	_ =	strace s2  }
0x95: {  	s2 =	sld [smem:$0x3FFD];
	_ =	sdelay $0x3  }
0x96: {  	_ =	strace s2  }
0x97: {  	_ =	strace $0x8FFFFFFF  }
0x98: {  	s19 =	sld [smem:$0x3FDB];
	_ =	sdelay $0x1  }
0x99: {  	s20 =	simm.s32 $_scs_section_size  }
0x9a: {  	s4 =	simm.s32 $_size__tile_overlayer_lowered;
	s5 =	simm.s32 $_tile_overlayer_lowered  }
0x9b: {  	s6 =	simm.s32 $0x1BFF;
	s21 =	sshll.u32 s5, $0x1;
	s3 =	sadd.s32 s20, s19  }
0x9c: {  	s22 =	simm.s32 $0x0;
	s4 =	sshll.u32 s4, $0x1;
	s5 =	sadd.s32 s21, s3  }
0x9d: {  	[timem:s22], [sflag:s6] =	dma.local [hbm:s5], s4  }
0x9e: {  	_ =	swait.ge [sflag:s6], s4  }
0x9f: {  	s4 =	ssub.s32 $0x0, s4;
	[sflag:s6] =	ssyncset.done $0x0  }
0xa0: {  	[sflag:s6] =	ssyncadd.s32 s4;
	_ =	sdelay $0x1  }
0xa1: {  	s23 =	simm.s32 $0x1B8B  }
0xa2: {  	_ =	swait.ge [sflag:s23], $0x1  }
0xa3: {  	[sflag:s23] =	ssyncset.done $0x0  }
0xa4: {  	[sflag:s23] =	ssyncadd.s32 $0xFFFFFFFF  }
0xa5: {  	s4 =	sld [smem:$0x0]  }
0xa6: {  	s5 =	sand.u32 $0xFFFFFFFE, s1  }
0xa7: {  	p0 =	sne.s32 s1, s5  }
0xa8: {  	s5 =	sshll.u32 @p0 s5, $0xE  }
0xa9: {  	s5 =	sadd.s32 @p0 $0x11B8D, s5;
	s6 =	sshll.u32 @p0 s4, $0x11  }
0xaa: {  	s5 =	sor.u32 @p0 s6, s5  }
0xab: {  	[sflag:s5] =	ssyncadd.remote.s32 @p0 $0x1;
	_ =	sdelay $0x1  }
0xac: {  	s5 =	simm.s32 @p0 $0x1B8D  }
0xad: {  	_ =	swait.eq @p0 [sflag:s5], $0x1  }
0xae: {  	[sflag:s5] =	ssyncadd.s32 @p0 $0xFFFFFFFF  }
0xaf: {  	s6 =	sshll.u32 @!p0 s1, $0xE  }
0xb0: {  	s6 =	sor.u32 @!p0 $0x4000, s6;
	s5 =	simm.s32 @!p0 $0x1B8D  }
0xb1: {  	s4 =	sshll.u32 @!p0 s4, $0x11;
	s6 =	sadd.s32 @!p0 $0x11B8D, s6;
	_ =	swait.eq @!p0 [sflag:s5], $0x1  }
0xb2: {  	s4 =	sor.u32 @!p0 s4, s6;
	[sflag:s5] =	ssyncadd.s32 @!p0 $0xFFFFFFFF  }
0xb3: {  	s25 =	simm.s32 $0x1B8E;
	s24 =	sld [smem:$0x3FFE];
	[sflag:s4] =	ssyncadd.remote.s32 @!p0 $0x1  }
0xb4: {  	s26 =	simm.s32 $execute0_lowered;
	[smem:$0x3FD2] =	sst s25  }
0xb5: {  	s5 =	sshll.u32 s26, $0x1;
	_ =	strace $0x80000049;
	[dreg:$0x1] =	wrdreg $0xFFFFFFFF  }
0xb6: {  	s28 =	simm.s32 $_size_execute0_lowered;
	s3 =	sadd.s32 s3, s5;
	[dreg:$0x0] =	wrdreg $0x0  }
0xb7: {  	s5 =	sshll.u32 s28, $0x1;
	[dreg:$0x2] =	wrdreg s3  }
0xb8: {  	[dreg:$0x3] =	wrdreg s5  }
0xb9: {  	[dreg:$0x4] =	wrdreg $0xC0  }
0xba: {  	_ =	task [dreg:s22], $0x5FFFF  }
0xbb: {  	[dreg:$0x1] =	wrdreg $0xFFFFFFFF  }
0xbc: {  	[dreg:$0x0] =	wrdreg $0x60  }
0xbd: {  	[dreg:$0x2] =	wrdreg s24  }
0xbe: {  	[dreg:$0x3] =	wrdreg $0x0  }
0xbf: {  	[dreg:$0x4] =	wrdreg $0x9  }
0xc0: {  	_ =	task.clear_ibuf [dreg:s22], $0x5FFFF;
	_ =	strace $0x90000049  }
0xc1: {  	s29 =	simm.s32 $0x9;
	_ =	strace $0x8000004B  }
0xc2: {  	_ =	swait.ge [sflag:s29], $0x1  }
0xc3: {  	[sflag:s29] =	ssyncadd.s32 $0xFFFFFFFF  }
0xc4: {  	_ =	strace $0x9000004B  }
0xc5: {  	_ =	sfence  }
0xc6: {  	s30 =	sld [smem:$0x0];
	_ =	sdelay $0x2  }
0xc7: {  	s31 =	sshll.u32 s1, $0xD;
	s1 =	sshrl.u32 s1, $0x2  }
0xc8: {  	s4 =	sand.u32 $0x4000, s31;
	s1 =	sadd.s32 s1, s30  }
0xc9: {  	s0 =	sor.u32 s4, s0;
	s1 =	sshll.u32 s1, $0x11  }
0xca: {  	s0 =	sor.u32 s1, s0  }
0xcb: {  	s0 =	sadd.s32 $0x8F2B, s0  }
0xcc: {  	[sflag:s0] =	ssyncadd.remote.s32 $0x1  }
0xcd: {  	_ =	sfence.sel $0xFFFF  }
0xce: {  	[dreg:$0x0] =	wrdreg $0xFFFFFFFF;
	(pc) =	sbr.abs _section_cstart, $3  }
0xcf: {  	[dreg:$0x1] =	wrdreg $0xFFFFFFFF  }
0xd0: {  	_ =	task.clear_ibuf [dreg:s22], $0x2FFFF;
	_ =	strace $0x9FFFFFFF  }
0xd1: {  	(tm) =	ssettm $0x7FFFFFFF  }
tec
execute0_lowered:
.L_overlay_start_1:
0x0: {  	(tag) =	ssettag $0x1  }
0x1: {  	s0 =	rddreg [dreg:$0x0];
	s1 =	srdreg.scid  }
0x2: {  	s2 =	rddreg [dreg:$0x1];
	s26 =	stileid.u32;
	s3 =	simm.s32 $0x0  }
0x3: {  	s11 =	simm.s32 $0x3;
	s14 =	simm.s32 $0x18EA0;
	s15 =	simm.s32 $0x1  }
0x4: {  	s16 =	simm.s32 $0x80;
	s17 =	simm.s32 $0x18F20;
	s18 =	simm.s32 $0x18FA0  }
0x5: {  	s28 =	simm.s32 $0x19420;
	s29 =	simm.s32 $0x194A0;
	s30 =	simm.s32 $0x2  }
0x6: {  	s31 =	simm.s32 $0x0;
	s5 =	smul.u32 $0x186A0, s26;
	[smem:$0x7FF] =	sst s3  }
0x7: {  	s1 =	sand.u32 $0x1, s1;
	s7 =	sadd.s32 $0x1BCE00, s0;
	s19 =	sadd.s32 $0x21EA00, s0  }
0x8: {  	s20 =	sadd.s32 $0x283800, s0;
	s8 =	smul.u32 $0x61A80, s26;
	s9 =	sshll.u32 s26, $0x5  }
0x9: {  	s23 =	smul.u32 $0x30C0, s26;
	s25 =	sshll.u32 s26, $0x6;
	p0 =	sgt.u32 s26, $0x9  }
0xa: {  	s26 =	simm.s32 $0x193A0;
	_ =	strace $0x8000004A;
	[dreg:$0x3] =	wrdreg s19  }
0xb: {  	s4 =	smul.u32 $0x186A00, s1;
	s6 =	ssub.s32 $0x2, s1;
	[dreg:$0x4] =	wrdreg s20  }
0xc: {  	s10 =	sshll.u32 s1, $0x4;
	s1 =	smul.u32 $0x1860, s1;
	s12 =	sor.u32 $0x1C03, s25  }
0xd: {  	s19 =	simm.s32 $0x19020;
	s20 =	simm.s32 $0x190A0;
	s25 =	simm.s32 $0x19320  }
0xe: {  	s21 =	sshrl.u32 s6, $0x1;
	s22 =	sor.u32 s10, s9;
	s8 =	sshrl.u32 s8, $0x2  }
0xf: {  	s9 =	sadd.s32 s23, s7;
	s10 =	simm.s32 $0x186A0;
	s23 =	simm.s32 $0x19220  }
0x10: {  	s4 =	sadd.s32 s5, s4;
	s13 =	sadd.s32 s8, s2;
	s24 =	sadd.s32 s1, s9  }
0x11: {  	s4 =	sshrl.u32 s4, $0x3;
	s9 =	sadd.s32 $0x30D40, s24;
	s13 =	sshrl.u32 s13, $0x3  }
0x12: {  	s24 =	simm.s32 $0x192A0;
	s0 =	sadd.s32 s4, s0;
	s4 =	ssub.s32 s6, s21  }
0x13: {  	s6 =	sadd.s32 s22, s7;
	s21 =	simm.s32 $0x19120;
	s22 =	simm.s32 $0x191A0  }
0x14: {  	s6 =	sadd.s32 $0x61940, s6;
	s7 =	sadd.s32 $0x283A00, s0;
	s8 =	smax.u32 s4, $0x1  }
.LBB2_1:
0x15: {  	s0 =	rddreg [dreg:$0x4]  }
0x16: {  	[tilespmem:s10], [sflag:$0x3] =	stream.linear.gather [hbm4b:s0+s3], $0x800, $0x38;
	[tilespmem:$0x19520] =	vst v63  }
0x17: {  	_ =	swait.ge [sflag:s11], $0x800  }
0x18: {  	[sflag:s11] =	ssyncset.done $0x0  }
0x19: {  	s4 =	rddreg [dreg:$0x3];
	[sflag:s11] =	ssyncadd.s32 $0xFFFFF800  }
0x1a: {  	[spmem:s13], [sflag:s12] =	dma.local [hbm:s4], $0x30D4  }
0x1b: {  	_ =	swait.ge [sflag:s11], $0x30D4  }
0x1c: {  	[sflag:s11] =	ssyncset.done $0x0  }
0x1d: {  	[sflag:s11] =	ssyncadd.s32 $0xFFFFCF2C  }
0x1e: {  	s5 =	sadd.s32 $0x0, s9;
	[bflag:$0x0] =	sbarrier.arrive $0xFFFF  }
0x1f: {  	[tilespmem:s14], [sflag:$0x1] =	stream.linear.gather [hbm4b:s5+s3], $0x680, $0x38;
	[tilespmem:$0x19520] =	vst v63  }
0x20: {  	_ =	swait.ge [sflag:s15], $0x680  }
0x21: {  	[sflag:s15] =	ssyncset.done $0x0  }
0x22: {  	[sflag:s15] =	ssyncadd.s32 $0xFFFFF980  }
0x23: {  	[spmem:s2] =	stream.indirect.scatter.add.f32 [tilespmem:s10], [sflag:$0x2], $0x10, s14, s16, $0xb8;
	[tilespmem:$0x19520] =	vst v63  }
0x24: {  	_ = 	snop  }
0x25: {  	[spmem:s2] =	stream.indirect.scatter.add.f32 [tilespmem:s10], [sflag:$0x2], $0x10, s17, s16, $0xb8;
	[tilespmem:$0x19520] =	vst v63  }
0x26: {  	_ = 	snop  }
0x27: {  	[spmem:s2] =	stream.indirect.scatter.add.f32 [tilespmem:s10], [sflag:$0x2], $0x10, s18, s16, $0xb8;
	[tilespmem:$0x19520] =	vst v63  }
0x28: {  	_ = 	snop  }
0x29: {  	[spmem:s2] =	stream.indirect.scatter.add.f32 [tilespmem:s10], [sflag:$0x2], $0x10, s19, s16, $0xb8;
	[tilespmem:$0x19520] =	vst v63  }
0x2a: {  	_ = 	snop  }
0x2b: {  	[spmem:s2] =	stream.indirect.scatter.add.f32 [tilespmem:s10], [sflag:$0x2], $0x10, s20, s16, $0xb8;
	[tilespmem:$0x19520] =	vst v63  }
0x2c: {  	_ = 	snop  }
0x2d: {  	[spmem:s2] =	stream.indirect.scatter.add.f32 [tilespmem:s10], [sflag:$0x2], $0x10, s21, s16, $0xb8;
	[tilespmem:$0x19520] =	vst v63  }
0x2e: {  	_ = 	snop  }
0x2f: {  	[spmem:s2] =	stream.indirect.scatter.add.f32 [tilespmem:s10], [sflag:$0x2], $0x10, s22, s16, $0xb8;
	[tilespmem:$0x19520] =	vst v63  }
0x30: {  	_ = 	snop  }
0x31: {  	[spmem:s2] =	stream.indirect.scatter.add.f32 [tilespmem:s10], [sflag:$0x2], $0x10, s23, s16, $0xb8;
	[tilespmem:$0x19520] =	vst v63  }
0x32: {  	_ = 	snop  }
0x33: {  	[spmem:s2] =	stream.indirect.scatter.add.f32 [tilespmem:s10], [sflag:$0x2], $0x10, s24, s16, $0xb8;
	[tilespmem:$0x19520] =	vst v63  }
0x34: {  	_ = 	snop  }
0x35: {  	[spmem:s2] =	stream.indirect.scatter.add.f32 [tilespmem:s10], [sflag:$0x2], $0x10, s25, s16, $0xb8;
	[tilespmem:$0x19520] =	vst v63  }
0x36: {  	_ = 	snop  }
0x37: {  	[spmem:s2] =	stream.indirect.scatter.add.f32 [tilespmem:s10], [sflag:$0x2], $0x10, s26, s16, $0xb8;
	[tilespmem:$0x19520] =	vst v63  }
0x38: {  	_ = 	snop  }
0x39: {  	[spmem:s2] =	stream.indirect.scatter.add.f32 [tilespmem:s10], [sflag:$0x2], $0x10, s28, s16, $0xb8;
	[tilespmem:$0x19520] =	vst v63  }
0x3a: {  	_ = 	snop  }
0x3b: {  	[spmem:s2] =	stream.indirect.scatter.add.f32 [tilespmem:s10], [sflag:$0x2], $0x10, s29, s16, $0xb8;
	[tilespmem:$0x19520] =	vst v63  }
0x3c: {  	_ =	swait.ge [sflag:s30], $0x800  }
0x3d: {  	[sflag:s30] =	ssyncset.done $0x0  }
0x3e: {  	[sflag:s30] =	ssyncadd.s32 $0xFFFFF800  }
0x3f: {  	_ =	swait.ge [sflag:s30], $0x800  }
0x40: {  	[sflag:s30] =	ssyncset.done $0x0  }
0x41: {  	[sflag:s30] =	ssyncadd.s32 $0xFFFFF800  }
0x42: {  	_ =	swait.ge [sflag:s30], $0x800  }
0x43: {  	[sflag:s30] =	ssyncset.done $0x0  }
0x44: {  	[sflag:s30] =	ssyncadd.s32 $0xFFFFF800  }
0x45: {  	_ =	swait.ge [sflag:s30], $0x800  }
0x46: {  	[sflag:s30] =	ssyncset.done $0x0  }
0x47: {  	[sflag:s30] =	ssyncadd.s32 $0xFFFFF800  }
0x48: {  	_ =	swait.ge [sflag:s30], $0x800  }
0x49: {  	[sflag:s30] =	ssyncset.done $0x0  }
0x4a: {  	[sflag:s30] =	ssyncadd.s32 $0xFFFFF800  }
0x4b: {  	_ =	swait.ge [sflag:s30], $0x800  }
0x4c: {  	[sflag:s30] =	ssyncset.done $0x0  }
0x4d: {  	[sflag:s30] =	ssyncadd.s32 $0xFFFFF800  }
0x4e: {  	_ =	swait.ge [sflag:s30], $0x800  }
0x4f: {  	[sflag:s30] =	ssyncset.done $0x0  }
0x50: {  	[sflag:s30] =	ssyncadd.s32 $0xFFFFF800  }
0x51: {  	_ =	swait.ge [sflag:s30], $0x800  }
0x52: {  	[sflag:s30] =	ssyncset.done $0x0  }
0x53: {  	[sflag:s30] =	ssyncadd.s32 $0xFFFFF800  }
0x54: {  	_ =	swait.ge [sflag:s30], $0x800  }
0x55: {  	[sflag:s30] =	ssyncset.done $0x0  }
0x56: {  	[sflag:s30] =	ssyncadd.s32 $0xFFFFF800  }
0x57: {  	_ =	swait.ge [sflag:s30], $0x800  }
0x58: {  	[sflag:s30] =	ssyncset.done $0x0  }
0x59: {  	[sflag:s30] =	ssyncadd.s32 $0xFFFFF800  }
0x5a: {  	_ =	swait.ge [sflag:s30], $0x800  }
0x5b: {  	[sflag:s30] =	ssyncset.done $0x0  }
0x5c: {  	[sflag:s30] =	ssyncadd.s32 $0xFFFFF800  }
0x5d: {  	_ =	swait.ge [sflag:s30], $0x800  }
0x5e: {  	[sflag:s30] =	ssyncset.done $0x0  }
0x5f: {  	[sflag:s30] =	ssyncadd.s32 $0xFFFFF800  }
0x60: {  	_ =	swait.ge [sflag:s30], $0x800  }
0x61: {  	s1 =	simm.s32 $0x1A0;
	s0 =	simm.s32 $0xD0;
	[sflag:s30] =	ssyncset.done $0x0  }
.LBB2_2:
0x62: {  	s5 =	sadd.s32 s0, s9  }
0x63: {  	[sflag:s30] =	ssyncadd.s32 $0xFFFFF800;
	s0 =	smov.u32 s1;
	s4 =	sadd.s32 $0xD0, s1  }
0x64: {  	[tilespmem:s14], [sflag:$0x1] =	stream.linear.gather [hbm4b:s5+s3], $0x680, $0x38;
	[tilespmem:$0x19520] =	vst v63  }
0x65: {  	p1 =	sne.s32 s1, $0x1790;
	_ =	swait.ge [sflag:s15], $0x680  }
0x66: {  	[sflag:s15] =	ssyncset.done $0x0  }
0x67: {  	[sflag:s15] =	ssyncadd.s32 $0xFFFFF980  }
0x68: {  	[spmem:s2] =	stream.indirect.scatter.add.f32 [tilespmem:s10], [sflag:$0x2], $0x10, s14, s16, $0xb8;
	[tilespmem:$0x19520] =	vst v63  }
0x69: {  	_ = 	snop  }
0x6a: {  	[spmem:s2] =	stream.indirect.scatter.add.f32 [tilespmem:s10], [sflag:$0x2], $0x10, s17, s16, $0xb8;
	[tilespmem:$0x19520] =	vst v63  }
0x6b: {  	_ = 	snop  }
0x6c: {  	[spmem:s2] =	stream.indirect.scatter.add.f32 [tilespmem:s10], [sflag:$0x2], $0x10, s18, s16, $0xb8;
	[tilespmem:$0x19520] =	vst v63  }
0x6d: {  	_ = 	snop  }
0x6e: {  	[spmem:s2] =	stream.indirect.scatter.add.f32 [tilespmem:s10], [sflag:$0x2], $0x10, s19, s16, $0xb8;
	[tilespmem:$0x19520] =	vst v63  }
0x6f: {  	_ = 	snop  }
0x70: {  	[spmem:s2] =	stream.indirect.scatter.add.f32 [tilespmem:s10], [sflag:$0x2], $0x10, s20, s16, $0xb8;
	[tilespmem:$0x19520] =	vst v63  }
0x71: {  	_ = 	snop  }
0x72: {  	[spmem:s2] =	stream.indirect.scatter.add.f32 [tilespmem:s10], [sflag:$0x2], $0x10, s21, s16, $0xb8;
	[tilespmem:$0x19520] =	vst v63  }
0x73: {  	_ = 	snop  }
0x74: {  	[spmem:s2] =	stream.indirect.scatter.add.f32 [tilespmem:s10], [sflag:$0x2], $0x10, s22, s16, $0xb8;
	[tilespmem:$0x19520] =	vst v63  }
0x75: {  	_ = 	snop  }
0x76: {  	[spmem:s2] =	stream.indirect.scatter.add.f32 [tilespmem:s10], [sflag:$0x2], $0x10, s23, s16, $0xb8;
	[tilespmem:$0x19520] =	vst v63  }
0x77: {  	_ = 	snop  }
0x78: {  	[spmem:s2] =	stream.indirect.scatter.add.f32 [tilespmem:s10], [sflag:$0x2], $0x10, s24, s16, $0xb8;
	[tilespmem:$0x19520] =	vst v63  }
0x79: {  	_ = 	snop  }
0x7a: {  	[spmem:s2] =	stream.indirect.scatter.add.f32 [tilespmem:s10], [sflag:$0x2], $0x10, s25, s16, $0xb8;
	[tilespmem:$0x19520] =	vst v63  }
0x7b: {  	_ = 	snop  }
0x7c: {  	[spmem:s2] =	stream.indirect.scatter.add.f32 [tilespmem:s10], [sflag:$0x2], $0x10, s26, s16, $0xb8;
	[tilespmem:$0x19520] =	vst v63  }
0x7d: {  	_ = 	snop  }
0x7e: {  	[spmem:s2] =	stream.indirect.scatter.add.f32 [tilespmem:s10], [sflag:$0x2], $0x10, s28, s16, $0xb8;
	[tilespmem:$0x19520] =	vst v63  }
0x7f: {  	_ = 	snop  }
0x80: {  	[spmem:s2] =	stream.indirect.scatter.add.f32 [tilespmem:s10], [sflag:$0x2], $0x10, s29, s16, $0xb8;
	[tilespmem:$0x19520] =	vst v63  }
0x81: {  	_ =	swait.ge [sflag:s30], $0x800  }
0x82: {  	[sflag:s30] =	ssyncset.done $0x0  }
0x83: {  	[sflag:s30] =	ssyncadd.s32 $0xFFFFF800  }
0x84: {  	_ =	swait.ge [sflag:s30], $0x800  }
0x85: {  	[sflag:s30] =	ssyncset.done $0x0  }
0x86: {  	[sflag:s30] =	ssyncadd.s32 $0xFFFFF800  }
0x87: {  	_ =	swait.ge [sflag:s30], $0x800  }
0x88: {  	[sflag:s30] =	ssyncset.done $0x0  }
0x89: {  	[sflag:s30] =	ssyncadd.s32 $0xFFFFF800  }
0x8a: {  	_ =	swait.ge [sflag:s30], $0x800  }
0x8b: {  	[sflag:s30] =	ssyncset.done $0x0  }
0x8c: {  	[sflag:s30] =	ssyncadd.s32 $0xFFFFF800  }
0x8d: {  	_ =	swait.ge [sflag:s30], $0x800  }
0x8e: {  	[sflag:s30] =	ssyncset.done $0x0  }
0x8f: {  	[sflag:s30] =	ssyncadd.s32 $0xFFFFF800  }
0x90: {  	_ =	swait.ge [sflag:s30], $0x800  }
0x91: {  	[sflag:s30] =	ssyncset.done $0x0  }
0x92: {  	[sflag:s30] =	ssyncadd.s32 $0xFFFFF800  }
0x93: {  	_ =	swait.ge [sflag:s30], $0x800  }
0x94: {  	[sflag:s30] =	ssyncset.done $0x0  }
0x95: {  	[sflag:s30] =	ssyncadd.s32 $0xFFFFF800  }
0x96: {  	_ =	swait.ge [sflag:s30], $0x800  }
0x97: {  	[sflag:s30] =	ssyncset.done $0x0  }
0x98: {  	[sflag:s30] =	ssyncadd.s32 $0xFFFFF800  }
0x99: {  	_ =	swait.ge [sflag:s30], $0x800  }
0x9a: {  	[sflag:s30] =	ssyncset.done $0x0  }
0x9b: {  	[sflag:s30] =	ssyncadd.s32 $0xFFFFF800  }
0x9c: {  	_ =	swait.ge [sflag:s30], $0x800  }
0x9d: {  	[sflag:s30] =	ssyncset.done $0x0  }
0x9e: {  	[sflag:s30] =	ssyncadd.s32 $0xFFFFF800  }
0x9f: {  	_ =	swait.ge [sflag:s30], $0x800  }
0xa0: {  	[sflag:s30] =	ssyncset.done $0x0  }
0xa1: {  	[sflag:s30] =	ssyncadd.s32 $0xFFFFF800  }
.Ltmp0:
0xa2: {  	_ =	swait.ge [sflag:s30], $0x800;
	(pc) =	sbr.rel @p1 .LBB2_2-.Ltmp0, $4  }
0xa3: {  	[sflag:s30] =	ssyncset.done $0x0  }
0xa4: {  	[sflag:s30] =	ssyncadd.s32 $0xFFFFF800  }
0xa5: {  	_ =	swait.ge [sflag:s30], $0x800  }
0xa6: {  	s1 =	smov.u32 s4;
	[sflag:s30] =	ssyncset.done $0x0  }
0xa7: {  	s0 =	sadd.s32 s0, s9;
	[sflag:s30] =	ssyncadd.s32 $0xFFFFF800  }
0xa8: {  	[tilespmem:s14], [sflag:$0x1] =	stream.linear.gather [hbm4b:s0+s3], $0x680, $0x38;
	[tilespmem:$0x19520] =	vst v63  }
0xa9: {  	_ =	swait.ge [sflag:s15], $0x680  }
0xaa: {  	[sflag:s15] =	ssyncset.done $0x0  }
0xab: {  	[sflag:s15] =	ssyncadd.s32 $0xFFFFF980  }
0xac: {  	[spmem:s2] =	stream.indirect.scatter.add.f32 [tilespmem:s10], [sflag:$0x2], $0x10, s14, s16, $0xb8;
	[tilespmem:$0x19520] =	vst v63  }
0xad: {  	_ = 	snop  }
0xae: {  	[spmem:s2] =	stream.indirect.scatter.add.f32 [tilespmem:s10], [sflag:$0x2], $0x10, s17, s16, $0xb8;
	[tilespmem:$0x19520] =	vst v63  }
0xaf: {  	_ = 	snop  }
0xb0: {  	[spmem:s2] =	stream.indirect.scatter.add.f32 [tilespmem:s10], [sflag:$0x2], $0x10, s18, s16, $0xb8;
	[tilespmem:$0x19520] =	vst v63  }
0xb1: {  	_ = 	snop  }
0xb2: {  	[spmem:s2] =	stream.indirect.scatter.add.f32 [tilespmem:s10], [sflag:$0x2], $0x10, s19, s16, $0xb8;
	[tilespmem:$0x19520] =	vst v63  }
0xb3: {  	_ = 	snop  }
0xb4: {  	[spmem:s2] =	stream.indirect.scatter.add.f32 [tilespmem:s10], [sflag:$0x2], $0x10, s20, s16, $0xb8;
	[tilespmem:$0x19520] =	vst v63  }
0xb5: {  	_ = 	snop  }
0xb6: {  	[spmem:s2] =	stream.indirect.scatter.add.f32 [tilespmem:s10], [sflag:$0x2], $0x10, s21, s16, $0xb8;
	[tilespmem:$0x19520] =	vst v63  }
0xb7: {  	_ = 	snop  }
0xb8: {  	[spmem:s2] =	stream.indirect.scatter.add.f32 [tilespmem:s10], [sflag:$0x2], $0x10, s22, s16, $0xb8;
	[tilespmem:$0x19520] =	vst v63  }
0xb9: {  	_ = 	snop  }
0xba: {  	[spmem:s2] =	stream.indirect.scatter.add.f32 [tilespmem:s10], [sflag:$0x2], $0x10, s23, s16, $0xb8;
	[tilespmem:$0x19520] =	vst v63  }
0xbb: {  	_ = 	snop  }
0xbc: {  	[spmem:s2] =	stream.indirect.scatter.add.f32 [tilespmem:s10], [sflag:$0x2], $0x10, s24, s16, $0xb8;
	[tilespmem:$0x19520] =	vst v63  }
0xbd: {  	_ = 	snop  }
0xbe: {  	[spmem:s2] =	stream.indirect.scatter.add.f32 [tilespmem:s10], [sflag:$0x2], $0x10, s25, s16, $0xb8;
	[tilespmem:$0x19520] =	vst v63  }
0xbf: {  	_ = 	snop  }
0xc0: {  	[spmem:s2] =	stream.indirect.scatter.add.f32 [tilespmem:s10], [sflag:$0x2], $0x10, s26, s16, $0xb8;
	[tilespmem:$0x19520] =	vst v63  }
0xc1: {  	_ = 	snop  }
0xc2: {  	[spmem:s2] =	stream.indirect.scatter.add.f32 [tilespmem:s10], [sflag:$0x2], $0x10, s28, s16, $0xb8;
	[tilespmem:$0x19520] =	vst v63  }
0xc3: {  	_ = 	snop  }
0xc4: {  	[spmem:s2] =	stream.indirect.scatter.add.f32 [tilespmem:s10], [sflag:$0x2], $0x10, s29, s16, $0xb8;
	[tilespmem:$0x19520] =	vst v63  }
0xc5: {  	_ =	swait.ge [sflag:s30], $0x800  }
0xc6: {  	[sflag:s30] =	ssyncset.done $0x0  }
0xc7: {  	[sflag:s30] =	ssyncadd.s32 $0xFFFFF800  }
0xc8: {  	_ =	swait.ge [sflag:s30], $0x800  }
0xc9: {  	[sflag:s30] =	ssyncset.done $0x0  }
0xca: {  	[sflag:s30] =	ssyncadd.s32 $0xFFFFF800  }
0xcb: {  	_ =	swait.ge [sflag:s30], $0x800  }
0xcc: {  	[sflag:s30] =	ssyncset.done $0x0  }
0xcd: {  	[sflag:s30] =	ssyncadd.s32 $0xFFFFF800  }
0xce: {  	_ =	swait.ge [sflag:s30], $0x800  }
0xcf: {  	[sflag:s30] =	ssyncset.done $0x0  }
0xd0: {  	[sflag:s30] =	ssyncadd.s32 $0xFFFFF800  }
0xd1: {  	_ =	swait.ge [sflag:s30], $0x800  }
0xd2: {  	[sflag:s30] =	ssyncset.done $0x0  }
0xd3: {  	[sflag:s30] =	ssyncadd.s32 $0xFFFFF800  }
0xd4: {  	_ =	swait.ge [sflag:s30], $0x800  }
0xd5: {  	[sflag:s30] =	ssyncset.done $0x0  }
0xd6: {  	[sflag:s30] =	ssyncadd.s32 $0xFFFFF800  }
0xd7: {  	_ =	swait.ge [sflag:s30], $0x800  }
0xd8: {  	[sflag:s30] =	ssyncset.done $0x0  }
0xd9: {  	[sflag:s30] =	ssyncadd.s32 $0xFFFFF800  }
0xda: {  	_ =	swait.ge [sflag:s30], $0x800  }
0xdb: {  	[sflag:s30] =	ssyncset.done $0x0  }
0xdc: {  	[sflag:s30] =	ssyncadd.s32 $0xFFFFF800  }
0xdd: {  	_ =	swait.ge [sflag:s30], $0x800  }
0xde: {  	[sflag:s30] =	ssyncset.done $0x0  }
0xdf: {  	[sflag:s30] =	ssyncadd.s32 $0xFFFFF800  }
0xe0: {  	_ =	swait.ge [sflag:s30], $0x800  }
0xe1: {  	[sflag:s30] =	ssyncset.done $0x0  }
0xe2: {  	[sflag:s30] =	ssyncadd.s32 $0xFFFFF800  }
0xe3: {  	_ =	swait.ge [sflag:s30], $0x800  }
0xe4: {  	[sflag:s30] =	ssyncset.done $0x0  }
0xe5: {  	[sflag:s30] =	ssyncadd.s32 $0xFFFFF800  }
0xe6: {  	_ =	swait.ge [sflag:s30], $0x800  }
0xe7: {  	[sflag:s30] =	ssyncset.done $0x0  }
0xe8: {  	[sflag:s30] =	ssyncadd.s32 $0xFFFFF800  }
0xe9: {  	_ =	swait.ge [sflag:s30], $0x800  }
0xea: {  	[sflag:s30] =	ssyncset.done $0x0  }
0xeb: {  	s1 =	simm.s32 @!p0 $0x18EA0;
	s0 =	simm.s32 @!p0 $0x0;
	[sflag:s30] =	ssyncadd.s32 $0xFFFFF800  }
0xec: {  	[tilespmem:s1], [sflag:$0x1] =	stream.linear.gather @!p0 [hbm4b:s6+s0], $0x80, $0x38;
	[tilespmem:$0x19520] =	vst v63  }
0xed: {  	s0 =	simm.s32 @!p0 $0x1  }
0xee: {  	_ =	swait.ge @!p0 [sflag:s0], $0x80  }
0xef: {  	[sflag:s0] =	ssyncset.done @!p0 $0x0  }
0xf0: {  	s4 =	simm.s32 @!p0 $0x186A0;
	[sflag:s0] =	ssyncadd.s32 @!p0 $0xFFFFFF80;
	s0 =	simm.s32 @!p0 $0x80  }
0xf1: {  	[spmem:s2] =	stream.indirect.scatter.add.f32 @!p0 [tilespmem:s4], [sflag:$0x2], $0x10, s1, s0, $0xb8;
	[tilespmem:$0x19520] =	vst v63  }
0xf2: {  	s0 =	simm.s32 @!p0 $0x2  }
0xf3: {  	_ =	swait.ge @!p0 [sflag:s0], $0x800  }
0xf4: {  	s31 =	sadd.s32 $0x1, s31;
	[sflag:s0] =	ssyncset.done @!p0 $0x0  }
0xf5: {  	p1 =	sne.s32 s31, s8;
	[sflag:s0] =	ssyncadd.s32 @!p0 $0xFFFFF800  }
.Ltmp1:
0xf6: {  	[bflag:$0x0] =	sbarrier.arrive $0xFFFF;
	(pc) =	sbr.rel @p1 .LBB2_1-.Ltmp1, $4  }
0xf7: {  	[hbm:s7], [sflag:s12] =	dma.local [spmem:s13], $0x30D4  }
0xf8: {  	_ =	swait.ge [sflag:s11], $0x30D4  }
0xf9: {  	[sflag:s11] =	ssyncset.done $0x0  }
0xfa: {  	[sflag:s11] =	ssyncadd.s32 $0xFFFFCF2C  }
0xfb: {  	_ =	sfence.sel $0x180000  }
0xfc: {  	[bflag:$0x0] =	sbarrier.arrive $0xFFFF  }
0xfd: {  	_ =	strace $0x9000004A  }
0xfe: {  	s0 =	stileid.u32;
	[bflag:$0x2] =	sbarrier.arrive $0xFFFF  }
0xff: {  	p0 =	sne.s32 s0, $0x0;
	s0 =	rddreg [dreg:$0x2]  }
0x100: {  	s0 =	sadd.s32 @!p0 $0x100000, s0  }
0x101: {  	[sflag:s0] =	ssyncadd.tile.s32 @!p0 $0x1;
	_ =	shalt  }
.Lfunc_end2:
_tile_overlayer_lowered:
.L_overlay_start_2:
0x102: {  	(tag) =	ssettag $0x2  }
0x103: {  	s0 =	rddreg [dreg:$0x0];
	s2 =	stileid.u32  }
0x104: {  	s1 =	rddreg [dreg:$0x1];
	p0 =	sne.s32 s2, $0x0  }
0x105: {  	s3 =	rddreg [dreg:$0x2];
	[bflag:$0x3] =	sbarrier.arrive $0xFFFF;
	s2 =	simm.s32 @!p0 $0x1C03  }
0x106: {  	[timem:s3], [sflag:s2] =	dma.local @!p0 [hbm:s0], s1  }
0x107: {  	s0 =	simm.s32 @!p0 $0x3  }
0x108: {  	_ =	swait.ge @!p0 [sflag:s0], s1  }
0x109: {  	s1 =	ssub.s32 @!p0 $0x0, s1;
	[sflag:s0] =	ssyncset.done @!p0 $0x0  }
0x10a: {  	[sflag:s0] =	ssyncadd.s32 @!p0 s1  }
0x10b: {  	[bflag:$0x3] =	sbarrier.arrive $0xFFFF  }
0x10c: {  	_ =	shalt  }

</sc_bundles>
